<compile_context>
chip_gen: v7x
topology: tpu7x:2x2x1
jax: 0.10.2.dev20260603
libtpu: 0.0.44.dev20260713+nightly
codegen_flags: <defaults>
</compile_context>

<pallas_src>
import functools

import jax
import jax.numpy as jnp
from jax import lax
from jax.experimental import pallas as pl
from jax.experimental.pallas import tpu as pltpu
from jax.experimental.pallas import tpu_sc as plsc

N = 3831
NP = 3840
IN = 1024
HID = 64
OUT = 32
R = 4
E = 65536
W1COL = HID + 16

BN = 768
NB = NP // BN

NTILES = 32
EPT = E // NTILES
GRP = 128
G = EPT // GRP
SROWS = (R * NP) // 16
ZROWS = 120
ZR2 = 60


def _mm1_body(x_ref, w_ref, root_ref, o_ref):
    xb = x_ref[...]
    for r in range(R):
        o_ref[r, :, 0:HID] = jnp.dot(xb, w_ref[r],
                                     preferred_element_type=jnp.float32)
    o_ref[R, :, 0:HID] = jnp.dot(xb, root_ref[...],
                                 preferred_element_type=jnp.float32)
    o_ref[:, :, HID:W1COL] = jnp.ones((R + 1, BN, W1COL - HID), jnp.float32)


def _mm1(x, W1, root1):
    return pl.pallas_call(
        _mm1_body,
        grid=(NB,),
        in_specs=[
            pl.BlockSpec((BN, IN), lambda i: (i, 0)),
            pl.BlockSpec((R, IN, HID), lambda i: (0, 0, 0)),
            pl.BlockSpec((IN, HID), lambda i: (0, 0)),
        ],
        out_specs=pl.BlockSpec((R + 1, BN, W1COL), lambda i: (0, i, 0)),
        out_shape=jax.ShapeDtypeStruct((R + 1, NP, W1COL), jnp.float32),
    )(x, W1, root1)


@functools.cache
def _make_scatter(width, pad128=False):
    out_w = 128 if pad128 else width
    mesh = plsc.VectorSubcoreMesh(core_axis_name="c", subcore_axis_name="s")
    scratch = [
        pltpu.VMEM_SHARED((R * NP, width), jnp.float32),
        pltpu.VMEM((G, GRP), jnp.int32),
        pltpu.VMEM((G, GRP), jnp.int32),
        pltpu.VMEM((GRP, width), jnp.float32),
        pltpu.VMEM((GRP, width), jnp.float32),
        pltpu.VMEM((GRP, width), jnp.float32),
    ]
    if pad128:
        scratch.append(pltpu.VMEM((2, ZR2, 128), jnp.float32))
    scratch += [pltpu.SemaphoreType.DMA, pltpu.SemaphoreType.DMA]

    @functools.partial(
        pl.kernel,
        mesh=mesh,
        compiler_params=pltpu.CompilerParams(use_tc_tiling_on_sc=False),
        out_type=jax.ShapeDtypeStruct((NTILES * SROWS, out_w), jnp.float32),
        scratch_types=scratch,
    )
    def scat(table, gidx, sidx, out, acc, gi_v, si_v,
             rows_a, rows_b, rows_c, *rest):
        if pad128:
            vb128, gsem, ssem = rest
        else:
            gsem, ssem = rest
        c = lax.axis_index("c")
        s = lax.axis_index("s")
        wid = c * 16 + s

        def zfill(i, carry):
            for k in range(width // 16):
                rows_c[i, pl.ds(k * 16, 16)] = jnp.zeros((16,), jnp.float32)
            return carry

        lax.fori_loop(0, ZROWS, zfill, 0)
        for z in range(SROWS // ZROWS):
            pltpu.sync_copy(rows_c.at[pl.ds(0, ZROWS)],
                            acc.at[pl.ds(s * SROWS + z * ZROWS, ZROWS)])
        pltpu.sync_copy(gidx.at[pl.ds(wid * G, G)], gi_v)
        pltpu.sync_copy(sidx.at[pl.ds(wid * G, G)], si_v)
        plsc.subcore_barrier()

        bufs = (rows_a, rows_b, rows_c)
        gcp = [None, None, None]
        scp = [None, None, None]
        gcp[0] = pltpu.async_copy(table.at[gi_v.at[0]], bufs[0], gsem)
        gcp[1] = pltpu.async_copy(table.at[gi_v.at[1]], bufs[1], gsem)
        for j in range(G):
            nj = j + 2
            if nj < G:
                if scp[nj % 3] is not None:
                    scp[nj % 3].wait()
                gcp[nj % 3] = pltpu.async_copy(
                    table.at[gi_v.at[nj]], bufs[nj % 3], gsem)
            gcp[j % 3].wait()
            scp[j % 3] = pltpu.async_copy(
                bufs[j % 3], acc.at[si_v.at[j]], ssem, add=True)
        scp[(G - 1) % 3].wait()
        scp[(G - 2) % 3].wait()
        scp[(G - 3) % 3].wait()
        plsc.subcore_barrier()
        if not pad128:
            pltpu.sync_copy(acc.at[pl.ds(s * SROWS, SROWS)],
                            out.at[pl.ds(wid * SROWS, SROWS)])
        else:
            NZ = SROWS // ZR2
            inb = (rows_a, rows_b)

            def rep(b):
                def body(i, carry):
                    for k in range(width // 16):
                        vb128[b, i, pl.ds(k * 16, 16)] = \
                            inb[b][i, pl.ds(k * 16, 16)]
                    return carry
                lax.fori_loop(0, ZR2, body, 0)

            icp = [None, None]
            ocp = [None, None]
            icp[0] = pltpu.async_copy(acc.at[pl.ds(s * SROWS, ZR2)],
                                      inb[0].at[pl.ds(0, ZR2)], gsem)
            for z in range(NZ):
                b = z % 2
                nb = (z + 1) % 2
                if z + 1 < NZ:
                    icp[nb] = pltpu.async_copy(
                        acc.at[pl.ds(s * SROWS + (z + 1) * ZR2, ZR2)],
                        inb[nb].at[pl.ds(0, ZR2)], gsem)
                icp[b].wait()
                if ocp[b] is not None:
                    ocp[b].wait()
                rep(b)
                ocp[b] = pltpu.async_copy(
                    vb128.at[b], out.at[pl.ds(wid * SROWS + z * ZR2, ZR2)],
                    ssem)
            ocp[(NZ - 1) % 2].wait()
            ocp[(NZ - 2) % 2].wait()

    return scat


def _comb1_body(p_ref, root_ref, b1_ref, w2_ref, root2_ref, t2_ref, rcp_ref):
    p = p_ref[0] + p_ref[1]
    cnt = jnp.maximum(p[:, :, HID:HID + 1], 1.0)
    rcp = 1.0 / cnt
    rcp = rcp * (2.0 - cnt * rcp)
    h = jnp.sum(p[:, :, 0:HID] * rcp, axis=0)
    h = h + root_ref[0, :, 0:HID] + b1_ref[0]
    h = jnp.maximum(h, 0.0)
    for r in range(R):
        t2_ref[r] = jnp.dot(h, w2_ref[r], preferred_element_type=jnp.float32)
    t2_ref[R] = jnp.dot(h, root2_ref[...], preferred_element_type=jnp.float32)
    rcp_ref[...] = jnp.broadcast_to(rcp, (R, BN, OUT))


def _comb1(psum1, table1, b1, W2, root2):
    return pl.pallas_call(
        _comb1_body,
        grid=(NB,),
        in_specs=[
            pl.BlockSpec((2, R, BN, 128), lambda i: (0, 0, i, 0)),
            pl.BlockSpec((1, BN, W1COL), lambda i: (R, i, 0)),
            pl.BlockSpec((1, HID), lambda i: (0, 0)),
            pl.BlockSpec((R, HID, OUT), lambda i: (0, 0, 0)),
            pl.BlockSpec((HID, OUT), lambda i: (0, 0)),
        ],
        out_specs=[
            pl.BlockSpec((R + 1, BN, OUT), lambda i: (0, i, 0)),
            pl.BlockSpec((R, BN, OUT), lambda i: (0, i, 0)),
        ],
        out_shape=[
            jax.ShapeDtypeStruct((R + 1, NP, OUT), jnp.float32),
            jax.ShapeDtypeStruct((R, NP, OUT), jnp.float32),
        ],
    )(psum1, table1, b1, W2, root2)


def _comb2_body(p_ref, rcp_ref, root_ref, b2_ref, o_ref):
    q = p_ref[0] + p_ref[1]
    acc = root_ref[0] + b2_ref[0]
    for r in range(R):
        acc = acc + q[:, r * OUT:(r + 1) * OUT] * rcp_ref[r]
    o_ref[...] = acc


def _comb2(psum2, rcpb, table2, b2):
    return pl.pallas_call(
        _comb2_body,
        grid=(NB,),
        in_specs=[
            pl.BlockSpec((2, BN, R * OUT), lambda i: (0, i, 0)),
            pl.BlockSpec((R, BN, OUT), lambda i: (0, i, 0)),
            pl.BlockSpec((1, BN, OUT), lambda i: (R, i, 0)),
            pl.BlockSpec((1, OUT), lambda i: (0, 0)),
        ],
        out_specs=pl.BlockSpec((BN, OUT), lambda i: (i, 0)),
        out_shape=jax.ShapeDtypeStruct((N, OUT), jnp.float32),
    )(psum2, rcpb, table2, b2)


def kernel(x, edge_index, edge_type, W1, root1, b1, W2, root2, b2):
    et = edge_type.astype(jnp.int32)
    src = edge_index[0].astype(jnp.int32)
    dst = edge_index[1].astype(jnp.int32)
    gidx = (et * NP + src).reshape(E // GRP, GRP)
    sidx = (et * NP + dst).reshape(E // GRP, GRP)
    sidx2 = (dst * R + et).reshape(E // GRP, GRP)

    table1 = _mm1(x, W1, root1)
    t1_flat = table1.reshape((R + 1) * NP, W1COL)
    p1 = _make_scatter(W1COL, True)(t1_flat, gidx, sidx)
    psum1 = p1.reshape(2, R, NP, 128)

    table2, rcpb = _comb1(psum1, table1, b1[None, :], W2, root2)
    t2_flat = table2.reshape((R + 1) * NP, OUT)
    p2 = _make_scatter(OUT)(t2_flat, gidx, sidx2)
    psum2 = p2.reshape(2, NP, R * OUT)

    return _comb2(psum2, rcpb, table2, b2[None, :])

# --- scband reference (transcript-rebuilt; emitter-appended) ---
"""Pipeline reference for scband-gnnencoder-36928128811714 (READ-ONLY COPY).

The authoritative reference and input builder live on the scoring server;
editing this copy changes nothing except your own understanding.
"""

import jax, jax.numpy as jnp
import numpy as np

N_NODES = 3831
IN_DIM = 1024
HIDDEN = 64
OUT_DIM = 32
NUM_REL = 4
N_EDGES = 65536


def rgcn_conv(x, W, root, bias, edge_index, edge_type, num_relations):
    # PyG-style RGCNConv with mean aggregation per relation:
    #   out = sum_r mean_{j in N_r(i)} x_j @ W[r]  +  x @ root + bias
    src = edge_index[0]
    dst = edge_index[1]
    xj = jnp.take(x, src, axis=0)  # gather [E, in]
    out = jnp.zeros((x.shape[0], W.shape[-1]), dtype=x.dtype)
    for r in range(num_relations):
        w = (edge_type == r).astype(x.dtype)  # [E]
        num = jax.ops.segment_sum(xj * w[:, None], dst, num_segments=x.shape[0])
        cnt = jax.ops.segment_sum(w, dst, num_segments=x.shape[0])
        h = num / jnp.maximum(cnt, 1.0)[:, None]  # mean; zeros where no in-edges of rel r
        out = out + h @ W[r]
    out = out + x @ root + bias
    return out


def setup_inputs(seed: int = 0) -> dict:
    key = jax.random.key(seed)
    ks = jax.random.split(key, 10)
    x = jax.random.normal(ks[0], (N_NODES, IN_DIM), dtype=jnp.float32)
    edge_index = jax.random.randint(ks[1], (2, N_EDGES), 0, N_NODES, dtype=jnp.int64 if jax.config.jax_enable_x64 else jnp.int32)
    edge_type = jax.random.randint(ks[2], (N_EDGES,), 0, NUM_REL, dtype=jnp.int64 if jax.config.jax_enable_x64 else jnp.int32)
    W1 = jax.random.normal(ks[3], (NUM_REL, IN_DIM, HIDDEN), dtype=jnp.float32) * (1.0 / np.sqrt(IN_DIM))
    root1 = jax.random.normal(ks[4], (IN_DIM, HIDDEN), dtype=jnp.float32) * (1.0 / np.sqrt(IN_DIM))
    b1 = jnp.zeros((HIDDEN,), dtype=jnp.float32)
    W2 = jax.random.normal(ks[5], (NUM_REL, HIDDEN, OUT_DIM), dtype=jnp.float32) * (1.0 / np.sqrt(HIDDEN))
    root2 = jax.random.normal(ks[6], (HIDDEN, OUT_DIM), dtype=jnp.float32) * (1.0 / np.sqrt(HIDDEN))
    b2 = jnp.zeros((OUT_DIM,), dtype=jnp.float32)
    return {"x": x, "edge_index": edge_index, "edge_type": edge_type,
            "W1": W1, "root1": root1, "b1": b1,
            "W2": W2, "root2": root2, "b2": b2}


def reference(x, edge_index, edge_type, W1, root1, b1, W2, root2, b2):
    h = rgcn_conv(x, W1, root1, b1, edge_index, edge_type, NUM_REL)
    h = jax.nn.relu(h)
    out = rgcn_conv(h, W2, root2, b2, edge_index, edge_type, NUM_REL)
    return out

if __name__ == "__main__":
    import jax
    _d = setup_inputs()
    print(jax.jit(kernel)(*tuple(_d.values())))

</pallas_src>

<mosaic_0001>
#map = affine_map<(d0, d1) -> (0, 0)>
module attributes {stable_mosaic.version = 14 : i64} {
  func.func @scat(%arg0: i32, %arg1: i32, %arg2: memref<19200x32xf32, #tpu.memory_space<hbm>>, %arg3: memref<512x128xi32, #tpu.memory_space<hbm>>, %arg4: memref<512x128xi32, #tpu.memory_space<hbm>>, %arg5: memref<30720x32xf32, #tpu.memory_space<hbm>>, %arg6: memref<15360x32xf32, #tpu.memory_space<vmem_shared>>, %arg7: memref<16x128xi32, #tpu.memory_space<vmem>>, %arg8: memref<16x128xi32, #tpu.memory_space<vmem>>, %arg9: memref<128x32xf32, #tpu.memory_space<vmem>>, %arg10: memref<128x32xf32, #tpu.memory_space<vmem>>, %arg11: memref<128x32xf32, #tpu.memory_space<vmem>>, %arg12: memref<!tpu.dma_semaphore, #tpu.memory_space<semaphore_mem>>, %arg13: memref<!tpu.dma_semaphore, #tpu.memory_space<semaphore_mem>>) attributes {dimension_semantics = [#tpu.dimension_semantics<core_parallel>, #tpu.dimension_semantics<subcore_parallel>], iteration_bounds = array<i64: 2, 16>, scalar_prefetch = 0 : i64, scratch_operands = 8 : i64, tpu.core_type = #tpu.core_type<sc_vector_subcore>, window_params = [{transform_indices = #map}, {transform_indices = #map}, {transform_indices = #map}, {transform_indices = #map}]} {
    %mul3A = arith.constant 16 : i32
    %mul3A_0 = arith.muli %arg0, %mul3A : i32
    %add3A = arith.addi %mul3A_0, %arg1 : i32
    %scan3A = arith.constant 0 : i32
    %scan3A_1 = arith.constant 0 : i32
    %scan3A_2 = arith.constant 120 : i32
    %scan3A_3 = arith.addi %scan3A_1, %scan3A_2 : i32
    %scan3A_4 = arith.constant 1 : i32
    scf.for %scan3A_493 = %scan3A_1 to %scan3A_3 step %scan3A_4  : i32 {
      %broadcast_in_dim3A = arith.constant 0.000000e+00 : f32
      %broadcast_in_dim3A_494 = vector.broadcast %broadcast_in_dim3A : f32 to vector<16xf32>
      %swap3A = arith.index_cast %scan3A_493 : i32 to index
      %swap3A_495 = arith.constant 0 : index
      %swap3A_496 = tpu.vector_load %arg11[%swap3A, %swap3A_495] {strides = array<i32>} : memref<128x32xf32, #tpu.memory_space<vmem>>, vector<1x16xf32>,
      %swap3A_497 = vector.shape_cast %swap3A_496 : vector<1x16xf32> to vector<16xf32>
      %swap3A_498 = vector.shape_cast %broadcast_in_dim3A_494 : vector<16xf32> to vector<1x16xf32>
      tpu.vector_store %arg11[%swap3A, %swap3A_495], %swap3A_498 {strides = array<i32>} : memref<128x32xf32, #tpu.memory_space<vmem>>, vector<1x16xf32>,
      %broadcast_in_dim3A_499 = arith.constant 0.000000e+00 : f32
      %broadcast_in_dim3A_500 = vector.broadcast %broadcast_in_dim3A_499 : f32 to vector<16xf32>
      %swap3A_501 = arith.index_cast %scan3A_493 : i32 to index
      %swap3A_502 = arith.constant 16 : index
      %swap3A_503 = tpu.vector_load %arg11[%swap3A_501, %swap3A_502] {strides = array<i32>} : memref<128x32xf32, #tpu.memory_space<vmem>>, vector<1x16xf32>,
      %swap3A_504 = vector.shape_cast %swap3A_503 : vector<1x16xf32> to vector<16xf32>
      %swap3A_505 = vector.shape_cast %broadcast_in_dim3A_500 : vector<16xf32> to vector<1x16xf32>
      tpu.vector_store %arg11[%swap3A_501, %swap3A_502], %swap3A_505 {strides = array<i32>} : memref<128x32xf32, #tpu.memory_space<vmem>>, vector<1x16xf32>,
    }
    %scan3A_5 = arith.constant 120 : i32
    %mul3A_6 = arith.constant 960 : i32
    %mul3A_7 = arith.muli %arg1, %mul3A_6 : i32
    %add3A_8 = arith.constant 0 : i32
    %add3A_9 = arith.addi %mul3A_7, %add3A_8 : i32
    "tpu.region"() ({
      %run_scoped3A = tpu.sem_alloc : memref<!tpu.dma_semaphore, #tpu.memory_space<semaphore_mem>>
      %dma_start3A_493 = arith.constant 0 : i32
      %dma_start3A_494 = arith.constant 0 : i32
      %dma_start3A_495 = tpu.memref_slice %arg11[%dma_start3A_493, %dma_start3A_494] : memref<128x32xf32, #tpu.memory_space<vmem>> -> memref<120x32xf32, #tpu.memory_space<vmem>>
      %dma_start3A_496 = arith.constant 0 : i32
      %dma_start3A_497 = tpu.memref_slice %arg6[%add3A_9, %dma_start3A_496] : memref<15360x32xf32, #tpu.memory_space<vmem_shared>> -> memref<120x32xf32, #tpu.memory_space<vmem_shared>>
      %dma_start3A_498 = arith.constant 0 : i32
      %dma_start3A_499 = tpu.memref_slice %arg6[%add3A_9, %dma_start3A_498] : memref<15360x32xf32, #tpu.memory_space<vmem_shared>> -> memref<120x32xf32, #tpu.memory_space<vmem_shared>>
      %dma_start3A_500 = arith.constant 0 : i32
      %dma_start3A_501 = arith.constant 0 : i32
      %dma_start3A_502 = tpu.memref_slice %arg11[%dma_start3A_500, %dma_start3A_501] : memref<128x32xf32, #tpu.memory_space<vmem>> -> memref<120x32xf32, #tpu.memory_space<vmem>>
      tpu.enqueue_dma source(%dma_start3A_502 : memref<120x32xf32, #tpu.memory_space<vmem>>) target(%dma_start3A_499 : memref<120x32xf32, #tpu.memory_space<vmem_shared>>) target_semaphore(%run_scoped3A : memref<!tpu.dma_semaphore, #tpu.memory_space<semaphore_mem>>)
      %dma_wait3A_503 = arith.constant 0 : i32
      %dma_wait3A_504 = arith.constant 0 : i32
      %dma_wait3A_505 = tpu.memref_slice %arg11[%dma_wait3A_503, %dma_wait3A_504] : memref<128x32xf32, #tpu.memory_space<vmem>> -> memref<120x32xf32, #tpu.memory_space<vmem>>
      %dma_wait3A_506 = arith.constant 0 : i32
      %dma_wait3A_507 = tpu.memref_slice %arg6[%add3A_9, %dma_wait3A_506] : memref<15360x32xf32, #tpu.memory_space<vmem_shared>> -> memref<120x32xf32, #tpu.memory_space<vmem_shared>>
      %dma_wait3A_508 = arith.constant 0 : i32
      %dma_wait3A_509 = tpu.memref_slice %arg6[%add3A_9, %dma_wait3A_508] : memref<15360x32xf32, #tpu.memory_space<vmem_shared>> -> memref<120x32xf32, #tpu.memory_space<vmem_shared>>
      %dma_wait3A_510 = arith.constant 0 : i32
      %dma_wait3A_511 = arith.constant 0 : i32
      %dma_wait3A_512 = tpu.memref_slice %arg11[%dma_wait3A_510, %dma_wait3A_511] : memref<128x32xf32, #tpu.memory_space<vmem>> -> memref<120x32xf32, #tpu.memory_space<vmem>>
      tpu.wait_dma2 semaphore(%run_scoped3A : memref<!tpu.dma_semaphore, #tpu.memory_space<semaphore_mem>>) src(%dma_wait3A_512 : memref<120x32xf32, #tpu.memory_space<vmem>>) dst(%dma_wait3A_509 : memref<120x32xf32, #tpu.memory_space<vmem_shared>>)
      tpu.yield
    }) : () -> ()
    %mul3A_10 = arith.constant 960 : i32
    %mul3A_11 = arith.muli %arg1, %mul3A_10 : i32
    %add3A_12 = arith.constant 120 : i32
    %add3A_13 = arith.addi %mul3A_11, %add3A_12 : i32
    "tpu.region"() ({
      %run_scoped3A = tpu.sem_alloc : memref<!tpu.dma_semaphore, #tpu.memory_space<semaphore_mem>>
      %dma_start3A_493 = arith.constant 0 : i32
      %dma_start3A_494 = arith.constant 0 : i32
      %dma_start3A_495 = tpu.memref_slice %arg11[%dma_start3A_493, %dma_start3A_494] : memref<128x32xf32, #tpu.memory_space<vmem>> -> memref<120x32xf32, #tpu.memory_space<vmem>>
      %dma_start3A_496 = arith.constant 0 : i32
      %dma_start3A_497 = tpu.memref_slice %arg6[%add3A_13, %dma_start3A_496] : memref<15360x32xf32, #tpu.memory_space<vmem_shared>> -> memref<120x32xf32, #tpu.memory_space<vmem_shared>>
      %dma_start3A_498 = arith.constant 0 : i32
      %dma_start3A_499 = tpu.memref_slice %arg6[%add3A_13, %dma_start3A_498] : memref<15360x32xf32, #tpu.memory_space<vmem_shared>> -> memref<120x32xf32, #tpu.memory_space<vmem_shared>>
      %dma_start3A_500 = arith.constant 0 : i32
      %dma_start3A_501 = arith.constant 0 : i32
      %dma_start3A_502 = tpu.memref_slice %arg11[%dma_start3A_500, %dma_start3A_501] : memref<128x32xf32, #tpu.memory_space<vmem>> -> memref<120x32xf32, #tpu.memory_space<vmem>>
      tpu.enqueue_dma source(%dma_start3A_502 : memref<120x32xf32, #tpu.memory_space<vmem>>) target(%dma_start3A_499 : memref<120x32xf32, #tpu.memory_space<vmem_shared>>) target_semaphore(%run_scoped3A : memref<!tpu.dma_semaphore, #tpu.memory_space<semaphore_mem>>)
      %dma_wait3A_503 = arith.constant 0 : i32
      %dma_wait3A_504 = arith.constant 0 : i32
      %dma_wait3A_505 = tpu.memref_slice %arg11[%dma_wait3A_503, %dma_wait3A_504] : memref<128x32xf32, #tpu.memory_space<vmem>> -> memref<120x32xf32, #tpu.memory_space<vmem>>
      %dma_wait3A_506 = arith.constant 0 : i32
      %dma_wait3A_507 = tpu.memref_slice %arg6[%add3A_13, %dma_wait3A_506] : memref<15360x32xf32, #tpu.memory_space<vmem_shared>> -> memref<120x32xf32, #tpu.memory_space<vmem_shared>>
      %dma_wait3A_508 = arith.constant 0 : i32
      %dma_wait3A_509 = tpu.memref_slice %arg6[%add3A_13, %dma_wait3A_508] : memref<15360x32xf32, #tpu.memory_space<vmem_shared>> -> memref<120x32xf32, #tpu.memory_space<vmem_shared>>
      %dma_wait3A_510 = arith.constant 0 : i32
      %dma_wait3A_511 = arith.constant 0 : i32
      %dma_wait3A_512 = tpu.memref_slice %arg11[%dma_wait3A_510, %dma_wait3A_511] : memref<128x32xf32, #tpu.memory_space<vmem>> -> memref<120x32xf32, #tpu.memory_space<vmem>>
      tpu.wait_dma2 semaphore(%run_scoped3A : memref<!tpu.dma_semaphore, #tpu.memory_space<semaphore_mem>>) src(%dma_wait3A_512 : memref<120x32xf32, #tpu.memory_space<vmem>>) dst(%dma_wait3A_509 : memref<120x32xf32, #tpu.memory_space<vmem_shared>>)
      tpu.yield
    }) : () -> ()
    %mul3A_14 = arith.constant 960 : i32
    %mul3A_15 = arith.muli %arg1, %mul3A_14 : i32
    %add3A_16 = arith.constant 240 : i32
    %add3A_17 = arith.addi %mul3A_15, %add3A_16 : i32
    "tpu.region"() ({
      %run_scoped3A = tpu.sem_alloc : memref<!tpu.dma_semaphore, #tpu.memory_space<semaphore_mem>>
      %dma_start3A_493 = arith.constant 0 : i32
      %dma_start3A_494 = arith.constant 0 : i32
      %dma_start3A_495 = tpu.memref_slice %arg11[%dma_start3A_493, %dma_start3A_494] : memref<128x32xf32, #tpu.memory_space<vmem>> -> memref<120x32xf32, #tpu.memory_space<vmem>>
      %dma_start3A_496 = arith.constant 0 : i32
      %dma_start3A_497 = tpu.memref_slice %arg6[%add3A_17, %dma_start3A_496] : memref<15360x32xf32, #tpu.memory_space<vmem_shared>> -> memref<120x32xf32, #tpu.memory_space<vmem_shared>>
      %dma_start3A_498 = arith.constant 0 : i32
      %dma_start3A_499 = tpu.memref_slice %arg6[%add3A_17, %dma_start3A_498] : memref<15360x32xf32, #tpu.memory_space<vmem_shared>> -> memref<120x32xf32, #tpu.memory_space<vmem_shared>>
      %dma_start3A_500 = arith.constant 0 : i32
      %dma_start3A_501 = arith.constant 0 : i32
      %dma_start3A_502 = tpu.memref_slice %arg11[%dma_start3A_500, %dma_start3A_501] : memref<128x32xf32, #tpu.memory_space<vmem>> -> memref<120x32xf32, #tpu.memory_space<vmem>>
      tpu.enqueue_dma source(%dma_start3A_502 : memref<120x32xf32, #tpu.memory_space<vmem>>) target(%dma_start3A_499 : memref<120x32xf32, #tpu.memory_space<vmem_shared>>) target_semaphore(%run_scoped3A : memref<!tpu.dma_semaphore, #tpu.memory_space<semaphore_mem>>)
      %dma_wait3A_503 = arith.constant 0 : i32
      %dma_wait3A_504 = arith.constant 0 : i32
      %dma_wait3A_505 = tpu.memref_slice %arg11[%dma_wait3A_503, %dma_wait3A_504] : memref<128x32xf32, #tpu.memory_space<vmem>> -> memref<120x32xf32, #tpu.memory_space<vmem>>
      %dma_wait3A_506 = arith.constant 0 : i32
      %dma_wait3A_507 = tpu.memref_slice %arg6[%add3A_17, %dma_wait3A_506] : memref<15360x32xf32, #tpu.memory_space<vmem_shared>> -> memref<120x32xf32, #tpu.memory_space<vmem_shared>>
      %dma_wait3A_508 = arith.constant 0 : i32
      %dma_wait3A_509 = tpu.memref_slice %arg6[%add3A_17, %dma_wait3A_508] : memref<15360x32xf32, #tpu.memory_space<vmem_shared>> -> memref<120x32xf32, #tpu.memory_space<vmem_shared>>
      %dma_wait3A_510 = arith.constant 0 : i32
      %dma_wait3A_511 = arith.constant 0 : i32
      %dma_wait3A_512 = tpu.memref_slice %arg11[%dma_wait3A_510, %dma_wait3A_511] : memref<128x32xf32, #tpu.memory_space<vmem>> -> memref<120x32xf32, #tpu.memory_space<vmem>>
      tpu.wait_dma2 semaphore(%run_scoped3A : memref<!tpu.dma_semaphore, #tpu.memory_space<semaphore_mem>>) src(%dma_wait3A_512 : memref<120x32xf32, #tpu.memory_space<vmem>>) dst(%dma_wait3A_509 : memref<120x32xf32, #tpu.memory_space<vmem_shared>>)
      tpu.yield
    }) : () -> ()
    %mul3A_18 = arith.constant 960 : i32
    %mul3A_19 = arith.muli %arg1, %mul3A_18 : i32
    %add3A_20 = arith.constant 360 : i32
    %add3A_21 = arith.addi %mul3A_19, %add3A_20 : i32
    "tpu.region"() ({
      %run_scoped3A = tpu.sem_alloc : memref<!tpu.dma_semaphore, #tpu.memory_space<semaphore_mem>>
      %dma_start3A_493 = arith.constant 0 : i32
      %dma_start3A_494 = arith.constant 0 : i32
      %dma_start3A_495 = tpu.memref_slice %arg11[%dma_start3A_493, %dma_start3A_494] : memref<128x32xf32, #tpu.memory_space<vmem>> -> memref<120x32xf32, #tpu.memory_space<vmem>>
      %dma_start3A_496 = arith.constant 0 : i32
      %dma_start3A_497 = tpu.memref_slice %arg6[%add3A_21, %dma_start3A_496] : memref<15360x32xf32, #tpu.memory_space<vmem_shared>> -> memref<120x32xf32, #tpu.memory_space<vmem_shared>>
      %dma_start3A_498 = arith.constant 0 : i32
      %dma_start3A_499 = tpu.memref_slice %arg6[%add3A_21, %dma_start3A_498] : memref<15360x32xf32, #tpu.memory_space<vmem_shared>> -> memref<120x32xf32, #tpu.memory_space<vmem_shared>>
      %dma_start3A_500 = arith.constant 0 : i32
      %dma_start3A_501 = arith.constant 0 : i32
      %dma_start3A_502 = tpu.memref_slice %arg11[%dma_start3A_500, %dma_start3A_501] : memref<128x32xf32, #tpu.memory_space<vmem>> -> memref<120x32xf32, #tpu.memory_space<vmem>>
      tpu.enqueue_dma source(%dma_start3A_502 : memref<120x32xf32, #tpu.memory_space<vmem>>) target(%dma_start3A_499 : memref<120x32xf32, #tpu.memory_space<vmem_shared>>) target_semaphore(%run_scoped3A : memref<!tpu.dma_semaphore, #tpu.memory_space<semaphore_mem>>)
      %dma_wait3A_503 = arith.constant 0 : i32
      %dma_wait3A_504 = arith.constant 0 : i32
      %dma_wait3A_505 = tpu.memref_slice %arg11[%dma_wait3A_503, %dma_wait3A_504] : memref<128x32xf32, #tpu.memory_space<vmem>> -> memref<120x32xf32, #tpu.memory_space<vmem>>
      %dma_wait3A_506 = arith.constant 0 : i32
      %dma_wait3A_507 = tpu.memref_slice %arg6[%add3A_21, %dma_wait3A_506] : memref<15360x32xf32, #tpu.memory_space<vmem_shared>> -> memref<120x32xf32, #tpu.memory_space<vmem_shared>>
      %dma_wait3A_508 = arith.constant 0 : i32
      %dma_wait3A_509 = tpu.memref_slice %arg6[%add3A_21, %dma_wait3A_508] : memref<15360x32xf32, #tpu.memory_space<vmem_shared>> -> memref<120x32xf32, #tpu.memory_space<vmem_shared>>
      %dma_wait3A_510 = arith.constant 0 : i32
      %dma_wait3A_511 = arith.constant 0 : i32
      %dma_wait3A_512 = tpu.memref_slice %arg11[%dma_wait3A_510, %dma_wait3A_511] : memref<128x32xf32, #tpu.memory_space<vmem>> -> memref<120x32xf32, #tpu.memory_space<vmem>>
      tpu.wait_dma2 semaphore(%run_scoped3A : memref<!tpu.dma_semaphore, #tpu.memory_space<semaphore_mem>>) src(%dma_wait3A_512 : memref<120x32xf32, #tpu.memory_space<vmem>>) dst(%dma_wait3A_509 : memref<120x32xf32, #tpu.memory_space<vmem_shared>>)
      tpu.yield
    }) : () -> ()
    %mul3A_22 = arith.constant 960 : i32
    %mul3A_23 = arith.muli %arg1, %mul3A_22 : i32
    %add3A_24 = arith.constant 480 : i32
    %add3A_25 = arith.addi %mul3A_23, %add3A_24 : i32
    "tpu.region"() ({
      %run_scoped3A = tpu.sem_alloc : memref<!tpu.dma_semaphore, #tpu.memory_space<semaphore_mem>>
      %dma_start3A_493 = arith.constant 0 : i32
      %dma_start3A_494 = arith.constant 0 : i32
      %dma_start3A_495 = tpu.memref_slice %arg11[%dma_start3A_493, %dma_start3A_494] : memref<128x32xf32, #tpu.memory_space<vmem>> -> memref<120x32xf32, #tpu.memory_space<vmem>>
      %dma_start3A_496 = arith.constant 0 : i32
      %dma_start3A_497 = tpu.memref_slice %arg6[%add3A_25, %dma_start3A_496] : memref<15360x32xf32, #tpu.memory_space<vmem_shared>> -> memref<120x32xf32, #tpu.memory_space<vmem_shared>>
      %dma_start3A_498 = arith.constant 0 : i32
      %dma_start3A_499 = tpu.memref_slice %arg6[%add3A_25, %dma_start3A_498] : memref<15360x32xf32, #tpu.memory_space<vmem_shared>> -> memref<120x32xf32, #tpu.memory_space<vmem_shared>>
      %dma_start3A_500 = arith.constant 0 : i32
      %dma_start3A_501 = arith.constant 0 : i32
      %dma_start3A_502 = tpu.memref_slice %arg11[%dma_start3A_500, %dma_start3A_501] : memref<128x32xf32, #tpu.memory_space<vmem>> -> memref<120x32xf32, #tpu.memory_space<vmem>>
      tpu.enqueue_dma source(%dma_start3A_502 : memref<120x32xf32, #tpu.memory_space<vmem>>) target(%dma_start3A_499 : memref<120x32xf32, #tpu.memory_space<vmem_shared>>) target_semaphore(%run_scoped3A : memref<!tpu.dma_semaphore, #tpu.memory_space<semaphore_mem>>)
      %dma_wait3A_503 = arith.constant 0 : i32
      %dma_wait3A_504 = arith.constant 0 : i32
      %dma_wait3A_505 = tpu.memref_slice %arg11[%dma_wait3A_503, %dma_wait3A_504] : memref<128x32xf32, #tpu.memory_space<vmem>> -> memref<120x32xf32, #tpu.memory_space<vmem>>
      %dma_wait3A_506 = arith.constant 0 : i32
      %dma_wait3A_507 = tpu.memref_slice %arg6[%add3A_25, %dma_wait3A_506] : memref<15360x32xf32, #tpu.memory_space<vmem_shared>> -> memref<120x32xf32, #tpu.memory_space<vmem_shared>>
      %dma_wait3A_508 = arith.constant 0 : i32
      %dma_wait3A_509 = tpu.memref_slice %arg6[%add3A_25, %dma_wait3A_508] : memref<15360x32xf32, #tpu.memory_space<vmem_shared>> -> memref<120x32xf32, #tpu.memory_space<vmem_shared>>
      %dma_wait3A_510 = arith.constant 0 : i32
      %dma_wait3A_511 = arith.constant 0 : i32
      %dma_wait3A_512 = tpu.memref_slice %arg11[%dma_wait3A_510, %dma_wait3A_511] : memref<128x32xf32, #tpu.memory_space<vmem>> -> memref<120x32xf32, #tpu.memory_space<vmem>>
      tpu.wait_dma2 semaphore(%run_scoped3A : memref<!tpu.dma_semaphore, #tpu.memory_space<semaphore_mem>>) src(%dma_wait3A_512 : memref<120x32xf32, #tpu.memory_space<vmem>>) dst(%dma_wait3A_509 : memref<120x32xf32, #tpu.memory_space<vmem_shared>>)
      tpu.yield
    }) : () -> ()
    %mul3A_26 = arith.constant 960 : i32
    %mul3A_27 = arith.muli %arg1, %mul3A_26 : i32
    %add3A_28 = arith.constant 600 : i32
    %add3A_29 = arith.addi %mul3A_27, %add3A_28 : i32
    "tpu.region"() ({
      %run_scoped3A = tpu.sem_alloc : memref<!tpu.dma_semaphore, #tpu.memory_space<semaphore_mem>>
      %dma_start3A_493 = arith.constant 0 : i32
      %dma_start3A_494 = arith.constant 0 : i32
      %dma_start3A_495 = tpu.memref_slice %arg11[%dma_start3A_493, %dma_start3A_494] : memref<128x32xf32, #tpu.memory_space<vmem>> -> memref<120x32xf32, #tpu.memory_space<vmem>>
      %dma_start3A_496 = arith.constant 0 : i32
      %dma_start3A_497 = tpu.memref_slice %arg6[%add3A_29, %dma_start3A_496] : memref<15360x32xf32, #tpu.memory_space<vmem_shared>> -> memref<120x32xf32, #tpu.memory_space<vmem_shared>>
      %dma_start3A_498 = arith.constant 0 : i32
      %dma_start3A_499 = tpu.memref_slice %arg6[%add3A_29, %dma_start3A_498] : memref<15360x32xf32, #tpu.memory_space<vmem_shared>> -> memref<120x32xf32, #tpu.memory_space<vmem_shared>>
      %dma_start3A_500 = arith.constant 0 : i32
      %dma_start3A_501 = arith.constant 0 : i32
      %dma_start3A_502 = tpu.memref_slice %arg11[%dma_start3A_500, %dma_start3A_501] : memref<128x32xf32, #tpu.memory_space<vmem>> -> memref<120x32xf32, #tpu.memory_space<vmem>>
      tpu.enqueue_dma source(%dma_start3A_502 : memref<120x32xf32, #tpu.memory_space<vmem>>) target(%dma_start3A_499 : memref<120x32xf32, #tpu.memory_space<vmem_shared>>) target_semaphore(%run_scoped3A : memref<!tpu.dma_semaphore, #tpu.memory_space<semaphore_mem>>)
      %dma_wait3A_503 = arith.constant 0 : i32
      %dma_wait3A_504 = arith.constant 0 : i32
      %dma_wait3A_505 = tpu.memref_slice %arg11[%dma_wait3A_503, %dma_wait3A_504] : memref<128x32xf32, #tpu.memory_space<vmem>> -> memref<120x32xf32, #tpu.memory_space<vmem>>
      %dma_wait3A_506 = arith.constant 0 : i32
      %dma_wait3A_507 = tpu.memref_slice %arg6[%add3A_29, %dma_wait3A_506] : memref<15360x32xf32, #tpu.memory_space<vmem_shared>> -> memref<120x32xf32, #tpu.memory_space<vmem_shared>>
      %dma_wait3A_508 = arith.constant 0 : i32
      %dma_wait3A_509 = tpu.memref_slice %arg6[%add3A_29, %dma_wait3A_508] : memref<15360x32xf32, #tpu.memory_space<vmem_shared>> -> memref<120x32xf32, #tpu.memory_space<vmem_shared>>
      %dma_wait3A_510 = arith.constant 0 : i32
      %dma_wait3A_511 = arith.constant 0 : i32
      %dma_wait3A_512 = tpu.memref_slice %arg11[%dma_wait3A_510, %dma_wait3A_511] : memref<128x32xf32, #tpu.memory_space<vmem>> -> memref<120x32xf32, #tpu.memory_space<vmem>>
      tpu.wait_dma2 semaphore(%run_scoped3A : memref<!tpu.dma_semaphore, #tpu.memory_space<semaphore_mem>>) src(%dma_wait3A_512 : memref<120x32xf32, #tpu.memory_space<vmem>>) dst(%dma_wait3A_509 : memref<120x32xf32, #tpu.memory_space<vmem_shared>>)
      tpu.yield
    }) : () -> ()
    %mul3A_30 = arith.constant 960 : i32
    %mul3A_31 = arith.muli %arg1, %mul3A_30 : i32
    %add3A_32 = arith.constant 720 : i32
    %add3A_33 = arith.addi %mul3A_31, %add3A_32 : i32
    "tpu.region"() ({
      %run_scoped3A = tpu.sem_alloc : memref<!tpu.dma_semaphore, #tpu.memory_space<semaphore_mem>>
      %dma_start3A_493 = arith.constant 0 : i32
      %dma_start3A_494 = arith.constant 0 : i32
      %dma_start3A_495 = tpu.memref_slice %arg11[%dma_start3A_493, %dma_start3A_494] : memref<128x32xf32, #tpu.memory_space<vmem>> -> memref<120x32xf32, #tpu.memory_space<vmem>>
      %dma_start3A_496 = arith.constant 0 : i32
      %dma_start3A_497 = tpu.memref_slice %arg6[%add3A_33, %dma_start3A_496] : memref<15360x32xf32, #tpu.memory_space<vmem_shared>> -> memref<120x32xf32, #tpu.memory_space<vmem_shared>>
      %dma_start3A_498 = arith.constant 0 : i32
      %dma_start3A_499 = tpu.memref_slice %arg6[%add3A_33, %dma_start3A_498] : memref<15360x32xf32, #tpu.memory_space<vmem_shared>> -> memref<120x32xf32, #tpu.memory_space<vmem_shared>>
      %dma_start3A_500 = arith.constant 0 : i32
      %dma_start3A_501 = arith.constant 0 : i32
      %dma_start3A_502 = tpu.memref_slice %arg11[%dma_start3A_500, %dma_start3A_501] : memref<128x32xf32, #tpu.memory_space<vmem>> -> memref<120x32xf32, #tpu.memory_space<vmem>>
      tpu.enqueue_dma source(%dma_start3A_502 : memref<120x32xf32, #tpu.memory_space<vmem>>) target(%dma_start3A_499 : memref<120x32xf32, #tpu.memory_space<vmem_shared>>) target_semaphore(%run_scoped3A : memref<!tpu.dma_semaphore, #tpu.memory_space<semaphore_mem>>)
      %dma_wait3A_503 = arith.constant 0 : i32
      %dma_wait3A_504 = arith.constant 0 : i32
      %dma_wait3A_505 = tpu.memref_slice %arg11[%dma_wait3A_503, %dma_wait3A_504] : memref<128x32xf32, #tpu.memory_space<vmem>> -> memref<120x32xf32, #tpu.memory_space<vmem>>
      %dma_wait3A_506 = arith.constant 0 : i32
      %dma_wait3A_507 = tpu.memref_slice %arg6[%add3A_33, %dma_wait3A_506] : memref<15360x32xf32, #tpu.memory_space<vmem_shared>> -> memref<120x32xf32, #tpu.memory_space<vmem_shared>>
      %dma_wait3A_508 = arith.constant 0 : i32
      %dma_wait3A_509 = tpu.memref_slice %arg6[%add3A_33, %dma_wait3A_508] : memref<15360x32xf32, #tpu.memory_space<vmem_shared>> -> memref<120x32xf32, #tpu.memory_space<vmem_shared>>
      %dma_wait3A_510 = arith.constant 0 : i32
      %dma_wait3A_511 = arith.constant 0 : i32
      %dma_wait3A_512 = tpu.memref_slice %arg11[%dma_wait3A_510, %dma_wait3A_511] : memref<128x32xf32, #tpu.memory_space<vmem>> -> memref<120x32xf32, #tpu.memory_space<vmem>>
      tpu.wait_dma2 semaphore(%run_scoped3A : memref<!tpu.dma_semaphore, #tpu.memory_space<semaphore_mem>>) src(%dma_wait3A_512 : memref<120x32xf32, #tpu.memory_space<vmem>>) dst(%dma_wait3A_509 : memref<120x32xf32, #tpu.memory_space<vmem_shared>>)
      tpu.yield
    }) : () -> ()
    %mul3A_34 = arith.constant 960 : i32
    %mul3A_35 = arith.muli %arg1, %mul3A_34 : i32
    %add3A_36 = arith.constant 840 : i32
    %add3A_37 = arith.addi %mul3A_35, %add3A_36 : i32
    "tpu.region"() ({
      %run_scoped3A = tpu.sem_alloc : memref<!tpu.dma_semaphore, #tpu.memory_space<semaphore_mem>>
      %dma_start3A_493 = arith.constant 0 : i32
      %dma_start3A_494 = arith.constant 0 : i32
      %dma_start3A_495 = tpu.memref_slice %arg11[%dma_start3A_493, %dma_start3A_494] : memref<128x32xf32, #tpu.memory_space<vmem>> -> memref<120x32xf32, #tpu.memory_space<vmem>>
      %dma_start3A_496 = arith.constant 0 : i32
      %dma_start3A_497 = tpu.memref_slice %arg6[%add3A_37, %dma_start3A_496] : memref<15360x32xf32, #tpu.memory_space<vmem_shared>> -> memref<120x32xf32, #tpu.memory_space<vmem_shared>>
      %dma_start3A_498 = arith.constant 0 : i32
      %dma_start3A_499 = tpu.memref_slice %arg6[%add3A_37, %dma_start3A_498] : memref<15360x32xf32, #tpu.memory_space<vmem_shared>> -> memref<120x32xf32, #tpu.memory_space<vmem_shared>>
      %dma_start3A_500 = arith.constant 0 : i32
      %dma_start3A_501 = arith.constant 0 : i32
      %dma_start3A_502 = tpu.memref_slice %arg11[%dma_start3A_500, %dma_start3A_501] : memref<128x32xf32, #tpu.memory_space<vmem>> -> memref<120x32xf32, #tpu.memory_space<vmem>>
      tpu.enqueue_dma source(%dma_start3A_502 : memref<120x32xf32, #tpu.memory_space<vmem>>) target(%dma_start3A_499 : memref<120x32xf32, #tpu.memory_space<vmem_shared>>) target_semaphore(%run_scoped3A : memref<!tpu.dma_semaphore, #tpu.memory_space<semaphore_mem>>)
      %dma_wait3A_503 = arith.constant 0 : i32
      %dma_wait3A_504 = arith.constant 0 : i32
      %dma_wait3A_505 = tpu.memref_slice %arg11[%dma_wait3A_503, %dma_wait3A_504] : memref<128x32xf32, #tpu.memory_space<vmem>> -> memref<120x32xf32, #tpu.memory_space<vmem>>
      %dma_wait3A_506 = arith.constant 0 : i32
      %dma_wait3A_507 = tpu.memref_slice %arg6[%add3A_37, %dma_wait3A_506] : memref<15360x32xf32, #tpu.memory_space<vmem_shared>> -> memref<120x32xf32, #tpu.memory_space<vmem_shared>>
      %dma_wait3A_508 = arith.constant 0 : i32
      %dma_wait3A_509 = tpu.memref_slice %arg6[%add3A_37, %dma_wait3A_508] : memref<15360x32xf32, #tpu.memory_space<vmem_shared>> -> memref<120x32xf32, #tpu.memory_space<vmem_shared>>
      %dma_wait3A_510 = arith.constant 0 : i32
      %dma_wait3A_511 = arith.constant 0 : i32
      %dma_wait3A_512 = tpu.memref_slice %arg11[%dma_wait3A_510, %dma_wait3A_511] : memref<128x32xf32, #tpu.memory_space<vmem>> -> memref<120x32xf32, #tpu.memory_space<vmem>>
      tpu.wait_dma2 semaphore(%run_scoped3A : memref<!tpu.dma_semaphore, #tpu.memory_space<semaphore_mem>>) src(%dma_wait3A_512 : memref<120x32xf32, #tpu.memory_space<vmem>>) dst(%dma_wait3A_509 : memref<120x32xf32, #tpu.memory_space<vmem_shared>>)
      tpu.yield
    }) : () -> ()
    %mul3A_38 = arith.constant 16 : i32
    %mul3A_39 = arith.muli %add3A, %mul3A_38 : i32
    "tpu.region"() ({
      %run_scoped3A = tpu.sem_alloc : memref<!tpu.dma_semaphore, #tpu.memory_space<semaphore_mem>>
      %dma_start3A_493 = arith.constant 0 : i32
      %dma_start3A_494 = tpu.memref_slice %arg3[%mul3A_39, %dma_start3A_493] : memref<512x128xi32, #tpu.memory_space<hbm>> -> memref<16x128xi32, #tpu.memory_space<hbm>>
      %dma_start3A_495 = arith.constant 0 : i32
      %dma_start3A_496 = tpu.memref_slice %arg3[%mul3A_39, %dma_start3A_495] : memref<512x128xi32, #tpu.memory_space<hbm>> -> memref<16x128xi32, #tpu.memory_space<hbm>>
      tpu.enqueue_dma source(%dma_start3A_496 : memref<16x128xi32, #tpu.memory_space<hbm>>) target(%arg7 : memref<16x128xi32, #tpu.memory_space<vmem>>) target_semaphore(%run_scoped3A : memref<!tpu.dma_semaphore, #tpu.memory_space<semaphore_mem>>)
      %dma_wait3A_497 = arith.constant 0 : i32
      %dma_wait3A_498 = tpu.memref_slice %arg3[%mul3A_39, %dma_wait3A_497] : memref<512x128xi32, #tpu.memory_space<hbm>> -> memref<16x128xi32, #tpu.memory_space<hbm>>
      %dma_wait3A_499 = arith.constant 0 : i32
      %dma_wait3A_500 = tpu.memref_slice %arg3[%mul3A_39, %dma_wait3A_499] : memref<512x128xi32, #tpu.memory_space<hbm>> -> memref<16x128xi32, #tpu.memory_space<hbm>>
      tpu.wait_dma2 semaphore(%run_scoped3A : memref<!tpu.dma_semaphore, #tpu.memory_space<semaphore_mem>>) src(%dma_wait3A_500 : memref<16x128xi32, #tpu.memory_space<hbm>>) dst(%arg7 : memref<16x128xi32, #tpu.memory_space<vmem>>)
      tpu.yield
    }) : () -> ()
    %mul3A_40 = arith.constant 16 : i32
    %mul3A_41 = arith.muli %add3A, %mul3A_40 : i32
    "tpu.region"() ({
      %run_scoped3A = tpu.sem_alloc : memref<!tpu.dma_semaphore, #tpu.memory_space<semaphore_mem>>
      %dma_start3A_493 = arith.constant 0 : i32
      %dma_start3A_494 = tpu.memref_slice %arg4[%mul3A_41, %dma_start3A_493] : memref<512x128xi32, #tpu.memory_space<hbm>> -> memref<16x128xi32, #tpu.memory_space<hbm>>
      %dma_start3A_495 = arith.constant 0 : i32
      %dma_start3A_496 = tpu.memref_slice %arg4[%mul3A_41, %dma_start3A_495] : memref<512x128xi32, #tpu.memory_space<hbm>> -> memref<16x128xi32, #tpu.memory_space<hbm>>
      tpu.enqueue_dma source(%dma_start3A_496 : memref<16x128xi32, #tpu.memory_space<hbm>>) target(%arg8 : memref<16x128xi32, #tpu.memory_space<vmem>>) target_semaphore(%run_scoped3A : memref<!tpu.dma_semaphore, #tpu.memory_space<semaphore_mem>>)
      %dma_wait3A_497 = arith.constant 0 : i32
      %dma_wait3A_498 = tpu.memref_slice %arg4[%mul3A_41, %dma_wait3A_497] : memref<512x128xi32, #tpu.memory_space<hbm>> -> memref<16x128xi32, #tpu.memory_space<hbm>>
      %dma_wait3A_499 = arith.constant 0 : i32
      %dma_wait3A_500 = tpu.memref_slice %arg4[%mul3A_41, %dma_wait3A_499] : memref<512x128xi32, #tpu.memory_space<hbm>> -> memref<16x128xi32, #tpu.memory_space<hbm>>
      tpu.wait_dma2 semaphore(%run_scoped3A : memref<!tpu.dma_semaphore, #tpu.memory_space<semaphore_mem>>) src(%dma_wait3A_500 : memref<16x128xi32, #tpu.memory_space<hbm>>) dst(%arg8 : memref<16x128xi32, #tpu.memory_space<vmem>>)
      tpu.yield
    }) : () -> ()
    %barrier3A = arith.constant 0 : index
    tpu.barrier barrier_id(%barrier3A)
    %dma_start3A = arith.constant 0 : i32
    %dma_start3A_42 = arith.constant 0 : i32
    %dma_start3A_43 = tpu.memref_slice %arg7[%dma_start3A, %dma_start3A_42] : memref<16x128xi32, #tpu.memory_space<vmem>> -> memref<1x128xi32, #tpu.memory_space<vmem>>
    %dma_start3A_44 = tpu.memref_squeeze %dma_start3A_43 : memref<1x128xi32, #tpu.memory_space<vmem>> -> memref<128xi32, #tpu.memory_space<vmem>>
    %dma_start3A_45 = arith.constant 0 : i32
    %dma_start3A_46 = arith.constant 0 : i32
    %dma_start3A_47 = tpu.memref_slice %arg2[%dma_start3A_45, %dma_start3A_46] : memref<19200x32xf32, #tpu.memory_space<hbm>> -> memref<19200x32xf32, #tpu.memory_space<hbm>>
    tpu.enqueue_indirect_dma source(%dma_start3A_47 : memref<19200x32xf32, #tpu.memory_space<hbm>>) target(%arg9 : memref<128x32xf32, #tpu.memory_space<vmem>>) offsets(%dma_start3A_44 : memref<128xi32, #tpu.memory_space<vmem>>) semaphore(%arg12 : memref<!tpu.dma_semaphore, #tpu.memory_space<semaphore_mem>>)
    %dma_start3A_48 = arith.constant 1 : i32
    %dma_start3A_49 = arith.constant 0 : i32
    %dma_start3A_50 = tpu.memref_slice %arg7[%dma_start3A_48, %dma_start3A_49] : memref<16x128xi32, #tpu.memory_space<vmem>> -> memref<1x128xi32, #tpu.memory_space<vmem>>
    %dma_start3A_51 = tpu.memref_squeeze %dma_start3A_50 : memref<1x128xi32, #tpu.memory_space<vmem>> -> memref<128xi32, #tpu.memory_space<vmem>>
    %dma_start3A_52 = arith.constant 0 : i32
    %dma_start3A_53 = arith.constant 0 : i32
    %dma_start3A_54 = tpu.memref_slice %arg2[%dma_start3A_52, %dma_start3A_53] : memref<19200x32xf32, #tpu.memory_space<hbm>> -> memref<19200x32xf32, #tpu.memory_space<hbm>>
    tpu.enqueue_indirect_dma source(%dma_start3A_54 : memref<19200x32xf32, #tpu.memory_space<hbm>>) target(%arg10 : memref<128x32xf32, #tpu.memory_space<vmem>>) offsets(%dma_start3A_51 : memref<128xi32, #tpu.memory_space<vmem>>) semaphore(%arg12 : memref<!tpu.dma_semaphore, #tpu.memory_space<semaphore_mem>>)
    %dma_start3A_55 = arith.constant 2 : i32
    %dma_start3A_56 = arith.constant 0 : i32
    %dma_start3A_57 = tpu.memref_slice %arg7[%dma_start3A_55, %dma_start3A_56] : memref<16x128xi32, #tpu.memory_space<vmem>> -> memref<1x128xi32, #tpu.memory_space<vmem>>
    %dma_start3A_58 = tpu.memref_squeeze %dma_start3A_57 : memref<1x128xi32, #tpu.memory_space<vmem>> -> memref<128xi32, #tpu.memory_space<vmem>>
    %dma_start3A_59 = arith.constant 0 : i32
    %dma_start3A_60 = arith.constant 0 : i32
    %dma_start3A_61 = tpu.memref_slice %arg2[%dma_start3A_59, %dma_start3A_60] : memref<19200x32xf32, #tpu.memory_space<hbm>> -> memref<19200x32xf32, #tpu.memory_space<hbm>>
    tpu.enqueue_indirect_dma source(%dma_start3A_61 : memref<19200x32xf32, #tpu.memory_space<hbm>>) target(%arg11 : memref<128x32xf32, #tpu.memory_space<vmem>>) offsets(%dma_start3A_58 : memref<128xi32, #tpu.memory_space<vmem>>) semaphore(%arg12 : memref<!tpu.dma_semaphore, #tpu.memory_space<semaphore_mem>>)
    %dma_wait3A = arith.constant 0 : i32
    %dma_wait3A_62 = arith.constant 0 : i32
    %dma_wait3A_63 = tpu.memref_slice %arg7[%dma_wait3A, %dma_wait3A_62] : memref<16x128xi32, #tpu.memory_space<vmem>> -> memref<1x128xi32, #tpu.memory_space<vmem>>
    %dma_wait3A_64 = tpu.memref_squeeze %dma_wait3A_63 : memref<1x128xi32, #tpu.memory_space<vmem>> -> memref<128xi32, #tpu.memory_space<vmem>>
    %dma_wait3A_65 = arith.constant 0 : i32
    %dma_wait3A_66 = arith.constant 0 : i32
    %dma_wait3A_67 = tpu.memref_slice %arg2[%dma_wait3A_65, %dma_wait3A_66] : memref<19200x32xf32, #tpu.memory_space<hbm>> -> memref<19200x32xf32, #tpu.memory_space<hbm>>
    tpu.wait_indirect_dma semaphore(%arg12 : memref<!tpu.dma_semaphore, #tpu.memory_space<semaphore_mem>>) src(%dma_wait3A_67 : memref<19200x32xf32, #tpu.memory_space<hbm>>) dst(%arg9 : memref<128x32xf32, #tpu.memory_space<vmem>>)
    %dma_start3A_68 = arith.constant 0 : i32
    %dma_start3A_69 = arith.constant 0 : i32
    %dma_start3A_70 = tpu.memref_slice %arg8[%dma_start3A_68, %dma_start3A_69] : memref<16x128xi32, #tpu.memory_space<vmem>> -> memref<1x128xi32, #tpu.memory_space<vmem>>
    %dma_start3A_71 = tpu.memref_squeeze %dma_start3A_70 : memref<1x128xi32, #tpu.memory_space<vmem>> -> memref<128xi32, #tpu.memory_space<vmem>>
    %dma_start3A_72 = arith.constant 0 : i32
    %dma_start3A_73 = arith.constant 0 : i32
    %dma_start3A_74 = tpu.memref_slice %arg6[%dma_start3A_72, %dma_start3A_73] : memref<15360x32xf32, #tpu.memory_space<vmem_shared>> -> memref<15360x32xf32, #tpu.memory_space<vmem_shared>>
    tpu.enqueue_indirect_dma source(%arg9 : memref<128x32xf32, #tpu.memory_space<vmem>>) target(%dma_start3A_74 : memref<15360x32xf32, #tpu.memory_space<vmem_shared>>) offsets(%dma_start3A_71 : memref<128xi32, #tpu.memory_space<vmem>>) semaphore(%arg13 : memref<!tpu.dma_semaphore, #tpu.memory_space<semaphore_mem>>) {add = true}
    %dma_wait3A_75 = arith.constant 0 : i32
    %dma_wait3A_76 = arith.constant 0 : i32
    %dma_wait3A_77 = tpu.memref_slice %arg8[%dma_wait3A_75, %dma_wait3A_76] : memref<16x128xi32, #tpu.memory_space<vmem>> -> memref<1x128xi32, #tpu.memory_space<vmem>>
    %dma_wait3A_78 = tpu.memref_squeeze %dma_wait3A_77 : memref<1x128xi32, #tpu.memory_space<vmem>> -> memref<128xi32, #tpu.memory_space<vmem>>
    %dma_wait3A_79 = arith.constant 0 : i32
    %dma_wait3A_80 = arith.constant 0 : i32
    %dma_wait3A_81 = tpu.memref_slice %arg6[%dma_wait3A_79, %dma_wait3A_80] : memref<15360x32xf32, #tpu.memory_space<vmem_shared>> -> memref<15360x32xf32, #tpu.memory_space<vmem_shared>>
    tpu.wait_indirect_dma semaphore(%arg13 : memref<!tpu.dma_semaphore, #tpu.memory_space<semaphore_mem>>) src(%arg9 : memref<128x32xf32, #tpu.memory_space<vmem>>) dst(%dma_wait3A_81 : memref<15360x32xf32, #tpu.memory_space<vmem_shared>>)
    %dma_start3A_82 = arith.constant 3 : i32
    %dma_start3A_83 = arith.constant 0 : i32
    %dma_start3A_84 = tpu.memref_slice %arg7[%dma_start3A_82, %dma_start3A_83] : memref<16x128xi32, #tpu.memory_space<vmem>> -> memref<1x128xi32, #tpu.memory_space<vmem>>
    %dma_start3A_85 = tpu.memref_squeeze %dma_start3A_84 : memref<1x128xi32, #tpu.memory_space<vmem>> -> memref<128xi32, #tpu.memory_space<vmem>>
    %dma_start3A_86 = arith.constant 0 : i32
    %dma_start3A_87 = arith.constant 0 : i32
    %dma_start3A_88 = tpu.memref_slice %arg2[%dma_start3A_86, %dma_start3A_87] : memref<19200x32xf32, #tpu.memory_space<hbm>> -> memref<19200x32xf32, #tpu.memory_space<hbm>>
    tpu.enqueue_indirect_dma source(%dma_start3A_88 : memref<19200x32xf32, #tpu.memory_space<hbm>>) target(%arg9 : memref<128x32xf32, #tpu.memory_space<vmem>>) offsets(%dma_start3A_85 : memref<128xi32, #tpu.memory_space<vmem>>) semaphore(%arg12 : memref<!tpu.dma_semaphore, #tpu.memory_space<semaphore_mem>>)
    %dma_wait3A_89 = arith.constant 1 : i32
    %dma_wait3A_90 = arith.constant 0 : i32
    %dma_wait3A_91 = tpu.memref_slice %arg7[%dma_wait3A_89, %dma_wait3A_90] : memref<16x128xi32, #tpu.memory_space<vmem>> -> memref<1x128xi32, #tpu.memory_space<vmem>>
    %dma_wait3A_92 = tpu.memref_squeeze %dma_wait3A_91 : memref<1x128xi32, #tpu.memory_space<vmem>> -> memref<128xi32, #tpu.memory_space<vmem>>
    %dma_wait3A_93 = arith.constant 0 : i32
    %dma_wait3A_94 = arith.constant 0 : i32
    %dma_wait3A_95 = tpu.memref_slice %arg2[%dma_wait3A_93, %dma_wait3A_94] : memref<19200x32xf32, #tpu.memory_space<hbm>> -> memref<19200x32xf32, #tpu.memory_space<hbm>>
    tpu.wait_indirect_dma semaphore(%arg12 : memref<!tpu.dma_semaphore, #tpu.memory_space<semaphore_mem>>) src(%dma_wait3A_95 : memref<19200x32xf32, #tpu.memory_space<hbm>>) dst(%arg10 : memref<128x32xf32, #tpu.memory_space<vmem>>)
    %dma_start3A_96 = arith.constant 1 : i32
    %dma_start3A_97 = arith.constant 0 : i32
    %dma_start3A_98 = tpu.memref_slice %arg8[%dma_start3A_96, %dma_start3A_97] : memref<16x128xi32, #tpu.memory_space<vmem>> -> memref<1x128xi32, #tpu.memory_space<vmem>>
    %dma_start3A_99 = tpu.memref_squeeze %dma_start3A_98 : memref<1x128xi32, #tpu.memory_space<vmem>> -> memref<128xi32, #tpu.memory_space<vmem>>
    %dma_start3A_100 = arith.constant 0 : i32
    %dma_start3A_101 = arith.constant 0 : i32
    %dma_start3A_102 = tpu.memref_slice %arg6[%dma_start3A_100, %dma_start3A_101] : memref<15360x32xf32, #tpu.memory_space<vmem_shared>> -> memref<15360x32xf32, #tpu.memory_space<vmem_shared>>
    tpu.enqueue_indirect_dma source(%arg10 : memref<128x32xf32, #tpu.memory_space<vmem>>) target(%dma_start3A_102 : memref<15360x32xf32, #tpu.memory_space<vmem_shared>>) offsets(%dma_start3A_99 : memref<128xi32, #tpu.memory_space<vmem>>) semaphore(%arg13 : memref<!tpu.dma_semaphore, #tpu.memory_space<semaphore_mem>>) {add = true}
    %dma_wait3A_103 = arith.constant 1 : i32
    %dma_wait3A_104 = arith.constant 0 : i32
    %dma_wait3A_105 = tpu.memref_slice %arg8[%dma_wait3A_103, %dma_wait3A_104] : memref<16x128xi32, #tpu.memory_space<vmem>> -> memref<1x128xi32, #tpu.memory_space<vmem>>
    %dma_wait3A_106 = tpu.memref_squeeze %dma_wait3A_105 : memref<1x128xi32, #tpu.memory_space<vmem>> -> memref<128xi32, #tpu.memory_space<vmem>>
    %dma_wait3A_107 = arith.constant 0 : i32
    %dma_wait3A_108 = arith.constant 0 : i32
    %dma_wait3A_109 = tpu.memref_slice %arg6[%dma_wait3A_107, %dma_wait3A_108] : memref<15360x32xf32, #tpu.memory_space<vmem_shared>> -> memref<15360x32xf32, #tpu.memory_space<vmem_shared>>
    tpu.wait_indirect_dma semaphore(%arg13 : memref<!tpu.dma_semaphore, #tpu.memory_space<semaphore_mem>>) src(%arg10 : memref<128x32xf32, #tpu.memory_space<vmem>>) dst(%dma_wait3A_109 : memref<15360x32xf32, #tpu.memory_space<vmem_shared>>)
    %dma_start3A_110 = arith.constant 4 : i32
    %dma_start3A_111 = arith.constant 0 : i32
    %dma_start3A_112 = tpu.memref_slice %arg7[%dma_start3A_110, %dma_start3A_111] : memref<16x128xi32, #tpu.memory_space<vmem>> -> memref<1x128xi32, #tpu.memory_space<vmem>>
    %dma_start3A_113 = tpu.memref_squeeze %dma_start3A_112 : memref<1x128xi32, #tpu.memory_space<vmem>> -> memref<128xi32, #tpu.memory_space<vmem>>
    %dma_start3A_114 = arith.constant 0 : i32
    %dma_start3A_115 = arith.constant 0 : i32
    %dma_start3A_116 = tpu.memref_slice %arg2[%dma_start3A_114, %dma_start3A_115] : memref<19200x32xf32, #tpu.memory_space<hbm>> -> memref<19200x32xf32, #tpu.memory_space<hbm>>
    tpu.enqueue_indirect_dma source(%dma_start3A_116 : memref<19200x32xf32, #tpu.memory_space<hbm>>) target(%arg10 : memref<128x32xf32, #tpu.memory_space<vmem>>) offsets(%dma_start3A_113 : memref<128xi32, #tpu.memory_space<vmem>>) semaphore(%arg12 : memref<!tpu.dma_semaphore, #tpu.memory_space<semaphore_mem>>)
    %dma_wait3A_117 = arith.constant 2 : i32
    %dma_wait3A_118 = arith.constant 0 : i32
    %dma_wait3A_119 = tpu.memref_slice %arg7[%dma_wait3A_117, %dma_wait3A_118] : memref<16x128xi32, #tpu.memory_space<vmem>> -> memref<1x128xi32, #tpu.memory_space<vmem>>
    %dma_wait3A_120 = tpu.memref_squeeze %dma_wait3A_119 : memref<1x128xi32, #tpu.memory_space<vmem>> -> memref<128xi32, #tpu.memory_space<vmem>>
    %dma_wait3A_121 = arith.constant 0 : i32
    %dma_wait3A_122 = arith.constant 0 : i32
    %dma_wait3A_123 = tpu.memref_slice %arg2[%dma_wait3A_121, %dma_wait3A_122] : memref<19200x32xf32, #tpu.memory_space<hbm>> -> memref<19200x32xf32, #tpu.memory_space<hbm>>
    tpu.wait_indirect_dma semaphore(%arg12 : memref<!tpu.dma_semaphore, #tpu.memory_space<semaphore_mem>>) src(%dma_wait3A_123 : memref<19200x32xf32, #tpu.memory_space<hbm>>) dst(%arg11 : memref<128x32xf32, #tpu.memory_space<vmem>>)
    %dma_start3A_124 = arith.constant 2 : i32
    %dma_start3A_125 = arith.constant 0 : i32
    %dma_start3A_126 = tpu.memref_slice %arg8[%dma_start3A_124, %dma_start3A_125] : memref<16x128xi32, #tpu.memory_space<vmem>> -> memref<1x128xi32, #tpu.memory_space<vmem>>
    %dma_start3A_127 = tpu.memref_squeeze %dma_start3A_126 : memref<1x128xi32, #tpu.memory_space<vmem>> -> memref<128xi32, #tpu.memory_space<vmem>>
    %dma_start3A_128 = arith.constant 0 : i32
    %dma_start3A_129 = arith.constant 0 : i32
    %dma_start3A_130 = tpu.memref_slice %arg6[%dma_start3A_128, %dma_start3A_129] : memref<15360x32xf32, #tpu.memory_space<vmem_shared>> -> memref<15360x32xf32, #tpu.memory_space<vmem_shared>>
    tpu.enqueue_indirect_dma source(%arg11 : memref<128x32xf32, #tpu.memory_space<vmem>>) target(%dma_start3A_130 : memref<15360x32xf32, #tpu.memory_space<vmem_shared>>) offsets(%dma_start3A_127 : memref<128xi32, #tpu.memory_space<vmem>>) semaphore(%arg13 : memref<!tpu.dma_semaphore, #tpu.memory_space<semaphore_mem>>) {add = true}
    %dma_wait3A_131 = arith.constant 2 : i32
    %dma_wait3A_132 = arith.constant 0 : i32
    %dma_wait3A_133 = tpu.memref_slice %arg8[%dma_wait3A_131, %dma_wait3A_132] : memref<16x128xi32, #tpu.memory_space<vmem>> -> memref<1x128xi32, #tpu.memory_space<vmem>>
    %dma_wait3A_134 = tpu.memref_squeeze %dma_wait3A_133 : memref<1x128xi32, #tpu.memory_space<vmem>> -> memref<128xi32, #tpu.memory_space<vmem>>
    %dma_wait3A_135 = arith.constant 0 : i32
    %dma_wait3A_136 = arith.constant 0 : i32
    %dma_wait3A_137 = tpu.memref_slice %arg6[%dma_wait3A_135, %dma_wait3A_136] : memref<15360x32xf32, #tpu.memory_space<vmem_shared>> -> memref<15360x32xf32, #tpu.memory_space<vmem_shared>>
    tpu.wait_indirect_dma semaphore(%arg13 : memref<!tpu.dma_semaphore, #tpu.memory_space<semaphore_mem>>) src(%arg11 : memref<128x32xf32, #tpu.memory_space<vmem>>) dst(%dma_wait3A_137 : memref<15360x32xf32, #tpu.memory_space<vmem_shared>>)
    %dma_start3A_138 = arith.constant 5 : i32
    %dma_start3A_139 = arith.constant 0 : i32
    %dma_start3A_140 = tpu.memref_slice %arg7[%dma_start3A_138, %dma_start3A_139] : memref<16x128xi32, #tpu.memory_space<vmem>> -> memref<1x128xi32, #tpu.memory_space<vmem>>
    %dma_start3A_141 = tpu.memref_squeeze %dma_start3A_140 : memref<1x128xi32, #tpu.memory_space<vmem>> -> memref<128xi32, #tpu.memory_space<vmem>>
    %dma_start3A_142 = arith.constant 0 : i32
    %dma_start3A_143 = arith.constant 0 : i32
    %dma_start3A_144 = tpu.memref_slice %arg2[%dma_start3A_142, %dma_start3A_143] : memref<19200x32xf32, #tpu.memory_space<hbm>> -> memref<19200x32xf32, #tpu.memory_space<hbm>>
    tpu.enqueue_indirect_dma source(%dma_start3A_144 : memref<19200x32xf32, #tpu.memory_space<hbm>>) target(%arg11 : memref<128x32xf32, #tpu.memory_space<vmem>>) offsets(%dma_start3A_141 : memref<128xi32, #tpu.memory_space<vmem>>) semaphore(%arg12 : memref<!tpu.dma_semaphore, #tpu.memory_space<semaphore_mem>>)
    %dma_wait3A_145 = arith.constant 3 : i32
    %dma_wait3A_146 = arith.constant 0 : i32
    %dma_wait3A_147 = tpu.memref_slice %arg7[%dma_wait3A_145, %dma_wait3A_146] : memref<16x128xi32, #tpu.memory_space<vmem>> -> memref<1x128xi32, #tpu.memory_space<vmem>>
    %dma_wait3A_148 = tpu.memref_squeeze %dma_wait3A_147 : memref<1x128xi32, #tpu.memory_space<vmem>> -> memref<128xi32, #tpu.memory_space<vmem>>
    %dma_wait3A_149 = arith.constant 0 : i32
    %dma_wait3A_150 = arith.constant 0 : i32
    %dma_wait3A_151 = tpu.memref_slice %arg2[%dma_wait3A_149, %dma_wait3A_150] : memref<19200x32xf32, #tpu.memory_space<hbm>> -> memref<19200x32xf32, #tpu.memory_space<hbm>>
    tpu.wait_indirect_dma semaphore(%arg12 : memref<!tpu.dma_semaphore, #tpu.memory_space<semaphore_mem>>) src(%dma_wait3A_151 : memref<19200x32xf32, #tpu.memory_space<hbm>>) dst(%arg9 : memref<128x32xf32, #tpu.memory_space<vmem>>)
    %dma_start3A_152 = arith.constant 3 : i32
    %dma_start3A_153 = arith.constant 0 : i32
    %dma_start3A_154 = tpu.memref_slice %arg8[%dma_start3A_152, %dma_start3A_153] : memref<16x128xi32, #tpu.memory_space<vmem>> -> memref<1x128xi32, #tpu.memory_space<vmem>>
    %dma_start3A_155 = tpu.memref_squeeze %dma_start3A_154 : memref<1x128xi32, #tpu.memory_space<vmem>> -> memref<128xi32, #tpu.memory_space<vmem>>
    %dma_start3A_156 = arith.constant 0 : i32
    %dma_start3A_157 = arith.constant 0 : i32
    %dma_start3A_158 = tpu.memref_slice %arg6[%dma_start3A_156, %dma_start3A_157] : memref<15360x32xf32, #tpu.memory_space<vmem_shared>> -> memref<15360x32xf32, #tpu.memory_space<vmem_shared>>
    tpu.enqueue_indirect_dma source(%arg9 : memref<128x32xf32, #tpu.memory_space<vmem>>) target(%dma_start3A_158 : memref<15360x32xf32, #tpu.memory_space<vmem_shared>>) offsets(%dma_start3A_155 : memref<128xi32, #tpu.memory_space<vmem>>) semaphore(%arg13 : memref<!tpu.dma_semaphore, #tpu.memory_space<semaphore_mem>>) {add = true}
    %dma_wait3A_159 = arith.constant 3 : i32
    %dma_wait3A_160 = arith.constant 0 : i32
    %dma_wait3A_161 = tpu.memref_slice %arg8[%dma_wait3A_159, %dma_wait3A_160] : memref<16x128xi32, #tpu.memory_space<vmem>> -> memref<1x128xi32, #tpu.memory_space<vmem>>
    %dma_wait3A_162 = tpu.memref_squeeze %dma_wait3A_161 : memref<1x128xi32, #tpu.memory_space<vmem>> -> memref<128xi32, #tpu.memory_space<vmem>>
    %dma_wait3A_163 = arith.constant 0 : i32
    %dma_wait3A_164 = arith.constant 0 : i32
    %dma_wait3A_165 = tpu.memref_slice %arg6[%dma_wait3A_163, %dma_wait3A_164] : memref<15360x32xf32, #tpu.memory_space<vmem_shared>> -> memref<15360x32xf32, #tpu.memory_space<vmem_shared>>
    tpu.wait_indirect_dma semaphore(%arg13 : memref<!tpu.dma_semaphore, #tpu.memory_space<semaphore_mem>>) src(%arg9 : memref<128x32xf32, #tpu.memory_space<vmem>>) dst(%dma_wait3A_165 : memref<15360x32xf32, #tpu.memory_space<vmem_shared>>)
    %dma_start3A_166 = arith.constant 6 : i32
    %dma_start3A_167 = arith.constant 0 : i32
    %dma_start3A_168 = tpu.memref_slice %arg7[%dma_start3A_166, %dma_start3A_167] : memref<16x128xi32, #tpu.memory_space<vmem>> -> memref<1x128xi32, #tpu.memory_space<vmem>>
    %dma_start3A_169 = tpu.memref_squeeze %dma_start3A_168 : memref<1x128xi32, #tpu.memory_space<vmem>> -> memref<128xi32, #tpu.memory_space<vmem>>
    %dma_start3A_170 = arith.constant 0 : i32
    %dma_start3A_171 = arith.constant 0 : i32
    %dma_start3A_172 = tpu.memref_slice %arg2[%dma_start3A_170, %dma_start3A_171] : memref<19200x32xf32, #tpu.memory_space<hbm>> -> memref<19200x32xf32, #tpu.memory_space<hbm>>
    tpu.enqueue_indirect_dma source(%dma_start3A_172 : memref<19200x32xf32, #tpu.memory_space<hbm>>) target(%arg9 : memref<128x32xf32, #tpu.memory_space<vmem>>) offsets(%dma_start3A_169 : memref<128xi32, #tpu.memory_space<vmem>>) semaphore(%arg12 : memref<!tpu.dma_semaphore, #tpu.memory_space<semaphore_mem>>)
    %dma_wait3A_173 = arith.constant 4 : i32
    %dma_wait3A_174 = arith.constant 0 : i32
    %dma_wait3A_175 = tpu.memref_slice %arg7[%dma_wait3A_173, %dma_wait3A_174] : memref<16x128xi32, #tpu.memory_space<vmem>> -> memref<1x128xi32, #tpu.memory_space<vmem>>
    %dma_wait3A_176 = tpu.memref_squeeze %dma_wait3A_175 : memref<1x128xi32, #tpu.memory_space<vmem>> -> memref<128xi32, #tpu.memory_space<vmem>>
    %dma_wait3A_177 = arith.constant 0 : i32
    %dma_wait3A_178 = arith.constant 0 : i32
    %dma_wait3A_179 = tpu.memref_slice %arg2[%dma_wait3A_177, %dma_wait3A_178] : memref<19200x32xf32, #tpu.memory_space<hbm>> -> memref<19200x32xf32, #tpu.memory_space<hbm>>
    tpu.wait_indirect_dma semaphore(%arg12 : memref<!tpu.dma_semaphore, #tpu.memory_space<semaphore_mem>>) src(%dma_wait3A_179 : memref<19200x32xf32, #tpu.memory_space<hbm>>) dst(%arg10 : memref<128x32xf32, #tpu.memory_space<vmem>>)
    %dma_start3A_180 = arith.constant 4 : i32
    %dma_start3A_181 = arith.constant 0 : i32
    %dma_start3A_182 = tpu.memref_slice %arg8[%dma_start3A_180, %dma_start3A_181] : memref<16x128xi32, #tpu.memory_space<vmem>> -> memref<1x128xi32, #tpu.memory_space<vmem>>
    %dma_start3A_183 = tpu.memref_squeeze %dma_start3A_182 : memref<1x128xi32, #tpu.memory_space<vmem>> -> memref<128xi32, #tpu.memory_space<vmem>>
    %dma_start3A_184 = arith.constant 0 : i32
    %dma_start3A_185 = arith.constant 0 : i32
    %dma_start3A_186 = tpu.memref_slice %arg6[%dma_start3A_184, %dma_start3A_185] : memref<15360x32xf32, #tpu.memory_space<vmem_shared>> -> memref<15360x32xf32, #tpu.memory_space<vmem_shared>>
    tpu.enqueue_indirect_dma source(%arg10 : memref<128x32xf32, #tpu.memory_space<vmem>>) target(%dma_start3A_186 : memref<15360x32xf32, #tpu.memory_space<vmem_shared>>) offsets(%dma_start3A_183 : memref<128xi32, #tpu.memory_space<vmem>>) semaphore(%arg13 : memref<!tpu.dma_semaphore, #tpu.memory_space<semaphore_mem>>) {add = true}
    %dma_wait3A_187 = arith.constant 4 : i32
    %dma_wait3A_188 = arith.constant 0 : i32
    %dma_wait3A_189 = tpu.memref_slice %arg8[%dma_wait3A_187, %dma_wait3A_188] : memref<16x128xi32, #tpu.memory_space<vmem>> -> memref<1x128xi32, #tpu.memory_space<vmem>>
    %dma_wait3A_190 = tpu.memref_squeeze %dma_wait3A_189 : memref<1x128xi32, #tpu.memory_space<vmem>> -> memref<128xi32, #tpu.memory_space<vmem>>
    %dma_wait3A_191 = arith.constant 0 : i32
    %dma_wait3A_192 = arith.constant 0 : i32
    %dma_wait3A_193 = tpu.memref_slice %arg6[%dma_wait3A_191, %dma_wait3A_192] : memref<15360x32xf32, #tpu.memory_space<vmem_shared>> -> memref<15360x32xf32, #tpu.memory_space<vmem_shared>>
    tpu.wait_indirect_dma semaphore(%arg13 : memref<!tpu.dma_semaphore, #tpu.memory_space<semaphore_mem>>) src(%arg10 : memref<128x32xf32, #tpu.memory_space<vmem>>) dst(%dma_wait3A_193 : memref<15360x32xf32, #tpu.memory_space<vmem_shared>>)
    %dma_start3A_194 = arith.constant 7 : i32
    %dma_start3A_195 = arith.constant 0 : i32
    %dma_start3A_196 = tpu.memref_slice %arg7[%dma_start3A_194, %dma_start3A_195] : memref<16x128xi32, #tpu.memory_space<vmem>> -> memref<1x128xi32, #tpu.memory_space<vmem>>
    %dma_start3A_197 = tpu.memref_squeeze %dma_start3A_196 : memref<1x128xi32, #tpu.memory_space<vmem>> -> memref<128xi32, #tpu.memory_space<vmem>>
    %dma_start3A_198 = arith.constant 0 : i32
    %dma_start3A_199 = arith.constant 0 : i32
    %dma_start3A_200 = tpu.memref_slice %arg2[%dma_start3A_198, %dma_start3A_199] : memref<19200x32xf32, #tpu.memory_space<hbm>> -> memref<19200x32xf32, #tpu.memory_space<hbm>>
    tpu.enqueue_indirect_dma source(%dma_start3A_200 : memref<19200x32xf32, #tpu.memory_space<hbm>>) target(%arg10 : memref<128x32xf32, #tpu.memory_space<vmem>>) offsets(%dma_start3A_197 : memref<128xi32, #tpu.memory_space<vmem>>) semaphore(%arg12 : memref<!tpu.dma_semaphore, #tpu.memory_space<semaphore_mem>>)
    %dma_wait3A_201 = arith.constant 5 : i32
    %dma_wait3A_202 = arith.constant 0 : i32
    %dma_wait3A_203 = tpu.memref_slice %arg7[%dma_wait3A_201, %dma_wait3A_202] : memref<16x128xi32, #tpu.memory_space<vmem>> -> memref<1x128xi32, #tpu.memory_space<vmem>>
    %dma_wait3A_204 = tpu.memref_squeeze %dma_wait3A_203 : memref<1x128xi32, #tpu.memory_space<vmem>> -> memref<128xi32, #tpu.memory_space<vmem>>
    %dma_wait3A_205 = arith.constant 0 : i32
    %dma_wait3A_206 = arith.constant 0 : i32
    %dma_wait3A_207 = tpu.memref_slice %arg2[%dma_wait3A_205, %dma_wait3A_206] : memref<19200x32xf32, #tpu.memory_space<hbm>> -> memref<19200x32xf32, #tpu.memory_space<hbm>>
    tpu.wait_indirect_dma semaphore(%arg12 : memref<!tpu.dma_semaphore, #tpu.memory_space<semaphore_mem>>) src(%dma_wait3A_207 : memref<19200x32xf32, #tpu.memory_space<hbm>>) dst(%arg11 : memref<128x32xf32, #tpu.memory_space<vmem>>)
    %dma_start3A_208 = arith.constant 5 : i32
    %dma_start3A_209 = arith.constant 0 : i32
    %dma_start3A_210 = tpu.memref_slice %arg8[%dma_start3A_208, %dma_start3A_209] : memref<16x128xi32, #tpu.memory_space<vmem>> -> memref<1x128xi32, #tpu.memory_space<vmem>>
    %dma_start3A_211 = tpu.memref_squeeze %dma_start3A_210 : memref<1x128xi32, #tpu.memory_space<vmem>> -> memref<128xi32, #tpu.memory_space<vmem>>
    %dma_start3A_212 = arith.constant 0 : i32
    %dma_start3A_213 = arith.constant 0 : i32
    %dma_start3A_214 = tpu.memref_slice %arg6[%dma_start3A_212, %dma_start3A_213] : memref<15360x32xf32, #tpu.memory_space<vmem_shared>> -> memref<15360x32xf32, #tpu.memory_space<vmem_shared>>
    tpu.enqueue_indirect_dma source(%arg11 : memref<128x32xf32, #tpu.memory_space<vmem>>) target(%dma_start3A_214 : memref<15360x32xf32, #tpu.memory_space<vmem_shared>>) offsets(%dma_start3A_211 : memref<128xi32, #tpu.memory_space<vmem>>) semaphore(%arg13 : memref<!tpu.dma_semaphore, #tpu.memory_space<semaphore_mem>>) {add = true}
    %dma_wait3A_215 = arith.constant 5 : i32
    %dma_wait3A_216 = arith.constant 0 : i32
    %dma_wait3A_217 = tpu.memref_slice %arg8[%dma_wait3A_215, %dma_wait3A_216] : memref<16x128xi32, #tpu.memory_space<vmem>> -> memref<1x128xi32, #tpu.memory_space<vmem>>
    %dma_wait3A_218 = tpu.memref_squeeze %dma_wait3A_217 : memref<1x128xi32, #tpu.memory_space<vmem>> -> memref<128xi32, #tpu.memory_space<vmem>>
    %dma_wait3A_219 = arith.constant 0 : i32
    %dma_wait3A_220 = arith.constant 0 : i32
    %dma_wait3A_221 = tpu.memref_slice %arg6[%dma_wait3A_219, %dma_wait3A_220] : memref<15360x32xf32, #tpu.memory_space<vmem_shared>> -> memref<15360x32xf32, #tpu.memory_space<vmem_shared>>
    tpu.wait_indirect_dma semaphore(%arg13 : memref<!tpu.dma_semaphore, #tpu.memory_space<semaphore_mem>>) src(%arg11 : memref<128x32xf32, #tpu.memory_space<vmem>>) dst(%dma_wait3A_221 : memref<15360x32xf32, #tpu.memory_space<vmem_shared>>)
    %dma_start3A_222 = arith.constant 8 : i32
    %dma_start3A_223 = arith.constant 0 : i32
    %dma_start3A_224 = tpu.memref_slice %arg7[%dma_start3A_222, %dma_start3A_223] : memref<16x128xi32, #tpu.memory_space<vmem>> -> memref<1x128xi32, #tpu.memory_space<vmem>>
    %dma_start3A_225 = tpu.memref_squeeze %dma_start3A_224 : memref<1x128xi32, #tpu.memory_space<vmem>> -> memref<128xi32, #tpu.memory_space<vmem>>
    %dma_start3A_226 = arith.constant 0 : i32
    %dma_start3A_227 = arith.constant 0 : i32
    %dma_start3A_228 = tpu.memref_slice %arg2[%dma_start3A_226, %dma_start3A_227] : memref<19200x32xf32, #tpu.memory_space<hbm>> -> memref<19200x32xf32, #tpu.memory_space<hbm>>
    tpu.enqueue_indirect_dma source(%dma_start3A_228 : memref<19200x32xf32, #tpu.memory_space<hbm>>) target(%arg11 : memref<128x32xf32, #tpu.memory_space<vmem>>) offsets(%dma_start3A_225 : memref<128xi32, #tpu.memory_space<vmem>>) semaphore(%arg12 : memref<!tpu.dma_semaphore, #tpu.memory_space<semaphore_mem>>)
    %dma_wait3A_229 = arith.constant 6 : i32
    %dma_wait3A_230 = arith.constant 0 : i32
    %dma_wait3A_231 = tpu.memref_slice %arg7[%dma_wait3A_229, %dma_wait3A_230] : memref<16x128xi32, #tpu.memory_space<vmem>> -> memref<1x128xi32, #tpu.memory_space<vmem>>
    %dma_wait3A_232 = tpu.memref_squeeze %dma_wait3A_231 : memref<1x128xi32, #tpu.memory_space<vmem>> -> memref<128xi32, #tpu.memory_space<vmem>>
    %dma_wait3A_233 = arith.constant 0 : i32
    %dma_wait3A_234 = arith.constant 0 : i32
    %dma_wait3A_235 = tpu.memref_slice %arg2[%dma_wait3A_233, %dma_wait3A_234] : memref<19200x32xf32, #tpu.memory_space<hbm>> -> memref<19200x32xf32, #tpu.memory_space<hbm>>
    tpu.wait_indirect_dma semaphore(%arg12 : memref<!tpu.dma_semaphore, #tpu.memory_space<semaphore_mem>>) src(%dma_wait3A_235 : memref<19200x32xf32, #tpu.memory_space<hbm>>) dst(%arg9 : memref<128x32xf32, #tpu.memory_space<vmem>>)
    %dma_start3A_236 = arith.constant 6 : i32
    %dma_start3A_237 = arith.constant 0 : i32
    %dma_start3A_238 = tpu.memref_slice %arg8[%dma_start3A_236, %dma_start3A_237] : memref<16x128xi32, #tpu.memory_space<vmem>> -> memref<1x128xi32, #tpu.memory_space<vmem>>
    %dma_start3A_239 = tpu.memref_squeeze %dma_start3A_238 : memref<1x128xi32, #tpu.memory_space<vmem>> -> memref<128xi32, #tpu.memory_space<vmem>>
    %dma_start3A_240 = arith.constant 0 : i32
    %dma_start3A_241 = arith.constant 0 : i32
    %dma_start3A_242 = tpu.memref_slice %arg6[%dma_start3A_240, %dma_start3A_241] : memref<15360x32xf32, #tpu.memory_space<vmem_shared>> -> memref<15360x32xf32, #tpu.memory_space<vmem_shared>>
    tpu.enqueue_indirect_dma source(%arg9 : memref<128x32xf32, #tpu.memory_space<vmem>>) target(%dma_start3A_242 : memref<15360x32xf32, #tpu.memory_space<vmem_shared>>) offsets(%dma_start3A_239 : memref<128xi32, #tpu.memory_space<vmem>>) semaphore(%arg13 : memref<!tpu.dma_semaphore, #tpu.memory_space<semaphore_mem>>) {add = true}
    %dma_wait3A_243 = arith.constant 6 : i32
    %dma_wait3A_244 = arith.constant 0 : i32
    %dma_wait3A_245 = tpu.memref_slice %arg8[%dma_wait3A_243, %dma_wait3A_244] : memref<16x128xi32, #tpu.memory_space<vmem>> -> memref<1x128xi32, #tpu.memory_space<vmem>>
    %dma_wait3A_246 = tpu.memref_squeeze %dma_wait3A_245 : memref<1x128xi32, #tpu.memory_space<vmem>> -> memref<128xi32, #tpu.memory_space<vmem>>
    %dma_wait3A_247 = arith.constant 0 : i32
    %dma_wait3A_248 = arith.constant 0 : i32
    %dma_wait3A_249 = tpu.memref_slice %arg6[%dma_wait3A_247, %dma_wait3A_248] : memref<15360x32xf32, #tpu.memory_space<vmem_shared>> -> memref<15360x32xf32, #tpu.memory_space<vmem_shared>>
    tpu.wait_indirect_dma semaphore(%arg13 : memref<!tpu.dma_semaphore, #tpu.memory_space<semaphore_mem>>) src(%arg9 : memref<128x32xf32, #tpu.memory_space<vmem>>) dst(%dma_wait3A_249 : memref<15360x32xf32, #tpu.memory_space<vmem_shared>>)
    %dma_start3A_250 = arith.constant 9 : i32
    %dma_start3A_251 = arith.constant 0 : i32
    %dma_start3A_252 = tpu.memref_slice %arg7[%dma_start3A_250, %dma_start3A_251] : memref<16x128xi32, #tpu.memory_space<vmem>> -> memref<1x128xi32, #tpu.memory_space<vmem>>
    %dma_start3A_253 = tpu.memref_squeeze %dma_start3A_252 : memref<1x128xi32, #tpu.memory_space<vmem>> -> memref<128xi32, #tpu.memory_space<vmem>>
    %dma_start3A_254 = arith.constant 0 : i32
    %dma_start3A_255 = arith.constant 0 : i32
    %dma_start3A_256 = tpu.memref_slice %arg2[%dma_start3A_254, %dma_start3A_255] : memref<19200x32xf32, #tpu.memory_space<hbm>> -> memref<19200x32xf32, #tpu.memory_space<hbm>>
    tpu.enqueue_indirect_dma source(%dma_start3A_256 : memref<19200x32xf32, #tpu.memory_space<hbm>>) target(%arg9 : memref<128x32xf32, #tpu.memory_space<vmem>>) offsets(%dma_start3A_253 : memref<128xi32, #tpu.memory_space<vmem>>) semaphore(%arg12 : memref<!tpu.dma_semaphore, #tpu.memory_space<semaphore_mem>>)
    %dma_wait3A_257 = arith.constant 7 : i32
    %dma_wait3A_258 = arith.constant 0 : i32
    %dma_wait3A_259 = tpu.memref_slice %arg7[%dma_wait3A_257, %dma_wait3A_258] : memref<16x128xi32, #tpu.memory_space<vmem>> -> memref<1x128xi32, #tpu.memory_space<vmem>>
    %dma_wait3A_260 = tpu.memref_squeeze %dma_wait3A_259 : memref<1x128xi32, #tpu.memory_space<vmem>> -> memref<128xi32, #tpu.memory_space<vmem>>
    %dma_wait3A_261 = arith.constant 0 : i32
    %dma_wait3A_262 = arith.constant 0 : i32
    %dma_wait3A_263 = tpu.memref_slice %arg2[%dma_wait3A_261, %dma_wait3A_262] : memref<19200x32xf32, #tpu.memory_space<hbm>> -> memref<19200x32xf32, #tpu.memory_space<hbm>>
    tpu.wait_indirect_dma semaphore(%arg12 : memref<!tpu.dma_semaphore, #tpu.memory_space<semaphore_mem>>) src(%dma_wait3A_263 : memref<19200x32xf32, #tpu.memory_space<hbm>>) dst(%arg10 : memref<128x32xf32, #tpu.memory_space<vmem>>)
    %dma_start3A_264 = arith.constant 7 : i32
    %dma_start3A_265 = arith.constant 0 : i32
    %dma_start3A_266 = tpu.memref_slice %arg8[%dma_start3A_264, %dma_start3A_265] : memref<16x128xi32, #tpu.memory_space<vmem>> -> memref<1x128xi32, #tpu.memory_space<vmem>>
    %dma_start3A_267 = tpu.memref_squeeze %dma_start3A_266 : memref<1x128xi32, #tpu.memory_space<vmem>> -> memref<128xi32, #tpu.memory_space<vmem>>
    %dma_start3A_268 = arith.constant 0 : i32
    %dma_start3A_269 = arith.constant 0 : i32
    %dma_start3A_270 = tpu.memref_slice %arg6[%dma_start3A_268, %dma_start3A_269] : memref<15360x32xf32, #tpu.memory_space<vmem_shared>> -> memref<15360x32xf32, #tpu.memory_space<vmem_shared>>
    tpu.enqueue_indirect_dma source(%arg10 : memref<128x32xf32, #tpu.memory_space<vmem>>) target(%dma_start3A_270 : memref<15360x32xf32, #tpu.memory_space<vmem_shared>>) offsets(%dma_start3A_267 : memref<128xi32, #tpu.memory_space<vmem>>) semaphore(%arg13 : memref<!tpu.dma_semaphore, #tpu.memory_space<semaphore_mem>>) {add = true}
    %dma_wait3A_271 = arith.constant 7 : i32
    %dma_wait3A_272 = arith.constant 0 : i32
    %dma_wait3A_273 = tpu.memref_slice %arg8[%dma_wait3A_271, %dma_wait3A_272] : memref<16x128xi32, #tpu.memory_space<vmem>> -> memref<1x128xi32, #tpu.memory_space<vmem>>
    %dma_wait3A_274 = tpu.memref_squeeze %dma_wait3A_273 : memref<1x128xi32, #tpu.memory_space<vmem>> -> memref<128xi32, #tpu.memory_space<vmem>>
    %dma_wait3A_275 = arith.constant 0 : i32
    %dma_wait3A_276 = arith.constant 0 : i32
    %dma_wait3A_277 = tpu.memref_slice %arg6[%dma_wait3A_275, %dma_wait3A_276] : memref<15360x32xf32, #tpu.memory_space<vmem_shared>> -> memref<15360x32xf32, #tpu.memory_space<vmem_shared>>
    tpu.wait_indirect_dma semaphore(%arg13 : memref<!tpu.dma_semaphore, #tpu.memory_space<semaphore_mem>>) src(%arg10 : memref<128x32xf32, #tpu.memory_space<vmem>>) dst(%dma_wait3A_277 : memref<15360x32xf32, #tpu.memory_space<vmem_shared>>)
    %dma_start3A_278 = arith.constant 10 : i32
    %dma_start3A_279 = arith.constant 0 : i32
    %dma_start3A_280 = tpu.memref_slice %arg7[%dma_start3A_278, %dma_start3A_279] : memref<16x128xi32, #tpu.memory_space<vmem>> -> memref<1x128xi32, #tpu.memory_space<vmem>>
    %dma_start3A_281 = tpu.memref_squeeze %dma_start3A_280 : memref<1x128xi32, #tpu.memory_space<vmem>> -> memref<128xi32, #tpu.memory_space<vmem>>
    %dma_start3A_282 = arith.constant 0 : i32
    %dma_start3A_283 = arith.constant 0 : i32
    %dma_start3A_284 = tpu.memref_slice %arg2[%dma_start3A_282, %dma_start3A_283] : memref<19200x32xf32, #tpu.memory_space<hbm>> -> memref<19200x32xf32, #tpu.memory_space<hbm>>
    tpu.enqueue_indirect_dma source(%dma_start3A_284 : memref<19200x32xf32, #tpu.memory_space<hbm>>) target(%arg10 : memref<128x32xf32, #tpu.memory_space<vmem>>) offsets(%dma_start3A_281 : memref<128xi32, #tpu.memory_space<vmem>>) semaphore(%arg12 : memref<!tpu.dma_semaphore, #tpu.memory_space<semaphore_mem>>)
    %dma_wait3A_285 = arith.constant 8 : i32
    %dma_wait3A_286 = arith.constant 0 : i32
    %dma_wait3A_287 = tpu.memref_slice %arg7[%dma_wait3A_285, %dma_wait3A_286] : memref<16x128xi32, #tpu.memory_space<vmem>> -> memref<1x128xi32, #tpu.memory_space<vmem>>
    %dma_wait3A_288 = tpu.memref_squeeze %dma_wait3A_287 : memref<1x128xi32, #tpu.memory_space<vmem>> -> memref<128xi32, #tpu.memory_space<vmem>>
    %dma_wait3A_289 = arith.constant 0 : i32
    %dma_wait3A_290 = arith.constant 0 : i32
    %dma_wait3A_291 = tpu.memref_slice %arg2[%dma_wait3A_289, %dma_wait3A_290] : memref<19200x32xf32, #tpu.memory_space<hbm>> -> memref<19200x32xf32, #tpu.memory_space<hbm>>
    tpu.wait_indirect_dma semaphore(%arg12 : memref<!tpu.dma_semaphore, #tpu.memory_space<semaphore_mem>>) src(%dma_wait3A_291 : memref<19200x32xf32, #tpu.memory_space<hbm>>) dst(%arg11 : memref<128x32xf32, #tpu.memory_space<vmem>>)
    %dma_start3A_292 = arith.constant 8 : i32
    %dma_start3A_293 = arith.constant 0 : i32
    %dma_start3A_294 = tpu.memref_slice %arg8[%dma_start3A_292, %dma_start3A_293] : memref<16x128xi32, #tpu.memory_space<vmem>> -> memref<1x128xi32, #tpu.memory_space<vmem>>
    %dma_start3A_295 = tpu.memref_squeeze %dma_start3A_294 : memref<1x128xi32, #tpu.memory_space<vmem>> -> memref<128xi32, #tpu.memory_space<vmem>>
    %dma_start3A_296 = arith.constant 0 : i32
    %dma_start3A_297 = arith.constant 0 : i32
    %dma_start3A_298 = tpu.memref_slice %arg6[%dma_start3A_296, %dma_start3A_297] : memref<15360x32xf32, #tpu.memory_space<vmem_shared>> -> memref<15360x32xf32, #tpu.memory_space<vmem_shared>>
    tpu.enqueue_indirect_dma source(%arg11 : memref<128x32xf32, #tpu.memory_space<vmem>>) target(%dma_start3A_298 : memref<15360x32xf32, #tpu.memory_space<vmem_shared>>) offsets(%dma_start3A_295 : memref<128xi32, #tpu.memory_space<vmem>>) semaphore(%arg13 : memref<!tpu.dma_semaphore, #tpu.memory_space<semaphore_mem>>) {add = true}
    %dma_wait3A_299 = arith.constant 8 : i32
    %dma_wait3A_300 = arith.constant 0 : i32
    %dma_wait3A_301 = tpu.memref_slice %arg8[%dma_wait3A_299, %dma_wait3A_300] : memref<16x128xi32, #tpu.memory_space<vmem>> -> memref<1x128xi32, #tpu.memory_space<vmem>>
    %dma_wait3A_302 = tpu.memref_squeeze %dma_wait3A_301 : memref<1x128xi32, #tpu.memory_space<vmem>> -> memref<128xi32, #tpu.memory_space<vmem>>
    %dma_wait3A_303 = arith.constant 0 : i32
    %dma_wait3A_304 = arith.constant 0 : i32
    %dma_wait3A_305 = tpu.memref_slice %arg6[%dma_wait3A_303, %dma_wait3A_304] : memref<15360x32xf32, #tpu.memory_space<vmem_shared>> -> memref<15360x32xf32, #tpu.memory_space<vmem_shared>>
    tpu.wait_indirect_dma semaphore(%arg13 : memref<!tpu.dma_semaphore, #tpu.memory_space<semaphore_mem>>) src(%arg11 : memref<128x32xf32, #tpu.memory_space<vmem>>) dst(%dma_wait3A_305 : memref<15360x32xf32, #tpu.memory_space<vmem_shared>>)
    %dma_start3A_306 = arith.constant 11 : i32
    %dma_start3A_307 = arith.constant 0 : i32
    %dma_start3A_308 = tpu.memref_slice %arg7[%dma_start3A_306, %dma_start3A_307] : memref<16x128xi32, #tpu.memory_space<vmem>> -> memref<1x128xi32, #tpu.memory_space<vmem>>
    %dma_start3A_309 = tpu.memref_squeeze %dma_start3A_308 : memref<1x128xi32, #tpu.memory_space<vmem>> -> memref<128xi32, #tpu.memory_space<vmem>>
    %dma_start3A_310 = arith.constant 0 : i32
    %dma_start3A_311 = arith.constant 0 : i32
    %dma_start3A_312 = tpu.memref_slice %arg2[%dma_start3A_310, %dma_start3A_311] : memref<19200x32xf32, #tpu.memory_space<hbm>> -> memref<19200x32xf32, #tpu.memory_space<hbm>>
    tpu.enqueue_indirect_dma source(%dma_start3A_312 : memref<19200x32xf32, #tpu.memory_space<hbm>>) target(%arg11 : memref<128x32xf32, #tpu.memory_space<vmem>>) offsets(%dma_start3A_309 : memref<128xi32, #tpu.memory_space<vmem>>) semaphore(%arg12 : memref<!tpu.dma_semaphore, #tpu.memory_space<semaphore_mem>>)
    %dma_wait3A_313 = arith.constant 9 : i32
    %dma_wait3A_314 = arith.constant 0 : i32
    %dma_wait3A_315 = tpu.memref_slice %arg7[%dma_wait3A_313, %dma_wait3A_314] : memref<16x128xi32, #tpu.memory_space<vmem>> -> memref<1x128xi32, #tpu.memory_space<vmem>>
    %dma_wait3A_316 = tpu.memref_squeeze %dma_wait3A_315 : memref<1x128xi32, #tpu.memory_space<vmem>> -> memref<128xi32, #tpu.memory_space<vmem>>
    %dma_wait3A_317 = arith.constant 0 : i32
    %dma_wait3A_318 = arith.constant 0 : i32
    %dma_wait3A_319 = tpu.memref_slice %arg2[%dma_wait3A_317, %dma_wait3A_318] : memref<19200x32xf32, #tpu.memory_space<hbm>> -> memref<19200x32xf32, #tpu.memory_space<hbm>>
    tpu.wait_indirect_dma semaphore(%arg12 : memref<!tpu.dma_semaphore, #tpu.memory_space<semaphore_mem>>) src(%dma_wait3A_319 : memref<19200x32xf32, #tpu.memory_space<hbm>>) dst(%arg9 : memref<128x32xf32, #tpu.memory_space<vmem>>)
    %dma_start3A_320 = arith.constant 9 : i32
    %dma_start3A_321 = arith.constant 0 : i32
    %dma_start3A_322 = tpu.memref_slice %arg8[%dma_start3A_320, %dma_start3A_321] : memref<16x128xi32, #tpu.memory_space<vmem>> -> memref<1x128xi32, #tpu.memory_space<vmem>>
    %dma_start3A_323 = tpu.memref_squeeze %dma_start3A_322 : memref<1x128xi32, #tpu.memory_space<vmem>> -> memref<128xi32, #tpu.memory_space<vmem>>
    %dma_start3A_324 = arith.constant 0 : i32
    %dma_start3A_325 = arith.constant 0 : i32
    %dma_start3A_326 = tpu.memref_slice %arg6[%dma_start3A_324, %dma_start3A_325] : memref<15360x32xf32, #tpu.memory_space<vmem_shared>> -> memref<15360x32xf32, #tpu.memory_space<vmem_shared>>
    tpu.enqueue_indirect_dma source(%arg9 : memref<128x32xf32, #tpu.memory_space<vmem>>) target(%dma_start3A_326 : memref<15360x32xf32, #tpu.memory_space<vmem_shared>>) offsets(%dma_start3A_323 : memref<128xi32, #tpu.memory_space<vmem>>) semaphore(%arg13 : memref<!tpu.dma_semaphore, #tpu.memory_space<semaphore_mem>>) {add = true}
    %dma_wait3A_327 = arith.constant 9 : i32
    %dma_wait3A_328 = arith.constant 0 : i32
    %dma_wait3A_329 = tpu.memref_slice %arg8[%dma_wait3A_327, %dma_wait3A_328] : memref<16x128xi32, #tpu.memory_space<vmem>> -> memref<1x128xi32, #tpu.memory_space<vmem>>
    %dma_wait3A_330 = tpu.memref_squeeze %dma_wait3A_329 : memref<1x128xi32, #tpu.memory_space<vmem>> -> memref<128xi32, #tpu.memory_space<vmem>>
    %dma_wait3A_331 = arith.constant 0 : i32
    %dma_wait3A_332 = arith.constant 0 : i32
    %dma_wait3A_333 = tpu.memref_slice %arg6[%dma_wait3A_331, %dma_wait3A_332] : memref<15360x32xf32, #tpu.memory_space<vmem_shared>> -> memref<15360x32xf32, #tpu.memory_space<vmem_shared>>
    tpu.wait_indirect_dma semaphore(%arg13 : memref<!tpu.dma_semaphore, #tpu.memory_space<semaphore_mem>>) src(%arg9 : memref<128x32xf32, #tpu.memory_space<vmem>>) dst(%dma_wait3A_333 : memref<15360x32xf32, #tpu.memory_space<vmem_shared>>)
    %dma_start3A_334 = arith.constant 12 : i32
    %dma_start3A_335 = arith.constant 0 : i32
    %dma_start3A_336 = tpu.memref_slice %arg7[%dma_start3A_334, %dma_start3A_335] : memref<16x128xi32, #tpu.memory_space<vmem>> -> memref<1x128xi32, #tpu.memory_space<vmem>>
    %dma_start3A_337 = tpu.memref_squeeze %dma_start3A_336 : memref<1x128xi32, #tpu.memory_space<vmem>> -> memref<128xi32, #tpu.memory_space<vmem>>
    %dma_start3A_338 = arith.constant 0 : i32
    %dma_start3A_339 = arith.constant 0 : i32
    %dma_start3A_340 = tpu.memref_slice %arg2[%dma_start3A_338, %dma_start3A_339] : memref<19200x32xf32, #tpu.memory_space<hbm>> -> memref<19200x32xf32, #tpu.memory_space<hbm>>
    tpu.enqueue_indirect_dma source(%dma_start3A_340 : memref<19200x32xf32, #tpu.memory_space<hbm>>) target(%arg9 : memref<128x32xf32, #tpu.memory_space<vmem>>) offsets(%dma_start3A_337 : memref<128xi32, #tpu.memory_space<vmem>>) semaphore(%arg12 : memref<!tpu.dma_semaphore, #tpu.memory_space<semaphore_mem>>)
    %dma_wait3A_341 = arith.constant 10 : i32
    %dma_wait3A_342 = arith.constant 0 : i32
    %dma_wait3A_343 = tpu.memref_slice %arg7[%dma_wait3A_341, %dma_wait3A_342] : memref<16x128xi32, #tpu.memory_space<vmem>> -> memref<1x128xi32, #tpu.memory_space<vmem>>
    %dma_wait3A_344 = tpu.memref_squeeze %dma_wait3A_343 : memref<1x128xi32, #tpu.memory_space<vmem>> -> memref<128xi32, #tpu.memory_space<vmem>>
    %dma_wait3A_345 = arith.constant 0 : i32
    %dma_wait3A_346 = arith.constant 0 : i32
    %dma_wait3A_347 = tpu.memref_slice %arg2[%dma_wait3A_345, %dma_wait3A_346] : memref<19200x32xf32, #tpu.memory_space<hbm>> -> memref<19200x32xf32, #tpu.memory_space<hbm>>
    tpu.wait_indirect_dma semaphore(%arg12 : memref<!tpu.dma_semaphore, #tpu.memory_space<semaphore_mem>>) src(%dma_wait3A_347 : memref<19200x32xf32, #tpu.memory_space<hbm>>) dst(%arg10 : memref<128x32xf32, #tpu.memory_space<vmem>>)
    %dma_start3A_348 = arith.constant 10 : i32
    %dma_start3A_349 = arith.constant 0 : i32
    %dma_start3A_350 = tpu.memref_slice %arg8[%dma_start3A_348, %dma_start3A_349] : memref<16x128xi32, #tpu.memory_space<vmem>> -> memref<1x128xi32, #tpu.memory_space<vmem>>
    %dma_start3A_351 = tpu.memref_squeeze %dma_start3A_350 : memref<1x128xi32, #tpu.memory_space<vmem>> -> memref<128xi32, #tpu.memory_space<vmem>>
    %dma_start3A_352 = arith.constant 0 : i32
    %dma_start3A_353 = arith.constant 0 : i32
    %dma_start3A_354 = tpu.memref_slice %arg6[%dma_start3A_352, %dma_start3A_353] : memref<15360x32xf32, #tpu.memory_space<vmem_shared>> -> memref<15360x32xf32, #tpu.memory_space<vmem_shared>>
    tpu.enqueue_indirect_dma source(%arg10 : memref<128x32xf32, #tpu.memory_space<vmem>>) target(%dma_start3A_354 : memref<15360x32xf32, #tpu.memory_space<vmem_shared>>) offsets(%dma_start3A_351 : memref<128xi32, #tpu.memory_space<vmem>>) semaphore(%arg13 : memref<!tpu.dma_semaphore, #tpu.memory_space<semaphore_mem>>) {add = true}
    %dma_wait3A_355 = arith.constant 10 : i32
    %dma_wait3A_356 = arith.constant 0 : i32
    %dma_wait3A_357 = tpu.memref_slice %arg8[%dma_wait3A_355, %dma_wait3A_356] : memref<16x128xi32, #tpu.memory_space<vmem>> -> memref<1x128xi32, #tpu.memory_space<vmem>>
    %dma_wait3A_358 = tpu.memref_squeeze %dma_wait3A_357 : memref<1x128xi32, #tpu.memory_space<vmem>> -> memref<128xi32, #tpu.memory_space<vmem>>
    %dma_wait3A_359 = arith.constant 0 : i32
    %dma_wait3A_360 = arith.constant 0 : i32
    %dma_wait3A_361 = tpu.memref_slice %arg6[%dma_wait3A_359, %dma_wait3A_360] : memref<15360x32xf32, #tpu.memory_space<vmem_shared>> -> memref<15360x32xf32, #tpu.memory_space<vmem_shared>>
    tpu.wait_indirect_dma semaphore(%arg13 : memref<!tpu.dma_semaphore, #tpu.memory_space<semaphore_mem>>) src(%arg10 : memref<128x32xf32, #tpu.memory_space<vmem>>) dst(%dma_wait3A_361 : memref<15360x32xf32, #tpu.memory_space<vmem_shared>>)
    %dma_start3A_362 = arith.constant 13 : i32
    %dma_start3A_363 = arith.constant 0 : i32
    %dma_start3A_364 = tpu.memref_slice %arg7[%dma_start3A_362, %dma_start3A_363] : memref<16x128xi32, #tpu.memory_space<vmem>> -> memref<1x128xi32, #tpu.memory_space<vmem>>
    %dma_start3A_365 = tpu.memref_squeeze %dma_start3A_364 : memref<1x128xi32, #tpu.memory_space<vmem>> -> memref<128xi32, #tpu.memory_space<vmem>>
    %dma_start3A_366 = arith.constant 0 : i32
    %dma_start3A_367 = arith.constant 0 : i32
    %dma_start3A_368 = tpu.memref_slice %arg2[%dma_start3A_366, %dma_start3A_367] : memref<19200x32xf32, #tpu.memory_space<hbm>> -> memref<19200x32xf32, #tpu.memory_space<hbm>>
    tpu.enqueue_indirect_dma source(%dma_start3A_368 : memref<19200x32xf32, #tpu.memory_space<hbm>>) target(%arg10 : memref<128x32xf32, #tpu.memory_space<vmem>>) offsets(%dma_start3A_365 : memref<128xi32, #tpu.memory_space<vmem>>) semaphore(%arg12 : memref<!tpu.dma_semaphore, #tpu.memory_space<semaphore_mem>>)
    %dma_wait3A_369 = arith.constant 11 : i32
    %dma_wait3A_370 = arith.constant 0 : i32
    %dma_wait3A_371 = tpu.memref_slice %arg7[%dma_wait3A_369, %dma_wait3A_370] : memref<16x128xi32, #tpu.memory_space<vmem>> -> memref<1x128xi32, #tpu.memory_space<vmem>>
    %dma_wait3A_372 = tpu.memref_squeeze %dma_wait3A_371 : memref<1x128xi32, #tpu.memory_space<vmem>> -> memref<128xi32, #tpu.memory_space<vmem>>
    %dma_wait3A_373 = arith.constant 0 : i32
    %dma_wait3A_374 = arith.constant 0 : i32
    %dma_wait3A_375 = tpu.memref_slice %arg2[%dma_wait3A_373, %dma_wait3A_374] : memref<19200x32xf32, #tpu.memory_space<hbm>> -> memref<19200x32xf32, #tpu.memory_space<hbm>>
    tpu.wait_indirect_dma semaphore(%arg12 : memref<!tpu.dma_semaphore, #tpu.memory_space<semaphore_mem>>) src(%dma_wait3A_375 : memref<19200x32xf32, #tpu.memory_space<hbm>>) dst(%arg11 : memref<128x32xf32, #tpu.memory_space<vmem>>)
    %dma_start3A_376 = arith.constant 11 : i32
    %dma_start3A_377 = arith.constant 0 : i32
    %dma_start3A_378 = tpu.memref_slice %arg8[%dma_start3A_376, %dma_start3A_377] : memref<16x128xi32, #tpu.memory_space<vmem>> -> memref<1x128xi32, #tpu.memory_space<vmem>>
    %dma_start3A_379 = tpu.memref_squeeze %dma_start3A_378 : memref<1x128xi32, #tpu.memory_space<vmem>> -> memref<128xi32, #tpu.memory_space<vmem>>
    %dma_start3A_380 = arith.constant 0 : i32
    %dma_start3A_381 = arith.constant 0 : i32
    %dma_start3A_382 = tpu.memref_slice %arg6[%dma_start3A_380, %dma_start3A_381] : memref<15360x32xf32, #tpu.memory_space<vmem_shared>> -> memref<15360x32xf32, #tpu.memory_space<vmem_shared>>
    tpu.enqueue_indirect_dma source(%arg11 : memref<128x32xf32, #tpu.memory_space<vmem>>) target(%dma_start3A_382 : memref<15360x32xf32, #tpu.memory_space<vmem_shared>>) offsets(%dma_start3A_379 : memref<128xi32, #tpu.memory_space<vmem>>) semaphore(%arg13 : memref<!tpu.dma_semaphore, #tpu.memory_space<semaphore_mem>>) {add = true}
    %dma_wait3A_383 = arith.constant 11 : i32
    %dma_wait3A_384 = arith.constant 0 : i32
    %dma_wait3A_385 = tpu.memref_slice %arg8[%dma_wait3A_383, %dma_wait3A_384] : memref<16x128xi32, #tpu.memory_space<vmem>> -> memref<1x128xi32, #tpu.memory_space<vmem>>
    %dma_wait3A_386 = tpu.memref_squeeze %dma_wait3A_385 : memref<1x128xi32, #tpu.memory_space<vmem>> -> memref<128xi32, #tpu.memory_space<vmem>>
    %dma_wait3A_387 = arith.constant 0 : i32
    %dma_wait3A_388 = arith.constant 0 : i32
    %dma_wait3A_389 = tpu.memref_slice %arg6[%dma_wait3A_387, %dma_wait3A_388] : memref<15360x32xf32, #tpu.memory_space<vmem_shared>> -> memref<15360x32xf32, #tpu.memory_space<vmem_shared>>
    tpu.wait_indirect_dma semaphore(%arg13 : memref<!tpu.dma_semaphore, #tpu.memory_space<semaphore_mem>>) src(%arg11 : memref<128x32xf32, #tpu.memory_space<vmem>>) dst(%dma_wait3A_389 : memref<15360x32xf32, #tpu.memory_space<vmem_shared>>)
    %dma_start3A_390 = arith.constant 14 : i32
    %dma_start3A_391 = arith.constant 0 : i32
    %dma_start3A_392 = tpu.memref_slice %arg7[%dma_start3A_390, %dma_start3A_391] : memref<16x128xi32, #tpu.memory_space<vmem>> -> memref<1x128xi32, #tpu.memory_space<vmem>>
    %dma_start3A_393 = tpu.memref_squeeze %dma_start3A_392 : memref<1x128xi32, #tpu.memory_space<vmem>> -> memref<128xi32, #tpu.memory_space<vmem>>
    %dma_start3A_394 = arith.constant 0 : i32
    %dma_start3A_395 = arith.constant 0 : i32
    %dma_start3A_396 = tpu.memref_slice %arg2[%dma_start3A_394, %dma_start3A_395] : memref<19200x32xf32, #tpu.memory_space<hbm>> -> memref<19200x32xf32, #tpu.memory_space<hbm>>
    tpu.enqueue_indirect_dma source(%dma_start3A_396 : memref<19200x32xf32, #tpu.memory_space<hbm>>) target(%arg11 : memref<128x32xf32, #tpu.memory_space<vmem>>) offsets(%dma_start3A_393 : memref<128xi32, #tpu.memory_space<vmem>>) semaphore(%arg12 : memref<!tpu.dma_semaphore, #tpu.memory_space<semaphore_mem>>)
    %dma_wait3A_397 = arith.constant 12 : i32
    %dma_wait3A_398 = arith.constant 0 : i32
    %dma_wait3A_399 = tpu.memref_slice %arg7[%dma_wait3A_397, %dma_wait3A_398] : memref<16x128xi32, #tpu.memory_space<vmem>> -> memref<1x128xi32, #tpu.memory_space<vmem>>
    %dma_wait3A_400 = tpu.memref_squeeze %dma_wait3A_399 : memref<1x128xi32, #tpu.memory_space<vmem>> -> memref<128xi32, #tpu.memory_space<vmem>>
    %dma_wait3A_401 = arith.constant 0 : i32
    %dma_wait3A_402 = arith.constant 0 : i32
    %dma_wait3A_403 = tpu.memref_slice %arg2[%dma_wait3A_401, %dma_wait3A_402] : memref<19200x32xf32, #tpu.memory_space<hbm>> -> memref<19200x32xf32, #tpu.memory_space<hbm>>
    tpu.wait_indirect_dma semaphore(%arg12 : memref<!tpu.dma_semaphore, #tpu.memory_space<semaphore_mem>>) src(%dma_wait3A_403 : memref<19200x32xf32, #tpu.memory_space<hbm>>) dst(%arg9 : memref<128x32xf32, #tpu.memory_space<vmem>>)
    %dma_start3A_404 = arith.constant 12 : i32
    %dma_start3A_405 = arith.constant 0 : i32
    %dma_start3A_406 = tpu.memref_slice %arg8[%dma_start3A_404, %dma_start3A_405] : memref<16x128xi32, #tpu.memory_space<vmem>> -> memref<1x128xi32, #tpu.memory_space<vmem>>
    %dma_start3A_407 = tpu.memref_squeeze %dma_start3A_406 : memref<1x128xi32, #tpu.memory_space<vmem>> -> memref<128xi32, #tpu.memory_space<vmem>>
    %dma_start3A_408 = arith.constant 0 : i32
    %dma_start3A_409 = arith.constant 0 : i32
    %dma_start3A_410 = tpu.memref_slice %arg6[%dma_start3A_408, %dma_start3A_409] : memref<15360x32xf32, #tpu.memory_space<vmem_shared>> -> memref<15360x32xf32, #tpu.memory_space<vmem_shared>>
    tpu.enqueue_indirect_dma source(%arg9 : memref<128x32xf32, #tpu.memory_space<vmem>>) target(%dma_start3A_410 : memref<15360x32xf32, #tpu.memory_space<vmem_shared>>) offsets(%dma_start3A_407 : memref<128xi32, #tpu.memory_space<vmem>>) semaphore(%arg13 : memref<!tpu.dma_semaphore, #tpu.memory_space<semaphore_mem>>) {add = true}
    %dma_wait3A_411 = arith.constant 12 : i32
    %dma_wait3A_412 = arith.constant 0 : i32
    %dma_wait3A_413 = tpu.memref_slice %arg8[%dma_wait3A_411, %dma_wait3A_412] : memref<16x128xi32, #tpu.memory_space<vmem>> -> memref<1x128xi32, #tpu.memory_space<vmem>>
    %dma_wait3A_414 = tpu.memref_squeeze %dma_wait3A_413 : memref<1x128xi32, #tpu.memory_space<vmem>> -> memref<128xi32, #tpu.memory_space<vmem>>
    %dma_wait3A_415 = arith.constant 0 : i32
    %dma_wait3A_416 = arith.constant 0 : i32
    %dma_wait3A_417 = tpu.memref_slice %arg6[%dma_wait3A_415, %dma_wait3A_416] : memref<15360x32xf32, #tpu.memory_space<vmem_shared>> -> memref<15360x32xf32, #tpu.memory_space<vmem_shared>>
    tpu.wait_indirect_dma semaphore(%arg13 : memref<!tpu.dma_semaphore, #tpu.memory_space<semaphore_mem>>) src(%arg9 : memref<128x32xf32, #tpu.memory_space<vmem>>) dst(%dma_wait3A_417 : memref<15360x32xf32, #tpu.memory_space<vmem_shared>>)
    %dma_start3A_418 = arith.constant 15 : i32
    %dma_start3A_419 = arith.constant 0 : i32
    %dma_start3A_420 = tpu.memref_slice %arg7[%dma_start3A_418, %dma_start3A_419] : memref<16x128xi32, #tpu.memory_space<vmem>> -> memref<1x128xi32, #tpu.memory_space<vmem>>
    %dma_start3A_421 = tpu.memref_squeeze %dma_start3A_420 : memref<1x128xi32, #tpu.memory_space<vmem>> -> memref<128xi32, #tpu.memory_space<vmem>>
    %dma_start3A_422 = arith.constant 0 : i32
    %dma_start3A_423 = arith.constant 0 : i32
    %dma_start3A_424 = tpu.memref_slice %arg2[%dma_start3A_422, %dma_start3A_423] : memref<19200x32xf32, #tpu.memory_space<hbm>> -> memref<19200x32xf32, #tpu.memory_space<hbm>>
    tpu.enqueue_indirect_dma source(%dma_start3A_424 : memref<19200x32xf32, #tpu.memory_space<hbm>>) target(%arg9 : memref<128x32xf32, #tpu.memory_space<vmem>>) offsets(%dma_start3A_421 : memref<128xi32, #tpu.memory_space<vmem>>) semaphore(%arg12 : memref<!tpu.dma_semaphore, #tpu.memory_space<semaphore_mem>>)
    %dma_wait3A_425 = arith.constant 13 : i32
    %dma_wait3A_426 = arith.constant 0 : i32
    %dma_wait3A_427 = tpu.memref_slice %arg7[%dma_wait3A_425, %dma_wait3A_426] : memref<16x128xi32, #tpu.memory_space<vmem>> -> memref<1x128xi32, #tpu.memory_space<vmem>>
    %dma_wait3A_428 = tpu.memref_squeeze %dma_wait3A_427 : memref<1x128xi32, #tpu.memory_space<vmem>> -> memref<128xi32, #tpu.memory_space<vmem>>
    %dma_wait3A_429 = arith.constant 0 : i32
    %dma_wait3A_430 = arith.constant 0 : i32
    %dma_wait3A_431 = tpu.memref_slice %arg2[%dma_wait3A_429, %dma_wait3A_430] : memref<19200x32xf32, #tpu.memory_space<hbm>> -> memref<19200x32xf32, #tpu.memory_space<hbm>>
    tpu.wait_indirect_dma semaphore(%arg12 : memref<!tpu.dma_semaphore, #tpu.memory_space<semaphore_mem>>) src(%dma_wait3A_431 : memref<19200x32xf32, #tpu.memory_space<hbm>>) dst(%arg10 : memref<128x32xf32, #tpu.memory_space<vmem>>)
    %dma_start3A_432 = arith.constant 13 : i32
    %dma_start3A_433 = arith.constant 0 : i32
    %dma_start3A_434 = tpu.memref_slice %arg8[%dma_start3A_432, %dma_start3A_433] : memref<16x128xi32, #tpu.memory_space<vmem>> -> memref<1x128xi32, #tpu.memory_space<vmem>>
    %dma_start3A_435 = tpu.memref_squeeze %dma_start3A_434 : memref<1x128xi32, #tpu.memory_space<vmem>> -> memref<128xi32, #tpu.memory_space<vmem>>
    %dma_start3A_436 = arith.constant 0 : i32
    %dma_start3A_437 = arith.constant 0 : i32
    %dma_start3A_438 = tpu.memref_slice %arg6[%dma_start3A_436, %dma_start3A_437] : memref<15360x32xf32, #tpu.memory_space<vmem_shared>> -> memref<15360x32xf32, #tpu.memory_space<vmem_shared>>
    tpu.enqueue_indirect_dma source(%arg10 : memref<128x32xf32, #tpu.memory_space<vmem>>) target(%dma_start3A_438 : memref<15360x32xf32, #tpu.memory_space<vmem_shared>>) offsets(%dma_start3A_435 : memref<128xi32, #tpu.memory_space<vmem>>) semaphore(%arg13 : memref<!tpu.dma_semaphore, #tpu.memory_space<semaphore_mem>>) {add = true}
    %dma_wait3A_439 = arith.constant 14 : i32
    %dma_wait3A_440 = arith.constant 0 : i32
    %dma_wait3A_441 = tpu.memref_slice %arg7[%dma_wait3A_439, %dma_wait3A_440] : memref<16x128xi32, #tpu.memory_space<vmem>> -> memref<1x128xi32, #tpu.memory_space<vmem>>
    %dma_wait3A_442 = tpu.memref_squeeze %dma_wait3A_441 : memref<1x128xi32, #tpu.memory_space<vmem>> -> memref<128xi32, #tpu.memory_space<vmem>>
    %dma_wait3A_443 = arith.constant 0 : i32
    %dma_wait3A_444 = arith.constant 0 : i32
    %dma_wait3A_445 = tpu.memref_slice %arg2[%dma_wait3A_443, %dma_wait3A_444] : memref<19200x32xf32, #tpu.memory_space<hbm>> -> memref<19200x32xf32, #tpu.memory_space<hbm>>
    tpu.wait_indirect_dma semaphore(%arg12 : memref<!tpu.dma_semaphore, #tpu.memory_space<semaphore_mem>>) src(%dma_wait3A_445 : memref<19200x32xf32, #tpu.memory_space<hbm>>) dst(%arg11 : memref<128x32xf32, #tpu.memory_space<vmem>>)
    %dma_start3A_446 = arith.constant 14 : i32
    %dma_start3A_447 = arith.constant 0 : i32
    %dma_start3A_448 = tpu.memref_slice %arg8[%dma_start3A_446, %dma_start3A_447] : memref<16x128xi32, #tpu.memory_space<vmem>> -> memref<1x128xi32, #tpu.memory_space<vmem>>
    %dma_start3A_449 = tpu.memref_squeeze %dma_start3A_448 : memref<1x128xi32, #tpu.memory_space<vmem>> -> memref<128xi32, #tpu.memory_space<vmem>>
    %dma_start3A_450 = arith.constant 0 : i32
    %dma_start3A_451 = arith.constant 0 : i32
    %dma_start3A_452 = tpu.memref_slice %arg6[%dma_start3A_450, %dma_start3A_451] : memref<15360x32xf32, #tpu.memory_space<vmem_shared>> -> memref<15360x32xf32, #tpu.memory_space<vmem_shared>>
    tpu.enqueue_indirect_dma source(%arg11 : memref<128x32xf32, #tpu.memory_space<vmem>>) target(%dma_start3A_452 : memref<15360x32xf32, #tpu.memory_space<vmem_shared>>) offsets(%dma_start3A_449 : memref<128xi32, #tpu.memory_space<vmem>>) semaphore(%arg13 : memref<!tpu.dma_semaphore, #tpu.memory_space<semaphore_mem>>) {add = true}
    %dma_wait3A_453 = arith.constant 15 : i32
    %dma_wait3A_454 = arith.constant 0 : i32
    %dma_wait3A_455 = tpu.memref_slice %arg7[%dma_wait3A_453, %dma_wait3A_454] : memref<16x128xi32, #tpu.memory_space<vmem>> -> memref<1x128xi32, #tpu.memory_space<vmem>>
    %dma_wait3A_456 = tpu.memref_squeeze %dma_wait3A_455 : memref<1x128xi32, #tpu.memory_space<vmem>> -> memref<128xi32, #tpu.memory_space<vmem>>
    %dma_wait3A_457 = arith.constant 0 : i32
    %dma_wait3A_458 = arith.constant 0 : i32
    %dma_wait3A_459 = tpu.memref_slice %arg2[%dma_wait3A_457, %dma_wait3A_458] : memref<19200x32xf32, #tpu.memory_space<hbm>> -> memref<19200x32xf32, #tpu.memory_space<hbm>>
    tpu.wait_indirect_dma semaphore(%arg12 : memref<!tpu.dma_semaphore, #tpu.memory_space<semaphore_mem>>) src(%dma_wait3A_459 : memref<19200x32xf32, #tpu.memory_space<hbm>>) dst(%arg9 : memref<128x32xf32, #tpu.memory_space<vmem>>)
    %dma_start3A_460 = arith.constant 15 : i32
    %dma_start3A_461 = arith.constant 0 : i32
    %dma_start3A_462 = tpu.memref_slice %arg8[%dma_start3A_460, %dma_start3A_461] : memref<16x128xi32, #tpu.memory_space<vmem>> -> memref<1x128xi32, #tpu.memory_space<vmem>>
    %dma_start3A_463 = tpu.memref_squeeze %dma_start3A_462 : memref<1x128xi32, #tpu.memory_space<vmem>> -> memref<128xi32, #tpu.memory_space<vmem>>
    %dma_start3A_464 = arith.constant 0 : i32
    %dma_start3A_465 = arith.constant 0 : i32
    %dma_start3A_466 = tpu.memref_slice %arg6[%dma_start3A_464, %dma_start3A_465] : memref<15360x32xf32, #tpu.memory_space<vmem_shared>> -> memref<15360x32xf32, #tpu.memory_space<vmem_shared>>
    tpu.enqueue_indirect_dma source(%arg9 : memref<128x32xf32, #tpu.memory_space<vmem>>) target(%dma_start3A_466 : memref<15360x32xf32, #tpu.memory_space<vmem_shared>>) offsets(%dma_start3A_463 : memref<128xi32, #tpu.memory_space<vmem>>) semaphore(%arg13 : memref<!tpu.dma_semaphore, #tpu.memory_space<semaphore_mem>>) {add = true}
    %dma_wait3A_467 = arith.constant 15 : i32
    %dma_wait3A_468 = arith.constant 0 : i32
    %dma_wait3A_469 = tpu.memref_slice %arg8[%dma_wait3A_467, %dma_wait3A_468] : memref<16x128xi32, #tpu.memory_space<vmem>> -> memref<1x128xi32, #tpu.memory_space<vmem>>
    %dma_wait3A_470 = tpu.memref_squeeze %dma_wait3A_469 : memref<1x128xi32, #tpu.memory_space<vmem>> -> memref<128xi32, #tpu.memory_space<vmem>>
    %dma_wait3A_471 = arith.constant 0 : i32
    %dma_wait3A_472 = arith.constant 0 : i32
    %dma_wait3A_473 = tpu.memref_slice %arg6[%dma_wait3A_471, %dma_wait3A_472] : memref<15360x32xf32, #tpu.memory_space<vmem_shared>> -> memref<15360x32xf32, #tpu.memory_space<vmem_shared>>
    tpu.wait_indirect_dma semaphore(%arg13 : memref<!tpu.dma_semaphore, #tpu.memory_space<semaphore_mem>>) src(%arg9 : memref<128x32xf32, #tpu.memory_space<vmem>>) dst(%dma_wait3A_473 : memref<15360x32xf32, #tpu.memory_space<vmem_shared>>)
    %dma_wait3A_474 = arith.constant 14 : i32
    %dma_wait3A_475 = arith.constant 0 : i32
    %dma_wait3A_476 = tpu.memref_slice %arg8[%dma_wait3A_474, %dma_wait3A_475] : memref<16x128xi32, #tpu.memory_space<vmem>> -> memref<1x128xi32, #tpu.memory_space<vmem>>
    %dma_wait3A_477 = tpu.memref_squeeze %dma_wait3A_476 : memref<1x128xi32, #tpu.memory_space<vmem>> -> memref<128xi32, #tpu.memory_space<vmem>>
    %dma_wait3A_478 = arith.constant 0 : i32
    %dma_wait3A_479 = arith.constant 0 : i32
    %dma_wait3A_480 = tpu.memref_slice %arg6[%dma_wait3A_478, %dma_wait3A_479] : memref<15360x32xf32, #tpu.memory_space<vmem_shared>> -> memref<15360x32xf32, #tpu.memory_space<vmem_shared>>
    tpu.wait_indirect_dma semaphore(%arg13 : memref<!tpu.dma_semaphore, #tpu.memory_space<semaphore_mem>>) src(%arg11 : memref<128x32xf32, #tpu.memory_space<vmem>>) dst(%dma_wait3A_480 : memref<15360x32xf32, #tpu.memory_space<vmem_shared>>)
    %dma_wait3A_481 = arith.constant 13 : i32
    %dma_wait3A_482 = arith.constant 0 : i32
    %dma_wait3A_483 = tpu.memref_slice %arg8[%dma_wait3A_481, %dma_wait3A_482] : memref<16x128xi32, #tpu.memory_space<vmem>> -> memref<1x128xi32, #tpu.memory_space<vmem>>
    %dma_wait3A_484 = tpu.memref_squeeze %dma_wait3A_483 : memref<1x128xi32, #tpu.memory_space<vmem>> -> memref<128xi32, #tpu.memory_space<vmem>>
    %dma_wait3A_485 = arith.constant 0 : i32
    %dma_wait3A_486 = arith.constant 0 : i32
    %dma_wait3A_487 = tpu.memref_slice %arg6[%dma_wait3A_485, %dma_wait3A_486] : memref<15360x32xf32, #tpu.memory_space<vmem_shared>> -> memref<15360x32xf32, #tpu.memory_space<vmem_shared>>
    tpu.wait_indirect_dma semaphore(%arg13 : memref<!tpu.dma_semaphore, #tpu.memory_space<semaphore_mem>>) src(%arg10 : memref<128x32xf32, #tpu.memory_space<vmem>>) dst(%dma_wait3A_487 : memref<15360x32xf32, #tpu.memory_space<vmem_shared>>)
    %barrier3A_488 = arith.constant 0 : index
    tpu.barrier barrier_id(%barrier3A_488)
    %mul3A_489 = arith.constant 960 : i32
    %mul3A_490 = arith.muli %arg1, %mul3A_489 : i32
    %mul3A_491 = arith.constant 960 : i32
    %mul3A_492 = arith.muli %add3A, %mul3A_491 : i32
    "tpu.region"() ({
      %run_scoped3A = tpu.sem_alloc : memref<!tpu.dma_semaphore, #tpu.memory_space<semaphore_mem>>
      %dma_start3A_493 = arith.constant 0 : i32
      %dma_start3A_494 = tpu.memref_slice %arg5[%mul3A_492, %dma_start3A_493] : memref<30720x32xf32, #tpu.memory_space<hbm>> -> memref<960x32xf32, #tpu.memory_space<hbm>>
      %dma_start3A_495 = arith.constant 0 : i32
      %dma_start3A_496 = tpu.memref_slice %arg6[%mul3A_490, %dma_start3A_495] : memref<15360x32xf32, #tpu.memory_space<vmem_shared>> -> memref<960x32xf32, #tpu.memory_space<vmem_shared>>
      tpu.enqueue_dma source(%dma_start3A_496 : memref<960x32xf32, #tpu.memory_space<vmem_shared>>) target(%dma_start3A_494 : memref<960x32xf32, #tpu.memory_space<hbm>>) target_semaphore(%run_scoped3A : memref<!tpu.dma_semaphore, #tpu.memory_space<semaphore_mem>>)
      %dma_wait3A_497 = arith.constant 0 : i32
      %dma_wait3A_498 = tpu.memref_slice %arg5[%mul3A_492, %dma_wait3A_497] : memref<30720x32xf32, #tpu.memory_space<hbm>> -> memref<960x32xf32, #tpu.memory_space<hbm>>
      %dma_wait3A_499 = arith.constant 0 : i32
      %dma_wait3A_500 = tpu.memref_slice %arg6[%mul3A_490, %dma_wait3A_499] : memref<15360x32xf32, #tpu.memory_space<vmem_shared>> -> memref<960x32xf32, #tpu.memory_space<vmem_shared>>
      tpu.wait_dma2 semaphore(%run_scoped3A : memref<!tpu.dma_semaphore, #tpu.memory_space<semaphore_mem>>) src(%dma_wait3A_500 : memref<960x32xf32, #tpu.memory_space<vmem_shared>>) dst(%dma_wait3A_498 : memref<960x32xf32, #tpu.memory_space<hbm>>)
      tpu.yield
    }) : () -> ()
    return
  }
}

#map = affine_map<(d0, d1) -> (0, 0)>
module attributes {stable_mosaic.version = 14 : i64} {
  func.func @scat(%arg0: i32, %arg1: i32, %arg2: memref<19200x80xf32, #tpu.memory_space<hbm>>, %arg3: memref<512x128xi32, #tpu.memory_space<hbm>>, %arg4: memref<512x128xi32, #tpu.memory_space<hbm>>, %arg5: memref<30720x128xf32, #tpu.memory_space<hbm>>, %arg6: memref<15360x80xf32, #tpu.memory_space<vmem_shared>>, %arg7: memref<16x128xi32, #tpu.memory_space<vmem>>, %arg8: memref<16x128xi32, #tpu.memory_space<vmem>>, %arg9: memref<128x80xf32, #tpu.memory_space<vmem>>, %arg10: memref<128x80xf32, #tpu.memory_space<vmem>>, %arg11: memref<128x80xf32, #tpu.memory_space<vmem>>, %arg12: memref<2x60x128xf32, #tpu.memory_space<vmem>>, %arg13: memref<!tpu.dma_semaphore, #tpu.memory_space<semaphore_mem>>, %arg14: memref<!tpu.dma_semaphore, #tpu.memory_space<semaphore_mem>>) attributes {dimension_semantics = [#tpu.dimension_semantics<core_parallel>, #tpu.dimension_semantics<subcore_parallel>], iteration_bounds = array<i64: 2, 16>, scalar_prefetch = 0 : i64, scratch_operands = 9 : i64, tpu.core_type = #tpu.core_type<sc_vector_subcore>, window_params = [{transform_indices = #map}, {transform_indices = #map}, {transform_indices = #map}, {transform_indices = #map}]} {
    %mul3A = arith.constant 16 : i32
    %mul3A_0 = arith.muli %arg0, %mul3A : i32
    %add3A = arith.addi %mul3A_0, %arg1 : i32
    %scan3A = arith.constant 0 : i32
    %scan3A_1 = arith.constant 0 : i32
    %scan3A_2 = arith.constant 120 : i32
    %scan3A_3 = arith.addi %scan3A_1, %scan3A_2 : i32
    %scan3A_4 = arith.constant 1 : i32
    scf.for %scan3A_1447 = %scan3A_1 to %scan3A_3 step %scan3A_4  : i32 {
      %broadcast_in_dim3A = arith.constant 0.000000e+00 : f32
      %broadcast_in_dim3A_1448 = vector.broadcast %broadcast_in_dim3A : f32 to vector<16xf32>
      %swap3A = arith.index_cast %scan3A_1447 : i32 to index
      %swap3A_1449 = arith.constant 0 : index
      %swap3A_1450 = tpu.vector_load %arg11[%swap3A, %swap3A_1449] {strides = array<i32>} : memref<128x80xf32, #tpu.memory_space<vmem>>, vector<1x16xf32>,
      %swap3A_1451 = vector.shape_cast %swap3A_1450 : vector<1x16xf32> to vector<16xf32>
      %swap3A_1452 = vector.shape_cast %broadcast_in_dim3A_1448 : vector<16xf32> to vector<1x16xf32>
      tpu.vector_store %arg11[%swap3A, %swap3A_1449], %swap3A_1452 {strides = array<i32>} : memref<128x80xf32, #tpu.memory_space<vmem>>, vector<1x16xf32>,
      %broadcast_in_dim3A_1453 = arith.constant 0.000000e+00 : f32
      %broadcast_in_dim3A_1454 = vector.broadcast %broadcast_in_dim3A_1453 : f32 to vector<16xf32>
      %swap3A_1455 = arith.index_cast %scan3A_1447 : i32 to index
      %swap3A_1456 = arith.constant 16 : index
      %swap3A_1457 = tpu.vector_load %arg11[%swap3A_1455, %swap3A_1456] {strides = array<i32>} : memref<128x80xf32, #tpu.memory_space<vmem>>, vector<1x16xf32>,
      %swap3A_1458 = vector.shape_cast %swap3A_1457 : vector<1x16xf32> to vector<16xf32>
      %swap3A_1459 = vector.shape_cast %broadcast_in_dim3A_1454 : vector<16xf32> to vector<1x16xf32>
      tpu.vector_store %arg11[%swap3A_1455, %swap3A_1456], %swap3A_1459 {strides = array<i32>} : memref<128x80xf32, #tpu.memory_space<vmem>>, vector<1x16xf32>,
      %broadcast_in_dim3A_1460 = arith.constant 0.000000e+00 : f32
      %broadcast_in_dim3A_1461 = vector.broadcast %broadcast_in_dim3A_1460 : f32 to vector<16xf32>
      %swap3A_1462 = arith.index_cast %scan3A_1447 : i32 to index
      %swap3A_1463 = arith.constant 32 : index
      %swap3A_1464 = tpu.vector_load %arg11[%swap3A_1462, %swap3A_1463] {strides = array<i32>} : memref<128x80xf32, #tpu.memory_space<vmem>>, vector<1x16xf32>,
      %swap3A_1465 = vector.shape_cast %swap3A_1464 : vector<1x16xf32> to vector<16xf32>
      %swap3A_1466 = vector.shape_cast %broadcast_in_dim3A_1461 : vector<16xf32> to vector<1x16xf32>
      tpu.vector_store %arg11[%swap3A_1462, %swap3A_1463], %swap3A_1466 {strides = array<i32>} : memref<128x80xf32, #tpu.memory_space<vmem>>, vector<1x16xf32>,
      %broadcast_in_dim3A_1467 = arith.constant 0.000000e+00 : f32
      %broadcast_in_dim3A_1468 = vector.broadcast %broadcast_in_dim3A_1467 : f32 to vector<16xf32>
      %swap3A_1469 = arith.index_cast %scan3A_1447 : i32 to index
      %swap3A_1470 = arith.constant 48 : index
      %swap3A_1471 = tpu.vector_load %arg11[%swap3A_1469, %swap3A_1470] {strides = array<i32>} : memref<128x80xf32, #tpu.memory_space<vmem>>, vector<1x16xf32>,
      %swap3A_1472 = vector.shape_cast %swap3A_1471 : vector<1x16xf32> to vector<16xf32>
      %swap3A_1473 = vector.shape_cast %broadcast_in_dim3A_1468 : vector<16xf32> to vector<1x16xf32>
      tpu.vector_store %arg11[%swap3A_1469, %swap3A_1470], %swap3A_1473 {strides = array<i32>} : memref<128x80xf32, #tpu.memory_space<vmem>>, vector<1x16xf32>,
      %broadcast_in_dim3A_1474 = arith.constant 0.000000e+00 : f32
      %broadcast_in_dim3A_1475 = vector.broadcast %broadcast_in_dim3A_1474 : f32 to vector<16xf32>
      %swap3A_1476 = arith.index_cast %scan3A_1447 : i32 to index
      %swap3A_1477 = arith.constant 64 : index
      %swap3A_1478 = tpu.vector_load %arg11[%swap3A_1476, %swap3A_1477] {strides = array<i32>} : memref<128x80xf32, #tpu.memory_space<vmem>>, vector<1x16xf32>,
      %swap3A_1479 = vector.shape_cast %swap3A_1478 : vector<1x16xf32> to vector<16xf32>
      %swap3A_1480 = vector.shape_cast %broadcast_in_dim3A_1475 : vector<16xf32> to vector<1x16xf32>
      tpu.vector_store %arg11[%swap3A_1476, %swap3A_1477], %swap3A_1480 {strides = array<i32>} : memref<128x80xf32, #tpu.memory_space<vmem>>, vector<1x16xf32>,
    }
    %scan3A_5 = arith.constant 120 : i32
    %mul3A_6 = arith.constant 960 : i32
    %mul3A_7 = arith.muli %arg1, %mul3A_6 : i32
    %add3A_8 = arith.constant 0 : i32
    %add3A_9 = arith.addi %mul3A_7, %add3A_8 : i32
    "tpu.region"() ({
      %run_scoped3A = tpu.sem_alloc : memref<!tpu.dma_semaphore, #tpu.memory_space<semaphore_mem>>
      %dma_start3A_1447 = arith.constant 0 : i32
      %dma_start3A_1448 = arith.constant 0 : i32
      %dma_start3A_1449 = tpu.memref_slice %arg11[%dma_start3A_1447, %dma_start3A_1448] : memref<128x80xf32, #tpu.memory_space<vmem>> -> memref<120x80xf32, #tpu.memory_space<vmem>>
      %dma_start3A_1450 = arith.constant 0 : i32
      %dma_start3A_1451 = tpu.memref_slice %arg6[%add3A_9, %dma_start3A_1450] : memref<15360x80xf32, #tpu.memory_space<vmem_shared>> -> memref<120x80xf32, #tpu.memory_space<vmem_shared>>
      %dma_start3A_1452 = arith.constant 0 : i32
      %dma_start3A_1453 = tpu.memref_slice %arg6[%add3A_9, %dma_start3A_1452] : memref<15360x80xf32, #tpu.memory_space<vmem_shared>> -> memref<120x80xf32, #tpu.memory_space<vmem_shared>>
      %dma_start3A_1454 = arith.constant 0 : i32
      %dma_start3A_1455 = arith.constant 0 : i32
      %dma_start3A_1456 = tpu.memref_slice %arg11[%dma_start3A_1454, %dma_start3A_1455] : memref<128x80xf32, #tpu.memory_space<vmem>> -> memref<120x80xf32, #tpu.memory_space<vmem>>
      tpu.enqueue_dma source(%dma_start3A_1456 : memref<120x80xf32, #tpu.memory_space<vmem>>) target(%dma_start3A_1453 : memref<120x80xf32, #tpu.memory_space<vmem_shared>>) target_semaphore(%run_scoped3A : memref<!tpu.dma_semaphore, #tpu.memory_space<semaphore_mem>>)
      %dma_wait3A_1457 = arith.constant 0 : i32
      %dma_wait3A_1458 = arith.constant 0 : i32
      %dma_wait3A_1459 = tpu.memref_slice %arg11[%dma_wait3A_1457, %dma_wait3A_1458] : memref<128x80xf32, #tpu.memory_space<vmem>> -> memref<120x80xf32, #tpu.memory_space<vmem>>
      %dma_wait3A_1460 = arith.constant 0 : i32
      %dma_wait3A_1461 = tpu.memref_slice %arg6[%add3A_9, %dma_wait3A_1460] : memref<15360x80xf32, #tpu.memory_space<vmem_shared>> -> memref<120x80xf32, #tpu.memory_space<vmem_shared>>
      %dma_wait3A_1462 = arith.constant 0 : i32
      %dma_wait3A_1463 = tpu.memref_slice %arg6[%add3A_9, %dma_wait3A_1462] : memref<15360x80xf32, #tpu.memory_space<vmem_shared>> -> memref<120x80xf32, #tpu.memory_space<vmem_shared>>
      %dma_wait3A_1464 = arith.constant 0 : i32
      %dma_wait3A_1465 = arith.constant 0 : i32
      %dma_wait3A_1466 = tpu.memref_slice %arg11[%dma_wait3A_1464, %dma_wait3A_1465] : memref<128x80xf32, #tpu.memory_space<vmem>> -> memref<120x80xf32, #tpu.memory_space<vmem>>
      tpu.wait_dma2 semaphore(%run_scoped3A : memref<!tpu.dma_semaphore, #tpu.memory_space<semaphore_mem>>) src(%dma_wait3A_1466 : memref<120x80xf32, #tpu.memory_space<vmem>>) dst(%dma_wait3A_1463 : memref<120x80xf32, #tpu.memory_space<vmem_shared>>)
      tpu.yield
    }) : () -> ()
    %mul3A_10 = arith.constant 960 : i32
    %mul3A_11 = arith.muli %arg1, %mul3A_10 : i32
    %add3A_12 = arith.constant 120 : i32
    %add3A_13 = arith.addi %mul3A_11, %add3A_12 : i32
    "tpu.region"() ({
      %run_scoped3A = tpu.sem_alloc : memref<!tpu.dma_semaphore, #tpu.memory_space<semaphore_mem>>
      %dma_start3A_1447 = arith.constant 0 : i32
      %dma_start3A_1448 = arith.constant 0 : i32
      %dma_start3A_1449 = tpu.memref_slice %arg11[%dma_start3A_1447, %dma_start3A_1448] : memref<128x80xf32, #tpu.memory_space<vmem>> -> memref<120x80xf32, #tpu.memory_space<vmem>>
      %dma_start3A_1450 = arith.constant 0 : i32
      %dma_start3A_1451 = tpu.memref_slice %arg6[%add3A_13, %dma_start3A_1450] : memref<15360x80xf32, #tpu.memory_space<vmem_shared>> -> memref<120x80xf32, #tpu.memory_space<vmem_shared>>
      %dma_start3A_1452 = arith.constant 0 : i32
      %dma_start3A_1453 = tpu.memref_slice %arg6[%add3A_13, %dma_start3A_1452] : memref<15360x80xf32, #tpu.memory_space<vmem_shared>> -> memref<120x80xf32, #tpu.memory_space<vmem_shared>>
      %dma_start3A_1454 = arith.constant 0 : i32
      %dma_start3A_1455 = arith.constant 0 : i32
      %dma_start3A_1456 = tpu.memref_slice %arg11[%dma_start3A_1454, %dma_start3A_1455] : memref<128x80xf32, #tpu.memory_space<vmem>> -> memref<120x80xf32, #tpu.memory_space<vmem>>
      tpu.enqueue_dma source(%dma_start3A_1456 : memref<120x80xf32, #tpu.memory_space<vmem>>) target(%dma_start3A_1453 : memref<120x80xf32, #tpu.memory_space<vmem_shared>>) target_semaphore(%run_scoped3A : memref<!tpu.dma_semaphore, #tpu.memory_space<semaphore_mem>>)
      %dma_wait3A_1457 = arith.constant 0 : i32
      %dma_wait3A_1458 = arith.constant 0 : i32
      %dma_wait3A_1459 = tpu.memref_slice %arg11[%dma_wait3A_1457, %dma_wait3A_1458] : memref<128x80xf32, #tpu.memory_space<vmem>> -> memref<120x80xf32, #tpu.memory_space<vmem>>
      %dma_wait3A_1460 = arith.constant 0 : i32
      %dma_wait3A_1461 = tpu.memref_slice %arg6[%add3A_13, %dma_wait3A_1460] : memref<15360x80xf32, #tpu.memory_space<vmem_shared>> -> memref<120x80xf32, #tpu.memory_space<vmem_shared>>
      %dma_wait3A_1462 = arith.constant 0 : i32
      %dma_wait3A_1463 = tpu.memref_slice %arg6[%add3A_13, %dma_wait3A_1462] : memref<15360x80xf32, #tpu.memory_space<vmem_shared>> -> memref<120x80xf32, #tpu.memory_space<vmem_shared>>
      %dma_wait3A_1464 = arith.constant 0 : i32
      %dma_wait3A_1465 = arith.constant 0 : i32
      %dma_wait3A_1466 = tpu.memref_slice %arg11[%dma_wait3A_1464, %dma_wait3A_1465] : memref<128x80xf32, #tpu.memory_space<vmem>> -> memref<120x80xf32, #tpu.memory_space<vmem>>
      tpu.wait_dma2 semaphore(%run_scoped3A : memref<!tpu.dma_semaphore, #tpu.memory_space<semaphore_mem>>) src(%dma_wait3A_1466 : memref<120x80xf32, #tpu.memory_space<vmem>>) dst(%dma_wait3A_1463 : memref<120x80xf32, #tpu.memory_space<vmem_shared>>)
      tpu.yield
    }) : () -> ()
    %mul3A_14 = arith.constant 960 : i32
    %mul3A_15 = arith.muli %arg1, %mul3A_14 : i32
    %add3A_16 = arith.constant 240 : i32
    %add3A_17 = arith.addi %mul3A_15, %add3A_16 : i32
    "tpu.region"() ({
      %run_scoped3A = tpu.sem_alloc : memref<!tpu.dma_semaphore, #tpu.memory_space<semaphore_mem>>
      %dma_start3A_1447 = arith.constant 0 : i32
      %dma_start3A_1448 = arith.constant 0 : i32
      %dma_start3A_1449 = tpu.memref_slice %arg11[%dma_start3A_1447, %dma_start3A_1448] : memref<128x80xf32, #tpu.memory_space<vmem>> -> memref<120x80xf32, #tpu.memory_space<vmem>>
      %dma_start3A_1450 = arith.constant 0 : i32
      %dma_start3A_1451 = tpu.memref_slice %arg6[%add3A_17, %dma_start3A_1450] : memref<15360x80xf32, #tpu.memory_space<vmem_shared>> -> memref<120x80xf32, #tpu.memory_space<vmem_shared>>
      %dma_start3A_1452 = arith.constant 0 : i32
      %dma_start3A_1453 = tpu.memref_slice %arg6[%add3A_17, %dma_start3A_1452] : memref<15360x80xf32, #tpu.memory_space<vmem_shared>> -> memref<120x80xf32, #tpu.memory_space<vmem_shared>>
      %dma_start3A_1454 = arith.constant 0 : i32
      %dma_start3A_1455 = arith.constant 0 : i32
      %dma_start3A_1456 = tpu.memref_slice %arg11[%dma_start3A_1454, %dma_start3A_1455] : memref<128x80xf32, #tpu.memory_space<vmem>> -> memref<120x80xf32, #tpu.memory_space<vmem>>
      tpu.enqueue_dma source(%dma_start3A_1456 : memref<120x80xf32, #tpu.memory_space<vmem>>) target(%dma_start3A_1453 : memref<120x80xf32, #tpu.memory_space<vmem_shared>>) target_semaphore(%run_scoped3A : memref<!tpu.dma_semaphore, #tpu.memory_space<semaphore_mem>>)
      %dma_wait3A_1457 = arith.constant 0 : i32
      %dma_wait3A_1458 = arith.constant 0 : i32
      %dma_wait3A_1459 = tpu.memref_slice %arg11[%dma_wait3A_1457, %dma_wait3A_1458] : memref<128x80xf32, #tpu.memory_space<vmem>> -> memref<120x80xf32, #tpu.memory_space<vmem>>
      %dma_wait3A_1460 = arith.constant 0 : i32
      %dma_wait3A_1461 = tpu.memref_slice %arg6[%add3A_17, %dma_wait3A_1460] : memref<15360x80xf32, #tpu.memory_space<vmem_shared>> -> memref<120x80xf32, #tpu.memory_space<vmem_shared>>
      %dma_wait3A_1462 = arith.constant 0 : i32
      %dma_wait3A_1463 = tpu.memref_slice %arg6[%add3A_17, %dma_wait3A_1462] : memref<15360x80xf32, #tpu.memory_space<vmem_shared>> -> memref<120x80xf32, #tpu.memory_space<vmem_shared>>
      %dma_wait3A_1464 = arith.constant 0 : i32
      %dma_wait3A_1465 = arith.constant 0 : i32
      %dma_wait3A_1466 = tpu.memref_slice %arg11[%dma_wait3A_1464, %dma_wait3A_1465] : memref<128x80xf32, #tpu.memory_space<vmem>> -> memref<120x80xf32, #tpu.memory_space<vmem>>
      tpu.wait_dma2 semaphore(%run_scoped3A : memref<!tpu.dma_semaphore, #tpu.memory_space<semaphore_mem>>) src(%dma_wait3A_1466 : memref<120x80xf32, #tpu.memory_space<vmem>>) dst(%dma_wait3A_1463 : memref<120x80xf32, #tpu.memory_space<vmem_shared>>)
      tpu.yield
    }) : () -> ()
    %mul3A_18 = arith.constant 960 : i32
    %mul3A_19 = arith.muli %arg1, %mul3A_18 : i32
    %add3A_20 = arith.constant 360 : i32
    %add3A_21 = arith.addi %mul3A_19, %add3A_20 : i32
    "tpu.region"() ({
      %run_scoped3A = tpu.sem_alloc : memref<!tpu.dma_semaphore, #tpu.memory_space<semaphore_mem>>
      %dma_start3A_1447 = arith.constant 0 : i32
      %dma_start3A_1448 = arith.constant 0 : i32
      %dma_start3A_1449 = tpu.memref_slice %arg11[%dma_start3A_1447, %dma_start3A_1448] : memref<128x80xf32, #tpu.memory_space<vmem>> -> memref<120x80xf32, #tpu.memory_space<vmem>>
      %dma_start3A_1450 = arith.constant 0 : i32
      %dma_start3A_1451 = tpu.memref_slice %arg6[%add3A_21, %dma_start3A_1450] : memref<15360x80xf32, #tpu.memory_space<vmem_shared>> -> memref<120x80xf32, #tpu.memory_space<vmem_shared>>
      %dma_start3A_1452 = arith.constant 0 : i32
      %dma_start3A_1453 = tpu.memref_slice %arg6[%add3A_21, %dma_start3A_1452] : memref<15360x80xf32, #tpu.memory_space<vmem_shared>> -> memref<120x80xf32, #tpu.memory_space<vmem_shared>>
      %dma_start3A_1454 = arith.constant 0 : i32
      %dma_start3A_1455 = arith.constant 0 : i32
      %dma_start3A_1456 = tpu.memref_slice %arg11[%dma_start3A_1454, %dma_start3A_1455] : memref<128x80xf32, #tpu.memory_space<vmem>> -> memref<120x80xf32, #tpu.memory_space<vmem>>
      tpu.enqueue_dma source(%dma_start3A_1456 : memref<120x80xf32, #tpu.memory_space<vmem>>) target(%dma_start3A_1453 : memref<120x80xf32, #tpu.memory_space<vmem_shared>>) target_semaphore(%run_scoped3A : memref<!tpu.dma_semaphore, #tpu.memory_space<semaphore_mem>>)
      %dma_wait3A_1457 = arith.constant 0 : i32
      %dma_wait3A_1458 = arith.constant 0 : i32
      %dma_wait3A_1459 = tpu.memref_slice %arg11[%dma_wait3A_1457, %dma_wait3A_1458] : memref<128x80xf32, #tpu.memory_space<vmem>> -> memref<120x80xf32, #tpu.memory_space<vmem>>
      %dma_wait3A_1460 = arith.constant 0 : i32
      %dma_wait3A_1461 = tpu.memref_slice %arg6[%add3A_21, %dma_wait3A_1460] : memref<15360x80xf32, #tpu.memory_space<vmem_shared>> -> memref<120x80xf32, #tpu.memory_space<vmem_shared>>
      %dma_wait3A_1462 = arith.constant 0 : i32
      %dma_wait3A_1463 = tpu.memref_slice %arg6[%add3A_21, %dma_wait3A_1462] : memref<15360x80xf32, #tpu.memory_space<vmem_shared>> -> memref<120x80xf32, #tpu.memory_space<vmem_shared>>
      %dma_wait3A_1464 = arith.constant 0 : i32
      %dma_wait3A_1465 = arith.constant 0 : i32
      %dma_wait3A_1466 = tpu.memref_slice %arg11[%dma_wait3A_1464, %dma_wait3A_1465] : memref<128x80xf32, #tpu.memory_space<vmem>> -> memref<120x80xf32, #tpu.memory_space<vmem>>
      tpu.wait_dma2 semaphore(%run_scoped3A : memref<!tpu.dma_semaphore, #tpu.memory_space<semaphore_mem>>) src(%dma_wait3A_1466 : memref<120x80xf32, #tpu.memory_space<vmem>>) dst(%dma_wait3A_1463 : memref<120x80xf32, #tpu.memory_space<vmem_shared>>)
      tpu.yield
    }) : () -> ()
    %mul3A_22 = arith.constant 960 : i32
    %mul3A_23 = arith.muli %arg1, %mul3A_22 : i32
    %add3A_24 = arith.constant 480 : i32
    %add3A_25 = arith.addi %mul3A_23, %add3A_24 : i32
    "tpu.region"() ({
      %run_scoped3A = tpu.sem_alloc : memref<!tpu.dma_semaphore, #tpu.memory_space<semaphore_mem>>
      %dma_start3A_1447 = arith.constant 0 : i32
      %dma_start3A_1448 = arith.constant 0 : i32
      %dma_start3A_1449 = tpu.memref_slice %arg11[%dma_start3A_1447, %dma_start3A_1448] : memref<128x80xf32, #tpu.memory_space<vmem>> -> memref<120x80xf32, #tpu.memory_space<vmem>>
      %dma_start3A_1450 = arith.constant 0 : i32
      %dma_start3A_1451 = tpu.memref_slice %arg6[%add3A_25, %dma_start3A_1450] : memref<15360x80xf32, #tpu.memory_space<vmem_shared>> -> memref<120x80xf32, #tpu.memory_space<vmem_shared>>
      %dma_start3A_1452 = arith.constant 0 : i32
      %dma_start3A_1453 = tpu.memref_slice %arg6[%add3A_25, %dma_start3A_1452] : memref<15360x80xf32, #tpu.memory_space<vmem_shared>> -> memref<120x80xf32, #tpu.memory_space<vmem_shared>>
      %dma_start3A_1454 = arith.constant 0 : i32
      %dma_start3A_1455 = arith.constant 0 : i32
      %dma_start3A_1456 = tpu.memref_slice %arg11[%dma_start3A_1454, %dma_start3A_1455] : memref<128x80xf32, #tpu.memory_space<vmem>> -> memref<120x80xf32, #tpu.memory_space<vmem>>
      tpu.enqueue_dma source(%dma_start3A_1456 : memref<120x80xf32, #tpu.memory_space<vmem>>) target(%dma_start3A_1453 : memref<120x80xf32, #tpu.memory_space<vmem_shared>>) target_semaphore(%run_scoped3A : memref<!tpu.dma_semaphore, #tpu.memory_space<semaphore_mem>>)
      %dma_wait3A_1457 = arith.constant 0 : i32
      %dma_wait3A_1458 = arith.constant 0 : i32
      %dma_wait3A_1459 = tpu.memref_slice %arg11[%dma_wait3A_1457, %dma_wait3A_1458] : memref<128x80xf32, #tpu.memory_space<vmem>> -> memref<120x80xf32, #tpu.memory_space<vmem>>
      %dma_wait3A_1460 = arith.constant 0 : i32
      %dma_wait3A_1461 = tpu.memref_slice %arg6[%add3A_25, %dma_wait3A_1460] : memref<15360x80xf32, #tpu.memory_space<vmem_shared>> -> memref<120x80xf32, #tpu.memory_space<vmem_shared>>
      %dma_wait3A_1462 = arith.constant 0 : i32
      %dma_wait3A_1463 = tpu.memref_slice %arg6[%add3A_25, %dma_wait3A_1462] : memref<15360x80xf32, #tpu.memory_space<vmem_shared>> -> memref<120x80xf32, #tpu.memory_space<vmem_shared>>
      %dma_wait3A_1464 = arith.constant 0 : i32
      %dma_wait3A_1465 = arith.constant 0 : i32
      %dma_wait3A_1466 = tpu.memref_slice %arg11[%dma_wait3A_1464, %dma_wait3A_1465] : memref<128x80xf32, #tpu.memory_space<vmem>> -> memref<120x80xf32, #tpu.memory_space<vmem>>
      tpu.wait_dma2 semaphore(%run_scoped3A : memref<!tpu.dma_semaphore, #tpu.memory_space<semaphore_mem>>) src(%dma_wait3A_1466 : memref<120x80xf32, #tpu.memory_space<vmem>>) dst(%dma_wait3A_1463 : memref<120x80xf32, #tpu.memory_space<vmem_shared>>)
      tpu.yield
    }) : () -> ()
    %mul3A_26 = arith.constant 960 : i32
    %mul3A_27 = arith.muli %arg1, %mul3A_26 : i32
    %add3A_28 = arith.constant 600 : i32
    %add3A_29 = arith.addi %mul3A_27, %add3A_28 : i32
    "tpu.region"() ({
      %run_scoped3A = tpu.sem_alloc : memref<!tpu.dma_semaphore, #tpu.memory_space<semaphore_mem>>
      %dma_start3A_1447 = arith.constant 0 : i32
      %dma_start3A_1448 = arith.constant 0 : i32
      %dma_start3A_1449 = tpu.memref_slice %arg11[%dma_start3A_1447, %dma_start3A_1448] : memref<128x80xf32, #tpu.memory_space<vmem>> -> memref<120x80xf32, #tpu.memory_space<vmem>>
      %dma_start3A_1450 = arith.constant 0 : i32
      %dma_start3A_1451 = tpu.memref_slice %arg6[%add3A_29, %dma_start3A_1450] : memref<15360x80xf32, #tpu.memory_space<vmem_shared>> -> memref<120x80xf32, #tpu.memory_space<vmem_shared>>
      %dma_start3A_1452 = arith.constant 0 : i32
      %dma_start3A_1453 = tpu.memref_slice %arg6[%add3A_29, %dma_start3A_1452] : memref<15360x80xf32, #tpu.memory_space<vmem_shared>> -> memref<120x80xf32, #tpu.memory_space<vmem_shared>>
      %dma_start3A_1454 = arith.constant 0 : i32
      %dma_start3A_1455 = arith.constant 0 : i32
      %dma_start3A_1456 = tpu.memref_slice %arg11[%dma_start3A_1454, %dma_start3A_1455] : memref<128x80xf32, #tpu.memory_space<vmem>> -> memref<120x80xf32, #tpu.memory_space<vmem>>
      tpu.enqueue_dma source(%dma_start3A_1456 : memref<120x80xf32, #tpu.memory_space<vmem>>) target(%dma_start3A_1453 : memref<120x80xf32, #tpu.memory_space<vmem_shared>>) target_semaphore(%run_scoped3A : memref<!tpu.dma_semaphore, #tpu.memory_space<semaphore_mem>>)
      %dma_wait3A_1457 = arith.constant 0 : i32
      %dma_wait3A_1458 = arith.constant 0 : i32
      %dma_wait3A_1459 = tpu.memref_slice %arg11[%dma_wait3A_1457, %dma_wait3A_1458] : memref<128x80xf32, #tpu.memory_space<vmem>> -> memref<120x80xf32, #tpu.memory_space<vmem>>
      %dma_wait3A_1460 = arith.constant 0 : i32
      %dma_wait3A_1461 = tpu.memref_slice %arg6[%add3A_29, %dma_wait3A_1460] : memref<15360x80xf32, #tpu.memory_space<vmem_shared>> -> memref<120x80xf32, #tpu.memory_space<vmem_shared>>
      %dma_wait3A_1462 = arith.constant 0 : i32
      %dma_wait3A_1463 = tpu.memref_slice %arg6[%add3A_29, %dma_wait3A_1462] : memref<15360x80xf32, #tpu.memory_space<vmem_shared>> -> memref<120x80xf32, #tpu.memory_space<vmem_shared>>
      %dma_wait3A_1464 = arith.constant 0 : i32
      %dma_wait3A_1465 = arith.constant 0 : i32
      %dma_wait3A_1466 = tpu.memref_slice %arg11[%dma_wait3A_1464, %dma_wait3A_1465] : memref<128x80xf32, #tpu.memory_space<vmem>> -> memref<120x80xf32, #tpu.memory_space<vmem>>
      tpu.wait_dma2 semaphore(%run_scoped3A : memref<!tpu.dma_semaphore, #tpu.memory_space<semaphore_mem>>) src(%dma_wait3A_1466 : memref<120x80xf32, #tpu.memory_space<vmem>>) dst(%dma_wait3A_1463 : memref<120x80xf32, #tpu.memory_space<vmem_shared>>)
      tpu.yield
    }) : () -> ()
    %mul3A_30 = arith.constant 960 : i32
    %mul3A_31 = arith.muli %arg1, %mul3A_30 : i32
    %add3A_32 = arith.constant 720 : i32
    %add3A_33 = arith.addi %mul3A_31, %add3A_32 : i32
    "tpu.region"() ({
      %run_scoped3A = tpu.sem_alloc : memref<!tpu.dma_semaphore, #tpu.memory_space<semaphore_mem>>
      %dma_start3A_1447 = arith.constant 0 : i32
      %dma_start3A_1448 = arith.constant 0 : i32
      %dma_start3A_1449 = tpu.memref_slice %arg11[%dma_start3A_1447, %dma_start3A_1448] : memref<128x80xf32, #tpu.memory_space<vmem>> -> memref<120x80xf32, #tpu.memory_space<vmem>>
      %dma_start3A_1450 = arith.constant 0 : i32
      %dma_start3A_1451 = tpu.memref_slice %arg6[%add3A_33, %dma_start3A_1450] : memref<15360x80xf32, #tpu.memory_space<vmem_shared>> -> memref<120x80xf32, #tpu.memory_space<vmem_shared>>
      %dma_start3A_1452 = arith.constant 0 : i32
      %dma_start3A_1453 = tpu.memref_slice %arg6[%add3A_33, %dma_start3A_1452] : memref<15360x80xf32, #tpu.memory_space<vmem_shared>> -> memref<120x80xf32, #tpu.memory_space<vmem_shared>>
      %dma_start3A_1454 = arith.constant 0 : i32
      %dma_start3A_1455 = arith.constant 0 : i32
      %dma_start3A_1456 = tpu.memref_slice %arg11[%dma_start3A_1454, %dma_start3A_1455] : memref<128x80xf32, #tpu.memory_space<vmem>> -> memref<120x80xf32, #tpu.memory_space<vmem>>
      tpu.enqueue_dma source(%dma_start3A_1456 : memref<120x80xf32, #tpu.memory_space<vmem>>) target(%dma_start3A_1453 : memref<120x80xf32, #tpu.memory_space<vmem_shared>>) target_semaphore(%run_scoped3A : memref<!tpu.dma_semaphore, #tpu.memory_space<semaphore_mem>>)
      %dma_wait3A_1457 = arith.constant 0 : i32
      %dma_wait3A_1458 = arith.constant 0 : i32
      %dma_wait3A_1459 = tpu.memref_slice %arg11[%dma_wait3A_1457, %dma_wait3A_1458] : memref<128x80xf32, #tpu.memory_space<vmem>> -> memref<120x80xf32, #tpu.memory_space<vmem>>
      %dma_wait3A_1460 = arith.constant 0 : i32
      %dma_wait3A_1461 = tpu.memref_slice %arg6[%add3A_33, %dma_wait3A_1460] : memref<15360x80xf32, #tpu.memory_space<vmem_shared>> -> memref<120x80xf32, #tpu.memory_space<vmem_shared>>
      %dma_wait3A_1462 = arith.constant 0 : i32
      %dma_wait3A_1463 = tpu.memref_slice %arg6[%add3A_33, %dma_wait3A_1462] : memref<15360x80xf32, #tpu.memory_space<vmem_shared>> -> memref<120x80xf32, #tpu.memory_space<vmem_shared>>
      %dma_wait3A_1464 = arith.constant 0 : i32
      %dma_wait3A_1465 = arith.constant 0 : i32
      %dma_wait3A_1466 = tpu.memref_slice %arg11[%dma_wait3A_1464, %dma_wait3A_1465] : memref<128x80xf32, #tpu.memory_space<vmem>> -> memref<120x80xf32, #tpu.memory_space<vmem>>
      tpu.wait_dma2 semaphore(%run_scoped3A : memref<!tpu.dma_semaphore, #tpu.memory_space<semaphore_mem>>) src(%dma_wait3A_1466 : memref<120x80xf32, #tpu.memory_space<vmem>>) dst(%dma_wait3A_1463 : memref<120x80xf32, #tpu.memory_space<vmem_shared>>)
      tpu.yield
    }) : () -> ()
    %mul3A_34 = arith.constant 960 : i32
    %mul3A_35 = arith.muli %arg1, %mul3A_34 : i32
    %add3A_36 = arith.constant 840 : i32
    %add3A_37 = arith.addi %mul3A_35, %add3A_36 : i32
    "tpu.region"() ({
      %run_scoped3A = tpu.sem_alloc : memref<!tpu.dma_semaphore, #tpu.memory_space<semaphore_mem>>
      %dma_start3A_1447 = arith.constant 0 : i32
      %dma_start3A_1448 = arith.constant 0 : i32
      %dma_start3A_1449 = tpu.memref_slice %arg11[%dma_start3A_1447, %dma_start3A_1448] : memref<128x80xf32, #tpu.memory_space<vmem>> -> memref<120x80xf32, #tpu.memory_space<vmem>>
      %dma_start3A_1450 = arith.constant 0 : i32
      %dma_start3A_1451 = tpu.memref_slice %arg6[%add3A_37, %dma_start3A_1450] : memref<15360x80xf32, #tpu.memory_space<vmem_shared>> -> memref<120x80xf32, #tpu.memory_space<vmem_shared>>
      %dma_start3A_1452 = arith.constant 0 : i32
      %dma_start3A_1453 = tpu.memref_slice %arg6[%add3A_37, %dma_start3A_1452] : memref<15360x80xf32, #tpu.memory_space<vmem_shared>> -> memref<120x80xf32, #tpu.memory_space<vmem_shared>>
      %dma_start3A_1454 = arith.constant 0 : i32
      %dma_start3A_1455 = arith.constant 0 : i32
      %dma_start3A_1456 = tpu.memref_slice %arg11[%dma_start3A_1454, %dma_start3A_1455] : memref<128x80xf32, #tpu.memory_space<vmem>> -> memref<120x80xf32, #tpu.memory_space<vmem>>
      tpu.enqueue_dma source(%dma_start3A_1456 : memref<120x80xf32, #tpu.memory_space<vmem>>) target(%dma_start3A_1453 : memref<120x80xf32, #tpu.memory_space<vmem_shared>>) target_semaphore(%run_scoped3A : memref<!tpu.dma_semaphore, #tpu.memory_space<semaphore_mem>>)
      %dma_wait3A_1457 = arith.constant 0 : i32
      %dma_wait3A_1458 = arith.constant 0 : i32
      %dma_wait3A_1459 = tpu.memref_slice %arg11[%dma_wait3A_1457, %dma_wait3A_1458] : memref<128x80xf32, #tpu.memory_space<vmem>> -> memref<120x80xf32, #tpu.memory_space<vmem>>
      %dma_wait3A_1460 = arith.constant 0 : i32
      %dma_wait3A_1461 = tpu.memref_slice %arg6[%add3A_37, %dma_wait3A_1460] : memref<15360x80xf32, #tpu.memory_space<vmem_shared>> -> memref<120x80xf32, #tpu.memory_space<vmem_shared>>
      %dma_wait3A_1462 = arith.constant 0 : i32
      %dma_wait3A_1463 = tpu.memref_slice %arg6[%add3A_37, %dma_wait3A_1462] : memref<15360x80xf32, #tpu.memory_space<vmem_shared>> -> memref<120x80xf32, #tpu.memory_space<vmem_shared>>
      %dma_wait3A_1464 = arith.constant 0 : i32
      %dma_wait3A_1465 = arith.constant 0 : i32
      %dma_wait3A_1466 = tpu.memref_slice %arg11[%dma_wait3A_1464, %dma_wait3A_1465] : memref<128x80xf32, #tpu.memory_space<vmem>> -> memref<120x80xf32, #tpu.memory_space<vmem>>
      tpu.wait_dma2 semaphore(%run_scoped3A : memref<!tpu.dma_semaphore, #tpu.memory_space<semaphore_mem>>) src(%dma_wait3A_1466 : memref<120x80xf32, #tpu.memory_space<vmem>>) dst(%dma_wait3A_1463 : memref<120x80xf32, #tpu.memory_space<vmem_shared>>)
      tpu.yield
    }) : () -> ()
    %mul3A_38 = arith.constant 16 : i32
    %mul3A_39 = arith.muli %add3A, %mul3A_38 : i32
    "tpu.region"() ({
      %run_scoped3A = tpu.sem_alloc : memref<!tpu.dma_semaphore, #tpu.memory_space<semaphore_mem>>
      %dma_start3A_1447 = arith.constant 0 : i32
      %dma_start3A_1448 = tpu.memref_slice %arg3[%mul3A_39, %dma_start3A_1447] : memref<512x128xi32, #tpu.memory_space<hbm>> -> memref<16x128xi32, #tpu.memory_space<hbm>>
      %dma_start3A_1449 = arith.constant 0 : i32
      %dma_start3A_1450 = tpu.memref_slice %arg3[%mul3A_39, %dma_start3A_1449] : memref<512x128xi32, #tpu.memory_space<hbm>> -> memref<16x128xi32, #tpu.memory_space<hbm>>
      tpu.enqueue_dma source(%dma_start3A_1450 : memref<16x128xi32, #tpu.memory_space<hbm>>) target(%arg7 : memref<16x128xi32, #tpu.memory_space<vmem>>) target_semaphore(%run_scoped3A : memref<!tpu.dma_semaphore, #tpu.memory_space<semaphore_mem>>)
      %dma_wait3A_1451 = arith.constant 0 : i32
      %dma_wait3A_1452 = tpu.memref_slice %arg3[%mul3A_39, %dma_wait3A_1451] : memref<512x128xi32, #tpu.memory_space<hbm>> -> memref<16x128xi32, #tpu.memory_space<hbm>>
      %dma_wait3A_1453 = arith.constant 0 : i32
      %dma_wait3A_1454 = tpu.memref_slice %arg3[%mul3A_39, %dma_wait3A_1453] : memref<512x128xi32, #tpu.memory_space<hbm>> -> memref<16x128xi32, #tpu.memory_space<hbm>>
      tpu.wait_dma2 semaphore(%run_scoped3A : memref<!tpu.dma_semaphore, #tpu.memory_space<semaphore_mem>>) src(%dma_wait3A_1454 : memref<16x128xi32, #tpu.memory_space<hbm>>) dst(%arg7 : memref<16x128xi32, #tpu.memory_space<vmem>>)
      tpu.yield
    }) : () -> ()
    %mul3A_40 = arith.constant 16 : i32
    %mul3A_41 = arith.muli %add3A, %mul3A_40 : i32
    "tpu.region"() ({
      %run_scoped3A = tpu.sem_alloc : memref<!tpu.dma_semaphore, #tpu.memory_space<semaphore_mem>>
      %dma_start3A_1447 = arith.constant 0 : i32
      %dma_start3A_1448 = tpu.memref_slice %arg4[%mul3A_41, %dma_start3A_1447] : memref<512x128xi32, #tpu.memory_space<hbm>> -> memref<16x128xi32, #tpu.memory_space<hbm>>
      %dma_start3A_1449 = arith.constant 0 : i32
      %dma_start3A_1450 = tpu.memref_slice %arg4[%mul3A_41, %dma_start3A_1449] : memref<512x128xi32, #tpu.memory_space<hbm>> -> memref<16x128xi32, #tpu.memory_space<hbm>>
      tpu.enqueue_dma source(%dma_start3A_1450 : memref<16x128xi32, #tpu.memory_space<hbm>>) target(%arg8 : memref<16x128xi32, #tpu.memory_space<vmem>>) target_semaphore(%run_scoped3A : memref<!tpu.dma_semaphore, #tpu.memory_space<semaphore_mem>>)
      %dma_wait3A_1451 = arith.constant 0 : i32
      %dma_wait3A_1452 = tpu.memref_slice %arg4[%mul3A_41, %dma_wait3A_1451] : memref<512x128xi32, #tpu.memory_space<hbm>> -> memref<16x128xi32, #tpu.memory_space<hbm>>
      %dma_wait3A_1453 = arith.constant 0 : i32
      %dma_wait3A_1454 = tpu.memref_slice %arg4[%mul3A_41, %dma_wait3A_1453] : memref<512x128xi32, #tpu.memory_space<hbm>> -> memref<16x128xi32, #tpu.memory_space<hbm>>
      tpu.wait_dma2 semaphore(%run_scoped3A : memref<!tpu.dma_semaphore, #tpu.memory_space<semaphore_mem>>) src(%dma_wait3A_1454 : memref<16x128xi32, #tpu.memory_space<hbm>>) dst(%arg8 : memref<16x128xi32, #tpu.memory_space<vmem>>)
      tpu.yield
    }) : () -> ()
    %barrier3A = arith.constant 0 : index
    tpu.barrier barrier_id(%barrier3A)
    %dma_start3A = arith.constant 0 : i32
    %dma_start3A_42 = arith.constant 0 : i32
    %dma_start3A_43 = tpu.memref_slice %arg7[%dma_start3A, %dma_start3A_42] : memref<16x128xi32, #tpu.memory_space<vmem>> -> memref<1x128xi32, #tpu.memory_space<vmem>>
    %dma_start3A_44 = tpu.memref_squeeze %dma_start3A_43 : memref<1x128xi32, #tpu.memory_space<vmem>> -> memref<128xi32, #tpu.memory_space<vmem>>
    %dma_start3A_45 = arith.constant 0 : i32
    %dma_start3A_46 = arith.constant 0 : i32
    %dma_start3A_47 = tpu.memref_slice %arg2[%dma_start3A_45, %dma_start3A_46] : memref<19200x80xf32, #tpu.memory_space<hbm>> -> memref<19200x80xf32, #tpu.memory_space<hbm>>
    tpu.enqueue_indirect_dma source(%dma_start3A_47 : memref<19200x80xf32, #tpu.memory_space<hbm>>) target(%arg9 : memref<128x80xf32, #tpu.memory_space<vmem>>) offsets(%dma_start3A_44 : memref<128xi32, #tpu.memory_space<vmem>>) semaphore(%arg13 : memref<!tpu.dma_semaphore, #tpu.memory_space<semaphore_mem>>)
    %dma_start3A_48 = arith.constant 1 : i32
    %dma_start3A_49 = arith.constant 0 : i32
    %dma_start3A_50 = tpu.memref_slice %arg7[%dma_start3A_48, %dma_start3A_49] : memref<16x128xi32, #tpu.memory_space<vmem>> -> memref<1x128xi32, #tpu.memory_space<vmem>>
    %dma_start3A_51 = tpu.memref_squeeze %dma_start3A_50 : memref<1x128xi32, #tpu.memory_space<vmem>> -> memref<128xi32, #tpu.memory_space<vmem>>
    %dma_start3A_52 = arith.constant 0 : i32
    %dma_start3A_53 = arith.constant 0 : i32
    %dma_start3A_54 = tpu.memref_slice %arg2[%dma_start3A_52, %dma_start3A_53] : memref<19200x80xf32, #tpu.memory_space<hbm>> -> memref<19200x80xf32, #tpu.memory_space<hbm>>
    tpu.enqueue_indirect_dma source(%dma_start3A_54 : memref<19200x80xf32, #tpu.memory_space<hbm>>) target(%arg10 : memref<128x80xf32, #tpu.memory_space<vmem>>) offsets(%dma_start3A_51 : memref<128xi32, #tpu.memory_space<vmem>>) semaphore(%arg13 : memref<!tpu.dma_semaphore, #tpu.memory_space<semaphore_mem>>)
    %dma_start3A_55 = arith.constant 2 : i32
    %dma_start3A_56 = arith.constant 0 : i32
    %dma_start3A_57 = tpu.memref_slice %arg7[%dma_start3A_55, %dma_start3A_56] : memref<16x128xi32, #tpu.memory_space<vmem>> -> memref<1x128xi32, #tpu.memory_space<vmem>>
    %dma_start3A_58 = tpu.memref_squeeze %dma_start3A_57 : memref<1x128xi32, #tpu.memory_space<vmem>> -> memref<128xi32, #tpu.memory_space<vmem>>
    %dma_start3A_59 = arith.constant 0 : i32
    %dma_start3A_60 = arith.constant 0 : i32
    %dma_start3A_61 = tpu.memref_slice %arg2[%dma_start3A_59, %dma_start3A_60] : memref<19200x80xf32, #tpu.memory_space<hbm>> -> memref<19200x80xf32, #tpu.memory_space<hbm>>
    tpu.enqueue_indirect_dma source(%dma_start3A_61 : memref<19200x80xf32, #tpu.memory_space<hbm>>) target(%arg11 : memref<128x80xf32, #tpu.memory_space<vmem>>) offsets(%dma_start3A_58 : memref<128xi32, #tpu.memory_space<vmem>>) semaphore(%arg13 : memref<!tpu.dma_semaphore, #tpu.memory_space<semaphore_mem>>)
    %dma_wait3A = arith.constant 0 : i32
    %dma_wait3A_62 = arith.constant 0 : i32
    %dma_wait3A_63 = tpu.memref_slice %arg7[%dma_wait3A, %dma_wait3A_62] : memref<16x128xi32, #tpu.memory_space<vmem>> -> memref<1x128xi32, #tpu.memory_space<vmem>>
    %dma_wait3A_64 = tpu.memref_squeeze %dma_wait3A_63 : memref<1x128xi32, #tpu.memory_space<vmem>> -> memref<128xi32, #tpu.memory_space<vmem>>
    %dma_wait3A_65 = arith.constant 0 : i32
    %dma_wait3A_66 = arith.constant 0 : i32
    %dma_wait3A_67 = tpu.memref_slice %arg2[%dma_wait3A_65, %dma_wait3A_66] : memref<19200x80xf32, #tpu.memory_space<hbm>> -> memref<19200x80xf32, #tpu.memory_space<hbm>>
    tpu.wait_indirect_dma semaphore(%arg13 : memref<!tpu.dma_semaphore, #tpu.memory_space<semaphore_mem>>) src(%dma_wait3A_67 : memref<19200x80xf32, #tpu.memory_space<hbm>>) dst(%arg9 : memref<128x80xf32, #tpu.memory_space<vmem>>)
    %dma_start3A_68 = arith.constant 0 : i32
    %dma_start3A_69 = arith.constant 0 : i32
    %dma_start3A_70 = tpu.memref_slice %arg8[%dma_start3A_68, %dma_start3A_69] : memref<16x128xi32, #tpu.memory_space<vmem>> -> memref<1x128xi32, #tpu.memory_space<vmem>>
    %dma_start3A_71 = tpu.memref_squeeze %dma_start3A_70 : memref<1x128xi32, #tpu.memory_space<vmem>> -> memref<128xi32, #tpu.memory_space<vmem>>
    %dma_start3A_72 = arith.constant 0 : i32
    %dma_start3A_73 = arith.constant 0 : i32
    %dma_start3A_74 = tpu.memref_slice %arg6[%dma_start3A_72, %dma_start3A_73] : memref<15360x80xf32, #tpu.memory_space<vmem_shared>> -> memref<15360x80xf32, #tpu.memory_space<vmem_shared>>
    tpu.enqueue_indirect_dma source(%arg9 : memref<128x80xf32, #tpu.memory_space<vmem>>) target(%dma_start3A_74 : memref<15360x80xf32, #tpu.memory_space<vmem_shared>>) offsets(%dma_start3A_71 : memref<128xi32, #tpu.memory_space<vmem>>) semaphore(%arg14 : memref<!tpu.dma_semaphore, #tpu.memory_space<semaphore_mem>>) {add = true}
    %dma_wait3A_75 = arith.constant 0 : i32
    %dma_wait3A_76 = arith.constant 0 : i32
    %dma_wait3A_77 = tpu.memref_slice %arg8[%dma_wait3A_75, %dma_wait3A_76] : memref<16x128xi32, #tpu.memory_space<vmem>> -> memref<1x128xi32, #tpu.memory_space<vmem>>
    %dma_wait3A_78 = tpu.memref_squeeze %dma_wait3A_77 : memref<1x128xi32, #tpu.memory_space<vmem>> -> memref<128xi32, #tpu.memory_space<vmem>>
    %dma_wait3A_79 = arith.constant 0 : i32
    %dma_wait3A_80 = arith.constant 0 : i32
    %dma_wait3A_81 = tpu.memref_slice %arg6[%dma_wait3A_79, %dma_wait3A_80] : memref<15360x80xf32, #tpu.memory_space<vmem_shared>> -> memref<15360x80xf32, #tpu.memory_space<vmem_shared>>
    tpu.wait_indirect_dma semaphore(%arg14 : memref<!tpu.dma_semaphore, #tpu.memory_space<semaphore_mem>>) src(%arg9 : memref<128x80xf32, #tpu.memory_space<vmem>>) dst(%dma_wait3A_81 : memref<15360x80xf32, #tpu.memory_space<vmem_shared>>)
    %dma_start3A_82 = arith.constant 3 : i32
    %dma_start3A_83 = arith.constant 0 : i32
    %dma_start3A_84 = tpu.memref_slice %arg7[%dma_start3A_82, %dma_start3A_83] : memref<16x128xi32, #tpu.memory_space<vmem>> -> memref<1x128xi32, #tpu.memory_space<vmem>>
    %dma_start3A_85 = tpu.memref_squeeze %dma_start3A_84 : memref<1x128xi32, #tpu.memory_space<vmem>> -> memref<128xi32, #tpu.memory_space<vmem>>
    %dma_start3A_86 = arith.constant 0 : i32
    %dma_start3A_87 = arith.constant 0 : i32
    %dma_start3A_88 = tpu.memref_slice %arg2[%dma_start3A_86, %dma_start3A_87] : memref<19200x80xf32, #tpu.memory_space<hbm>> -> memref<19200x80xf32, #tpu.memory_space<hbm>>
    tpu.enqueue_indirect_dma source(%dma_start3A_88 : memref<19200x80xf32, #tpu.memory_space<hbm>>) target(%arg9 : memref<128x80xf32, #tpu.memory_space<vmem>>) offsets(%dma_start3A_85 : memref<128xi32, #tpu.memory_space<vmem>>) semaphore(%arg13 : memref<!tpu.dma_semaphore, #tpu.memory_space<semaphore_mem>>)
    %dma_wait3A_89 = arith.constant 1 : i32
    %dma_wait3A_90 = arith.constant 0 : i32
    %dma_wait3A_91 = tpu.memref_slice %arg7[%dma_wait3A_89, %dma_wait3A_90] : memref<16x128xi32, #tpu.memory_space<vmem>> -> memref<1x128xi32, #tpu.memory_space<vmem>>
    %dma_wait3A_92 = tpu.memref_squeeze %dma_wait3A_91 : memref<1x128xi32, #tpu.memory_space<vmem>> -> memref<128xi32, #tpu.memory_space<vmem>>
    %dma_wait3A_93 = arith.constant 0 : i32
    %dma_wait3A_94 = arith.constant 0 : i32
    %dma_wait3A_95 = tpu.memref_slice %arg2[%dma_wait3A_93, %dma_wait3A_94] : memref<19200x80xf32, #tpu.memory_space<hbm>> -> memref<19200x80xf32, #tpu.memory_space<hbm>>
    tpu.wait_indirect_dma semaphore(%arg13 : memref<!tpu.dma_semaphore, #tpu.memory_space<semaphore_mem>>) src(%dma_wait3A_95 : memref<19200x80xf32, #tpu.memory_space<hbm>>) dst(%arg10 : memref<128x80xf32, #tpu.memory_space<vmem>>)
    %dma_start3A_96 = arith.constant 1 : i32
    %dma_start3A_97 = arith.constant 0 : i32
    %dma_start3A_98 = tpu.memref_slice %arg8[%dma_start3A_96, %dma_start3A_97] : memref<16x128xi32, #tpu.memory_space<vmem>> -> memref<1x128xi32, #tpu.memory_space<vmem>>
    %dma_start3A_99 = tpu.memref_squeeze %dma_start3A_98 : memref<1x128xi32, #tpu.memory_space<vmem>> -> memref<128xi32, #tpu.memory_space<vmem>>
    %dma_start3A_100 = arith.constant 0 : i32
    %dma_start3A_101 = arith.constant 0 : i32
    %dma_start3A_102 = tpu.memref_slice %arg6[%dma_start3A_100, %dma_start3A_101] : memref<15360x80xf32, #tpu.memory_space<vmem_shared>> -> memref<15360x80xf32, #tpu.memory_space<vmem_shared>>
    tpu.enqueue_indirect_dma source(%arg10 : memref<128x80xf32, #tpu.memory_space<vmem>>) target(%dma_start3A_102 : memref<15360x80xf32, #tpu.memory_space<vmem_shared>>) offsets(%dma_start3A_99 : memref<128xi32, #tpu.memory_space<vmem>>) semaphore(%arg14 : memref<!tpu.dma_semaphore, #tpu.memory_space<semaphore_mem>>) {add = true}
    %dma_wait3A_103 = arith.constant 1 : i32
    %dma_wait3A_104 = arith.constant 0 : i32
    %dma_wait3A_105 = tpu.memref_slice %arg8[%dma_wait3A_103, %dma_wait3A_104] : memref<16x128xi32, #tpu.memory_space<vmem>> -> memref<1x128xi32, #tpu.memory_space<vmem>>
    %dma_wait3A_106 = tpu.memref_squeeze %dma_wait3A_105 : memref<1x128xi32, #tpu.memory_space<vmem>> -> memref<128xi32, #tpu.memory_space<vmem>>
    %dma_wait3A_107 = arith.constant 0 : i32
    %dma_wait3A_108 = arith.constant 0 : i32
    %dma_wait3A_109 = tpu.memref_slice %arg6[%dma_wait3A_107, %dma_wait3A_108] : memref<15360x80xf32, #tpu.memory_space<vmem_shared>> -> memref<15360x80xf32, #tpu.memory_space<vmem_shared>>
    tpu.wait_indirect_dma semaphore(%arg14 : memref<!tpu.dma_semaphore, #tpu.memory_space<semaphore_mem>>) src(%arg10 : memref<128x80xf32, #tpu.memory_space<vmem>>) dst(%dma_wait3A_109 : memref<15360x80xf32, #tpu.memory_space<vmem_shared>>)
    %dma_start3A_110 = arith.constant 4 : i32
    %dma_start3A_111 = arith.constant 0 : i32
    %dma_start3A_112 = tpu.memref_slice %arg7[%dma_start3A_110, %dma_start3A_111] : memref<16x128xi32, #tpu.memory_space<vmem>> -> memref<1x128xi32, #tpu.memory_space<vmem>>
    %dma_start3A_113 = tpu.memref_squeeze %dma_start3A_112 : memref<1x128xi32, #tpu.memory_space<vmem>> -> memref<128xi32, #tpu.memory_space<vmem>>
    %dma_start3A_114 = arith.constant 0 : i32
    %dma_start3A_115 = arith.constant 0 : i32
    %dma_start3A_116 = tpu.memref_slice %arg2[%dma_start3A_114, %dma_start3A_115] : memref<19200x80xf32, #tpu.memory_space<hbm>> -> memref<19200x80xf32, #tpu.memory_space<hbm>>
    tpu.enqueue_indirect_dma source(%dma_start3A_116 : memref<19200x80xf32, #tpu.memory_space<hbm>>) target(%arg10 : memref<128x80xf32, #tpu.memory_space<vmem>>) offsets(%dma_start3A_113 : memref<128xi32, #tpu.memory_space<vmem>>) semaphore(%arg13 : memref<!tpu.dma_semaphore, #tpu.memory_space<semaphore_mem>>)
    %dma_wait3A_117 = arith.constant 2 : i32
    %dma_wait3A_118 = arith.constant 0 : i32
    %dma_wait3A_119 = tpu.memref_slice %arg7[%dma_wait3A_117, %dma_wait3A_118] : memref<16x128xi32, #tpu.memory_space<vmem>> -> memref<1x128xi32, #tpu.memory_space<vmem>>
    %dma_wait3A_120 = tpu.memref_squeeze %dma_wait3A_119 : memref<1x128xi32, #tpu.memory_space<vmem>> -> memref<128xi32, #tpu.memory_space<vmem>>
    %dma_wait3A_121 = arith.constant 0 : i32
    %dma_wait3A_122 = arith.constant 0 : i32
    %dma_wait3A_123 = tpu.memref_slice %arg2[%dma_wait3A_121, %dma_wait3A_122] : memref<19200x80xf32, #tpu.memory_space<hbm>> -> memref<19200x80xf32, #tpu.memory_space<hbm>>
    tpu.wait_indirect_dma semaphore(%arg13 : memref<!tpu.dma_semaphore, #tpu.memory_space<semaphore_mem>>) src(%dma_wait3A_123 : memref<19200x80xf32, #tpu.memory_space<hbm>>) dst(%arg11 : memref<128x80xf32, #tpu.memory_space<vmem>>)
    %dma_start3A_124 = arith.constant 2 : i32
    %dma_start3A_125 = arith.constant 0 : i32
    %dma_start3A_126 = tpu.memref_slice %arg8[%dma_start3A_124, %dma_start3A_125] : memref<16x128xi32, #tpu.memory_space<vmem>> -> memref<1x128xi32, #tpu.memory_space<vmem>>
    %dma_start3A_127 = tpu.memref_squeeze %dma_start3A_126 : memref<1x128xi32, #tpu.memory_space<vmem>> -> memref<128xi32, #tpu.memory_space<vmem>>
    %dma_start3A_128 = arith.constant 0 : i32
    %dma_start3A_129 = arith.constant 0 : i32
    %dma_start3A_130 = tpu.memref_slice %arg6[%dma_start3A_128, %dma_start3A_129] : memref<15360x80xf32, #tpu.memory_space<vmem_shared>> -> memref<15360x80xf32, #tpu.memory_space<vmem_shared>>
    tpu.enqueue_indirect_dma source(%arg11 : memref<128x80xf32, #tpu.memory_space<vmem>>) target(%dma_start3A_130 : memref<15360x80xf32, #tpu.memory_space<vmem_shared>>) offsets(%dma_start3A_127 : memref<128xi32, #tpu.memory_space<vmem>>) semaphore(%arg14 : memref<!tpu.dma_semaphore, #tpu.memory_space<semaphore_mem>>) {add = true}
    %dma_wait3A_131 = arith.constant 2 : i32
    %dma_wait3A_132 = arith.constant 0 : i32
    %dma_wait3A_133 = tpu.memref_slice %arg8[%dma_wait3A_131, %dma_wait3A_132] : memref<16x128xi32, #tpu.memory_space<vmem>> -> memref<1x128xi32, #tpu.memory_space<vmem>>
    %dma_wait3A_134 = tpu.memref_squeeze %dma_wait3A_133 : memref<1x128xi32, #tpu.memory_space<vmem>> -> memref<128xi32, #tpu.memory_space<vmem>>
    %dma_wait3A_135 = arith.constant 0 : i32
    %dma_wait3A_136 = arith.constant 0 : i32
    %dma_wait3A_137 = tpu.memref_slice %arg6[%dma_wait3A_135, %dma_wait3A_136] : memref<15360x80xf32, #tpu.memory_space<vmem_shared>> -> memref<15360x80xf32, #tpu.memory_space<vmem_shared>>
    tpu.wait_indirect_dma semaphore(%arg14 : memref<!tpu.dma_semaphore, #tpu.memory_space<semaphore_mem>>) src(%arg11 : memref<128x80xf32, #tpu.memory_space<vmem>>) dst(%dma_wait3A_137 : memref<15360x80xf32, #tpu.memory_space<vmem_shared>>)
    %dma_start3A_138 = arith.constant 5 : i32
    %dma_start3A_139 = arith.constant 0 : i32
    %dma_start3A_140 = tpu.memref_slice %arg7[%dma_start3A_138, %dma_start3A_139] : memref<16x128xi32, #tpu.memory_space<vmem>> -> memref<1x128xi32, #tpu.memory_space<vmem>>
    %dma_start3A_141 = tpu.memref_squeeze %dma_start3A_140 : memref<1x128xi32, #tpu.memory_space<vmem>> -> memref<128xi32, #tpu.memory_space<vmem>>
    %dma_start3A_142 = arith.constant 0 : i32
    %dma_start3A_143 = arith.constant 0 : i32
    %dma_start3A_144 = tpu.memref_slice %arg2[%dma_start3A_142, %dma_start3A_143] : memref<19200x80xf32, #tpu.memory_space<hbm>> -> memref<19200x80xf32, #tpu.memory_space<hbm>>
    tpu.enqueue_indirect_dma source(%dma_start3A_144 : memref<19200x80xf32, #tpu.memory_space<hbm>>) target(%arg11 : memref<128x80xf32, #tpu.memory_space<vmem>>) offsets(%dma_start3A_141 : memref<128xi32, #tpu.memory_space<vmem>>) semaphore(%arg13 : memref<!tpu.dma_semaphore, #tpu.memory_space<semaphore_mem>>)
    %dma_wait3A_145 = arith.constant 3 : i32
    %dma_wait3A_146 = arith.constant 0 : i32
    %dma_wait3A_147 = tpu.memref_slice %arg7[%dma_wait3A_145, %dma_wait3A_146] : memref<16x128xi32, #tpu.memory_space<vmem>> -> memref<1x128xi32, #tpu.memory_space<vmem>>
    %dma_wait3A_148 = tpu.memref_squeeze %dma_wait3A_147 : memref<1x128xi32, #tpu.memory_space<vmem>> -> memref<128xi32, #tpu.memory_space<vmem>>
    %dma_wait3A_149 = arith.constant 0 : i32
    %dma_wait3A_150 = arith.constant 0 : i32
    %dma_wait3A_151 = tpu.memref_slice %arg2[%dma_wait3A_149, %dma_wait3A_150] : memref<19200x80xf32, #tpu.memory_space<hbm>> -> memref<19200x80xf32, #tpu.memory_space<hbm>>
    tpu.wait_indirect_dma semaphore(%arg13 : memref<!tpu.dma_semaphore, #tpu.memory_space<semaphore_mem>>) src(%dma_wait3A_151 : memref<19200x80xf32, #tpu.memory_space<hbm>>) dst(%arg9 : memref<128x80xf32, #tpu.memory_space<vmem>>)
    %dma_start3A_152 = arith.constant 3 : i32
    %dma_start3A_153 = arith.constant 0 : i32
    %dma_start3A_154 = tpu.memref_slice %arg8[%dma_start3A_152, %dma_start3A_153] : memref<16x128xi32, #tpu.memory_space<vmem>> -> memref<1x128xi32, #tpu.memory_space<vmem>>
    %dma_start3A_155 = tpu.memref_squeeze %dma_start3A_154 : memref<1x128xi32, #tpu.memory_space<vmem>> -> memref<128xi32, #tpu.memory_space<vmem>>
    %dma_start3A_156 = arith.constant 0 : i32
    %dma_start3A_157 = arith.constant 0 : i32
    %dma_start3A_158 = tpu.memref_slice %arg6[%dma_start3A_156, %dma_start3A_157] : memref<15360x80xf32, #tpu.memory_space<vmem_shared>> -> memref<15360x80xf32, #tpu.memory_space<vmem_shared>>
    tpu.enqueue_indirect_dma source(%arg9 : memref<128x80xf32, #tpu.memory_space<vmem>>) target(%dma_start3A_158 : memref<15360x80xf32, #tpu.memory_space<vmem_shared>>) offsets(%dma_start3A_155 : memref<128xi32, #tpu.memory_space<vmem>>) semaphore(%arg14 : memref<!tpu.dma_semaphore, #tpu.memory_space<semaphore_mem>>) {add = true}
    %dma_wait3A_159 = arith.constant 3 : i32
    %dma_wait3A_160 = arith.constant 0 : i32
    %dma_wait3A_161 = tpu.memref_slice %arg8[%dma_wait3A_159, %dma_wait3A_160] : memref<16x128xi32, #tpu.memory_space<vmem>> -> memref<1x128xi32, #tpu.memory_space<vmem>>
    %dma_wait3A_162 = tpu.memref_squeeze %dma_wait3A_161 : memref<1x128xi32, #tpu.memory_space<vmem>> -> memref<128xi32, #tpu.memory_space<vmem>>
    %dma_wait3A_163 = arith.constant 0 : i32
    %dma_wait3A_164 = arith.constant 0 : i32
    %dma_wait3A_165 = tpu.memref_slice %arg6[%dma_wait3A_163, %dma_wait3A_164] : memref<15360x80xf32, #tpu.memory_space<vmem_shared>> -> memref<15360x80xf32, #tpu.memory_space<vmem_shared>>
    tpu.wait_indirect_dma semaphore(%arg14 : memref<!tpu.dma_semaphore, #tpu.memory_space<semaphore_mem>>) src(%arg9 : memref<128x80xf32, #tpu.memory_space<vmem>>) dst(%dma_wait3A_165 : memref<15360x80xf32, #tpu.memory_space<vmem_shared>>)
    %dma_start3A_166 = arith.constant 6 : i32
    %dma_start3A_167 = arith.constant 0 : i32
    %dma_start3A_168 = tpu.memref_slice %arg7[%dma_start3A_166, %dma_start3A_167] : memref<16x128xi32, #tpu.memory_space<vmem>> -> memref<1x128xi32, #tpu.memory_space<vmem>>
    %dma_start3A_169 = tpu.memref_squeeze %dma_start3A_168 : memref<1x128xi32, #tpu.memory_space<vmem>> -> memref<128xi32, #tpu.memory_space<vmem>>
    %dma_start3A_170 = arith.constant 0 : i32
    %dma_start3A_171 = arith.constant 0 : i32
    %dma_start3A_172 = tpu.memref_slice %arg2[%dma_start3A_170, %dma_start3A_171] : memref<19200x80xf32, #tpu.memory_space<hbm>> -> memref<19200x80xf32, #tpu.memory_space<hbm>>
    tpu.enqueue_indirect_dma source(%dma_start3A_172 : memref<19200x80xf32, #tpu.memory_space<hbm>>) target(%arg9 : memref<128x80xf32, #tpu.memory_space<vmem>>) offsets(%dma_start3A_169 : memref<128xi32, #tpu.memory_space<vmem>>) semaphore(%arg13 : memref<!tpu.dma_semaphore, #tpu.memory_space<semaphore_mem>>)
    %dma_wait3A_173 = arith.constant 4 : i32
    %dma_wait3A_174 = arith.constant 0 : i32
    %dma_wait3A_175 = tpu.memref_slice %arg7[%dma_wait3A_173, %dma_wait3A_174] : memref<16x128xi32, #tpu.memory_space<vmem>> -> memref<1x128xi32, #tpu.memory_space<vmem>>
    %dma_wait3A_176 = tpu.memref_squeeze %dma_wait3A_175 : memref<1x128xi32, #tpu.memory_space<vmem>> -> memref<128xi32, #tpu.memory_space<vmem>>
    %dma_wait3A_177 = arith.constant 0 : i32
    %dma_wait3A_178 = arith.constant 0 : i32
    %dma_wait3A_179 = tpu.memref_slice %arg2[%dma_wait3A_177, %dma_wait3A_178] : memref<19200x80xf32, #tpu.memory_space<hbm>> -> memref<19200x80xf32, #tpu.memory_space<hbm>>
    tpu.wait_indirect_dma semaphore(%arg13 : memref<!tpu.dma_semaphore, #tpu.memory_space<semaphore_mem>>) src(%dma_wait3A_179 : memref<19200x80xf32, #tpu.memory_space<hbm>>) dst(%arg10 : memref<128x80xf32, #tpu.memory_space<vmem>>)
    %dma_start3A_180 = arith.constant 4 : i32
    %dma_start3A_181 = arith.constant 0 : i32
    %dma_start3A_182 = tpu.memref_slice %arg8[%dma_start3A_180, %dma_start3A_181] : memref<16x128xi32, #tpu.memory_space<vmem>> -> memref<1x128xi32, #tpu.memory_space<vmem>>
    %dma_start3A_183 = tpu.memref_squeeze %dma_start3A_182 : memref<1x128xi32, #tpu.memory_space<vmem>> -> memref<128xi32, #tpu.memory_space<vmem>>
    %dma_start3A_184 = arith.constant 0 : i32
    %dma_start3A_185 = arith.constant 0 : i32
    %dma_start3A_186 = tpu.memref_slice %arg6[%dma_start3A_184, %dma_start3A_185] : memref<15360x80xf32, #tpu.memory_space<vmem_shared>> -> memref<15360x80xf32, #tpu.memory_space<vmem_shared>>
    tpu.enqueue_indirect_dma source(%arg10 : memref<128x80xf32, #tpu.memory_space<vmem>>) target(%dma_start3A_186 : memref<15360x80xf32, #tpu.memory_space<vmem_shared>>) offsets(%dma_start3A_183 : memref<128xi32, #tpu.memory_space<vmem>>) semaphore(%arg14 : memref<!tpu.dma_semaphore, #tpu.memory_space<semaphore_mem>>) {add = true}
    %dma_wait3A_187 = arith.constant 4 : i32
    %dma_wait3A_188 = arith.constant 0 : i32
    %dma_wait3A_189 = tpu.memref_slice %arg8[%dma_wait3A_187, %dma_wait3A_188] : memref<16x128xi32, #tpu.memory_space<vmem>> -> memref<1x128xi32, #tpu.memory_space<vmem>>
    %dma_wait3A_190 = tpu.memref_squeeze %dma_wait3A_189 : memref<1x128xi32, #tpu.memory_space<vmem>> -> memref<128xi32, #tpu.memory_space<vmem>>
    %dma_wait3A_191 = arith.constant 0 : i32
    %dma_wait3A_192 = arith.constant 0 : i32
    %dma_wait3A_193 = tpu.memref_slice %arg6[%dma_wait3A_191, %dma_wait3A_192] : memref<15360x80xf32, #tpu.memory_space<vmem_shared>> -> memref<15360x80xf32, #tpu.memory_space<vmem_shared>>
    tpu.wait_indirect_dma semaphore(%arg14 : memref<!tpu.dma_semaphore, #tpu.memory_space<semaphore_mem>>) src(%arg10 : memref<128x80xf32, #tpu.memory_space<vmem>>) dst(%dma_wait3A_193 : memref<15360x80xf32, #tpu.memory_space<vmem_shared>>)
    %dma_start3A_194 = arith.constant 7 : i32
    %dma_start3A_195 = arith.constant 0 : i32
    %dma_start3A_196 = tpu.memref_slice %arg7[%dma_start3A_194, %dma_start3A_195] : memref<16x128xi32, #tpu.memory_space<vmem>> -> memref<1x128xi32, #tpu.memory_space<vmem>>
    %dma_start3A_197 = tpu.memref_squeeze %dma_start3A_196 : memref<1x128xi32, #tpu.memory_space<vmem>> -> memref<128xi32, #tpu.memory_space<vmem>>
    %dma_start3A_198 = arith.constant 0 : i32
    %dma_start3A_199 = arith.constant 0 : i32
    %dma_start3A_200 = tpu.memref_slice %arg2[%dma_start3A_198, %dma_start3A_199] : memref<19200x80xf32, #tpu.memory_space<hbm>> -> memref<19200x80xf32, #tpu.memory_space<hbm>>
    tpu.enqueue_indirect_dma source(%dma_start3A_200 : memref<19200x80xf32, #tpu.memory_space<hbm>>) target(%arg10 : memref<128x80xf32, #tpu.memory_space<vmem>>) offsets(%dma_start3A_197 : memref<128xi32, #tpu.memory_space<vmem>>) semaphore(%arg13 : memref<!tpu.dma_semaphore, #tpu.memory_space<semaphore_mem>>)
    %dma_wait3A_201 = arith.constant 5 : i32
    %dma_wait3A_202 = arith.constant 0 : i32
    %dma_wait3A_203 = tpu.memref_slice %arg7[%dma_wait3A_201, %dma_wait3A_202] : memref<16x128xi32, #tpu.memory_space<vmem>> -> memref<1x128xi32, #tpu.memory_space<vmem>>
    %dma_wait3A_204 = tpu.memref_squeeze %dma_wait3A_203 : memref<1x128xi32, #tpu.memory_space<vmem>> -> memref<128xi32, #tpu.memory_space<vmem>>
    %dma_wait3A_205 = arith.constant 0 : i32
    %dma_wait3A_206 = arith.constant 0 : i32
    %dma_wait3A_207 = tpu.memref_slice %arg2[%dma_wait3A_205, %dma_wait3A_206] : memref<19200x80xf32, #tpu.memory_space<hbm>> -> memref<19200x80xf32, #tpu.memory_space<hbm>>
    tpu.wait_indirect_dma semaphore(%arg13 : memref<!tpu.dma_semaphore, #tpu.memory_space<semaphore_mem>>) src(%dma_wait3A_207 : memref<19200x80xf32, #tpu.memory_space<hbm>>) dst(%arg11 : memref<128x80xf32, #tpu.memory_space<vmem>>)
    %dma_start3A_208 = arith.constant 5 : i32
    %dma_start3A_209 = arith.constant 0 : i32
    %dma_start3A_210 = tpu.memref_slice %arg8[%dma_start3A_208, %dma_start3A_209] : memref<16x128xi32, #tpu.memory_space<vmem>> -> memref<1x128xi32, #tpu.memory_space<vmem>>
    %dma_start3A_211 = tpu.memref_squeeze %dma_start3A_210 : memref<1x128xi32, #tpu.memory_space<vmem>> -> memref<128xi32, #tpu.memory_space<vmem>>
    %dma_start3A_212 = arith.constant 0 : i32
    %dma_start3A_213 = arith.constant 0 : i32
    %dma_start3A_214 = tpu.memref_slice %arg6[%dma_start3A_212, %dma_start3A_213] : memref<15360x80xf32, #tpu.memory_space<vmem_shared>> -> memref<15360x80xf32, #tpu.memory_space<vmem_shared>>
    tpu.enqueue_indirect_dma source(%arg11 : memref<128x80xf32, #tpu.memory_space<vmem>>) target(%dma_start3A_214 : memref<15360x80xf32, #tpu.memory_space<vmem_shared>>) offsets(%dma_start3A_211 : memref<128xi32, #tpu.memory_space<vmem>>) semaphore(%arg14 : memref<!tpu.dma_semaphore, #tpu.memory_space<semaphore_mem>>) {add = true}
    %dma_wait3A_215 = arith.constant 5 : i32
    %dma_wait3A_216 = arith.constant 0 : i32
    %dma_wait3A_217 = tpu.memref_slice %arg8[%dma_wait3A_215, %dma_wait3A_216] : memref<16x128xi32, #tpu.memory_space<vmem>> -> memref<1x128xi32, #tpu.memory_space<vmem>>
    %dma_wait3A_218 = tpu.memref_squeeze %dma_wait3A_217 : memref<1x128xi32, #tpu.memory_space<vmem>> -> memref<128xi32, #tpu.memory_space<vmem>>
    %dma_wait3A_219 = arith.constant 0 : i32
    %dma_wait3A_220 = arith.constant 0 : i32
    %dma_wait3A_221 = tpu.memref_slice %arg6[%dma_wait3A_219, %dma_wait3A_220] : memref<15360x80xf32, #tpu.memory_space<vmem_shared>> -> memref<15360x80xf32, #tpu.memory_space<vmem_shared>>
    tpu.wait_indirect_dma semaphore(%arg14 : memref<!tpu.dma_semaphore, #tpu.memory_space<semaphore_mem>>) src(%arg11 : memref<128x80xf32, #tpu.memory_space<vmem>>) dst(%dma_wait3A_221 : memref<15360x80xf32, #tpu.memory_space<vmem_shared>>)
    %dma_start3A_222 = arith.constant 8 : i32
    %dma_start3A_223 = arith.constant 0 : i32
    %dma_start3A_224 = tpu.memref_slice %arg7[%dma_start3A_222, %dma_start3A_223] : memref<16x128xi32, #tpu.memory_space<vmem>> -> memref<1x128xi32, #tpu.memory_space<vmem>>
    %dma_start3A_225 = tpu.memref_squeeze %dma_start3A_224 : memref<1x128xi32, #tpu.memory_space<vmem>> -> memref<128xi32, #tpu.memory_space<vmem>>
    %dma_start3A_226 = arith.constant 0 : i32
    %dma_start3A_227 = arith.constant 0 : i32
    %dma_start3A_228 = tpu.memref_slice %arg2[%dma_start3A_226, %dma_start3A_227] : memref<19200x80xf32, #tpu.memory_space<hbm>> -> memref<19200x80xf32, #tpu.memory_space<hbm>>
    tpu.enqueue_indirect_dma source(%dma_start3A_228 : memref<19200x80xf32, #tpu.memory_space<hbm>>) target(%arg11 : memref<128x80xf32, #tpu.memory_space<vmem>>) offsets(%dma_start3A_225 : memref<128xi32, #tpu.memory_space<vmem>>) semaphore(%arg13 : memref<!tpu.dma_semaphore, #tpu.memory_space<semaphore_mem>>)
    %dma_wait3A_229 = arith.constant 6 : i32
    %dma_wait3A_230 = arith.constant 0 : i32
    %dma_wait3A_231 = tpu.memref_slice %arg7[%dma_wait3A_229, %dma_wait3A_230] : memref<16x128xi32, #tpu.memory_space<vmem>> -> memref<1x128xi32, #tpu.memory_space<vmem>>
    %dma_wait3A_232 = tpu.memref_squeeze %dma_wait3A_231 : memref<1x128xi32, #tpu.memory_space<vmem>> -> memref<128xi32, #tpu.memory_space<vmem>>
    %dma_wait3A_233 = arith.constant 0 : i32
    %dma_wait3A_234 = arith.constant 0 : i32
    %dma_wait3A_235 = tpu.memref_slice %arg2[%dma_wait3A_233, %dma_wait3A_234] : memref<19200x80xf32, #tpu.memory_space<hbm>> -> memref<19200x80xf32, #tpu.memory_space<hbm>>
    tpu.wait_indirect_dma semaphore(%arg13 : memref<!tpu.dma_semaphore, #tpu.memory_space<semaphore_mem>>) src(%dma_wait3A_235 : memref<19200x80xf32, #tpu.memory_space<hbm>>) dst(%arg9 : memref<128x80xf32, #tpu.memory_space<vmem>>)
    %dma_start3A_236 = arith.constant 6 : i32
    %dma_start3A_237 = arith.constant 0 : i32
    %dma_start3A_238 = tpu.memref_slice %arg8[%dma_start3A_236, %dma_start3A_237] : memref<16x128xi32, #tpu.memory_space<vmem>> -> memref<1x128xi32, #tpu.memory_space<vmem>>
    %dma_start3A_239 = tpu.memref_squeeze %dma_start3A_238 : memref<1x128xi32, #tpu.memory_space<vmem>> -> memref<128xi32, #tpu.memory_space<vmem>>
    %dma_start3A_240 = arith.constant 0 : i32
    %dma_start3A_241 = arith.constant 0 : i32
    %dma_start3A_242 = tpu.memref_slice %arg6[%dma_start3A_240, %dma_start3A_241] : memref<15360x80xf32, #tpu.memory_space<vmem_shared>> -> memref<15360x80xf32, #tpu.memory_space<vmem_shared>>
    tpu.enqueue_indirect_dma source(%arg9 : memref<128x80xf32, #tpu.memory_space<vmem>>) target(%dma_start3A_242 : memref<15360x80xf32, #tpu.memory_space<vmem_shared>>) offsets(%dma_start3A_239 : memref<128xi32, #tpu.memory_space<vmem>>) semaphore(%arg14 : memref<!tpu.dma_semaphore, #tpu.memory_space<semaphore_mem>>) {add = true}
    %dma_wait3A_243 = arith.constant 6 : i32
    %dma_wait3A_244 = arith.constant 0 : i32
    %dma_wait3A_245 = tpu.memref_slice %arg8[%dma_wait3A_243, %dma_wait3A_244] : memref<16x128xi32, #tpu.memory_space<vmem>> -> memref<1x128xi32, #tpu.memory_space<vmem>>
    %dma_wait3A_246 = tpu.memref_squeeze %dma_wait3A_245 : memref<1x128xi32, #tpu.memory_space<vmem>> -> memref<128xi32, #tpu.memory_space<vmem>>
    %dma_wait3A_247 = arith.constant 0 : i32
    %dma_wait3A_248 = arith.constant 0 : i32
    %dma_wait3A_249 = tpu.memref_slice %arg6[%dma_wait3A_247, %dma_wait3A_248] : memref<15360x80xf32, #tpu.memory_space<vmem_shared>> -> memref<15360x80xf32, #tpu.memory_space<vmem_shared>>
    tpu.wait_indirect_dma semaphore(%arg14 : memref<!tpu.dma_semaphore, #tpu.memory_space<semaphore_mem>>) src(%arg9 : memref<128x80xf32, #tpu.memory_space<vmem>>) dst(%dma_wait3A_249 : memref<15360x80xf32, #tpu.memory_space<vmem_shared>>)
    %dma_start3A_250 = arith.constant 9 : i32
    %dma_start3A_251 = arith.constant 0 : i32
    %dma_start3A_252 = tpu.memref_slice %arg7[%dma_start3A_250, %dma_start3A_251] : memref<16x128xi32, #tpu.memory_space<vmem>> -> memref<1x128xi32, #tpu.memory_space<vmem>>
    %dma_start3A_253 = tpu.memref_squeeze %dma_start3A_252 : memref<1x128xi32, #tpu.memory_space<vmem>> -> memref<128xi32, #tpu.memory_space<vmem>>
    %dma_start3A_254 = arith.constant 0 : i32
    %dma_start3A_255 = arith.constant 0 : i32
    %dma_start3A_256 = tpu.memref_slice %arg2[%dma_start3A_254, %dma_start3A_255] : memref<19200x80xf32, #tpu.memory_space<hbm>> -> memref<19200x80xf32, #tpu.memory_space<hbm>>
    tpu.enqueue_indirect_dma source(%dma_start3A_256 : memref<19200x80xf32, #tpu.memory_space<hbm>>) target(%arg9 : memref<128x80xf32, #tpu.memory_space<vmem>>) offsets(%dma_start3A_253 : memref<128xi32, #tpu.memory_space<vmem>>) semaphore(%arg13 : memref<!tpu.dma_semaphore, #tpu.memory_space<semaphore_mem>>)
    %dma_wait3A_257 = arith.constant 7 : i32
    %dma_wait3A_258 = arith.constant 0 : i32
    %dma_wait3A_259 = tpu.memref_slice %arg7[%dma_wait3A_257, %dma_wait3A_258] : memref<16x128xi32, #tpu.memory_space<vmem>> -> memref<1x128xi32, #tpu.memory_space<vmem>>
    %dma_wait3A_260 = tpu.memref_squeeze %dma_wait3A_259 : memref<1x128xi32, #tpu.memory_space<vmem>> -> memref<128xi32, #tpu.memory_space<vmem>>
    %dma_wait3A_261 = arith.constant 0 : i32
    %dma_wait3A_262 = arith.constant 0 : i32
    %dma_wait3A_263 = tpu.memref_slice %arg2[%dma_wait3A_261, %dma_wait3A_262] : memref<19200x80xf32, #tpu.memory_space<hbm>> -> memref<19200x80xf32, #tpu.memory_space<hbm>>
    tpu.wait_indirect_dma semaphore(%arg13 : memref<!tpu.dma_semaphore, #tpu.memory_space<semaphore_mem>>) src(%dma_wait3A_263 : memref<19200x80xf32, #tpu.memory_space<hbm>>) dst(%arg10 : memref<128x80xf32, #tpu.memory_space<vmem>>)
    %dma_start3A_264 = arith.constant 7 : i32
    %dma_start3A_265 = arith.constant 0 : i32
    %dma_start3A_266 = tpu.memref_slice %arg8[%dma_start3A_264, %dma_start3A_265] : memref<16x128xi32, #tpu.memory_space<vmem>> -> memref<1x128xi32, #tpu.memory_space<vmem>>
    %dma_start3A_267 = tpu.memref_squeeze %dma_start3A_266 : memref<1x128xi32, #tpu.memory_space<vmem>> -> memref<128xi32, #tpu.memory_space<vmem>>
    %dma_start3A_268 = arith.constant 0 : i32
    %dma_start3A_269 = arith.constant 0 : i32
    %dma_start3A_270 = tpu.memref_slice %arg6[%dma_start3A_268, %dma_start3A_269] : memref<15360x80xf32, #tpu.memory_space<vmem_shared>> -> memref<15360x80xf32, #tpu.memory_space<vmem_shared>>
    tpu.enqueue_indirect_dma source(%arg10 : memref<128x80xf32, #tpu.memory_space<vmem>>) target(%dma_start3A_270 : memref<15360x80xf32, #tpu.memory_space<vmem_shared>>) offsets(%dma_start3A_267 : memref<128xi32, #tpu.memory_space<vmem>>) semaphore(%arg14 : memref<!tpu.dma_semaphore, #tpu.memory_space<semaphore_mem>>) {add = true}
    %dma_wait3A_271 = arith.constant 7 : i32
    %dma_wait3A_272 = arith.constant 0 : i32
    %dma_wait3A_273 = tpu.memref_slice %arg8[%dma_wait3A_271, %dma_wait3A_272] : memref<16x128xi32, #tpu.memory_space<vmem>> -> memref<1x128xi32, #tpu.memory_space<vmem>>
    %dma_wait3A_274 = tpu.memref_squeeze %dma_wait3A_273 : memref<1x128xi32, #tpu.memory_space<vmem>> -> memref<128xi32, #tpu.memory_space<vmem>>
    %dma_wait3A_275 = arith.constant 0 : i32
    %dma_wait3A_276 = arith.constant 0 : i32
    %dma_wait3A_277 = tpu.memref_slice %arg6[%dma_wait3A_275, %dma_wait3A_276] : memref<15360x80xf32, #tpu.memory_space<vmem_shared>> -> memref<15360x80xf32, #tpu.memory_space<vmem_shared>>
    tpu.wait_indirect_dma semaphore(%arg14 : memref<!tpu.dma_semaphore, #tpu.memory_space<semaphore_mem>>) src(%arg10 : memref<128x80xf32, #tpu.memory_space<vmem>>) dst(%dma_wait3A_277 : memref<15360x80xf32, #tpu.memory_space<vmem_shared>>)
    %dma_start3A_278 = arith.constant 10 : i32
    %dma_start3A_279 = arith.constant 0 : i32
    %dma_start3A_280 = tpu.memref_slice %arg7[%dma_start3A_278, %dma_start3A_279] : memref<16x128xi32, #tpu.memory_space<vmem>> -> memref<1x128xi32, #tpu.memory_space<vmem>>
    %dma_start3A_281 = tpu.memref_squeeze %dma_start3A_280 : memref<1x128xi32, #tpu.memory_space<vmem>> -> memref<128xi32, #tpu.memory_space<vmem>>
    %dma_start3A_282 = arith.constant 0 : i32
    %dma_start3A_283 = arith.constant 0 : i32
    %dma_start3A_284 = tpu.memref_slice %arg2[%dma_start3A_282, %dma_start3A_283] : memref<19200x80xf32, #tpu.memory_space<hbm>> -> memref<19200x80xf32, #tpu.memory_space<hbm>>
    tpu.enqueue_indirect_dma source(%dma_start3A_284 : memref<19200x80xf32, #tpu.memory_space<hbm>>) target(%arg10 : memref<128x80xf32, #tpu.memory_space<vmem>>) offsets(%dma_start3A_281 : memref<128xi32, #tpu.memory_space<vmem>>) semaphore(%arg13 : memref<!tpu.dma_semaphore, #tpu.memory_space<semaphore_mem>>)
    %dma_wait3A_285 = arith.constant 8 : i32
    %dma_wait3A_286 = arith.constant 0 : i32
    %dma_wait3A_287 = tpu.memref_slice %arg7[%dma_wait3A_285, %dma_wait3A_286] : memref<16x128xi32, #tpu.memory_space<vmem>> -> memref<1x128xi32, #tpu.memory_space<vmem>>
    %dma_wait3A_288 = tpu.memref_squeeze %dma_wait3A_287 : memref<1x128xi32, #tpu.memory_space<vmem>> -> memref<128xi32, #tpu.memory_space<vmem>>
    %dma_wait3A_289 = arith.constant 0 : i32
    %dma_wait3A_290 = arith.constant 0 : i32
    %dma_wait3A_291 = tpu.memref_slice %arg2[%dma_wait3A_289, %dma_wait3A_290] : memref<19200x80xf32, #tpu.memory_space<hbm>> -> memref<19200x80xf32, #tpu.memory_space<hbm>>
    tpu.wait_indirect_dma semaphore(%arg13 : memref<!tpu.dma_semaphore, #tpu.memory_space<semaphore_mem>>) src(%dma_wait3A_291 : memref<19200x80xf32, #tpu.memory_space<hbm>>) dst(%arg11 : memref<128x80xf32, #tpu.memory_space<vmem>>)
    %dma_start3A_292 = arith.constant 8 : i32
    %dma_start3A_293 = arith.constant 0 : i32
    %dma_start3A_294 = tpu.memref_slice %arg8[%dma_start3A_292, %dma_start3A_293] : memref<16x128xi32, #tpu.memory_space<vmem>> -> memref<1x128xi32, #tpu.memory_space<vmem>>
    %dma_start3A_295 = tpu.memref_squeeze %dma_start3A_294 : memref<1x128xi32, #tpu.memory_space<vmem>> -> memref<128xi32, #tpu.memory_space<vmem>>
    %dma_start3A_296 = arith.constant 0 : i32
    %dma_start3A_297 = arith.constant 0 : i32
    %dma_start3A_298 = tpu.memref_slice %arg6[%dma_start3A_296, %dma_start3A_297] : memref<15360x80xf32, #tpu.memory_space<vmem_shared>> -> memref<15360x80xf32, #tpu.memory_space<vmem_shared>>
    tpu.enqueue_indirect_dma source(%arg11 : memref<128x80xf32, #tpu.memory_space<vmem>>) target(%dma_start3A_298 : memref<15360x80xf32, #tpu.memory_space<vmem_shared>>) offsets(%dma_start3A_295 : memref<128xi32, #tpu.memory_space<vmem>>) semaphore(%arg14 : memref<!tpu.dma_semaphore, #tpu.memory_space<semaphore_mem>>) {add = true}
    %dma_wait3A_299 = arith.constant 8 : i32
    %dma_wait3A_300 = arith.constant 0 : i32
    %dma_wait3A_301 = tpu.memref_slice %arg8[%dma_wait3A_299, %dma_wait3A_300] : memref<16x128xi32, #tpu.memory_space<vmem>> -> memref<1x128xi32, #tpu.memory_space<vmem>>
    %dma_wait3A_302 = tpu.memref_squeeze %dma_wait3A_301 : memref<1x128xi32, #tpu.memory_space<vmem>> -> memref<128xi32, #tpu.memory_space<vmem>>
    %dma_wait3A_303 = arith.constant 0 : i32
    %dma_wait3A_304 = arith.constant 0 : i32
    %dma_wait3A_305 = tpu.memref_slice %arg6[%dma_wait3A_303, %dma_wait3A_304] : memref<15360x80xf32, #tpu.memory_space<vmem_shared>> -> memref<15360x80xf32, #tpu.memory_space<vmem_shared>>
    tpu.wait_indirect_dma semaphore(%arg14 : memref<!tpu.dma_semaphore, #tpu.memory_space<semaphore_mem>>) src(%arg11 : memref<128x80xf32, #tpu.memory_space<vmem>>) dst(%dma_wait3A_305 : memref<15360x80xf32, #tpu.memory_space<vmem_shared>>)
    %dma_start3A_306 = arith.constant 11 : i32
    %dma_start3A_307 = arith.constant 0 : i32
    %dma_start3A_308 = tpu.memref_slice %arg7[%dma_start3A_306, %dma_start3A_307] : memref<16x128xi32, #tpu.memory_space<vmem>> -> memref<1x128xi32, #tpu.memory_space<vmem>>
    %dma_start3A_309 = tpu.memref_squeeze %dma_start3A_308 : memref<1x128xi32, #tpu.memory_space<vmem>> -> memref<128xi32, #tpu.memory_space<vmem>>
    %dma_start3A_310 = arith.constant 0 : i32
    %dma_start3A_311 = arith.constant 0 : i32
    %dma_start3A_312 = tpu.memref_slice %arg2[%dma_start3A_310, %dma_start3A_311] : memref<19200x80xf32, #tpu.memory_space<hbm>> -> memref<19200x80xf32, #tpu.memory_space<hbm>>
    tpu.enqueue_indirect_dma source(%dma_start3A_312 : memref<19200x80xf32, #tpu.memory_space<hbm>>) target(%arg11 : memref<128x80xf32, #tpu.memory_space<vmem>>) offsets(%dma_start3A_309 : memref<128xi32, #tpu.memory_space<vmem>>) semaphore(%arg13 : memref<!tpu.dma_semaphore, #tpu.memory_space<semaphore_mem>>)
    %dma_wait3A_313 = arith.constant 9 : i32
    %dma_wait3A_314 = arith.constant 0 : i32
    %dma_wait3A_315 = tpu.memref_slice %arg7[%dma_wait3A_313, %dma_wait3A_314] : memref<16x128xi32, #tpu.memory_space<vmem>> -> memref<1x128xi32, #tpu.memory_space<vmem>>
    %dma_wait3A_316 = tpu.memref_squeeze %dma_wait3A_315 : memref<1x128xi32, #tpu.memory_space<vmem>> -> memref<128xi32, #tpu.memory_space<vmem>>
    %dma_wait3A_317 = arith.constant 0 : i32
    %dma_wait3A_318 = arith.constant 0 : i32
    %dma_wait3A_319 = tpu.memref_slice %arg2[%dma_wait3A_317, %dma_wait3A_318] : memref<19200x80xf32, #tpu.memory_space<hbm>> -> memref<19200x80xf32, #tpu.memory_space<hbm>>
    tpu.wait_indirect_dma semaphore(%arg13 : memref<!tpu.dma_semaphore, #tpu.memory_space<semaphore_mem>>) src(%dma_wait3A_319 : memref<19200x80xf32, #tpu.memory_space<hbm>>) dst(%arg9 : memref<128x80xf32, #tpu.memory_space<vmem>>)
    %dma_start3A_320 = arith.constant 9 : i32
    %dma_start3A_321 = arith.constant 0 : i32
    %dma_start3A_322 = tpu.memref_slice %arg8[%dma_start3A_320, %dma_start3A_321] : memref<16x128xi32, #tpu.memory_space<vmem>> -> memref<1x128xi32, #tpu.memory_space<vmem>>
    %dma_start3A_323 = tpu.memref_squeeze %dma_start3A_322 : memref<1x128xi32, #tpu.memory_space<vmem>> -> memref<128xi32, #tpu.memory_space<vmem>>
    %dma_start3A_324 = arith.constant 0 : i32
    %dma_start3A_325 = arith.constant 0 : i32
    %dma_start3A_326 = tpu.memref_slice %arg6[%dma_start3A_324, %dma_start3A_325] : memref<15360x80xf32, #tpu.memory_space<vmem_shared>> -> memref<15360x80xf32, #tpu.memory_space<vmem_shared>>
    tpu.enqueue_indirect_dma source(%arg9 : memref<128x80xf32, #tpu.memory_space<vmem>>) target(%dma_start3A_326 : memref<15360x80xf32, #tpu.memory_space<vmem_shared>>) offsets(%dma_start3A_323 : memref<128xi32, #tpu.memory_space<vmem>>) semaphore(%arg14 : memref<!tpu.dma_semaphore, #tpu.memory_space<semaphore_mem>>) {add = true}
    %dma_wait3A_327 = arith.constant 9 : i32
    %dma_wait3A_328 = arith.constant 0 : i32
    %dma_wait3A_329 = tpu.memref_slice %arg8[%dma_wait3A_327, %dma_wait3A_328] : memref<16x128xi32, #tpu.memory_space<vmem>> -> memref<1x128xi32, #tpu.memory_space<vmem>>
    %dma_wait3A_330 = tpu.memref_squeeze %dma_wait3A_329 : memref<1x128xi32, #tpu.memory_space<vmem>> -> memref<128xi32, #tpu.memory_space<vmem>>
    %dma_wait3A_331 = arith.constant 0 : i32
    %dma_wait3A_332 = arith.constant 0 : i32
    %dma_wait3A_333 = tpu.memref_slice %arg6[%dma_wait3A_331, %dma_wait3A_332] : memref<15360x80xf32, #tpu.memory_space<vmem_shared>> -> memref<15360x80xf32, #tpu.memory_space<vmem_shared>>
    tpu.wait_indirect_dma semaphore(%arg14 : memref<!tpu.dma_semaphore, #tpu.memory_space<semaphore_mem>>) src(%arg9 : memref<128x80xf32, #tpu.memory_space<vmem>>) dst(%dma_wait3A_333 : memref<15360x80xf32, #tpu.memory_space<vmem_shared>>)
    %dma_start3A_334 = arith.constant 12 : i32
    %dma_start3A_335 = arith.constant 0 : i32
    %dma_start3A_336 = tpu.memref_slice %arg7[%dma_start3A_334, %dma_start3A_335] : memref<16x128xi32, #tpu.memory_space<vmem>> -> memref<1x128xi32, #tpu.memory_space<vmem>>
    %dma_start3A_337 = tpu.memref_squeeze %dma_start3A_336 : memref<1x128xi32, #tpu.memory_space<vmem>> -> memref<128xi32, #tpu.memory_space<vmem>>
    %dma_start3A_338 = arith.constant 0 : i32
    %dma_start3A_339 = arith.constant 0 : i32
    %dma_start3A_340 = tpu.memref_slice %arg2[%dma_start3A_338, %dma_start3A_339] : memref<19200x80xf32, #tpu.memory_space<hbm>> -> memref<19200x80xf32, #tpu.memory_space<hbm>>
    tpu.enqueue_indirect_dma source(%dma_start3A_340 : memref<19200x80xf32, #tpu.memory_space<hbm>>) target(%arg9 : memref<128x80xf32, #tpu.memory_space<vmem>>) offsets(%dma_start3A_337 : memref<128xi32, #tpu.memory_space<vmem>>) semaphore(%arg13 : memref<!tpu.dma_semaphore, #tpu.memory_space<semaphore_mem>>)
    %dma_wait3A_341 = arith.constant 10 : i32
    %dma_wait3A_342 = arith.constant 0 : i32
    %dma_wait3A_343 = tpu.memref_slice %arg7[%dma_wait3A_341, %dma_wait3A_342] : memref<16x128xi32, #tpu.memory_space<vmem>> -> memref<1x128xi32, #tpu.memory_space<vmem>>
    %dma_wait3A_344 = tpu.memref_squeeze %dma_wait3A_343 : memref<1x128xi32, #tpu.memory_space<vmem>> -> memref<128xi32, #tpu.memory_space<vmem>>
    %dma_wait3A_345 = arith.constant 0 : i32
    %dma_wait3A_346 = arith.constant 0 : i32
    %dma_wait3A_347 = tpu.memref_slice %arg2[%dma_wait3A_345, %dma_wait3A_346] : memref<19200x80xf32, #tpu.memory_space<hbm>> -> memref<19200x80xf32, #tpu.memory_space<hbm>>
    tpu.wait_indirect_dma semaphore(%arg13 : memref<!tpu.dma_semaphore, #tpu.memory_space<semaphore_mem>>) src(%dma_wait3A_347 : memref<19200x80xf32, #tpu.memory_space<hbm>>) dst(%arg10 : memref<128x80xf32, #tpu.memory_space<vmem>>)
    %dma_start3A_348 = arith.constant 10 : i32
    %dma_start3A_349 = arith.constant 0 : i32
    %dma_start3A_350 = tpu.memref_slice %arg8[%dma_start3A_348, %dma_start3A_349] : memref<16x128xi32, #tpu.memory_space<vmem>> -> memref<1x128xi32, #tpu.memory_space<vmem>>
    %dma_start3A_351 = tpu.memref_squeeze %dma_start3A_350 : memref<1x128xi32, #tpu.memory_space<vmem>> -> memref<128xi32, #tpu.memory_space<vmem>>
    %dma_start3A_352 = arith.constant 0 : i32
    %dma_start3A_353 = arith.constant 0 : i32
    %dma_start3A_354 = tpu.memref_slice %arg6[%dma_start3A_352, %dma_start3A_353] : memref<15360x80xf32, #tpu.memory_space<vmem_shared>> -> memref<15360x80xf32, #tpu.memory_space<vmem_shared>>
    tpu.enqueue_indirect_dma source(%arg10 : memref<128x80xf32, #tpu.memory_space<vmem>>) target(%dma_start3A_354 : memref<15360x80xf32, #tpu.memory_space<vmem_shared>>) offsets(%dma_start3A_351 : memref<128xi32, #tpu.memory_space<vmem>>) semaphore(%arg14 : memref<!tpu.dma_semaphore, #tpu.memory_space<semaphore_mem>>) {add = true}
    %dma_wait3A_355 = arith.constant 10 : i32
    %dma_wait3A_356 = arith.constant 0 : i32
    %dma_wait3A_357 = tpu.memref_slice %arg8[%dma_wait3A_355, %dma_wait3A_356] : memref<16x128xi32, #tpu.memory_space<vmem>> -> memref<1x128xi32, #tpu.memory_space<vmem>>
    %dma_wait3A_358 = tpu.memref_squeeze %dma_wait3A_357 : memref<1x128xi32, #tpu.memory_space<vmem>> -> memref<128xi32, #tpu.memory_space<vmem>>
    %dma_wait3A_359 = arith.constant 0 : i32
    %dma_wait3A_360 = arith.constant 0 : i32
    %dma_wait3A_361 = tpu.memref_slice %arg6[%dma_wait3A_359, %dma_wait3A_360] : memref<15360x80xf32, #tpu.memory_space<vmem_shared>> -> memref<15360x80xf32, #tpu.memory_space<vmem_shared>>
    tpu.wait_indirect_dma semaphore(%arg14 : memref<!tpu.dma_semaphore, #tpu.memory_space<semaphore_mem>>) src(%arg10 : memref<128x80xf32, #tpu.memory_space<vmem>>) dst(%dma_wait3A_361 : memref<15360x80xf32, #tpu.memory_space<vmem_shared>>)
    %dma_start3A_362 = arith.constant 13 : i32
    %dma_start3A_363 = arith.constant 0 : i32
    %dma_start3A_364 = tpu.memref_slice %arg7[%dma_start3A_362, %dma_start3A_363] : memref<16x128xi32, #tpu.memory_space<vmem>> -> memref<1x128xi32, #tpu.memory_space<vmem>>
    %dma_start3A_365 = tpu.memref_squeeze %dma_start3A_364 : memref<1x128xi32, #tpu.memory_space<vmem>> -> memref<128xi32, #tpu.memory_space<vmem>>
    %dma_start3A_366 = arith.constant 0 : i32
    %dma_start3A_367 = arith.constant 0 : i32
    %dma_start3A_368 = tpu.memref_slice %arg2[%dma_start3A_366, %dma_start3A_367] : memref<19200x80xf32, #tpu.memory_space<hbm>> -> memref<19200x80xf32, #tpu.memory_space<hbm>>
    tpu.enqueue_indirect_dma source(%dma_start3A_368 : memref<19200x80xf32, #tpu.memory_space<hbm>>) target(%arg10 : memref<128x80xf32, #tpu.memory_space<vmem>>) offsets(%dma_start3A_365 : memref<128xi32, #tpu.memory_space<vmem>>) semaphore(%arg13 : memref<!tpu.dma_semaphore, #tpu.memory_space<semaphore_mem>>)
    %dma_wait3A_369 = arith.constant 11 : i32
    %dma_wait3A_370 = arith.constant 0 : i32
    %dma_wait3A_371 = tpu.memref_slice %arg7[%dma_wait3A_369, %dma_wait3A_370] : memref<16x128xi32, #tpu.memory_space<vmem>> -> memref<1x128xi32, #tpu.memory_space<vmem>>
    %dma_wait3A_372 = tpu.memref_squeeze %dma_wait3A_371 : memref<1x128xi32, #tpu.memory_space<vmem>> -> memref<128xi32, #tpu.memory_space<vmem>>
    %dma_wait3A_373 = arith.constant 0 : i32
    %dma_wait3A_374 = arith.constant 0 : i32
    %dma_wait3A_375 = tpu.memref_slice %arg2[%dma_wait3A_373, %dma_wait3A_374] : memref<19200x80xf32, #tpu.memory_space<hbm>> -> memref<19200x80xf32, #tpu.memory_space<hbm>>
    tpu.wait_indirect_dma semaphore(%arg13 : memref<!tpu.dma_semaphore, #tpu.memory_space<semaphore_mem>>) src(%dma_wait3A_375 : memref<19200x80xf32, #tpu.memory_space<hbm>>) dst(%arg11 : memref<128x80xf32, #tpu.memory_space<vmem>>)
    %dma_start3A_376 = arith.constant 11 : i32
    %dma_start3A_377 = arith.constant 0 : i32
    %dma_start3A_378 = tpu.memref_slice %arg8[%dma_start3A_376, %dma_start3A_377] : memref<16x128xi32, #tpu.memory_space<vmem>> -> memref<1x128xi32, #tpu.memory_space<vmem>>
    %dma_start3A_379 = tpu.memref_squeeze %dma_start3A_378 : memref<1x128xi32, #tpu.memory_space<vmem>> -> memref<128xi32, #tpu.memory_space<vmem>>
    %dma_start3A_380 = arith.constant 0 : i32
    %dma_start3A_381 = arith.constant 0 : i32
    %dma_start3A_382 = tpu.memref_slice %arg6[%dma_start3A_380, %dma_start3A_381] : memref<15360x80xf32, #tpu.memory_space<vmem_shared>> -> memref<15360x80xf32, #tpu.memory_space<vmem_shared>>
    tpu.enqueue_indirect_dma source(%arg11 : memref<128x80xf32, #tpu.memory_space<vmem>>) target(%dma_start3A_382 : memref<15360x80xf32, #tpu.memory_space<vmem_shared>>) offsets(%dma_start3A_379 : memref<128xi32, #tpu.memory_space<vmem>>) semaphore(%arg14 : memref<!tpu.dma_semaphore, #tpu.memory_space<semaphore_mem>>) {add = true}
    %dma_wait3A_383 = arith.constant 11 : i32
    %dma_wait3A_384 = arith.constant 0 : i32
    %dma_wait3A_385 = tpu.memref_slice %arg8[%dma_wait3A_383, %dma_wait3A_384] : memref<16x128xi32, #tpu.memory_space<vmem>> -> memref<1x128xi32, #tpu.memory_space<vmem>>
    %dma_wait3A_386 = tpu.memref_squeeze %dma_wait3A_385 : memref<1x128xi32, #tpu.memory_space<vmem>> -> memref<128xi32, #tpu.memory_space<vmem>>
    %dma_wait3A_387 = arith.constant 0 : i32
    %dma_wait3A_388 = arith.constant 0 : i32
    %dma_wait3A_389 = tpu.memref_slice %arg6[%dma_wait3A_387, %dma_wait3A_388] : memref<15360x80xf32, #tpu.memory_space<vmem_shared>> -> memref<15360x80xf32, #tpu.memory_space<vmem_shared>>
    tpu.wait_indirect_dma semaphore(%arg14 : memref<!tpu.dma_semaphore, #tpu.memory_space<semaphore_mem>>) src(%arg11 : memref<128x80xf32, #tpu.memory_space<vmem>>) dst(%dma_wait3A_389 : memref<15360x80xf32, #tpu.memory_space<vmem_shared>>)
    %dma_start3A_390 = arith.constant 14 : i32
    %dma_start3A_391 = arith.constant 0 : i32
    %dma_start3A_392 = tpu.memref_slice %arg7[%dma_start3A_390, %dma_start3A_391] : memref<16x128xi32, #tpu.memory_space<vmem>> -> memref<1x128xi32, #tpu.memory_space<vmem>>
    %dma_start3A_393 = tpu.memref_squeeze %dma_start3A_392 : memref<1x128xi32, #tpu.memory_space<vmem>> -> memref<128xi32, #tpu.memory_space<vmem>>
    %dma_start3A_394 = arith.constant 0 : i32
    %dma_start3A_395 = arith.constant 0 : i32
    %dma_start3A_396 = tpu.memref_slice %arg2[%dma_start3A_394, %dma_start3A_395] : memref<19200x80xf32, #tpu.memory_space<hbm>> -> memref<19200x80xf32, #tpu.memory_space<hbm>>
    tpu.enqueue_indirect_dma source(%dma_start3A_396 : memref<19200x80xf32, #tpu.memory_space<hbm>>) target(%arg11 : memref<128x80xf32, #tpu.memory_space<vmem>>) offsets(%dma_start3A_393 : memref<128xi32, #tpu.memory_space<vmem>>) semaphore(%arg13 : memref<!tpu.dma_semaphore, #tpu.memory_space<semaphore_mem>>)
    %dma_wait3A_397 = arith.constant 12 : i32
    %dma_wait3A_398 = arith.constant 0 : i32
    %dma_wait3A_399 = tpu.memref_slice %arg7[%dma_wait3A_397, %dma_wait3A_398] : memref<16x128xi32, #tpu.memory_space<vmem>> -> memref<1x128xi32, #tpu.memory_space<vmem>>
    %dma_wait3A_400 = tpu.memref_squeeze %dma_wait3A_399 : memref<1x128xi32, #tpu.memory_space<vmem>> -> memref<128xi32, #tpu.memory_space<vmem>>
    %dma_wait3A_401 = arith.constant 0 : i32
    %dma_wait3A_402 = arith.constant 0 : i32
    %dma_wait3A_403 = tpu.memref_slice %arg2[%dma_wait3A_401, %dma_wait3A_402] : memref<19200x80xf32, #tpu.memory_space<hbm>> -> memref<19200x80xf32, #tpu.memory_space<hbm>>
    tpu.wait_indirect_dma semaphore(%arg13 : memref<!tpu.dma_semaphore, #tpu.memory_space<semaphore_mem>>) src(%dma_wait3A_403 : memref<19200x80xf32, #tpu.memory_space<hbm>>) dst(%arg9 : memref<128x80xf32, #tpu.memory_space<vmem>>)
    %dma_start3A_404 = arith.constant 12 : i32
    %dma_start3A_405 = arith.constant 0 : i32
    %dma_start3A_406 = tpu.memref_slice %arg8[%dma_start3A_404, %dma_start3A_405] : memref<16x128xi32, #tpu.memory_space<vmem>> -> memref<1x128xi32, #tpu.memory_space<vmem>>
    %dma_start3A_407 = tpu.memref_squeeze %dma_start3A_406 : memref<1x128xi32, #tpu.memory_space<vmem>> -> memref<128xi32, #tpu.memory_space<vmem>>
    %dma_start3A_408 = arith.constant 0 : i32
    %dma_start3A_409 = arith.constant 0 : i32
    %dma_start3A_410 = tpu.memref_slice %arg6[%dma_start3A_408, %dma_start3A_409] : memref<15360x80xf32, #tpu.memory_space<vmem_shared>> -> memref<15360x80xf32, #tpu.memory_space<vmem_shared>>
    tpu.enqueue_indirect_dma source(%arg9 : memref<128x80xf32, #tpu.memory_space<vmem>>) target(%dma_start3A_410 : memref<15360x80xf32, #tpu.memory_space<vmem_shared>>) offsets(%dma_start3A_407 : memref<128xi32, #tpu.memory_space<vmem>>) semaphore(%arg14 : memref<!tpu.dma_semaphore, #tpu.memory_space<semaphore_mem>>) {add = true}
    %dma_wait3A_411 = arith.constant 12 : i32
    %dma_wait3A_412 = arith.constant 0 : i32
    %dma_wait3A_413 = tpu.memref_slice %arg8[%dma_wait3A_411, %dma_wait3A_412] : memref<16x128xi32, #tpu.memory_space<vmem>> -> memref<1x128xi32, #tpu.memory_space<vmem>>
    %dma_wait3A_414 = tpu.memref_squeeze %dma_wait3A_413 : memref<1x128xi32, #tpu.memory_space<vmem>> -> memref<128xi32, #tpu.memory_space<vmem>>
    %dma_wait3A_415 = arith.constant 0 : i32
    %dma_wait3A_416 = arith.constant 0 : i32
    %dma_wait3A_417 = tpu.memref_slice %arg6[%dma_wait3A_415, %dma_wait3A_416] : memref<15360x80xf32, #tpu.memory_space<vmem_shared>> -> memref<15360x80xf32, #tpu.memory_space<vmem_shared>>
    tpu.wait_indirect_dma semaphore(%arg14 : memref<!tpu.dma_semaphore, #tpu.memory_space<semaphore_mem>>) src(%arg9 : memref<128x80xf32, #tpu.memory_space<vmem>>) dst(%dma_wait3A_417 : memref<15360x80xf32, #tpu.memory_space<vmem_shared>>)
    %dma_start3A_418 = arith.constant 15 : i32
    %dma_start3A_419 = arith.constant 0 : i32
    %dma_start3A_420 = tpu.memref_slice %arg7[%dma_start3A_418, %dma_start3A_419] : memref<16x128xi32, #tpu.memory_space<vmem>> -> memref<1x128xi32, #tpu.memory_space<vmem>>
    %dma_start3A_421 = tpu.memref_squeeze %dma_start3A_420 : memref<1x128xi32, #tpu.memory_space<vmem>> -> memref<128xi32, #tpu.memory_space<vmem>>
    %dma_start3A_422 = arith.constant 0 : i32
    %dma_start3A_423 = arith.constant 0 : i32
    %dma_start3A_424 = tpu.memref_slice %arg2[%dma_start3A_422, %dma_start3A_423] : memref<19200x80xf32, #tpu.memory_space<hbm>> -> memref<19200x80xf32, #tpu.memory_space<hbm>>
    tpu.enqueue_indirect_dma source(%dma_start3A_424 : memref<19200x80xf32, #tpu.memory_space<hbm>>) target(%arg9 : memref<128x80xf32, #tpu.memory_space<vmem>>) offsets(%dma_start3A_421 : memref<128xi32, #tpu.memory_space<vmem>>) semaphore(%arg13 : memref<!tpu.dma_semaphore, #tpu.memory_space<semaphore_mem>>)
    %dma_wait3A_425 = arith.constant 13 : i32
    %dma_wait3A_426 = arith.constant 0 : i32
    %dma_wait3A_427 = tpu.memref_slice %arg7[%dma_wait3A_425, %dma_wait3A_426] : memref<16x128xi32, #tpu.memory_space<vmem>> -> memref<1x128xi32, #tpu.memory_space<vmem>>
    %dma_wait3A_428 = tpu.memref_squeeze %dma_wait3A_427 : memref<1x128xi32, #tpu.memory_space<vmem>> -> memref<128xi32, #tpu.memory_space<vmem>>
    %dma_wait3A_429 = arith.constant 0 : i32
    %dma_wait3A_430 = arith.constant 0 : i32
    %dma_wait3A_431 = tpu.memref_slice %arg2[%dma_wait3A_429, %dma_wait3A_430] : memref<19200x80xf32, #tpu.memory_space<hbm>> -> memref<19200x80xf32, #tpu.memory_space<hbm>>
    tpu.wait_indirect_dma semaphore(%arg13 : memref<!tpu.dma_semaphore, #tpu.memory_space<semaphore_mem>>) src(%dma_wait3A_431 : memref<19200x80xf32, #tpu.memory_space<hbm>>) dst(%arg10 : memref<128x80xf32, #tpu.memory_space<vmem>>)
    %dma_start3A_432 = arith.constant 13 : i32
    %dma_start3A_433 = arith.constant 0 : i32
    %dma_start3A_434 = tpu.memref_slice %arg8[%dma_start3A_432, %dma_start3A_433] : memref<16x128xi32, #tpu.memory_space<vmem>> -> memref<1x128xi32, #tpu.memory_space<vmem>>
    %dma_start3A_435 = tpu.memref_squeeze %dma_start3A_434 : memref<1x128xi32, #tpu.memory_space<vmem>> -> memref<128xi32, #tpu.memory_space<vmem>>
    %dma_start3A_436 = arith.constant 0 : i32
    %dma_start3A_437 = arith.constant 0 : i32
    %dma_start3A_438 = tpu.memref_slice %arg6[%dma_start3A_436, %dma_start3A_437] : memref<15360x80xf32, #tpu.memory_space<vmem_shared>> -> memref<15360x80xf32, #tpu.memory_space<vmem_shared>>
    tpu.enqueue_indirect_dma source(%arg10 : memref<128x80xf32, #tpu.memory_space<vmem>>) target(%dma_start3A_438 : memref<15360x80xf32, #tpu.memory_space<vmem_shared>>) offsets(%dma_start3A_435 : memref<128xi32, #tpu.memory_space<vmem>>) semaphore(%arg14 : memref<!tpu.dma_semaphore, #tpu.memory_space<semaphore_mem>>) {add = true}
    %dma_wait3A_439 = arith.constant 14 : i32
    %dma_wait3A_440 = arith.constant 0 : i32
    %dma_wait3A_441 = tpu.memref_slice %arg7[%dma_wait3A_439, %dma_wait3A_440] : memref<16x128xi32, #tpu.memory_space<vmem>> -> memref<1x128xi32, #tpu.memory_space<vmem>>
    %dma_wait3A_442 = tpu.memref_squeeze %dma_wait3A_441 : memref<1x128xi32, #tpu.memory_space<vmem>> -> memref<128xi32, #tpu.memory_space<vmem>>
    %dma_wait3A_443 = arith.constant 0 : i32
    %dma_wait3A_444 = arith.constant 0 : i32
    %dma_wait3A_445 = tpu.memref_slice %arg2[%dma_wait3A_443, %dma_wait3A_444] : memref<19200x80xf32, #tpu.memory_space<hbm>> -> memref<19200x80xf32, #tpu.memory_space<hbm>>
    tpu.wait_indirect_dma semaphore(%arg13 : memref<!tpu.dma_semaphore, #tpu.memory_space<semaphore_mem>>) src(%dma_wait3A_445 : memref<19200x80xf32, #tpu.memory_space<hbm>>) dst(%arg11 : memref<128x80xf32, #tpu.memory_space<vmem>>)
    %dma_start3A_446 = arith.constant 14 : i32
    %dma_start3A_447 = arith.constant 0 : i32
    %dma_start3A_448 = tpu.memref_slice %arg8[%dma_start3A_446, %dma_start3A_447] : memref<16x128xi32, #tpu.memory_space<vmem>> -> memref<1x128xi32, #tpu.memory_space<vmem>>
    %dma_start3A_449 = tpu.memref_squeeze %dma_start3A_448 : memref<1x128xi32, #tpu.memory_space<vmem>> -> memref<128xi32, #tpu.memory_space<vmem>>
    %dma_start3A_450 = arith.constant 0 : i32
    %dma_start3A_451 = arith.constant 0 : i32
    %dma_start3A_452 = tpu.memref_slice %arg6[%dma_start3A_450, %dma_start3A_451] : memref<15360x80xf32, #tpu.memory_space<vmem_shared>> -> memref<15360x80xf32, #tpu.memory_space<vmem_shared>>
    tpu.enqueue_indirect_dma source(%arg11 : memref<128x80xf32, #tpu.memory_space<vmem>>) target(%dma_start3A_452 : memref<15360x80xf32, #tpu.memory_space<vmem_shared>>) offsets(%dma_start3A_449 : memref<128xi32, #tpu.memory_space<vmem>>) semaphore(%arg14 : memref<!tpu.dma_semaphore, #tpu.memory_space<semaphore_mem>>) {add = true}
    %dma_wait3A_453 = arith.constant 15 : i32
    %dma_wait3A_454 = arith.constant 0 : i32
    %dma_wait3A_455 = tpu.memref_slice %arg7[%dma_wait3A_453, %dma_wait3A_454] : memref<16x128xi32, #tpu.memory_space<vmem>> -> memref<1x128xi32, #tpu.memory_space<vmem>>
    %dma_wait3A_456 = tpu.memref_squeeze %dma_wait3A_455 : memref<1x128xi32, #tpu.memory_space<vmem>> -> memref<128xi32, #tpu.memory_space<vmem>>
    %dma_wait3A_457 = arith.constant 0 : i32
    %dma_wait3A_458 = arith.constant 0 : i32
    %dma_wait3A_459 = tpu.memref_slice %arg2[%dma_wait3A_457, %dma_wait3A_458] : memref<19200x80xf32, #tpu.memory_space<hbm>> -> memref<19200x80xf32, #tpu.memory_space<hbm>>
    tpu.wait_indirect_dma semaphore(%arg13 : memref<!tpu.dma_semaphore, #tpu.memory_space<semaphore_mem>>) src(%dma_wait3A_459 : memref<19200x80xf32, #tpu.memory_space<hbm>>) dst(%arg9 : memref<128x80xf32, #tpu.memory_space<vmem>>)
    %dma_start3A_460 = arith.constant 15 : i32
    %dma_start3A_461 = arith.constant 0 : i32
    %dma_start3A_462 = tpu.memref_slice %arg8[%dma_start3A_460, %dma_start3A_461] : memref<16x128xi32, #tpu.memory_space<vmem>> -> memref<1x128xi32, #tpu.memory_space<vmem>>
    %dma_start3A_463 = tpu.memref_squeeze %dma_start3A_462 : memref<1x128xi32, #tpu.memory_space<vmem>> -> memref<128xi32, #tpu.memory_space<vmem>>
    %dma_start3A_464 = arith.constant 0 : i32
    %dma_start3A_465 = arith.constant 0 : i32
    %dma_start3A_466 = tpu.memref_slice %arg6[%dma_start3A_464, %dma_start3A_465] : memref<15360x80xf32, #tpu.memory_space<vmem_shared>> -> memref<15360x80xf32, #tpu.memory_space<vmem_shared>>
    tpu.enqueue_indirect_dma source(%arg9 : memref<128x80xf32, #tpu.memory_space<vmem>>) target(%dma_start3A_466 : memref<15360x80xf32, #tpu.memory_space<vmem_shared>>) offsets(%dma_start3A_463 : memref<128xi32, #tpu.memory_space<vmem>>) semaphore(%arg14 : memref<!tpu.dma_semaphore, #tpu.memory_space<semaphore_mem>>) {add = true}
    %dma_wait3A_467 = arith.constant 15 : i32
    %dma_wait3A_468 = arith.constant 0 : i32
    %dma_wait3A_469 = tpu.memref_slice %arg8[%dma_wait3A_467, %dma_wait3A_468] : memref<16x128xi32, #tpu.memory_space<vmem>> -> memref<1x128xi32, #tpu.memory_space<vmem>>
    %dma_wait3A_470 = tpu.memref_squeeze %dma_wait3A_469 : memref<1x128xi32, #tpu.memory_space<vmem>> -> memref<128xi32, #tpu.memory_space<vmem>>
    %dma_wait3A_471 = arith.constant 0 : i32
    %dma_wait3A_472 = arith.constant 0 : i32
    %dma_wait3A_473 = tpu.memref_slice %arg6[%dma_wait3A_471, %dma_wait3A_472] : memref<15360x80xf32, #tpu.memory_space<vmem_shared>> -> memref<15360x80xf32, #tpu.memory_space<vmem_shared>>
    tpu.wait_indirect_dma semaphore(%arg14 : memref<!tpu.dma_semaphore, #tpu.memory_space<semaphore_mem>>) src(%arg9 : memref<128x80xf32, #tpu.memory_space<vmem>>) dst(%dma_wait3A_473 : memref<15360x80xf32, #tpu.memory_space<vmem_shared>>)
    %dma_wait3A_474 = arith.constant 14 : i32
    %dma_wait3A_475 = arith.constant 0 : i32
    %dma_wait3A_476 = tpu.memref_slice %arg8[%dma_wait3A_474, %dma_wait3A_475] : memref<16x128xi32, #tpu.memory_space<vmem>> -> memref<1x128xi32, #tpu.memory_space<vmem>>
    %dma_wait3A_477 = tpu.memref_squeeze %dma_wait3A_476 : memref<1x128xi32, #tpu.memory_space<vmem>> -> memref<128xi32, #tpu.memory_space<vmem>>
    %dma_wait3A_478 = arith.constant 0 : i32
    %dma_wait3A_479 = arith.constant 0 : i32
    %dma_wait3A_480 = tpu.memref_slice %arg6[%dma_wait3A_478, %dma_wait3A_479] : memref<15360x80xf32, #tpu.memory_space<vmem_shared>> -> memref<15360x80xf32, #tpu.memory_space<vmem_shared>>
    tpu.wait_indirect_dma semaphore(%arg14 : memref<!tpu.dma_semaphore, #tpu.memory_space<semaphore_mem>>) src(%arg11 : memref<128x80xf32, #tpu.memory_space<vmem>>) dst(%dma_wait3A_480 : memref<15360x80xf32, #tpu.memory_space<vmem_shared>>)
    %dma_wait3A_481 = arith.constant 13 : i32
    %dma_wait3A_482 = arith.constant 0 : i32
    %dma_wait3A_483 = tpu.memref_slice %arg8[%dma_wait3A_481, %dma_wait3A_482] : memref<16x128xi32, #tpu.memory_space<vmem>> -> memref<1x128xi32, #tpu.memory_space<vmem>>
    %dma_wait3A_484 = tpu.memref_squeeze %dma_wait3A_483 : memref<1x128xi32, #tpu.memory_space<vmem>> -> memref<128xi32, #tpu.memory_space<vmem>>
    %dma_wait3A_485 = arith.constant 0 : i32
    %dma_wait3A_486 = arith.constant 0 : i32
    %dma_wait3A_487 = tpu.memref_slice %arg6[%dma_wait3A_485, %dma_wait3A_486] : memref<15360x80xf32, #tpu.memory_space<vmem_shared>> -> memref<15360x80xf32, #tpu.memory_space<vmem_shared>>
    tpu.wait_indirect_dma semaphore(%arg14 : memref<!tpu.dma_semaphore, #tpu.memory_space<semaphore_mem>>) src(%arg10 : memref<128x80xf32, #tpu.memory_space<vmem>>) dst(%dma_wait3A_487 : memref<15360x80xf32, #tpu.memory_space<vmem_shared>>)
    %barrier3A_488 = arith.constant 0 : index
    tpu.barrier barrier_id(%barrier3A_488)
    %mul3A_489 = arith.constant 960 : i32
    %mul3A_490 = arith.muli %arg1, %mul3A_489 : i32
    %dma_start3A_491 = arith.constant 0 : i32
    %dma_start3A_492 = arith.constant 0 : i32
    %dma_start3A_493 = tpu.memref_slice %arg9[%dma_start3A_491, %dma_start3A_492] : memref<128x80xf32, #tpu.memory_space<vmem>> -> memref<60x80xf32, #tpu.memory_space<vmem>>
    %dma_start3A_494 = arith.constant 0 : i32
    %dma_start3A_495 = tpu.memref_slice %arg6[%mul3A_490, %dma_start3A_494] : memref<15360x80xf32, #tpu.memory_space<vmem_shared>> -> memref<60x80xf32, #tpu.memory_space<vmem_shared>>
    %dma_start3A_496 = arith.constant 0 : i32
    %dma_start3A_497 = arith.constant 0 : i32
    %dma_start3A_498 = tpu.memref_slice %arg9[%dma_start3A_496, %dma_start3A_497] : memref<128x80xf32, #tpu.memory_space<vmem>> -> memref<60x80xf32, #tpu.memory_space<vmem>>
    %dma_start3A_499 = arith.constant 0 : i32
    %dma_start3A_500 = tpu.memref_slice %arg6[%mul3A_490, %dma_start3A_499] : memref<15360x80xf32, #tpu.memory_space<vmem_shared>> -> memref<60x80xf32, #tpu.memory_space<vmem_shared>>
    tpu.enqueue_dma source(%dma_start3A_500 : memref<60x80xf32, #tpu.memory_space<vmem_shared>>) target(%dma_start3A_498 : memref<60x80xf32, #tpu.memory_space<vmem>>) target_semaphore(%arg13 : memref<!tpu.dma_semaphore, #tpu.memory_space<semaphore_mem>>)
    %mul3A_501 = arith.constant 960 : i32
    %mul3A_502 = arith.muli %arg1, %mul3A_501 : i32
    %add3A_503 = arith.constant 60 : i32
    %add3A_504 = arith.addi %mul3A_502, %add3A_503 : i32
    %dma_start3A_505 = arith.constant 0 : i32
    %dma_start3A_506 = arith.constant 0 : i32
    %dma_start3A_507 = tpu.memref_slice %arg10[%dma_start3A_505, %dma_start3A_506] : memref<128x80xf32, #tpu.memory_space<vmem>> -> memref<60x80xf32, #tpu.memory_space<vmem>>
    %dma_start3A_508 = arith.constant 0 : i32
    %dma_start3A_509 = tpu.memref_slice %arg6[%add3A_504, %dma_start3A_508] : memref<15360x80xf32, #tpu.memory_space<vmem_shared>> -> memref<60x80xf32, #tpu.memory_space<vmem_shared>>
    %dma_start3A_510 = arith.constant 0 : i32
    %dma_start3A_511 = arith.constant 0 : i32
    %dma_start3A_512 = tpu.memref_slice %arg10[%dma_start3A_510, %dma_start3A_511] : memref<128x80xf32, #tpu.memory_space<vmem>> -> memref<60x80xf32, #tpu.memory_space<vmem>>
    %dma_start3A_513 = arith.constant 0 : i32
    %dma_start3A_514 = tpu.memref_slice %arg6[%add3A_504, %dma_start3A_513] : memref<15360x80xf32, #tpu.memory_space<vmem_shared>> -> memref<60x80xf32, #tpu.memory_space<vmem_shared>>
    tpu.enqueue_dma source(%dma_start3A_514 : memref<60x80xf32, #tpu.memory_space<vmem_shared>>) target(%dma_start3A_512 : memref<60x80xf32, #tpu.memory_space<vmem>>) target_semaphore(%arg13 : memref<!tpu.dma_semaphore, #tpu.memory_space<semaphore_mem>>)
    %dma_wait3A_515 = arith.constant 0 : i32
    %dma_wait3A_516 = arith.constant 0 : i32
    %dma_wait3A_517 = tpu.memref_slice %arg9[%dma_wait3A_515, %dma_wait3A_516] : memref<128x80xf32, #tpu.memory_space<vmem>> -> memref<60x80xf32, #tpu.memory_space<vmem>>
    %dma_wait3A_518 = arith.constant 0 : i32
    %dma_wait3A_519 = tpu.memref_slice %arg6[%mul3A_490, %dma_wait3A_518] : memref<15360x80xf32, #tpu.memory_space<vmem_shared>> -> memref<60x80xf32, #tpu.memory_space<vmem_shared>>
    %dma_wait3A_520 = arith.constant 0 : i32
    %dma_wait3A_521 = arith.constant 0 : i32
    %dma_wait3A_522 = tpu.memref_slice %arg9[%dma_wait3A_520, %dma_wait3A_521] : memref<128x80xf32, #tpu.memory_space<vmem>> -> memref<60x80xf32, #tpu.memory_space<vmem>>
    %dma_wait3A_523 = arith.constant 0 : i32
    %dma_wait3A_524 = tpu.memref_slice %arg6[%mul3A_490, %dma_wait3A_523] : memref<15360x80xf32, #tpu.memory_space<vmem_shared>> -> memref<60x80xf32, #tpu.memory_space<vmem_shared>>
    tpu.wait_dma2 semaphore(%arg13 : memref<!tpu.dma_semaphore, #tpu.memory_space<semaphore_mem>>) src(%dma_wait3A_524 : memref<60x80xf32, #tpu.memory_space<vmem_shared>>) dst(%dma_wait3A_522 : memref<60x80xf32, #tpu.memory_space<vmem>>)
    %scan3A_525 = arith.constant 0 : i32
    %scan3A_526 = arith.constant 0 : i32
    %scan3A_527 = arith.constant 60 : i32
    %scan3A_528 = arith.addi %scan3A_526, %scan3A_527 : i32
    %scan3A_529 = arith.constant 1 : i32
    scf.for %scan3A_1447 = %scan3A_526 to %scan3A_528 step %scan3A_529  : i32 {
      %get3A = arith.index_cast %scan3A_1447 : i32 to index
      %get3A_1448 = arith.constant 0 : index
      %get3A_1449 = tpu.vector_load %arg9[%get3A, %get3A_1448] {strides = array<i32>} : memref<128x80xf32, #tpu.memory_space<vmem>>, vector<1x16xf32>,
      %get3A_1450 = vector.shape_cast %get3A_1449 : vector<1x16xf32> to vector<16xf32>
      %swap3A = arith.constant 0 : i32
      %swap3A_1451 = arith.index_cast %swap3A : i32 to index
      %swap3A_1452 = arith.index_cast %scan3A_1447 : i32 to index
      %swap3A_1453 = arith.constant 0 : index
      %swap3A_1454 = tpu.vector_load %arg12[%swap3A_1451, %swap3A_1452, %swap3A_1453] {strides = array<i32>} : memref<2x60x128xf32, #tpu.memory_space<vmem>>, vector<1x1x16xf32>,
      %swap3A_1455 = vector.shape_cast %swap3A_1454 : vector<1x1x16xf32> to vector<16xf32>
      %swap3A_1456 = vector.shape_cast %get3A_1450 : vector<16xf32> to vector<1x1x16xf32>
      tpu.vector_store %arg12[%swap3A_1451, %swap3A_1452, %swap3A_1453], %swap3A_1456 {strides = array<i32>} : memref<2x60x128xf32, #tpu.memory_space<vmem>>, vector<1x1x16xf32>,
      %get3A_1457 = arith.index_cast %scan3A_1447 : i32 to index
      %get3A_1458 = arith.constant 16 : index
      %get3A_1459 = tpu.vector_load %arg9[%get3A_1457, %get3A_1458] {strides = array<i32>} : memref<128x80xf32, #tpu.memory_space<vmem>>, vector<1x16xf32>,
      %get3A_1460 = vector.shape_cast %get3A_1459 : vector<1x16xf32> to vector<16xf32>
      %swap3A_1461 = arith.constant 0 : i32
      %swap3A_1462 = arith.index_cast %swap3A_1461 : i32 to index
      %swap3A_1463 = arith.index_cast %scan3A_1447 : i32 to index
      %swap3A_1464 = arith.constant 16 : index
      %swap3A_1465 = tpu.vector_load %arg12[%swap3A_1462, %swap3A_1463, %swap3A_1464] {strides = array<i32>} : memref<2x60x128xf32, #tpu.memory_space<vmem>>, vector<1x1x16xf32>,
      %swap3A_1466 = vector.shape_cast %swap3A_1465 : vector<1x1x16xf32> to vector<16xf32>
      %swap3A_1467 = vector.shape_cast %get3A_1460 : vector<16xf32> to vector<1x1x16xf32>
      tpu.vector_store %arg12[%swap3A_1462, %swap3A_1463, %swap3A_1464], %swap3A_1467 {strides = array<i32>} : memref<2x60x128xf32, #tpu.memory_space<vmem>>, vector<1x1x16xf32>,
      %get3A_1468 = arith.index_cast %scan3A_1447 : i32 to index
      %get3A_1469 = arith.constant 32 : index
      %get3A_1470 = tpu.vector_load %arg9[%get3A_1468, %get3A_1469] {strides = array<i32>} : memref<128x80xf32, #tpu.memory_space<vmem>>, vector<1x16xf32>,
      %get3A_1471 = vector.shape_cast %get3A_1470 : vector<1x16xf32> to vector<16xf32>
      %swap3A_1472 = arith.constant 0 : i32
      %swap3A_1473 = arith.index_cast %swap3A_1472 : i32 to index
      %swap3A_1474 = arith.index_cast %scan3A_1447 : i32 to index
      %swap3A_1475 = arith.constant 32 : index
      %swap3A_1476 = tpu.vector_load %arg12[%swap3A_1473, %swap3A_1474, %swap3A_1475] {strides = array<i32>} : memref<2x60x128xf32, #tpu.memory_space<vmem>>, vector<1x1x16xf32>,
      %swap3A_1477 = vector.shape_cast %swap3A_1476 : vector<1x1x16xf32> to vector<16xf32>
      %swap3A_1478 = vector.shape_cast %get3A_1471 : vector<16xf32> to vector<1x1x16xf32>
      tpu.vector_store %arg12[%swap3A_1473, %swap3A_1474, %swap3A_1475], %swap3A_1478 {strides = array<i32>} : memref<2x60x128xf32, #tpu.memory_space<vmem>>, vector<1x1x16xf32>,
      %get3A_1479 = arith.index_cast %scan3A_1447 : i32 to index
      %get3A_1480 = arith.constant 48 : index
      %get3A_1481 = tpu.vector_load %arg9[%get3A_1479, %get3A_1480] {strides = array<i32>} : memref<128x80xf32, #tpu.memory_space<vmem>>, vector<1x16xf32>,
      %get3A_1482 = vector.shape_cast %get3A_1481 : vector<1x16xf32> to vector<16xf32>
      %swap3A_1483 = arith.constant 0 : i32
      %swap3A_1484 = arith.index_cast %swap3A_1483 : i32 to index
      %swap3A_1485 = arith.index_cast %scan3A_1447 : i32 to index
      %swap3A_1486 = arith.constant 48 : index
      %swap3A_1487 = tpu.vector_load %arg12[%swap3A_1484, %swap3A_1485, %swap3A_1486] {strides = array<i32>} : memref<2x60x128xf32, #tpu.memory_space<vmem>>, vector<1x1x16xf32>,
      %swap3A_1488 = vector.shape_cast %swap3A_1487 : vector<1x1x16xf32> to vector<16xf32>
      %swap3A_1489 = vector.shape_cast %get3A_1482 : vector<16xf32> to vector<1x1x16xf32>
      tpu.vector_store %arg12[%swap3A_1484, %swap3A_1485, %swap3A_1486], %swap3A_1489 {strides = array<i32>} : memref<2x60x128xf32, #tpu.memory_space<vmem>>, vector<1x1x16xf32>,
      %get3A_1490 = arith.index_cast %scan3A_1447 : i32 to index
      %get3A_1491 = arith.constant 64 : index
      %get3A_1492 = tpu.vector_load %arg9[%get3A_1490, %get3A_1491] {strides = array<i32>} : memref<128x80xf32, #tpu.memory_space<vmem>>, vector<1x16xf32>,
      %get3A_1493 = vector.shape_cast %get3A_1492 : vector<1x16xf32> to vector<16xf32>
      %swap3A_1494 = arith.constant 0 : i32
      %swap3A_1495 = arith.index_cast %swap3A_1494 : i32 to index
      %swap3A_1496 = arith.index_cast %scan3A_1447 : i32 to index
      %swap3A_1497 = arith.constant 64 : index
      %swap3A_1498 = tpu.vector_load %arg12[%swap3A_1495, %swap3A_1496, %swap3A_1497] {strides = array<i32>} : memref<2x60x128xf32, #tpu.memory_space<vmem>>, vector<1x1x16xf32>,
      %swap3A_1499 = vector.shape_cast %swap3A_1498 : vector<1x1x16xf32> to vector<16xf32>
      %swap3A_1500 = vector.shape_cast %get3A_1493 : vector<16xf32> to vector<1x1x16xf32>
      tpu.vector_store %arg12[%swap3A_1495, %swap3A_1496, %swap3A_1497], %swap3A_1500 {strides = array<i32>} : memref<2x60x128xf32, #tpu.memory_space<vmem>>, vector<1x1x16xf32>,
    }
    %scan3A_530 = arith.constant 60 : i32
    %mul3A_531 = arith.constant 960 : i32
    %mul3A_532 = arith.muli %add3A, %mul3A_531 : i32
    %add3A_533 = arith.constant 0 : i32
    %add3A_534 = arith.addi %mul3A_532, %add3A_533 : i32
    %dma_start3A_535 = arith.constant 0 : i32
    %dma_start3A_536 = arith.constant 0 : i32
    %dma_start3A_537 = arith.constant 0 : i32
    %dma_start3A_538 = tpu.memref_slice %arg12[%dma_start3A_535, %dma_start3A_536, %dma_start3A_537] : memref<2x60x128xf32, #tpu.memory_space<vmem>> -> memref<1x60x128xf32, #tpu.memory_space<vmem>>
    %dma_start3A_539 = tpu.memref_squeeze %dma_start3A_538 : memref<1x60x128xf32, #tpu.memory_space<vmem>> -> memref<60x128xf32, #tpu.memory_space<vmem>>
    %dma_start3A_540 = arith.constant 0 : i32
    %dma_start3A_541 = tpu.memref_slice %arg5[%add3A_534, %dma_start3A_540] : memref<30720x128xf32, #tpu.memory_space<hbm>> -> memref<60x128xf32, #tpu.memory_space<hbm>>
    %dma_start3A_542 = arith.constant 0 : i32
    %dma_start3A_543 = tpu.memref_slice %arg5[%add3A_534, %dma_start3A_542] : memref<30720x128xf32, #tpu.memory_space<hbm>> -> memref<60x128xf32, #tpu.memory_space<hbm>>
    %dma_start3A_544 = arith.constant 0 : i32
    %dma_start3A_545 = arith.constant 0 : i32
    %dma_start3A_546 = tpu.memref_slice %arg12[%dma_start3A_535, %dma_start3A_544, %dma_start3A_545] : memref<2x60x128xf32, #tpu.memory_space<vmem>> -> memref<1x60x128xf32, #tpu.memory_space<vmem>>
    %dma_start3A_547 = tpu.memref_squeeze %dma_start3A_546 : memref<1x60x128xf32, #tpu.memory_space<vmem>> -> memref<60x128xf32, #tpu.memory_space<vmem>>
    tpu.enqueue_dma source(%dma_start3A_547 : memref<60x128xf32, #tpu.memory_space<vmem>>) target(%dma_start3A_543 : memref<60x128xf32, #tpu.memory_space<hbm>>) target_semaphore(%arg14 : memref<!tpu.dma_semaphore, #tpu.memory_space<semaphore_mem>>)
    %mul3A_548 = arith.constant 960 : i32
    %mul3A_549 = arith.muli %arg1, %mul3A_548 : i32
    %add3A_550 = arith.constant 120 : i32
    %add3A_551 = arith.addi %mul3A_549, %add3A_550 : i32
    %dma_start3A_552 = arith.constant 0 : i32
    %dma_start3A_553 = arith.constant 0 : i32
    %dma_start3A_554 = tpu.memref_slice %arg9[%dma_start3A_552, %dma_start3A_553] : memref<128x80xf32, #tpu.memory_space<vmem>> -> memref<60x80xf32, #tpu.memory_space<vmem>>
    %dma_start3A_555 = arith.constant 0 : i32
    %dma_start3A_556 = tpu.memref_slice %arg6[%add3A_551, %dma_start3A_555] : memref<15360x80xf32, #tpu.memory_space<vmem_shared>> -> memref<60x80xf32, #tpu.memory_space<vmem_shared>>
    %dma_start3A_557 = arith.constant 0 : i32
    %dma_start3A_558 = arith.constant 0 : i32
    %dma_start3A_559 = tpu.memref_slice %arg9[%dma_start3A_557, %dma_start3A_558] : memref<128x80xf32, #tpu.memory_space<vmem>> -> memref<60x80xf32, #tpu.memory_space<vmem>>
    %dma_start3A_560 = arith.constant 0 : i32
    %dma_start3A_561 = tpu.memref_slice %arg6[%add3A_551, %dma_start3A_560] : memref<15360x80xf32, #tpu.memory_space<vmem_shared>> -> memref<60x80xf32, #tpu.memory_space<vmem_shared>>
    tpu.enqueue_dma source(%dma_start3A_561 : memref<60x80xf32, #tpu.memory_space<vmem_shared>>) target(%dma_start3A_559 : memref<60x80xf32, #tpu.memory_space<vmem>>) target_semaphore(%arg13 : memref<!tpu.dma_semaphore, #tpu.memory_space<semaphore_mem>>)
    %dma_wait3A_562 = arith.constant 0 : i32
    %dma_wait3A_563 = arith.constant 0 : i32
    %dma_wait3A_564 = tpu.memref_slice %arg10[%dma_wait3A_562, %dma_wait3A_563] : memref<128x80xf32, #tpu.memory_space<vmem>> -> memref<60x80xf32, #tpu.memory_space<vmem>>
    %dma_wait3A_565 = arith.constant 0 : i32
    %dma_wait3A_566 = tpu.memref_slice %arg6[%add3A_504, %dma_wait3A_565] : memref<15360x80xf32, #tpu.memory_space<vmem_shared>> -> memref<60x80xf32, #tpu.memory_space<vmem_shared>>
    %dma_wait3A_567 = arith.constant 0 : i32
    %dma_wait3A_568 = arith.constant 0 : i32
    %dma_wait3A_569 = tpu.memref_slice %arg10[%dma_wait3A_567, %dma_wait3A_568] : memref<128x80xf32, #tpu.memory_space<vmem>> -> memref<60x80xf32, #tpu.memory_space<vmem>>
    %dma_wait3A_570 = arith.constant 0 : i32
    %dma_wait3A_571 = tpu.memref_slice %arg6[%add3A_504, %dma_wait3A_570] : memref<15360x80xf32, #tpu.memory_space<vmem_shared>> -> memref<60x80xf32, #tpu.memory_space<vmem_shared>>
    tpu.wait_dma2 semaphore(%arg13 : memref<!tpu.dma_semaphore, #tpu.memory_space<semaphore_mem>>) src(%dma_wait3A_571 : memref<60x80xf32, #tpu.memory_space<vmem_shared>>) dst(%dma_wait3A_569 : memref<60x80xf32, #tpu.memory_space<vmem>>)
    %scan3A_572 = arith.constant 0 : i32
    %scan3A_573 = arith.constant 0 : i32
    %scan3A_574 = arith.constant 60 : i32
    %scan3A_575 = arith.addi %scan3A_573, %scan3A_574 : i32
    %scan3A_576 = arith.constant 1 : i32
    scf.for %scan3A_1447 = %scan3A_573 to %scan3A_575 step %scan3A_576  : i32 {
      %get3A = arith.index_cast %scan3A_1447 : i32 to index
      %get3A_1448 = arith.constant 0 : index
      %get3A_1449 = tpu.vector_load %arg10[%get3A, %get3A_1448] {strides = array<i32>} : memref<128x80xf32, #tpu.memory_space<vmem>>, vector<1x16xf32>,
      %get3A_1450 = vector.shape_cast %get3A_1449 : vector<1x16xf32> to vector<16xf32>
      %swap3A = arith.constant 1 : i32
      %swap3A_1451 = arith.index_cast %swap3A : i32 to index
      %swap3A_1452 = arith.index_cast %scan3A_1447 : i32 to index
      %swap3A_1453 = arith.constant 0 : index
      %swap3A_1454 = tpu.vector_load %arg12[%swap3A_1451, %swap3A_1452, %swap3A_1453] {strides = array<i32>} : memref<2x60x128xf32, #tpu.memory_space<vmem>>, vector<1x1x16xf32>,
      %swap3A_1455 = vector.shape_cast %swap3A_1454 : vector<1x1x16xf32> to vector<16xf32>
      %swap3A_1456 = vector.shape_cast %get3A_1450 : vector<16xf32> to vector<1x1x16xf32>
      tpu.vector_store %arg12[%swap3A_1451, %swap3A_1452, %swap3A_1453], %swap3A_1456 {strides = array<i32>} : memref<2x60x128xf32, #tpu.memory_space<vmem>>, vector<1x1x16xf32>,
      %get3A_1457 = arith.index_cast %scan3A_1447 : i32 to index
      %get3A_1458 = arith.constant 16 : index
      %get3A_1459 = tpu.vector_load %arg10[%get3A_1457, %get3A_1458] {strides = array<i32>} : memref<128x80xf32, #tpu.memory_space<vmem>>, vector<1x16xf32>,
      %get3A_1460 = vector.shape_cast %get3A_1459 : vector<1x16xf32> to vector<16xf32>
      %swap3A_1461 = arith.constant 1 : i32
      %swap3A_1462 = arith.index_cast %swap3A_1461 : i32 to index
      %swap3A_1463 = arith.index_cast %scan3A_1447 : i32 to index
      %swap3A_1464 = arith.constant 16 : index
      %swap3A_1465 = tpu.vector_load %arg12[%swap3A_1462, %swap3A_1463, %swap3A_1464] {strides = array<i32>} : memref<2x60x128xf32, #tpu.memory_space<vmem>>, vector<1x1x16xf32>,
      %swap3A_1466 = vector.shape_cast %swap3A_1465 : vector<1x1x16xf32> to vector<16xf32>
      %swap3A_1467 = vector.shape_cast %get3A_1460 : vector<16xf32> to vector<1x1x16xf32>
      tpu.vector_store %arg12[%swap3A_1462, %swap3A_1463, %swap3A_1464], %swap3A_1467 {strides = array<i32>} : memref<2x60x128xf32, #tpu.memory_space<vmem>>, vector<1x1x16xf32>,
      %get3A_1468 = arith.index_cast %scan3A_1447 : i32 to index
      %get3A_1469 = arith.constant 32 : index
      %get3A_1470 = tpu.vector_load %arg10[%get3A_1468, %get3A_1469] {strides = array<i32>} : memref<128x80xf32, #tpu.memory_space<vmem>>, vector<1x16xf32>,
      %get3A_1471 = vector.shape_cast %get3A_1470 : vector<1x16xf32> to vector<16xf32>
      %swap3A_1472 = arith.constant 1 : i32
      %swap3A_1473 = arith.index_cast %swap3A_1472 : i32 to index
      %swap3A_1474 = arith.index_cast %scan3A_1447 : i32 to index
      %swap3A_1475 = arith.constant 32 : index
      %swap3A_1476 = tpu.vector_load %arg12[%swap3A_1473, %swap3A_1474, %swap3A_1475] {strides = array<i32>} : memref<2x60x128xf32, #tpu.memory_space<vmem>>, vector<1x1x16xf32>,
      %swap3A_1477 = vector.shape_cast %swap3A_1476 : vector<1x1x16xf32> to vector<16xf32>
      %swap3A_1478 = vector.shape_cast %get3A_1471 : vector<16xf32> to vector<1x1x16xf32>
      tpu.vector_store %arg12[%swap3A_1473, %swap3A_1474, %swap3A_1475], %swap3A_1478 {strides = array<i32>} : memref<2x60x128xf32, #tpu.memory_space<vmem>>, vector<1x1x16xf32>,
      %get3A_1479 = arith.index_cast %scan3A_1447 : i32 to index
      %get3A_1480 = arith.constant 48 : index
      %get3A_1481 = tpu.vector_load %arg10[%get3A_1479, %get3A_1480] {strides = array<i32>} : memref<128x80xf32, #tpu.memory_space<vmem>>, vector<1x16xf32>,
      %get3A_1482 = vector.shape_cast %get3A_1481 : vector<1x16xf32> to vector<16xf32>
      %swap3A_1483 = arith.constant 1 : i32
      %swap3A_1484 = arith.index_cast %swap3A_1483 : i32 to index
      %swap3A_1485 = arith.index_cast %scan3A_1447 : i32 to index
      %swap3A_1486 = arith.constant 48 : index
      %swap3A_1487 = tpu.vector_load %arg12[%swap3A_1484, %swap3A_1485, %swap3A_1486] {strides = array<i32>} : memref<2x60x128xf32, #tpu.memory_space<vmem>>, vector<1x1x16xf32>,
      %swap3A_1488 = vector.shape_cast %swap3A_1487 : vector<1x1x16xf32> to vector<16xf32>
      %swap3A_1489 = vector.shape_cast %get3A_1482 : vector<16xf32> to vector<1x1x16xf32>
      tpu.vector_store %arg12[%swap3A_1484, %swap3A_1485, %swap3A_1486], %swap3A_1489 {strides = array<i32>} : memref<2x60x128xf32, #tpu.memory_space<vmem>>, vector<1x1x16xf32>,
      %get3A_1490 = arith.index_cast %scan3A_1447 : i32 to index
      %get3A_1491 = arith.constant 64 : index
      %get3A_1492 = tpu.vector_load %arg10[%get3A_1490, %get3A_1491] {strides = array<i32>} : memref<128x80xf32, #tpu.memory_space<vmem>>, vector<1x16xf32>,
      %get3A_1493 = vector.shape_cast %get3A_1492 : vector<1x16xf32> to vector<16xf32>
      %swap3A_1494 = arith.constant 1 : i32
      %swap3A_1495 = arith.index_cast %swap3A_1494 : i32 to index
      %swap3A_1496 = arith.index_cast %scan3A_1447 : i32 to index
      %swap3A_1497 = arith.constant 64 : index
      %swap3A_1498 = tpu.vector_load %arg12[%swap3A_1495, %swap3A_1496, %swap3A_1497] {strides = array<i32>} : memref<2x60x128xf32, #tpu.memory_space<vmem>>, vector<1x1x16xf32>,
      %swap3A_1499 = vector.shape_cast %swap3A_1498 : vector<1x1x16xf32> to vector<16xf32>
      %swap3A_1500 = vector.shape_cast %get3A_1493 : vector<16xf32> to vector<1x1x16xf32>
      tpu.vector_store %arg12[%swap3A_1495, %swap3A_1496, %swap3A_1497], %swap3A_1500 {strides = array<i32>} : memref<2x60x128xf32, #tpu.memory_space<vmem>>, vector<1x1x16xf32>,
    }
    %scan3A_577 = arith.constant 60 : i32
    %mul3A_578 = arith.constant 960 : i32
    %mul3A_579 = arith.muli %add3A, %mul3A_578 : i32
    %add3A_580 = arith.constant 60 : i32
    %add3A_581 = arith.addi %mul3A_579, %add3A_580 : i32
    %dma_start3A_582 = arith.constant 1 : i32
    %dma_start3A_583 = arith.constant 0 : i32
    %dma_start3A_584 = arith.constant 0 : i32
    %dma_start3A_585 = tpu.memref_slice %arg12[%dma_start3A_582, %dma_start3A_583, %dma_start3A_584] : memref<2x60x128xf32, #tpu.memory_space<vmem>> -> memref<1x60x128xf32, #tpu.memory_space<vmem>>
    %dma_start3A_586 = tpu.memref_squeeze %dma_start3A_585 : memref<1x60x128xf32, #tpu.memory_space<vmem>> -> memref<60x128xf32, #tpu.memory_space<vmem>>
    %dma_start3A_587 = arith.constant 0 : i32
    %dma_start3A_588 = tpu.memref_slice %arg5[%add3A_581, %dma_start3A_587] : memref<30720x128xf32, #tpu.memory_space<hbm>> -> memref<60x128xf32, #tpu.memory_space<hbm>>
    %dma_start3A_589 = arith.constant 0 : i32
    %dma_start3A_590 = tpu.memref_slice %arg5[%add3A_581, %dma_start3A_589] : memref<30720x128xf32, #tpu.memory_space<hbm>> -> memref<60x128xf32, #tpu.memory_space<hbm>>
    %dma_start3A_591 = arith.constant 0 : i32
    %dma_start3A_592 = arith.constant 0 : i32
    %dma_start3A_593 = tpu.memref_slice %arg12[%dma_start3A_582, %dma_start3A_591, %dma_start3A_592] : memref<2x60x128xf32, #tpu.memory_space<vmem>> -> memref<1x60x128xf32, #tpu.memory_space<vmem>>
    %dma_start3A_594 = tpu.memref_squeeze %dma_start3A_593 : memref<1x60x128xf32, #tpu.memory_space<vmem>> -> memref<60x128xf32, #tpu.memory_space<vmem>>
    tpu.enqueue_dma source(%dma_start3A_594 : memref<60x128xf32, #tpu.memory_space<vmem>>) target(%dma_start3A_590 : memref<60x128xf32, #tpu.memory_space<hbm>>) target_semaphore(%arg14 : memref<!tpu.dma_semaphore, #tpu.memory_space<semaphore_mem>>)
    %mul3A_595 = arith.constant 960 : i32
    %mul3A_596 = arith.muli %arg1, %mul3A_595 : i32
    %add3A_597 = arith.constant 180 : i32
    %add3A_598 = arith.addi %mul3A_596, %add3A_597 : i32
    %dma_start3A_599 = arith.constant 0 : i32
    %dma_start3A_600 = arith.constant 0 : i32
    %dma_start3A_601 = tpu.memref_slice %arg10[%dma_start3A_599, %dma_start3A_600] : memref<128x80xf32, #tpu.memory_space<vmem>> -> memref<60x80xf32, #tpu.memory_space<vmem>>
    %dma_start3A_602 = arith.constant 0 : i32
    %dma_start3A_603 = tpu.memref_slice %arg6[%add3A_598, %dma_start3A_602] : memref<15360x80xf32, #tpu.memory_space<vmem_shared>> -> memref<60x80xf32, #tpu.memory_space<vmem_shared>>
    %dma_start3A_604 = arith.constant 0 : i32
    %dma_start3A_605 = arith.constant 0 : i32
    %dma_start3A_606 = tpu.memref_slice %arg10[%dma_start3A_604, %dma_start3A_605] : memref<128x80xf32, #tpu.memory_space<vmem>> -> memref<60x80xf32, #tpu.memory_space<vmem>>
    %dma_start3A_607 = arith.constant 0 : i32
    %dma_start3A_608 = tpu.memref_slice %arg6[%add3A_598, %dma_start3A_607] : memref<15360x80xf32, #tpu.memory_space<vmem_shared>> -> memref<60x80xf32, #tpu.memory_space<vmem_shared>>
    tpu.enqueue_dma source(%dma_start3A_608 : memref<60x80xf32, #tpu.memory_space<vmem_shared>>) target(%dma_start3A_606 : memref<60x80xf32, #tpu.memory_space<vmem>>) target_semaphore(%arg13 : memref<!tpu.dma_semaphore, #tpu.memory_space<semaphore_mem>>)
    %dma_wait3A_609 = arith.constant 0 : i32
    %dma_wait3A_610 = arith.constant 0 : i32
    %dma_wait3A_611 = tpu.memref_slice %arg9[%dma_wait3A_609, %dma_wait3A_610] : memref<128x80xf32, #tpu.memory_space<vmem>> -> memref<60x80xf32, #tpu.memory_space<vmem>>
    %dma_wait3A_612 = arith.constant 0 : i32
    %dma_wait3A_613 = tpu.memref_slice %arg6[%add3A_551, %dma_wait3A_612] : memref<15360x80xf32, #tpu.memory_space<vmem_shared>> -> memref<60x80xf32, #tpu.memory_space<vmem_shared>>
    %dma_wait3A_614 = arith.constant 0 : i32
    %dma_wait3A_615 = arith.constant 0 : i32
    %dma_wait3A_616 = tpu.memref_slice %arg9[%dma_wait3A_614, %dma_wait3A_615] : memref<128x80xf32, #tpu.memory_space<vmem>> -> memref<60x80xf32, #tpu.memory_space<vmem>>
    %dma_wait3A_617 = arith.constant 0 : i32
    %dma_wait3A_618 = tpu.memref_slice %arg6[%add3A_551, %dma_wait3A_617] : memref<15360x80xf32, #tpu.memory_space<vmem_shared>> -> memref<60x80xf32, #tpu.memory_space<vmem_shared>>
    tpu.wait_dma2 semaphore(%arg13 : memref<!tpu.dma_semaphore, #tpu.memory_space<semaphore_mem>>) src(%dma_wait3A_618 : memref<60x80xf32, #tpu.memory_space<vmem_shared>>) dst(%dma_wait3A_616 : memref<60x80xf32, #tpu.memory_space<vmem>>)
    %dma_wait3A_619 = arith.constant 0 : i32
    %dma_wait3A_620 = arith.constant 0 : i32
    %dma_wait3A_621 = arith.constant 0 : i32
    %dma_wait3A_622 = tpu.memref_slice %arg12[%dma_wait3A_619, %dma_wait3A_620, %dma_wait3A_621] : memref<2x60x128xf32, #tpu.memory_space<vmem>> -> memref<1x60x128xf32, #tpu.memory_space<vmem>>
    %dma_wait3A_623 = tpu.memref_squeeze %dma_wait3A_622 : memref<1x60x128xf32, #tpu.memory_space<vmem>> -> memref<60x128xf32, #tpu.memory_space<vmem>>
    %dma_wait3A_624 = arith.constant 0 : i32
    %dma_wait3A_625 = tpu.memref_slice %arg5[%add3A_534, %dma_wait3A_624] : memref<30720x128xf32, #tpu.memory_space<hbm>> -> memref<60x128xf32, #tpu.memory_space<hbm>>
    %dma_wait3A_626 = arith.constant 0 : i32
    %dma_wait3A_627 = tpu.memref_slice %arg5[%add3A_534, %dma_wait3A_626] : memref<30720x128xf32, #tpu.memory_space<hbm>> -> memref<60x128xf32, #tpu.memory_space<hbm>>
    %dma_wait3A_628 = arith.constant 0 : i32
    %dma_wait3A_629 = arith.constant 0 : i32
    %dma_wait3A_630 = tpu.memref_slice %arg12[%dma_wait3A_619, %dma_wait3A_628, %dma_wait3A_629] : memref<2x60x128xf32, #tpu.memory_space<vmem>> -> memref<1x60x128xf32, #tpu.memory_space<vmem>>
    %dma_wait3A_631 = tpu.memref_squeeze %dma_wait3A_630 : memref<1x60x128xf32, #tpu.memory_space<vmem>> -> memref<60x128xf32, #tpu.memory_space<vmem>>
    tpu.wait_dma2 semaphore(%arg14 : memref<!tpu.dma_semaphore, #tpu.memory_space<semaphore_mem>>) src(%dma_wait3A_631 : memref<60x128xf32, #tpu.memory_space<vmem>>) dst(%dma_wait3A_627 : memref<60x128xf32, #tpu.memory_space<hbm>>)
    %scan3A_632 = arith.constant 0 : i32
    %scan3A_633 = arith.constant 0 : i32
    %scan3A_634 = arith.constant 60 : i32
    %scan3A_635 = arith.addi %scan3A_633, %scan3A_634 : i32
    %scan3A_636 = arith.constant 1 : i32
    scf.for %scan3A_1447 = %scan3A_633 to %scan3A_635 step %scan3A_636  : i32 {
      %get3A = arith.index_cast %scan3A_1447 : i32 to index
      %get3A_1448 = arith.constant 0 : index
      %get3A_1449 = tpu.vector_load %arg9[%get3A, %get3A_1448] {strides = array<i32>} : memref<128x80xf32, #tpu.memory_space<vmem>>, vector<1x16xf32>,
      %get3A_1450 = vector.shape_cast %get3A_1449 : vector<1x16xf32> to vector<16xf32>
      %swap3A = arith.constant 0 : i32
      %swap3A_1451 = arith.index_cast %swap3A : i32 to index
      %swap3A_1452 = arith.index_cast %scan3A_1447 : i32 to index
      %swap3A_1453 = arith.constant 0 : index
      %swap3A_1454 = tpu.vector_load %arg12[%swap3A_1451, %swap3A_1452, %swap3A_1453] {strides = array<i32>} : memref<2x60x128xf32, #tpu.memory_space<vmem>>, vector<1x1x16xf32>,
      %swap3A_1455 = vector.shape_cast %swap3A_1454 : vector<1x1x16xf32> to vector<16xf32>
      %swap3A_1456 = vector.shape_cast %get3A_1450 : vector<16xf32> to vector<1x1x16xf32>
      tpu.vector_store %arg12[%swap3A_1451, %swap3A_1452, %swap3A_1453], %swap3A_1456 {strides = array<i32>} : memref<2x60x128xf32, #tpu.memory_space<vmem>>, vector<1x1x16xf32>,
      %get3A_1457 = arith.index_cast %scan3A_1447 : i32 to index
      %get3A_1458 = arith.constant 16 : index
      %get3A_1459 = tpu.vector_load %arg9[%get3A_1457, %get3A_1458] {strides = array<i32>} : memref<128x80xf32, #tpu.memory_space<vmem>>, vector<1x16xf32>,
      %get3A_1460 = vector.shape_cast %get3A_1459 : vector<1x16xf32> to vector<16xf32>
      %swap3A_1461 = arith.constant 0 : i32
      %swap3A_1462 = arith.index_cast %swap3A_1461 : i32 to index
      %swap3A_1463 = arith.index_cast %scan3A_1447 : i32 to index
      %swap3A_1464 = arith.constant 16 : index
      %swap3A_1465 = tpu.vector_load %arg12[%swap3A_1462, %swap3A_1463, %swap3A_1464] {strides = array<i32>} : memref<2x60x128xf32, #tpu.memory_space<vmem>>, vector<1x1x16xf32>,
      %swap3A_1466 = vector.shape_cast %swap3A_1465 : vector<1x1x16xf32> to vector<16xf32>
      %swap3A_1467 = vector.shape_cast %get3A_1460 : vector<16xf32> to vector<1x1x16xf32>
      tpu.vector_store %arg12[%swap3A_1462, %swap3A_1463, %swap3A_1464], %swap3A_1467 {strides = array<i32>} : memref<2x60x128xf32, #tpu.memory_space<vmem>>, vector<1x1x16xf32>,
      %get3A_1468 = arith.index_cast %scan3A_1447 : i32 to index
      %get3A_1469 = arith.constant 32 : index
      %get3A_1470 = tpu.vector_load %arg9[%get3A_1468, %get3A_1469] {strides = array<i32>} : memref<128x80xf32, #tpu.memory_space<vmem>>, vector<1x16xf32>,
      %get3A_1471 = vector.shape_cast %get3A_1470 : vector<1x16xf32> to vector<16xf32>
      %swap3A_1472 = arith.constant 0 : i32
      %swap3A_1473 = arith.index_cast %swap3A_1472 : i32 to index
      %swap3A_1474 = arith.index_cast %scan3A_1447 : i32 to index
      %swap3A_1475 = arith.constant 32 : index
      %swap3A_1476 = tpu.vector_load %arg12[%swap3A_1473, %swap3A_1474, %swap3A_1475] {strides = array<i32>} : memref<2x60x128xf32, #tpu.memory_space<vmem>>, vector<1x1x16xf32>,
      %swap3A_1477 = vector.shape_cast %swap3A_1476 : vector<1x1x16xf32> to vector<16xf32>
      %swap3A_1478 = vector.shape_cast %get3A_1471 : vector<16xf32> to vector<1x1x16xf32>
      tpu.vector_store %arg12[%swap3A_1473, %swap3A_1474, %swap3A_1475], %swap3A_1478 {strides = array<i32>} : memref<2x60x128xf32, #tpu.memory_space<vmem>>, vector<1x1x16xf32>,
      %get3A_1479 = arith.index_cast %scan3A_1447 : i32 to index
      %get3A_1480 = arith.constant 48 : index
      %get3A_1481 = tpu.vector_load %arg9[%get3A_1479, %get3A_1480] {strides = array<i32>} : memref<128x80xf32, #tpu.memory_space<vmem>>, vector<1x16xf32>,
      %get3A_1482 = vector.shape_cast %get3A_1481 : vector<1x16xf32> to vector<16xf32>
      %swap3A_1483 = arith.constant 0 : i32
      %swap3A_1484 = arith.index_cast %swap3A_1483 : i32 to index
      %swap3A_1485 = arith.index_cast %scan3A_1447 : i32 to index
      %swap3A_1486 = arith.constant 48 : index
      %swap3A_1487 = tpu.vector_load %arg12[%swap3A_1484, %swap3A_1485, %swap3A_1486] {strides = array<i32>} : memref<2x60x128xf32, #tpu.memory_space<vmem>>, vector<1x1x16xf32>,
      %swap3A_1488 = vector.shape_cast %swap3A_1487 : vector<1x1x16xf32> to vector<16xf32>
      %swap3A_1489 = vector.shape_cast %get3A_1482 : vector<16xf32> to vector<1x1x16xf32>
      tpu.vector_store %arg12[%swap3A_1484, %swap3A_1485, %swap3A_1486], %swap3A_1489 {strides = array<i32>} : memref<2x60x128xf32, #tpu.memory_space<vmem>>, vector<1x1x16xf32>,
      %get3A_1490 = arith.index_cast %scan3A_1447 : i32 to index
      %get3A_1491 = arith.constant 64 : index
      %get3A_1492 = tpu.vector_load %arg9[%get3A_1490, %get3A_1491] {strides = array<i32>} : memref<128x80xf32, #tpu.memory_space<vmem>>, vector<1x16xf32>,
      %get3A_1493 = vector.shape_cast %get3A_1492 : vector<1x16xf32> to vector<16xf32>
      %swap3A_1494 = arith.constant 0 : i32
      %swap3A_1495 = arith.index_cast %swap3A_1494 : i32 to index
      %swap3A_1496 = arith.index_cast %scan3A_1447 : i32 to index
      %swap3A_1497 = arith.constant 64 : index
      %swap3A_1498 = tpu.vector_load %arg12[%swap3A_1495, %swap3A_1496, %swap3A_1497] {strides = array<i32>} : memref<2x60x128xf32, #tpu.memory_space<vmem>>, vector<1x1x16xf32>,
      %swap3A_1499 = vector.shape_cast %swap3A_1498 : vector<1x1x16xf32> to vector<16xf32>
      %swap3A_1500 = vector.shape_cast %get3A_1493 : vector<16xf32> to vector<1x1x16xf32>
      tpu.vector_store %arg12[%swap3A_1495, %swap3A_1496, %swap3A_1497], %swap3A_1500 {strides = array<i32>} : memref<2x60x128xf32, #tpu.memory_space<vmem>>, vector<1x1x16xf32>,
    }
    %scan3A_637 = arith.constant 60 : i32
    %mul3A_638 = arith.constant 960 : i32
    %mul3A_639 = arith.muli %add3A, %mul3A_638 : i32
    %add3A_640 = arith.constant 120 : i32
    %add3A_641 = arith.addi %mul3A_639, %add3A_640 : i32
    %dma_start3A_642 = arith.constant 0 : i32
    %dma_start3A_643 = arith.constant 0 : i32
    %dma_start3A_644 = arith.constant 0 : i32
    %dma_start3A_645 = tpu.memref_slice %arg12[%dma_start3A_642, %dma_start3A_643, %dma_start3A_644] : memref<2x60x128xf32, #tpu.memory_space<vmem>> -> memref<1x60x128xf32, #tpu.memory_space<vmem>>
    %dma_start3A_646 = tpu.memref_squeeze %dma_start3A_645 : memref<1x60x128xf32, #tpu.memory_space<vmem>> -> memref<60x128xf32, #tpu.memory_space<vmem>>
    %dma_start3A_647 = arith.constant 0 : i32
    %dma_start3A_648 = tpu.memref_slice %arg5[%add3A_641, %dma_start3A_647] : memref<30720x128xf32, #tpu.memory_space<hbm>> -> memref<60x128xf32, #tpu.memory_space<hbm>>
    %dma_start3A_649 = arith.constant 0 : i32
    %dma_start3A_650 = tpu.memref_slice %arg5[%add3A_641, %dma_start3A_649] : memref<30720x128xf32, #tpu.memory_space<hbm>> -> memref<60x128xf32, #tpu.memory_space<hbm>>
    %dma_start3A_651 = arith.constant 0 : i32
    %dma_start3A_652 = arith.constant 0 : i32
    %dma_start3A_653 = tpu.memref_slice %arg12[%dma_start3A_642, %dma_start3A_651, %dma_start3A_652] : memref<2x60x128xf32, #tpu.memory_space<vmem>> -> memref<1x60x128xf32, #tpu.memory_space<vmem>>
    %dma_start3A_654 = tpu.memref_squeeze %dma_start3A_653 : memref<1x60x128xf32, #tpu.memory_space<vmem>> -> memref<60x128xf32, #tpu.memory_space<vmem>>
    tpu.enqueue_dma source(%dma_start3A_654 : memref<60x128xf32, #tpu.memory_space<vmem>>) target(%dma_start3A_650 : memref<60x128xf32, #tpu.memory_space<hbm>>) target_semaphore(%arg14 : memref<!tpu.dma_semaphore, #tpu.memory_space<semaphore_mem>>)
    %mul3A_655 = arith.constant 960 : i32
    %mul3A_656 = arith.muli %arg1, %mul3A_655 : i32
    %add3A_657 = arith.constant 240 : i32
    %add3A_658 = arith.addi %mul3A_656, %add3A_657 : i32
    %dma_start3A_659 = arith.constant 0 : i32
    %dma_start3A_660 = arith.constant 0 : i32
    %dma_start3A_661 = tpu.memref_slice %arg9[%dma_start3A_659, %dma_start3A_660] : memref<128x80xf32, #tpu.memory_space<vmem>> -> memref<60x80xf32, #tpu.memory_space<vmem>>
    %dma_start3A_662 = arith.constant 0 : i32
    %dma_start3A_663 = tpu.memref_slice %arg6[%add3A_658, %dma_start3A_662] : memref<15360x80xf32, #tpu.memory_space<vmem_shared>> -> memref<60x80xf32, #tpu.memory_space<vmem_shared>>
    %dma_start3A_664 = arith.constant 0 : i32
    %dma_start3A_665 = arith.constant 0 : i32
    %dma_start3A_666 = tpu.memref_slice %arg9[%dma_start3A_664, %dma_start3A_665] : memref<128x80xf32, #tpu.memory_space<vmem>> -> memref<60x80xf32, #tpu.memory_space<vmem>>
    %dma_start3A_667 = arith.constant 0 : i32
    %dma_start3A_668 = tpu.memref_slice %arg6[%add3A_658, %dma_start3A_667] : memref<15360x80xf32, #tpu.memory_space<vmem_shared>> -> memref<60x80xf32, #tpu.memory_space<vmem_shared>>
    tpu.enqueue_dma source(%dma_start3A_668 : memref<60x80xf32, #tpu.memory_space<vmem_shared>>) target(%dma_start3A_666 : memref<60x80xf32, #tpu.memory_space<vmem>>) target_semaphore(%arg13 : memref<!tpu.dma_semaphore, #tpu.memory_space<semaphore_mem>>)
    %dma_wait3A_669 = arith.constant 0 : i32
    %dma_wait3A_670 = arith.constant 0 : i32
    %dma_wait3A_671 = tpu.memref_slice %arg10[%dma_wait3A_669, %dma_wait3A_670] : memref<128x80xf32, #tpu.memory_space<vmem>> -> memref<60x80xf32, #tpu.memory_space<vmem>>
    %dma_wait3A_672 = arith.constant 0 : i32
    %dma_wait3A_673 = tpu.memref_slice %arg6[%add3A_598, %dma_wait3A_672] : memref<15360x80xf32, #tpu.memory_space<vmem_shared>> -> memref<60x80xf32, #tpu.memory_space<vmem_shared>>
    %dma_wait3A_674 = arith.constant 0 : i32
    %dma_wait3A_675 = arith.constant 0 : i32
    %dma_wait3A_676 = tpu.memref_slice %arg10[%dma_wait3A_674, %dma_wait3A_675] : memref<128x80xf32, #tpu.memory_space<vmem>> -> memref<60x80xf32, #tpu.memory_space<vmem>>
    %dma_wait3A_677 = arith.constant 0 : i32
    %dma_wait3A_678 = tpu.memref_slice %arg6[%add3A_598, %dma_wait3A_677] : memref<15360x80xf32, #tpu.memory_space<vmem_shared>> -> memref<60x80xf32, #tpu.memory_space<vmem_shared>>
    tpu.wait_dma2 semaphore(%arg13 : memref<!tpu.dma_semaphore, #tpu.memory_space<semaphore_mem>>) src(%dma_wait3A_678 : memref<60x80xf32, #tpu.memory_space<vmem_shared>>) dst(%dma_wait3A_676 : memref<60x80xf32, #tpu.memory_space<vmem>>)
    %dma_wait3A_679 = arith.constant 1 : i32
    %dma_wait3A_680 = arith.constant 0 : i32
    %dma_wait3A_681 = arith.constant 0 : i32
    %dma_wait3A_682 = tpu.memref_slice %arg12[%dma_wait3A_679, %dma_wait3A_680, %dma_wait3A_681] : memref<2x60x128xf32, #tpu.memory_space<vmem>> -> memref<1x60x128xf32, #tpu.memory_space<vmem>>
    %dma_wait3A_683 = tpu.memref_squeeze %dma_wait3A_682 : memref<1x60x128xf32, #tpu.memory_space<vmem>> -> memref<60x128xf32, #tpu.memory_space<vmem>>
    %dma_wait3A_684 = arith.constant 0 : i32
    %dma_wait3A_685 = tpu.memref_slice %arg5[%add3A_581, %dma_wait3A_684] : memref<30720x128xf32, #tpu.memory_space<hbm>> -> memref<60x128xf32, #tpu.memory_space<hbm>>
    %dma_wait3A_686 = arith.constant 0 : i32
    %dma_wait3A_687 = tpu.memref_slice %arg5[%add3A_581, %dma_wait3A_686] : memref<30720x128xf32, #tpu.memory_space<hbm>> -> memref<60x128xf32, #tpu.memory_space<hbm>>
    %dma_wait3A_688 = arith.constant 0 : i32
    %dma_wait3A_689 = arith.constant 0 : i32
    %dma_wait3A_690 = tpu.memref_slice %arg12[%dma_wait3A_679, %dma_wait3A_688, %dma_wait3A_689] : memref<2x60x128xf32, #tpu.memory_space<vmem>> -> memref<1x60x128xf32, #tpu.memory_space<vmem>>
    %dma_wait3A_691 = tpu.memref_squeeze %dma_wait3A_690 : memref<1x60x128xf32, #tpu.memory_space<vmem>> -> memref<60x128xf32, #tpu.memory_space<vmem>>
    tpu.wait_dma2 semaphore(%arg14 : memref<!tpu.dma_semaphore, #tpu.memory_space<semaphore_mem>>) src(%dma_wait3A_691 : memref<60x128xf32, #tpu.memory_space<vmem>>) dst(%dma_wait3A_687 : memref<60x128xf32, #tpu.memory_space<hbm>>)
    %scan3A_692 = arith.constant 0 : i32
    %scan3A_693 = arith.constant 0 : i32
    %scan3A_694 = arith.constant 60 : i32
    %scan3A_695 = arith.addi %scan3A_693, %scan3A_694 : i32
    %scan3A_696 = arith.constant 1 : i32
    scf.for %scan3A_1447 = %scan3A_693 to %scan3A_695 step %scan3A_696  : i32 {
      %get3A = arith.index_cast %scan3A_1447 : i32 to index
      %get3A_1448 = arith.constant 0 : index
      %get3A_1449 = tpu.vector_load %arg10[%get3A, %get3A_1448] {strides = array<i32>} : memref<128x80xf32, #tpu.memory_space<vmem>>, vector<1x16xf32>,
      %get3A_1450 = vector.shape_cast %get3A_1449 : vector<1x16xf32> to vector<16xf32>
      %swap3A = arith.constant 1 : i32
      %swap3A_1451 = arith.index_cast %swap3A : i32 to index
      %swap3A_1452 = arith.index_cast %scan3A_1447 : i32 to index
      %swap3A_1453 = arith.constant 0 : index
      %swap3A_1454 = tpu.vector_load %arg12[%swap3A_1451, %swap3A_1452, %swap3A_1453] {strides = array<i32>} : memref<2x60x128xf32, #tpu.memory_space<vmem>>, vector<1x1x16xf32>,
      %swap3A_1455 = vector.shape_cast %swap3A_1454 : vector<1x1x16xf32> to vector<16xf32>
      %swap3A_1456 = vector.shape_cast %get3A_1450 : vector<16xf32> to vector<1x1x16xf32>
      tpu.vector_store %arg12[%swap3A_1451, %swap3A_1452, %swap3A_1453], %swap3A_1456 {strides = array<i32>} : memref<2x60x128xf32, #tpu.memory_space<vmem>>, vector<1x1x16xf32>,
      %get3A_1457 = arith.index_cast %scan3A_1447 : i32 to index
      %get3A_1458 = arith.constant 16 : index
      %get3A_1459 = tpu.vector_load %arg10[%get3A_1457, %get3A_1458] {strides = array<i32>} : memref<128x80xf32, #tpu.memory_space<vmem>>, vector<1x16xf32>,
      %get3A_1460 = vector.shape_cast %get3A_1459 : vector<1x16xf32> to vector<16xf32>
      %swap3A_1461 = arith.constant 1 : i32
      %swap3A_1462 = arith.index_cast %swap3A_1461 : i32 to index
      %swap3A_1463 = arith.index_cast %scan3A_1447 : i32 to index
      %swap3A_1464 = arith.constant 16 : index
      %swap3A_1465 = tpu.vector_load %arg12[%swap3A_1462, %swap3A_1463, %swap3A_1464] {strides = array<i32>} : memref<2x60x128xf32, #tpu.memory_space<vmem>>, vector<1x1x16xf32>,
      %swap3A_1466 = vector.shape_cast %swap3A_1465 : vector<1x1x16xf32> to vector<16xf32>
      %swap3A_1467 = vector.shape_cast %get3A_1460 : vector<16xf32> to vector<1x1x16xf32>
      tpu.vector_store %arg12[%swap3A_1462, %swap3A_1463, %swap3A_1464], %swap3A_1467 {strides = array<i32>} : memref<2x60x128xf32, #tpu.memory_space<vmem>>, vector<1x1x16xf32>,
      %get3A_1468 = arith.index_cast %scan3A_1447 : i32 to index
      %get3A_1469 = arith.constant 32 : index
      %get3A_1470 = tpu.vector_load %arg10[%get3A_1468, %get3A_1469] {strides = array<i32>} : memref<128x80xf32, #tpu.memory_space<vmem>>, vector<1x16xf32>,
      %get3A_1471 = vector.shape_cast %get3A_1470 : vector<1x16xf32> to vector<16xf32>
      %swap3A_1472 = arith.constant 1 : i32
      %swap3A_1473 = arith.index_cast %swap3A_1472 : i32 to index
      %swap3A_1474 = arith.index_cast %scan3A_1447 : i32 to index
      %swap3A_1475 = arith.constant 32 : index
      %swap3A_1476 = tpu.vector_load %arg12[%swap3A_1473, %swap3A_1474, %swap3A_1475] {strides = array<i32>} : memref<2x60x128xf32, #tpu.memory_space<vmem>>, vector<1x1x16xf32>,
      %swap3A_1477 = vector.shape_cast %swap3A_1476 : vector<1x1x16xf32> to vector<16xf32>
      %swap3A_1478 = vector.shape_cast %get3A_1471 : vector<16xf32> to vector<1x1x16xf32>
      tpu.vector_store %arg12[%swap3A_1473, %swap3A_1474, %swap3A_1475], %swap3A_1478 {strides = array<i32>} : memref<2x60x128xf32, #tpu.memory_space<vmem>>, vector<1x1x16xf32>,
      %get3A_1479 = arith.index_cast %scan3A_1447 : i32 to index
      %get3A_1480 = arith.constant 48 : index
      %get3A_1481 = tpu.vector_load %arg10[%get3A_1479, %get3A_1480] {strides = array<i32>} : memref<128x80xf32, #tpu.memory_space<vmem>>, vector<1x16xf32>,
      %get3A_1482 = vector.shape_cast %get3A_1481 : vector<1x16xf32> to vector<16xf32>
      %swap3A_1483 = arith.constant 1 : i32
      %swap3A_1484 = arith.index_cast %swap3A_1483 : i32 to index
      %swap3A_1485 = arith.index_cast %scan3A_1447 : i32 to index
      %swap3A_1486 = arith.constant 48 : index
      %swap3A_1487 = tpu.vector_load %arg12[%swap3A_1484, %swap3A_1485, %swap3A_1486] {strides = array<i32>} : memref<2x60x128xf32, #tpu.memory_space<vmem>>, vector<1x1x16xf32>,
      %swap3A_1488 = vector.shape_cast %swap3A_1487 : vector<1x1x16xf32> to vector<16xf32>
      %swap3A_1489 = vector.shape_cast %get3A_1482 : vector<16xf32> to vector<1x1x16xf32>
      tpu.vector_store %arg12[%swap3A_1484, %swap3A_1485, %swap3A_1486], %swap3A_1489 {strides = array<i32>} : memref<2x60x128xf32, #tpu.memory_space<vmem>>, vector<1x1x16xf32>,
      %get3A_1490 = arith.index_cast %scan3A_1447 : i32 to index
      %get3A_1491 = arith.constant 64 : index
      %get3A_1492 = tpu.vector_load %arg10[%get3A_1490, %get3A_1491] {strides = array<i32>} : memref<128x80xf32, #tpu.memory_space<vmem>>, vector<1x16xf32>,
      %get3A_1493 = vector.shape_cast %get3A_1492 : vector<1x16xf32> to vector<16xf32>
      %swap3A_1494 = arith.constant 1 : i32
      %swap3A_1495 = arith.index_cast %swap3A_1494 : i32 to index
      %swap3A_1496 = arith.index_cast %scan3A_1447 : i32 to index
      %swap3A_1497 = arith.constant 64 : index
      %swap3A_1498 = tpu.vector_load %arg12[%swap3A_1495, %swap3A_1496, %swap3A_1497] {strides = array<i32>} : memref<2x60x128xf32, #tpu.memory_space<vmem>>, vector<1x1x16xf32>,
      %swap3A_1499 = vector.shape_cast %swap3A_1498 : vector<1x1x16xf32> to vector<16xf32>
      %swap3A_1500 = vector.shape_cast %get3A_1493 : vector<16xf32> to vector<1x1x16xf32>
      tpu.vector_store %arg12[%swap3A_1495, %swap3A_1496, %swap3A_1497], %swap3A_1500 {strides = array<i32>} : memref<2x60x128xf32, #tpu.memory_space<vmem>>, vector<1x1x16xf32>,
    }
    %scan3A_697 = arith.constant 60 : i32
    %mul3A_698 = arith.constant 960 : i32
    %mul3A_699 = arith.muli %add3A, %mul3A_698 : i32
    %add3A_700 = arith.constant 180 : i32
    %add3A_701 = arith.addi %mul3A_699, %add3A_700 : i32
    %dma_start3A_702 = arith.constant 1 : i32
    %dma_start3A_703 = arith.constant 0 : i32
    %dma_start3A_704 = arith.constant 0 : i32
    %dma_start3A_705 = tpu.memref_slice %arg12[%dma_start3A_702, %dma_start3A_703, %dma_start3A_704] : memref<2x60x128xf32, #tpu.memory_space<vmem>> -> memref<1x60x128xf32, #tpu.memory_space<vmem>>
    %dma_start3A_706 = tpu.memref_squeeze %dma_start3A_705 : memref<1x60x128xf32, #tpu.memory_space<vmem>> -> memref<60x128xf32, #tpu.memory_space<vmem>>
    %dma_start3A_707 = arith.constant 0 : i32
    %dma_start3A_708 = tpu.memref_slice %arg5[%add3A_701, %dma_start3A_707] : memref<30720x128xf32, #tpu.memory_space<hbm>> -> memref<60x128xf32, #tpu.memory_space<hbm>>
    %dma_start3A_709 = arith.constant 0 : i32
    %dma_start3A_710 = tpu.memref_slice %arg5[%add3A_701, %dma_start3A_709] : memref<30720x128xf32, #tpu.memory_space<hbm>> -> memref<60x128xf32, #tpu.memory_space<hbm>>
    %dma_start3A_711 = arith.constant 0 : i32
    %dma_start3A_712 = arith.constant 0 : i32
    %dma_start3A_713 = tpu.memref_slice %arg12[%dma_start3A_702, %dma_start3A_711, %dma_start3A_712] : memref<2x60x128xf32, #tpu.memory_space<vmem>> -> memref<1x60x128xf32, #tpu.memory_space<vmem>>
    %dma_start3A_714 = tpu.memref_squeeze %dma_start3A_713 : memref<1x60x128xf32, #tpu.memory_space<vmem>> -> memref<60x128xf32, #tpu.memory_space<vmem>>
    tpu.enqueue_dma source(%dma_start3A_714 : memref<60x128xf32, #tpu.memory_space<vmem>>) target(%dma_start3A_710 : memref<60x128xf32, #tpu.memory_space<hbm>>) target_semaphore(%arg14 : memref<!tpu.dma_semaphore, #tpu.memory_space<semaphore_mem>>)
    %mul3A_715 = arith.constant 960 : i32
    %mul3A_716 = arith.muli %arg1, %mul3A_715 : i32
    %add3A_717 = arith.constant 300 : i32
    %add3A_718 = arith.addi %mul3A_716, %add3A_717 : i32
    %dma_start3A_719 = arith.constant 0 : i32
    %dma_start3A_720 = arith.constant 0 : i32
    %dma_start3A_721 = tpu.memref_slice %arg10[%dma_start3A_719, %dma_start3A_720] : memref<128x80xf32, #tpu.memory_space<vmem>> -> memref<60x80xf32, #tpu.memory_space<vmem>>
    %dma_start3A_722 = arith.constant 0 : i32
    %dma_start3A_723 = tpu.memref_slice %arg6[%add3A_718, %dma_start3A_722] : memref<15360x80xf32, #tpu.memory_space<vmem_shared>> -> memref<60x80xf32, #tpu.memory_space<vmem_shared>>
    %dma_start3A_724 = arith.constant 0 : i32
    %dma_start3A_725 = arith.constant 0 : i32
    %dma_start3A_726 = tpu.memref_slice %arg10[%dma_start3A_724, %dma_start3A_725] : memref<128x80xf32, #tpu.memory_space<vmem>> -> memref<60x80xf32, #tpu.memory_space<vmem>>
    %dma_start3A_727 = arith.constant 0 : i32
    %dma_start3A_728 = tpu.memref_slice %arg6[%add3A_718, %dma_start3A_727] : memref<15360x80xf32, #tpu.memory_space<vmem_shared>> -> memref<60x80xf32, #tpu.memory_space<vmem_shared>>
    tpu.enqueue_dma source(%dma_start3A_728 : memref<60x80xf32, #tpu.memory_space<vmem_shared>>) target(%dma_start3A_726 : memref<60x80xf32, #tpu.memory_space<vmem>>) target_semaphore(%arg13 : memref<!tpu.dma_semaphore, #tpu.memory_space<semaphore_mem>>)
    %dma_wait3A_729 = arith.constant 0 : i32
    %dma_wait3A_730 = arith.constant 0 : i32
    %dma_wait3A_731 = tpu.memref_slice %arg9[%dma_wait3A_729, %dma_wait3A_730] : memref<128x80xf32, #tpu.memory_space<vmem>> -> memref<60x80xf32, #tpu.memory_space<vmem>>
    %dma_wait3A_732 = arith.constant 0 : i32
    %dma_wait3A_733 = tpu.memref_slice %arg6[%add3A_658, %dma_wait3A_732] : memref<15360x80xf32, #tpu.memory_space<vmem_shared>> -> memref<60x80xf32, #tpu.memory_space<vmem_shared>>
    %dma_wait3A_734 = arith.constant 0 : i32
    %dma_wait3A_735 = arith.constant 0 : i32
    %dma_wait3A_736 = tpu.memref_slice %arg9[%dma_wait3A_734, %dma_wait3A_735] : memref<128x80xf32, #tpu.memory_space<vmem>> -> memref<60x80xf32, #tpu.memory_space<vmem>>
    %dma_wait3A_737 = arith.constant 0 : i32
    %dma_wait3A_738 = tpu.memref_slice %arg6[%add3A_658, %dma_wait3A_737] : memref<15360x80xf32, #tpu.memory_space<vmem_shared>> -> memref<60x80xf32, #tpu.memory_space<vmem_shared>>
    tpu.wait_dma2 semaphore(%arg13 : memref<!tpu.dma_semaphore, #tpu.memory_space<semaphore_mem>>) src(%dma_wait3A_738 : memref<60x80xf32, #tpu.memory_space<vmem_shared>>) dst(%dma_wait3A_736 : memref<60x80xf32, #tpu.memory_space<vmem>>)
    %dma_wait3A_739 = arith.constant 0 : i32
    %dma_wait3A_740 = arith.constant 0 : i32
    %dma_wait3A_741 = arith.constant 0 : i32
    %dma_wait3A_742 = tpu.memref_slice %arg12[%dma_wait3A_739, %dma_wait3A_740, %dma_wait3A_741] : memref<2x60x128xf32, #tpu.memory_space<vmem>> -> memref<1x60x128xf32, #tpu.memory_space<vmem>>
    %dma_wait3A_743 = tpu.memref_squeeze %dma_wait3A_742 : memref<1x60x128xf32, #tpu.memory_space<vmem>> -> memref<60x128xf32, #tpu.memory_space<vmem>>
    %dma_wait3A_744 = arith.constant 0 : i32
    %dma_wait3A_745 = tpu.memref_slice %arg5[%add3A_641, %dma_wait3A_744] : memref<30720x128xf32, #tpu.memory_space<hbm>> -> memref<60x128xf32, #tpu.memory_space<hbm>>
    %dma_wait3A_746 = arith.constant 0 : i32
    %dma_wait3A_747 = tpu.memref_slice %arg5[%add3A_641, %dma_wait3A_746] : memref<30720x128xf32, #tpu.memory_space<hbm>> -> memref<60x128xf32, #tpu.memory_space<hbm>>
    %dma_wait3A_748 = arith.constant 0 : i32
    %dma_wait3A_749 = arith.constant 0 : i32
    %dma_wait3A_750 = tpu.memref_slice %arg12[%dma_wait3A_739, %dma_wait3A_748, %dma_wait3A_749] : memref<2x60x128xf32, #tpu.memory_space<vmem>> -> memref<1x60x128xf32, #tpu.memory_space<vmem>>
    %dma_wait3A_751 = tpu.memref_squeeze %dma_wait3A_750 : memref<1x60x128xf32, #tpu.memory_space<vmem>> -> memref<60x128xf32, #tpu.memory_space<vmem>>
    tpu.wait_dma2 semaphore(%arg14 : memref<!tpu.dma_semaphore, #tpu.memory_space<semaphore_mem>>) src(%dma_wait3A_751 : memref<60x128xf32, #tpu.memory_space<vmem>>) dst(%dma_wait3A_747 : memref<60x128xf32, #tpu.memory_space<hbm>>)
    %scan3A_752 = arith.constant 0 : i32
    %scan3A_753 = arith.constant 0 : i32
    %scan3A_754 = arith.constant 60 : i32
    %scan3A_755 = arith.addi %scan3A_753, %scan3A_754 : i32
    %scan3A_756 = arith.constant 1 : i32
    scf.for %scan3A_1447 = %scan3A_753 to %scan3A_755 step %scan3A_756  : i32 {
      %get3A = arith.index_cast %scan3A_1447 : i32 to index
      %get3A_1448 = arith.constant 0 : index
      %get3A_1449 = tpu.vector_load %arg9[%get3A, %get3A_1448] {strides = array<i32>} : memref<128x80xf32, #tpu.memory_space<vmem>>, vector<1x16xf32>,
      %get3A_1450 = vector.shape_cast %get3A_1449 : vector<1x16xf32> to vector<16xf32>
      %swap3A = arith.constant 0 : i32
      %swap3A_1451 = arith.index_cast %swap3A : i32 to index
      %swap3A_1452 = arith.index_cast %scan3A_1447 : i32 to index
      %swap3A_1453 = arith.constant 0 : index
      %swap3A_1454 = tpu.vector_load %arg12[%swap3A_1451, %swap3A_1452, %swap3A_1453] {strides = array<i32>} : memref<2x60x128xf32, #tpu.memory_space<vmem>>, vector<1x1x16xf32>,
      %swap3A_1455 = vector.shape_cast %swap3A_1454 : vector<1x1x16xf32> to vector<16xf32>
      %swap3A_1456 = vector.shape_cast %get3A_1450 : vector<16xf32> to vector<1x1x16xf32>
      tpu.vector_store %arg12[%swap3A_1451, %swap3A_1452, %swap3A_1453], %swap3A_1456 {strides = array<i32>} : memref<2x60x128xf32, #tpu.memory_space<vmem>>, vector<1x1x16xf32>,
      %get3A_1457 = arith.index_cast %scan3A_1447 : i32 to index
      %get3A_1458 = arith.constant 16 : index
      %get3A_1459 = tpu.vector_load %arg9[%get3A_1457, %get3A_1458] {strides = array<i32>} : memref<128x80xf32, #tpu.memory_space<vmem>>, vector<1x16xf32>,
      %get3A_1460 = vector.shape_cast %get3A_1459 : vector<1x16xf32> to vector<16xf32>
      %swap3A_1461 = arith.constant 0 : i32
      %swap3A_1462 = arith.index_cast %swap3A_1461 : i32 to index
      %swap3A_1463 = arith.index_cast %scan3A_1447 : i32 to index
      %swap3A_1464 = arith.constant 16 : index
      %swap3A_1465 = tpu.vector_load %arg12[%swap3A_1462, %swap3A_1463, %swap3A_1464] {strides = array<i32>} : memref<2x60x128xf32, #tpu.memory_space<vmem>>, vector<1x1x16xf32>,
      %swap3A_1466 = vector.shape_cast %swap3A_1465 : vector<1x1x16xf32> to vector<16xf32>
      %swap3A_1467 = vector.shape_cast %get3A_1460 : vector<16xf32> to vector<1x1x16xf32>
      tpu.vector_store %arg12[%swap3A_1462, %swap3A_1463, %swap3A_1464], %swap3A_1467 {strides = array<i32>} : memref<2x60x128xf32, #tpu.memory_space<vmem>>, vector<1x1x16xf32>,
      %get3A_1468 = arith.index_cast %scan3A_1447 : i32 to index
      %get3A_1469 = arith.constant 32 : index
      %get3A_1470 = tpu.vector_load %arg9[%get3A_1468, %get3A_1469] {strides = array<i32>} : memref<128x80xf32, #tpu.memory_space<vmem>>, vector<1x16xf32>,
      %get3A_1471 = vector.shape_cast %get3A_1470 : vector<1x16xf32> to vector<16xf32>
      %swap3A_1472 = arith.constant 0 : i32
      %swap3A_1473 = arith.index_cast %swap3A_1472 : i32 to index
      %swap3A_1474 = arith.index_cast %scan3A_1447 : i32 to index
      %swap3A_1475 = arith.constant 32 : index
      %swap3A_1476 = tpu.vector_load %arg12[%swap3A_1473, %swap3A_1474, %swap3A_1475] {strides = array<i32>} : memref<2x60x128xf32, #tpu.memory_space<vmem>>, vector<1x1x16xf32>,
      %swap3A_1477 = vector.shape_cast %swap3A_1476 : vector<1x1x16xf32> to vector<16xf32>
      %swap3A_1478 = vector.shape_cast %get3A_1471 : vector<16xf32> to vector<1x1x16xf32>
      tpu.vector_store %arg12[%swap3A_1473, %swap3A_1474, %swap3A_1475], %swap3A_1478 {strides = array<i32>} : memref<2x60x128xf32, #tpu.memory_space<vmem>>, vector<1x1x16xf32>,
      %get3A_1479 = arith.index_cast %scan3A_1447 : i32 to index
      %get3A_1480 = arith.constant 48 : index
      %get3A_1481 = tpu.vector_load %arg9[%get3A_1479, %get3A_1480] {strides = array<i32>} : memref<128x80xf32, #tpu.memory_space<vmem>>, vector<1x16xf32>,
      %get3A_1482 = vector.shape_cast %get3A_1481 : vector<1x16xf32> to vector<16xf32>
      %swap3A_1483 = arith.constant 0 : i32
      %swap3A_1484 = arith.index_cast %swap3A_1483 : i32 to index
      %swap3A_1485 = arith.index_cast %scan3A_1447 : i32 to index
      %swap3A_1486 = arith.constant 48 : index
      %swap3A_1487 = tpu.vector_load %arg12[%swap3A_1484, %swap3A_1485, %swap3A_1486] {strides = array<i32>} : memref<2x60x128xf32, #tpu.memory_space<vmem>>, vector<1x1x16xf32>,
      %swap3A_1488 = vector.shape_cast %swap3A_1487 : vector<1x1x16xf32> to vector<16xf32>
      %swap3A_1489 = vector.shape_cast %get3A_1482 : vector<16xf32> to vector<1x1x16xf32>
      tpu.vector_store %arg12[%swap3A_1484, %swap3A_1485, %swap3A_1486], %swap3A_1489 {strides = array<i32>} : memref<2x60x128xf32, #tpu.memory_space<vmem>>, vector<1x1x16xf32>,
      %get3A_1490 = arith.index_cast %scan3A_1447 : i32 to index
      %get3A_1491 = arith.constant 64 : index
      %get3A_1492 = tpu.vector_load %arg9[%get3A_1490, %get3A_1491] {strides = array<i32>} : memref<128x80xf32, #tpu.memory_space<vmem>>, vector<1x16xf32>,
      %get3A_1493 = vector.shape_cast %get3A_1492 : vector<1x16xf32> to vector<16xf32>
      %swap3A_1494 = arith.constant 0 : i32
      %swap3A_1495 = arith.index_cast %swap3A_1494 : i32 to index
      %swap3A_1496 = arith.index_cast %scan3A_1447 : i32 to index
      %swap3A_1497 = arith.constant 64 : index
      %swap3A_1498 = tpu.vector_load %arg12[%swap3A_1495, %swap3A_1496, %swap3A_1497] {strides = array<i32>} : memref<2x60x128xf32, #tpu.memory_space<vmem>>, vector<1x1x16xf32>,
      %swap3A_1499 = vector.shape_cast %swap3A_1498 : vector<1x1x16xf32> to vector<16xf32>
      %swap3A_1500 = vector.shape_cast %get3A_1493 : vector<16xf32> to vector<1x1x16xf32>
      tpu.vector_store %arg12[%swap3A_1495, %swap3A_1496, %swap3A_1497], %swap3A_1500 {strides = array<i32>} : memref<2x60x128xf32, #tpu.memory_space<vmem>>, vector<1x1x16xf32>,
    }
    %scan3A_757 = arith.constant 60 : i32
    %mul3A_758 = arith.constant 960 : i32
    %mul3A_759 = arith.muli %add3A, %mul3A_758 : i32
    %add3A_760 = arith.constant 240 : i32
    %add3A_761 = arith.addi %mul3A_759, %add3A_760 : i32
    %dma_start3A_762 = arith.constant 0 : i32
    %dma_start3A_763 = arith.constant 0 : i32
    %dma_start3A_764 = arith.constant 0 : i32
    %dma_start3A_765 = tpu.memref_slice %arg12[%dma_start3A_762, %dma_start3A_763, %dma_start3A_764] : memref<2x60x128xf32, #tpu.memory_space<vmem>> -> memref<1x60x128xf32, #tpu.memory_space<vmem>>
    %dma_start3A_766 = tpu.memref_squeeze %dma_start3A_765 : memref<1x60x128xf32, #tpu.memory_space<vmem>> -> memref<60x128xf32, #tpu.memory_space<vmem>>
    %dma_start3A_767 = arith.constant 0 : i32
    %dma_start3A_768 = tpu.memref_slice %arg5[%add3A_761, %dma_start3A_767] : memref<30720x128xf32, #tpu.memory_space<hbm>> -> memref<60x128xf32, #tpu.memory_space<hbm>>
    %dma_start3A_769 = arith.constant 0 : i32
    %dma_start3A_770 = tpu.memref_slice %arg5[%add3A_761, %dma_start3A_769] : memref<30720x128xf32, #tpu.memory_space<hbm>> -> memref<60x128xf32, #tpu.memory_space<hbm>>
    %dma_start3A_771 = arith.constant 0 : i32
    %dma_start3A_772 = arith.constant 0 : i32
    %dma_start3A_773 = tpu.memref_slice %arg12[%dma_start3A_762, %dma_start3A_771, %dma_start3A_772] : memref<2x60x128xf32, #tpu.memory_space<vmem>> -> memref<1x60x128xf32, #tpu.memory_space<vmem>>
    %dma_start3A_774 = tpu.memref_squeeze %dma_start3A_773 : memref<1x60x128xf32, #tpu.memory_space<vmem>> -> memref<60x128xf32, #tpu.memory_space<vmem>>
    tpu.enqueue_dma source(%dma_start3A_774 : memref<60x128xf32, #tpu.memory_space<vmem>>) target(%dma_start3A_770 : memref<60x128xf32, #tpu.memory_space<hbm>>) target_semaphore(%arg14 : memref<!tpu.dma_semaphore, #tpu.memory_space<semaphore_mem>>)
    %mul3A_775 = arith.constant 960 : i32
    %mul3A_776 = arith.muli %arg1, %mul3A_775 : i32
    %add3A_777 = arith.constant 360 : i32
    %add3A_778 = arith.addi %mul3A_776, %add3A_777 : i32
    %dma_start3A_779 = arith.constant 0 : i32
    %dma_start3A_780 = arith.constant 0 : i32
    %dma_start3A_781 = tpu.memref_slice %arg9[%dma_start3A_779, %dma_start3A_780] : memref<128x80xf32, #tpu.memory_space<vmem>> -> memref<60x80xf32, #tpu.memory_space<vmem>>
    %dma_start3A_782 = arith.constant 0 : i32
    %dma_start3A_783 = tpu.memref_slice %arg6[%add3A_778, %dma_start3A_782] : memref<15360x80xf32, #tpu.memory_space<vmem_shared>> -> memref<60x80xf32, #tpu.memory_space<vmem_shared>>
    %dma_start3A_784 = arith.constant 0 : i32
    %dma_start3A_785 = arith.constant 0 : i32
    %dma_start3A_786 = tpu.memref_slice %arg9[%dma_start3A_784, %dma_start3A_785] : memref<128x80xf32, #tpu.memory_space<vmem>> -> memref<60x80xf32, #tpu.memory_space<vmem>>
    %dma_start3A_787 = arith.constant 0 : i32
    %dma_start3A_788 = tpu.memref_slice %arg6[%add3A_778, %dma_start3A_787] : memref<15360x80xf32, #tpu.memory_space<vmem_shared>> -> memref<60x80xf32, #tpu.memory_space<vmem_shared>>
    tpu.enqueue_dma source(%dma_start3A_788 : memref<60x80xf32, #tpu.memory_space<vmem_shared>>) target(%dma_start3A_786 : memref<60x80xf32, #tpu.memory_space<vmem>>) target_semaphore(%arg13 : memref<!tpu.dma_semaphore, #tpu.memory_space<semaphore_mem>>)
    %dma_wait3A_789 = arith.constant 0 : i32
    %dma_wait3A_790 = arith.constant 0 : i32
    %dma_wait3A_791 = tpu.memref_slice %arg10[%dma_wait3A_789, %dma_wait3A_790] : memref<128x80xf32, #tpu.memory_space<vmem>> -> memref<60x80xf32, #tpu.memory_space<vmem>>
    %dma_wait3A_792 = arith.constant 0 : i32
    %dma_wait3A_793 = tpu.memref_slice %arg6[%add3A_718, %dma_wait3A_792] : memref<15360x80xf32, #tpu.memory_space<vmem_shared>> -> memref<60x80xf32, #tpu.memory_space<vmem_shared>>
    %dma_wait3A_794 = arith.constant 0 : i32
    %dma_wait3A_795 = arith.constant 0 : i32
    %dma_wait3A_796 = tpu.memref_slice %arg10[%dma_wait3A_794, %dma_wait3A_795] : memref<128x80xf32, #tpu.memory_space<vmem>> -> memref<60x80xf32, #tpu.memory_space<vmem>>
    %dma_wait3A_797 = arith.constant 0 : i32
    %dma_wait3A_798 = tpu.memref_slice %arg6[%add3A_718, %dma_wait3A_797] : memref<15360x80xf32, #tpu.memory_space<vmem_shared>> -> memref<60x80xf32, #tpu.memory_space<vmem_shared>>
    tpu.wait_dma2 semaphore(%arg13 : memref<!tpu.dma_semaphore, #tpu.memory_space<semaphore_mem>>) src(%dma_wait3A_798 : memref<60x80xf32, #tpu.memory_space<vmem_shared>>) dst(%dma_wait3A_796 : memref<60x80xf32, #tpu.memory_space<vmem>>)
    %dma_wait3A_799 = arith.constant 1 : i32
    %dma_wait3A_800 = arith.constant 0 : i32
    %dma_wait3A_801 = arith.constant 0 : i32
    %dma_wait3A_802 = tpu.memref_slice %arg12[%dma_wait3A_799, %dma_wait3A_800, %dma_wait3A_801] : memref<2x60x128xf32, #tpu.memory_space<vmem>> -> memref<1x60x128xf32, #tpu.memory_space<vmem>>
    %dma_wait3A_803 = tpu.memref_squeeze %dma_wait3A_802 : memref<1x60x128xf32, #tpu.memory_space<vmem>> -> memref<60x128xf32, #tpu.memory_space<vmem>>
    %dma_wait3A_804 = arith.constant 0 : i32
    %dma_wait3A_805 = tpu.memref_slice %arg5[%add3A_701, %dma_wait3A_804] : memref<30720x128xf32, #tpu.memory_space<hbm>> -> memref<60x128xf32, #tpu.memory_space<hbm>>
    %dma_wait3A_806 = arith.constant 0 : i32
    %dma_wait3A_807 = tpu.memref_slice %arg5[%add3A_701, %dma_wait3A_806] : memref<30720x128xf32, #tpu.memory_space<hbm>> -> memref<60x128xf32, #tpu.memory_space<hbm>>
    %dma_wait3A_808 = arith.constant 0 : i32
    %dma_wait3A_809 = arith.constant 0 : i32
    %dma_wait3A_810 = tpu.memref_slice %arg12[%dma_wait3A_799, %dma_wait3A_808, %dma_wait3A_809] : memref<2x60x128xf32, #tpu.memory_space<vmem>> -> memref<1x60x128xf32, #tpu.memory_space<vmem>>
    %dma_wait3A_811 = tpu.memref_squeeze %dma_wait3A_810 : memref<1x60x128xf32, #tpu.memory_space<vmem>> -> memref<60x128xf32, #tpu.memory_space<vmem>>
    tpu.wait_dma2 semaphore(%arg14 : memref<!tpu.dma_semaphore, #tpu.memory_space<semaphore_mem>>) src(%dma_wait3A_811 : memref<60x128xf32, #tpu.memory_space<vmem>>) dst(%dma_wait3A_807 : memref<60x128xf32, #tpu.memory_space<hbm>>)
    %scan3A_812 = arith.constant 0 : i32
    %scan3A_813 = arith.constant 0 : i32
    %scan3A_814 = arith.constant 60 : i32
    %scan3A_815 = arith.addi %scan3A_813, %scan3A_814 : i32
    %scan3A_816 = arith.constant 1 : i32
    scf.for %scan3A_1447 = %scan3A_813 to %scan3A_815 step %scan3A_816  : i32 {
      %get3A = arith.index_cast %scan3A_1447 : i32 to index
      %get3A_1448 = arith.constant 0 : index
      %get3A_1449 = tpu.vector_load %arg10[%get3A, %get3A_1448] {strides = array<i32>} : memref<128x80xf32, #tpu.memory_space<vmem>>, vector<1x16xf32>,
      %get3A_1450 = vector.shape_cast %get3A_1449 : vector<1x16xf32> to vector<16xf32>
      %swap3A = arith.constant 1 : i32
      %swap3A_1451 = arith.index_cast %swap3A : i32 to index
      %swap3A_1452 = arith.index_cast %scan3A_1447 : i32 to index
      %swap3A_1453 = arith.constant 0 : index
      %swap3A_1454 = tpu.vector_load %arg12[%swap3A_1451, %swap3A_1452, %swap3A_1453] {strides = array<i32>} : memref<2x60x128xf32, #tpu.memory_space<vmem>>, vector<1x1x16xf32>,
      %swap3A_1455 = vector.shape_cast %swap3A_1454 : vector<1x1x16xf32> to vector<16xf32>
      %swap3A_1456 = vector.shape_cast %get3A_1450 : vector<16xf32> to vector<1x1x16xf32>
      tpu.vector_store %arg12[%swap3A_1451, %swap3A_1452, %swap3A_1453], %swap3A_1456 {strides = array<i32>} : memref<2x60x128xf32, #tpu.memory_space<vmem>>, vector<1x1x16xf32>,
      %get3A_1457 = arith.index_cast %scan3A_1447 : i32 to index
      %get3A_1458 = arith.constant 16 : index
      %get3A_1459 = tpu.vector_load %arg10[%get3A_1457, %get3A_1458] {strides = array<i32>} : memref<128x80xf32, #tpu.memory_space<vmem>>, vector<1x16xf32>,
      %get3A_1460 = vector.shape_cast %get3A_1459 : vector<1x16xf32> to vector<16xf32>
      %swap3A_1461 = arith.constant 1 : i32
      %swap3A_1462 = arith.index_cast %swap3A_1461 : i32 to index
      %swap3A_1463 = arith.index_cast %scan3A_1447 : i32 to index
      %swap3A_1464 = arith.constant 16 : index
      %swap3A_1465 = tpu.vector_load %arg12[%swap3A_1462, %swap3A_1463, %swap3A_1464] {strides = array<i32>} : memref<2x60x128xf32, #tpu.memory_space<vmem>>, vector<1x1x16xf32>,
      %swap3A_1466 = vector.shape_cast %swap3A_1465 : vector<1x1x16xf32> to vector<16xf32>
      %swap3A_1467 = vector.shape_cast %get3A_1460 : vector<16xf32> to vector<1x1x16xf32>
      tpu.vector_store %arg12[%swap3A_1462, %swap3A_1463, %swap3A_1464], %swap3A_1467 {strides = array<i32>} : memref<2x60x128xf32, #tpu.memory_space<vmem>>, vector<1x1x16xf32>,
      %get3A_1468 = arith.index_cast %scan3A_1447 : i32 to index
      %get3A_1469 = arith.constant 32 : index
      %get3A_1470 = tpu.vector_load %arg10[%get3A_1468, %get3A_1469] {strides = array<i32>} : memref<128x80xf32, #tpu.memory_space<vmem>>, vector<1x16xf32>,
      %get3A_1471 = vector.shape_cast %get3A_1470 : vector<1x16xf32> to vector<16xf32>
      %swap3A_1472 = arith.constant 1 : i32
      %swap3A_1473 = arith.index_cast %swap3A_1472 : i32 to index
      %swap3A_1474 = arith.index_cast %scan3A_1447 : i32 to index
      %swap3A_1475 = arith.constant 32 : index
      %swap3A_1476 = tpu.vector_load %arg12[%swap3A_1473, %swap3A_1474, %swap3A_1475] {strides = array<i32>} : memref<2x60x128xf32, #tpu.memory_space<vmem>>, vector<1x1x16xf32>,
      %swap3A_1477 = vector.shape_cast %swap3A_1476 : vector<1x1x16xf32> to vector<16xf32>
      %swap3A_1478 = vector.shape_cast %get3A_1471 : vector<16xf32> to vector<1x1x16xf32>
      tpu.vector_store %arg12[%swap3A_1473, %swap3A_1474, %swap3A_1475], %swap3A_1478 {strides = array<i32>} : memref<2x60x128xf32, #tpu.memory_space<vmem>>, vector<1x1x16xf32>,
      %get3A_1479 = arith.index_cast %scan3A_1447 : i32 to index
      %get3A_1480 = arith.constant 48 : index
      %get3A_1481 = tpu.vector_load %arg10[%get3A_1479, %get3A_1480] {strides = array<i32>} : memref<128x80xf32, #tpu.memory_space<vmem>>, vector<1x16xf32>,
      %get3A_1482 = vector.shape_cast %get3A_1481 : vector<1x16xf32> to vector<16xf32>
      %swap3A_1483 = arith.constant 1 : i32
      %swap3A_1484 = arith.index_cast %swap3A_1483 : i32 to index
      %swap3A_1485 = arith.index_cast %scan3A_1447 : i32 to index
      %swap3A_1486 = arith.constant 48 : index
      %swap3A_1487 = tpu.vector_load %arg12[%swap3A_1484, %swap3A_1485, %swap3A_1486] {strides = array<i32>} : memref<2x60x128xf32, #tpu.memory_space<vmem>>, vector<1x1x16xf32>,
      %swap3A_1488 = vector.shape_cast %swap3A_1487 : vector<1x1x16xf32> to vector<16xf32>
      %swap3A_1489 = vector.shape_cast %get3A_1482 : vector<16xf32> to vector<1x1x16xf32>
      tpu.vector_store %arg12[%swap3A_1484, %swap3A_1485, %swap3A_1486], %swap3A_1489 {strides = array<i32>} : memref<2x60x128xf32, #tpu.memory_space<vmem>>, vector<1x1x16xf32>,
      %get3A_1490 = arith.index_cast %scan3A_1447 : i32 to index
      %get3A_1491 = arith.constant 64 : index
      %get3A_1492 = tpu.vector_load %arg10[%get3A_1490, %get3A_1491] {strides = array<i32>} : memref<128x80xf32, #tpu.memory_space<vmem>>, vector<1x16xf32>,
      %get3A_1493 = vector.shape_cast %get3A_1492 : vector<1x16xf32> to vector<16xf32>
      %swap3A_1494 = arith.constant 1 : i32
      %swap3A_1495 = arith.index_cast %swap3A_1494 : i32 to index
      %swap3A_1496 = arith.index_cast %scan3A_1447 : i32 to index
      %swap3A_1497 = arith.constant 64 : index
      %swap3A_1498 = tpu.vector_load %arg12[%swap3A_1495, %swap3A_1496, %swap3A_1497] {strides = array<i32>} : memref<2x60x128xf32, #tpu.memory_space<vmem>>, vector<1x1x16xf32>,
      %swap3A_1499 = vector.shape_cast %swap3A_1498 : vector<1x1x16xf32> to vector<16xf32>
      %swap3A_1500 = vector.shape_cast %get3A_1493 : vector<16xf32> to vector<1x1x16xf32>
      tpu.vector_store %arg12[%swap3A_1495, %swap3A_1496, %swap3A_1497], %swap3A_1500 {strides = array<i32>} : memref<2x60x128xf32, #tpu.memory_space<vmem>>, vector<1x1x16xf32>,
    }
    %scan3A_817 = arith.constant 60 : i32
    %mul3A_818 = arith.constant 960 : i32
    %mul3A_819 = arith.muli %add3A, %mul3A_818 : i32
    %add3A_820 = arith.constant 300 : i32
    %add3A_821 = arith.addi %mul3A_819, %add3A_820 : i32
    %dma_start3A_822 = arith.constant 1 : i32
    %dma_start3A_823 = arith.constant 0 : i32
    %dma_start3A_824 = arith.constant 0 : i32
    %dma_start3A_825 = tpu.memref_slice %arg12[%dma_start3A_822, %dma_start3A_823, %dma_start3A_824] : memref<2x60x128xf32, #tpu.memory_space<vmem>> -> memref<1x60x128xf32, #tpu.memory_space<vmem>>
    %dma_start3A_826 = tpu.memref_squeeze %dma_start3A_825 : memref<1x60x128xf32, #tpu.memory_space<vmem>> -> memref<60x128xf32, #tpu.memory_space<vmem>>
    %dma_start3A_827 = arith.constant 0 : i32
    %dma_start3A_828 = tpu.memref_slice %arg5[%add3A_821, %dma_start3A_827] : memref<30720x128xf32, #tpu.memory_space<hbm>> -> memref<60x128xf32, #tpu.memory_space<hbm>>
    %dma_start3A_829 = arith.constant 0 : i32
    %dma_start3A_830 = tpu.memref_slice %arg5[%add3A_821, %dma_start3A_829] : memref<30720x128xf32, #tpu.memory_space<hbm>> -> memref<60x128xf32, #tpu.memory_space<hbm>>
    %dma_start3A_831 = arith.constant 0 : i32
    %dma_start3A_832 = arith.constant 0 : i32
    %dma_start3A_833 = tpu.memref_slice %arg12[%dma_start3A_822, %dma_start3A_831, %dma_start3A_832] : memref<2x60x128xf32, #tpu.memory_space<vmem>> -> memref<1x60x128xf32, #tpu.memory_space<vmem>>
    %dma_start3A_834 = tpu.memref_squeeze %dma_start3A_833 : memref<1x60x128xf32, #tpu.memory_space<vmem>> -> memref<60x128xf32, #tpu.memory_space<vmem>>
    tpu.enqueue_dma source(%dma_start3A_834 : memref<60x128xf32, #tpu.memory_space<vmem>>) target(%dma_start3A_830 : memref<60x128xf32, #tpu.memory_space<hbm>>) target_semaphore(%arg14 : memref<!tpu.dma_semaphore, #tpu.memory_space<semaphore_mem>>)
    %mul3A_835 = arith.constant 960 : i32
    %mul3A_836 = arith.muli %arg1, %mul3A_835 : i32
    %add3A_837 = arith.constant 420 : i32
    %add3A_838 = arith.addi %mul3A_836, %add3A_837 : i32
    %dma_start3A_839 = arith.constant 0 : i32
    %dma_start3A_840 = arith.constant 0 : i32
    %dma_start3A_841 = tpu.memref_slice %arg10[%dma_start3A_839, %dma_start3A_840] : memref<128x80xf32, #tpu.memory_space<vmem>> -> memref<60x80xf32, #tpu.memory_space<vmem>>
    %dma_start3A_842 = arith.constant 0 : i32
    %dma_start3A_843 = tpu.memref_slice %arg6[%add3A_838, %dma_start3A_842] : memref<15360x80xf32, #tpu.memory_space<vmem_shared>> -> memref<60x80xf32, #tpu.memory_space<vmem_shared>>
    %dma_start3A_844 = arith.constant 0 : i32
    %dma_start3A_845 = arith.constant 0 : i32
    %dma_start3A_846 = tpu.memref_slice %arg10[%dma_start3A_844, %dma_start3A_845] : memref<128x80xf32, #tpu.memory_space<vmem>> -> memref<60x80xf32, #tpu.memory_space<vmem>>
    %dma_start3A_847 = arith.constant 0 : i32
    %dma_start3A_848 = tpu.memref_slice %arg6[%add3A_838, %dma_start3A_847] : memref<15360x80xf32, #tpu.memory_space<vmem_shared>> -> memref<60x80xf32, #tpu.memory_space<vmem_shared>>
    tpu.enqueue_dma source(%dma_start3A_848 : memref<60x80xf32, #tpu.memory_space<vmem_shared>>) target(%dma_start3A_846 : memref<60x80xf32, #tpu.memory_space<vmem>>) target_semaphore(%arg13 : memref<!tpu.dma_semaphore, #tpu.memory_space<semaphore_mem>>)
    %dma_wait3A_849 = arith.constant 0 : i32
    %dma_wait3A_850 = arith.constant 0 : i32
    %dma_wait3A_851 = tpu.memref_slice %arg9[%dma_wait3A_849, %dma_wait3A_850] : memref<128x80xf32, #tpu.memory_space<vmem>> -> memref<60x80xf32, #tpu.memory_space<vmem>>
    %dma_wait3A_852 = arith.constant 0 : i32
    %dma_wait3A_853 = tpu.memref_slice %arg6[%add3A_778, %dma_wait3A_852] : memref<15360x80xf32, #tpu.memory_space<vmem_shared>> -> memref<60x80xf32, #tpu.memory_space<vmem_shared>>
    %dma_wait3A_854 = arith.constant 0 : i32
    %dma_wait3A_855 = arith.constant 0 : i32
    %dma_wait3A_856 = tpu.memref_slice %arg9[%dma_wait3A_854, %dma_wait3A_855] : memref<128x80xf32, #tpu.memory_space<vmem>> -> memref<60x80xf32, #tpu.memory_space<vmem>>
    %dma_wait3A_857 = arith.constant 0 : i32
    %dma_wait3A_858 = tpu.memref_slice %arg6[%add3A_778, %dma_wait3A_857] : memref<15360x80xf32, #tpu.memory_space<vmem_shared>> -> memref<60x80xf32, #tpu.memory_space<vmem_shared>>
    tpu.wait_dma2 semaphore(%arg13 : memref<!tpu.dma_semaphore, #tpu.memory_space<semaphore_mem>>) src(%dma_wait3A_858 : memref<60x80xf32, #tpu.memory_space<vmem_shared>>) dst(%dma_wait3A_856 : memref<60x80xf32, #tpu.memory_space<vmem>>)
    %dma_wait3A_859 = arith.constant 0 : i32
    %dma_wait3A_860 = arith.constant 0 : i32
    %dma_wait3A_861 = arith.constant 0 : i32
    %dma_wait3A_862 = tpu.memref_slice %arg12[%dma_wait3A_859, %dma_wait3A_860, %dma_wait3A_861] : memref<2x60x128xf32, #tpu.memory_space<vmem>> -> memref<1x60x128xf32, #tpu.memory_space<vmem>>
    %dma_wait3A_863 = tpu.memref_squeeze %dma_wait3A_862 : memref<1x60x128xf32, #tpu.memory_space<vmem>> -> memref<60x128xf32, #tpu.memory_space<vmem>>
    %dma_wait3A_864 = arith.constant 0 : i32
    %dma_wait3A_865 = tpu.memref_slice %arg5[%add3A_761, %dma_wait3A_864] : memref<30720x128xf32, #tpu.memory_space<hbm>> -> memref<60x128xf32, #tpu.memory_space<hbm>>
    %dma_wait3A_866 = arith.constant 0 : i32
    %dma_wait3A_867 = tpu.memref_slice %arg5[%add3A_761, %dma_wait3A_866] : memref<30720x128xf32, #tpu.memory_space<hbm>> -> memref<60x128xf32, #tpu.memory_space<hbm>>
    %dma_wait3A_868 = arith.constant 0 : i32
    %dma_wait3A_869 = arith.constant 0 : i32
    %dma_wait3A_870 = tpu.memref_slice %arg12[%dma_wait3A_859, %dma_wait3A_868, %dma_wait3A_869] : memref<2x60x128xf32, #tpu.memory_space<vmem>> -> memref<1x60x128xf32, #tpu.memory_space<vmem>>
    %dma_wait3A_871 = tpu.memref_squeeze %dma_wait3A_870 : memref<1x60x128xf32, #tpu.memory_space<vmem>> -> memref<60x128xf32, #tpu.memory_space<vmem>>
    tpu.wait_dma2 semaphore(%arg14 : memref<!tpu.dma_semaphore, #tpu.memory_space<semaphore_mem>>) src(%dma_wait3A_871 : memref<60x128xf32, #tpu.memory_space<vmem>>) dst(%dma_wait3A_867 : memref<60x128xf32, #tpu.memory_space<hbm>>)
    %scan3A_872 = arith.constant 0 : i32
    %scan3A_873 = arith.constant 0 : i32
    %scan3A_874 = arith.constant 60 : i32
    %scan3A_875 = arith.addi %scan3A_873, %scan3A_874 : i32
    %scan3A_876 = arith.constant 1 : i32
    scf.for %scan3A_1447 = %scan3A_873 to %scan3A_875 step %scan3A_876  : i32 {
      %get3A = arith.index_cast %scan3A_1447 : i32 to index
      %get3A_1448 = arith.constant 0 : index
      %get3A_1449 = tpu.vector_load %arg9[%get3A, %get3A_1448] {strides = array<i32>} : memref<128x80xf32, #tpu.memory_space<vmem>>, vector<1x16xf32>,
      %get3A_1450 = vector.shape_cast %get3A_1449 : vector<1x16xf32> to vector<16xf32>
      %swap3A = arith.constant 0 : i32
      %swap3A_1451 = arith.index_cast %swap3A : i32 to index
      %swap3A_1452 = arith.index_cast %scan3A_1447 : i32 to index
      %swap3A_1453 = arith.constant 0 : index
      %swap3A_1454 = tpu.vector_load %arg12[%swap3A_1451, %swap3A_1452, %swap3A_1453] {strides = array<i32>} : memref<2x60x128xf32, #tpu.memory_space<vmem>>, vector<1x1x16xf32>,
      %swap3A_1455 = vector.shape_cast %swap3A_1454 : vector<1x1x16xf32> to vector<16xf32>
      %swap3A_1456 = vector.shape_cast %get3A_1450 : vector<16xf32> to vector<1x1x16xf32>
      tpu.vector_store %arg12[%swap3A_1451, %swap3A_1452, %swap3A_1453], %swap3A_1456 {strides = array<i32>} : memref<2x60x128xf32, #tpu.memory_space<vmem>>, vector<1x1x16xf32>,
      %get3A_1457 = arith.index_cast %scan3A_1447 : i32 to index
      %get3A_1458 = arith.constant 16 : index
      %get3A_1459 = tpu.vector_load %arg9[%get3A_1457, %get3A_1458] {strides = array<i32>} : memref<128x80xf32, #tpu.memory_space<vmem>>, vector<1x16xf32>,
      %get3A_1460 = vector.shape_cast %get3A_1459 : vector<1x16xf32> to vector<16xf32>
      %swap3A_1461 = arith.constant 0 : i32
      %swap3A_1462 = arith.index_cast %swap3A_1461 : i32 to index
      %swap3A_1463 = arith.index_cast %scan3A_1447 : i32 to index
      %swap3A_1464 = arith.constant 16 : index
      %swap3A_1465 = tpu.vector_load %arg12[%swap3A_1462, %swap3A_1463, %swap3A_1464] {strides = array<i32>} : memref<2x60x128xf32, #tpu.memory_space<vmem>>, vector<1x1x16xf32>,
      %swap3A_1466 = vector.shape_cast %swap3A_1465 : vector<1x1x16xf32> to vector<16xf32>
      %swap3A_1467 = vector.shape_cast %get3A_1460 : vector<16xf32> to vector<1x1x16xf32>
      tpu.vector_store %arg12[%swap3A_1462, %swap3A_1463, %swap3A_1464], %swap3A_1467 {strides = array<i32>} : memref<2x60x128xf32, #tpu.memory_space<vmem>>, vector<1x1x16xf32>,
      %get3A_1468 = arith.index_cast %scan3A_1447 : i32 to index
      %get3A_1469 = arith.constant 32 : index
      %get3A_1470 = tpu.vector_load %arg9[%get3A_1468, %get3A_1469] {strides = array<i32>} : memref<128x80xf32, #tpu.memory_space<vmem>>, vector<1x16xf32>,
      %get3A_1471 = vector.shape_cast %get3A_1470 : vector<1x16xf32> to vector<16xf32>
      %swap3A_1472 = arith.constant 0 : i32
      %swap3A_1473 = arith.index_cast %swap3A_1472 : i32 to index
      %swap3A_1474 = arith.index_cast %scan3A_1447 : i32 to index
      %swap3A_1475 = arith.constant 32 : index
      %swap3A_1476 = tpu.vector_load %arg12[%swap3A_1473, %swap3A_1474, %swap3A_1475] {strides = array<i32>} : memref<2x60x128xf32, #tpu.memory_space<vmem>>, vector<1x1x16xf32>,
      %swap3A_1477 = vector.shape_cast %swap3A_1476 : vector<1x1x16xf32> to vector<16xf32>
      %swap3A_1478 = vector.shape_cast %get3A_1471 : vector<16xf32> to vector<1x1x16xf32>
      tpu.vector_store %arg12[%swap3A_1473, %swap3A_1474, %swap3A_1475], %swap3A_1478 {strides = array<i32>} : memref<2x60x128xf32, #tpu.memory_space<vmem>>, vector<1x1x16xf32>,
      %get3A_1479 = arith.index_cast %scan3A_1447 : i32 to index
      %get3A_1480 = arith.constant 48 : index
      %get3A_1481 = tpu.vector_load %arg9[%get3A_1479, %get3A_1480] {strides = array<i32>} : memref<128x80xf32, #tpu.memory_space<vmem>>, vector<1x16xf32>,
      %get3A_1482 = vector.shape_cast %get3A_1481 : vector<1x16xf32> to vector<16xf32>
      %swap3A_1483 = arith.constant 0 : i32
      %swap3A_1484 = arith.index_cast %swap3A_1483 : i32 to index
      %swap3A_1485 = arith.index_cast %scan3A_1447 : i32 to index
      %swap3A_1486 = arith.constant 48 : index
      %swap3A_1487 = tpu.vector_load %arg12[%swap3A_1484, %swap3A_1485, %swap3A_1486] {strides = array<i32>} : memref<2x60x128xf32, #tpu.memory_space<vmem>>, vector<1x1x16xf32>,
      %swap3A_1488 = vector.shape_cast %swap3A_1487 : vector<1x1x16xf32> to vector<16xf32>
      %swap3A_1489 = vector.shape_cast %get3A_1482 : vector<16xf32> to vector<1x1x16xf32>
      tpu.vector_store %arg12[%swap3A_1484, %swap3A_1485, %swap3A_1486], %swap3A_1489 {strides = array<i32>} : memref<2x60x128xf32, #tpu.memory_space<vmem>>, vector<1x1x16xf32>,
      %get3A_1490 = arith.index_cast %scan3A_1447 : i32 to index
      %get3A_1491 = arith.constant 64 : index
      %get3A_1492 = tpu.vector_load %arg9[%get3A_1490, %get3A_1491] {strides = array<i32>} : memref<128x80xf32, #tpu.memory_space<vmem>>, vector<1x16xf32>,
      %get3A_1493 = vector.shape_cast %get3A_1492 : vector<1x16xf32> to vector<16xf32>
      %swap3A_1494 = arith.constant 0 : i32
      %swap3A_1495 = arith.index_cast %swap3A_1494 : i32 to index
      %swap3A_1496 = arith.index_cast %scan3A_1447 : i32 to index
      %swap3A_1497 = arith.constant 64 : index
      %swap3A_1498 = tpu.vector_load %arg12[%swap3A_1495, %swap3A_1496, %swap3A_1497] {strides = array<i32>} : memref<2x60x128xf32, #tpu.memory_space<vmem>>, vector<1x1x16xf32>,
      %swap3A_1499 = vector.shape_cast %swap3A_1498 : vector<1x1x16xf32> to vector<16xf32>
      %swap3A_1500 = vector.shape_cast %get3A_1493 : vector<16xf32> to vector<1x1x16xf32>
      tpu.vector_store %arg12[%swap3A_1495, %swap3A_1496, %swap3A_1497], %swap3A_1500 {strides = array<i32>} : memref<2x60x128xf32, #tpu.memory_space<vmem>>, vector<1x1x16xf32>,
    }
    %scan3A_877 = arith.constant 60 : i32
    %mul3A_878 = arith.constant 960 : i32
    %mul3A_879 = arith.muli %add3A, %mul3A_878 : i32
    %add3A_880 = arith.constant 360 : i32
    %add3A_881 = arith.addi %mul3A_879, %add3A_880 : i32
    %dma_start3A_882 = arith.constant 0 : i32
    %dma_start3A_883 = arith.constant 0 : i32
    %dma_start3A_884 = arith.constant 0 : i32
    %dma_start3A_885 = tpu.memref_slice %arg12[%dma_start3A_882, %dma_start3A_883, %dma_start3A_884] : memref<2x60x128xf32, #tpu.memory_space<vmem>> -> memref<1x60x128xf32, #tpu.memory_space<vmem>>
    %dma_start3A_886 = tpu.memref_squeeze %dma_start3A_885 : memref<1x60x128xf32, #tpu.memory_space<vmem>> -> memref<60x128xf32, #tpu.memory_space<vmem>>
    %dma_start3A_887 = arith.constant 0 : i32
    %dma_start3A_888 = tpu.memref_slice %arg5[%add3A_881, %dma_start3A_887] : memref<30720x128xf32, #tpu.memory_space<hbm>> -> memref<60x128xf32, #tpu.memory_space<hbm>>
    %dma_start3A_889 = arith.constant 0 : i32
    %dma_start3A_890 = tpu.memref_slice %arg5[%add3A_881, %dma_start3A_889] : memref<30720x128xf32, #tpu.memory_space<hbm>> -> memref<60x128xf32, #tpu.memory_space<hbm>>
    %dma_start3A_891 = arith.constant 0 : i32
    %dma_start3A_892 = arith.constant 0 : i32
    %dma_start3A_893 = tpu.memref_slice %arg12[%dma_start3A_882, %dma_start3A_891, %dma_start3A_892] : memref<2x60x128xf32, #tpu.memory_space<vmem>> -> memref<1x60x128xf32, #tpu.memory_space<vmem>>
    %dma_start3A_894 = tpu.memref_squeeze %dma_start3A_893 : memref<1x60x128xf32, #tpu.memory_space<vmem>> -> memref<60x128xf32, #tpu.memory_space<vmem>>
    tpu.enqueue_dma source(%dma_start3A_894 : memref<60x128xf32, #tpu.memory_space<vmem>>) target(%dma_start3A_890 : memref<60x128xf32, #tpu.memory_space<hbm>>) target_semaphore(%arg14 : memref<!tpu.dma_semaphore, #tpu.memory_space<semaphore_mem>>)
    %mul3A_895 = arith.constant 960 : i32
    %mul3A_896 = arith.muli %arg1, %mul3A_895 : i32
    %add3A_897 = arith.constant 480 : i32
    %add3A_898 = arith.addi %mul3A_896, %add3A_897 : i32
    %dma_start3A_899 = arith.constant 0 : i32
    %dma_start3A_900 = arith.constant 0 : i32
    %dma_start3A_901 = tpu.memref_slice %arg9[%dma_start3A_899, %dma_start3A_900] : memref<128x80xf32, #tpu.memory_space<vmem>> -> memref<60x80xf32, #tpu.memory_space<vmem>>
    %dma_start3A_902 = arith.constant 0 : i32
    %dma_start3A_903 = tpu.memref_slice %arg6[%add3A_898, %dma_start3A_902] : memref<15360x80xf32, #tpu.memory_space<vmem_shared>> -> memref<60x80xf32, #tpu.memory_space<vmem_shared>>
    %dma_start3A_904 = arith.constant 0 : i32
    %dma_start3A_905 = arith.constant 0 : i32
    %dma_start3A_906 = tpu.memref_slice %arg9[%dma_start3A_904, %dma_start3A_905] : memref<128x80xf32, #tpu.memory_space<vmem>> -> memref<60x80xf32, #tpu.memory_space<vmem>>
    %dma_start3A_907 = arith.constant 0 : i32
    %dma_start3A_908 = tpu.memref_slice %arg6[%add3A_898, %dma_start3A_907] : memref<15360x80xf32, #tpu.memory_space<vmem_shared>> -> memref<60x80xf32, #tpu.memory_space<vmem_shared>>
    tpu.enqueue_dma source(%dma_start3A_908 : memref<60x80xf32, #tpu.memory_space<vmem_shared>>) target(%dma_start3A_906 : memref<60x80xf32, #tpu.memory_space<vmem>>) target_semaphore(%arg13 : memref<!tpu.dma_semaphore, #tpu.memory_space<semaphore_mem>>)
    %dma_wait3A_909 = arith.constant 0 : i32
    %dma_wait3A_910 = arith.constant 0 : i32
    %dma_wait3A_911 = tpu.memref_slice %arg10[%dma_wait3A_909, %dma_wait3A_910] : memref<128x80xf32, #tpu.memory_space<vmem>> -> memref<60x80xf32, #tpu.memory_space<vmem>>
    %dma_wait3A_912 = arith.constant 0 : i32
    %dma_wait3A_913 = tpu.memref_slice %arg6[%add3A_838, %dma_wait3A_912] : memref<15360x80xf32, #tpu.memory_space<vmem_shared>> -> memref<60x80xf32, #tpu.memory_space<vmem_shared>>
    %dma_wait3A_914 = arith.constant 0 : i32
    %dma_wait3A_915 = arith.constant 0 : i32
    %dma_wait3A_916 = tpu.memref_slice %arg10[%dma_wait3A_914, %dma_wait3A_915] : memref<128x80xf32, #tpu.memory_space<vmem>> -> memref<60x80xf32, #tpu.memory_space<vmem>>
    %dma_wait3A_917 = arith.constant 0 : i32
    %dma_wait3A_918 = tpu.memref_slice %arg6[%add3A_838, %dma_wait3A_917] : memref<15360x80xf32, #tpu.memory_space<vmem_shared>> -> memref<60x80xf32, #tpu.memory_space<vmem_shared>>
    tpu.wait_dma2 semaphore(%arg13 : memref<!tpu.dma_semaphore, #tpu.memory_space<semaphore_mem>>) src(%dma_wait3A_918 : memref<60x80xf32, #tpu.memory_space<vmem_shared>>) dst(%dma_wait3A_916 : memref<60x80xf32, #tpu.memory_space<vmem>>)
    %dma_wait3A_919 = arith.constant 1 : i32
    %dma_wait3A_920 = arith.constant 0 : i32
    %dma_wait3A_921 = arith.constant 0 : i32
    %dma_wait3A_922 = tpu.memref_slice %arg12[%dma_wait3A_919, %dma_wait3A_920, %dma_wait3A_921] : memref<2x60x128xf32, #tpu.memory_space<vmem>> -> memref<1x60x128xf32, #tpu.memory_space<vmem>>
    %dma_wait3A_923 = tpu.memref_squeeze %dma_wait3A_922 : memref<1x60x128xf32, #tpu.memory_space<vmem>> -> memref<60x128xf32, #tpu.memory_space<vmem>>
    %dma_wait3A_924 = arith.constant 0 : i32
    %dma_wait3A_925 = tpu.memref_slice %arg5[%add3A_821, %dma_wait3A_924] : memref<30720x128xf32, #tpu.memory_space<hbm>> -> memref<60x128xf32, #tpu.memory_space<hbm>>
    %dma_wait3A_926 = arith.constant 0 : i32
    %dma_wait3A_927 = tpu.memref_slice %arg5[%add3A_821, %dma_wait3A_926] : memref<30720x128xf32, #tpu.memory_space<hbm>> -> memref<60x128xf32, #tpu.memory_space<hbm>>
    %dma_wait3A_928 = arith.constant 0 : i32
    %dma_wait3A_929 = arith.constant 0 : i32
    %dma_wait3A_930 = tpu.memref_slice %arg12[%dma_wait3A_919, %dma_wait3A_928, %dma_wait3A_929] : memref<2x60x128xf32, #tpu.memory_space<vmem>> -> memref<1x60x128xf32, #tpu.memory_space<vmem>>
    %dma_wait3A_931 = tpu.memref_squeeze %dma_wait3A_930 : memref<1x60x128xf32, #tpu.memory_space<vmem>> -> memref<60x128xf32, #tpu.memory_space<vmem>>
    tpu.wait_dma2 semaphore(%arg14 : memref<!tpu.dma_semaphore, #tpu.memory_space<semaphore_mem>>) src(%dma_wait3A_931 : memref<60x128xf32, #tpu.memory_space<vmem>>) dst(%dma_wait3A_927 : memref<60x128xf32, #tpu.memory_space<hbm>>)
    %scan3A_932 = arith.constant 0 : i32
    %scan3A_933 = arith.constant 0 : i32
    %scan3A_934 = arith.constant 60 : i32
    %scan3A_935 = arith.addi %scan3A_933, %scan3A_934 : i32
    %scan3A_936 = arith.constant 1 : i32
    scf.for %scan3A_1447 = %scan3A_933 to %scan3A_935 step %scan3A_936  : i32 {
      %get3A = arith.index_cast %scan3A_1447 : i32 to index
      %get3A_1448 = arith.constant 0 : index
      %get3A_1449 = tpu.vector_load %arg10[%get3A, %get3A_1448] {strides = array<i32>} : memref<128x80xf32, #tpu.memory_space<vmem>>, vector<1x16xf32>,
      %get3A_1450 = vector.shape_cast %get3A_1449 : vector<1x16xf32> to vector<16xf32>
      %swap3A = arith.constant 1 : i32
      %swap3A_1451 = arith.index_cast %swap3A : i32 to index
      %swap3A_1452 = arith.index_cast %scan3A_1447 : i32 to index
      %swap3A_1453 = arith.constant 0 : index
      %swap3A_1454 = tpu.vector_load %arg12[%swap3A_1451, %swap3A_1452, %swap3A_1453] {strides = array<i32>} : memref<2x60x128xf32, #tpu.memory_space<vmem>>, vector<1x1x16xf32>,
      %swap3A_1455 = vector.shape_cast %swap3A_1454 : vector<1x1x16xf32> to vector<16xf32>
      %swap3A_1456 = vector.shape_cast %get3A_1450 : vector<16xf32> to vector<1x1x16xf32>
      tpu.vector_store %arg12[%swap3A_1451, %swap3A_1452, %swap3A_1453], %swap3A_1456 {strides = array<i32>} : memref<2x60x128xf32, #tpu.memory_space<vmem>>, vector<1x1x16xf32>,
      %get3A_1457 = arith.index_cast %scan3A_1447 : i32 to index
      %get3A_1458 = arith.constant 16 : index
      %get3A_1459 = tpu.vector_load %arg10[%get3A_1457, %get3A_1458] {strides = array<i32>} : memref<128x80xf32, #tpu.memory_space<vmem>>, vector<1x16xf32>,
      %get3A_1460 = vector.shape_cast %get3A_1459 : vector<1x16xf32> to vector<16xf32>
      %swap3A_1461 = arith.constant 1 : i32
      %swap3A_1462 = arith.index_cast %swap3A_1461 : i32 to index
      %swap3A_1463 = arith.index_cast %scan3A_1447 : i32 to index
      %swap3A_1464 = arith.constant 16 : index
      %swap3A_1465 = tpu.vector_load %arg12[%swap3A_1462, %swap3A_1463, %swap3A_1464] {strides = array<i32>} : memref<2x60x128xf32, #tpu.memory_space<vmem>>, vector<1x1x16xf32>,
      %swap3A_1466 = vector.shape_cast %swap3A_1465 : vector<1x1x16xf32> to vector<16xf32>
      %swap3A_1467 = vector.shape_cast %get3A_1460 : vector<16xf32> to vector<1x1x16xf32>
      tpu.vector_store %arg12[%swap3A_1462, %swap3A_1463, %swap3A_1464], %swap3A_1467 {strides = array<i32>} : memref<2x60x128xf32, #tpu.memory_space<vmem>>, vector<1x1x16xf32>,
      %get3A_1468 = arith.index_cast %scan3A_1447 : i32 to index
      %get3A_1469 = arith.constant 32 : index
      %get3A_1470 = tpu.vector_load %arg10[%get3A_1468, %get3A_1469] {strides = array<i32>} : memref<128x80xf32, #tpu.memory_space<vmem>>, vector<1x16xf32>,
      %get3A_1471 = vector.shape_cast %get3A_1470 : vector<1x16xf32> to vector<16xf32>
      %swap3A_1472 = arith.constant 1 : i32
      %swap3A_1473 = arith.index_cast %swap3A_1472 : i32 to index
      %swap3A_1474 = arith.index_cast %scan3A_1447 : i32 to index
      %swap3A_1475 = arith.constant 32 : index
      %swap3A_1476 = tpu.vector_load %arg12[%swap3A_1473, %swap3A_1474, %swap3A_1475] {strides = array<i32>} : memref<2x60x128xf32, #tpu.memory_space<vmem>>, vector<1x1x16xf32>,
      %swap3A_1477 = vector.shape_cast %swap3A_1476 : vector<1x1x16xf32> to vector<16xf32>
      %swap3A_1478 = vector.shape_cast %get3A_1471 : vector<16xf32> to vector<1x1x16xf32>
      tpu.vector_store %arg12[%swap3A_1473, %swap3A_1474, %swap3A_1475], %swap3A_1478 {strides = array<i32>} : memref<2x60x128xf32, #tpu.memory_space<vmem>>, vector<1x1x16xf32>,
      %get3A_1479 = arith.index_cast %scan3A_1447 : i32 to index
      %get3A_1480 = arith.constant 48 : index
      %get3A_1481 = tpu.vector_load %arg10[%get3A_1479, %get3A_1480] {strides = array<i32>} : memref<128x80xf32, #tpu.memory_space<vmem>>, vector<1x16xf32>,
      %get3A_1482 = vector.shape_cast %get3A_1481 : vector<1x16xf32> to vector<16xf32>
      %swap3A_1483 = arith.constant 1 : i32
      %swap3A_1484 = arith.index_cast %swap3A_1483 : i32 to index
      %swap3A_1485 = arith.index_cast %scan3A_1447 : i32 to index
      %swap3A_1486 = arith.constant 48 : index
      %swap3A_1487 = tpu.vector_load %arg12[%swap3A_1484, %swap3A_1485, %swap3A_1486] {strides = array<i32>} : memref<2x60x128xf32, #tpu.memory_space<vmem>>, vector<1x1x16xf32>,
      %swap3A_1488 = vector.shape_cast %swap3A_1487 : vector<1x1x16xf32> to vector<16xf32>
      %swap3A_1489 = vector.shape_cast %get3A_1482 : vector<16xf32> to vector<1x1x16xf32>
      tpu.vector_store %arg12[%swap3A_1484, %swap3A_1485, %swap3A_1486], %swap3A_1489 {strides = array<i32>} : memref<2x60x128xf32, #tpu.memory_space<vmem>>, vector<1x1x16xf32>,
      %get3A_1490 = arith.index_cast %scan3A_1447 : i32 to index
      %get3A_1491 = arith.constant 64 : index
      %get3A_1492 = tpu.vector_load %arg10[%get3A_1490, %get3A_1491] {strides = array<i32>} : memref<128x80xf32, #tpu.memory_space<vmem>>, vector<1x16xf32>,
      %get3A_1493 = vector.shape_cast %get3A_1492 : vector<1x16xf32> to vector<16xf32>
      %swap3A_1494 = arith.constant 1 : i32
      %swap3A_1495 = arith.index_cast %swap3A_1494 : i32 to index
      %swap3A_1496 = arith.index_cast %scan3A_1447 : i32 to index
      %swap3A_1497 = arith.constant 64 : index
      %swap3A_1498 = tpu.vector_load %arg12[%swap3A_1495, %swap3A_1496, %swap3A_1497] {strides = array<i32>} : memref<2x60x128xf32, #tpu.memory_space<vmem>>, vector<1x1x16xf32>,
      %swap3A_1499 = vector.shape_cast %swap3A_1498 : vector<1x1x16xf32> to vector<16xf32>
      %swap3A_1500 = vector.shape_cast %get3A_1493 : vector<16xf32> to vector<1x1x16xf32>
      tpu.vector_store %arg12[%swap3A_1495, %swap3A_1496, %swap3A_1497], %swap3A_1500 {strides = array<i32>} : memref<2x60x128xf32, #tpu.memory_space<vmem>>, vector<1x1x16xf32>,
    }
    %scan3A_937 = arith.constant 60 : i32
    %mul3A_938 = arith.constant 960 : i32
    %mul3A_939 = arith.muli %add3A, %mul3A_938 : i32
    %add3A_940 = arith.constant 420 : i32
    %add3A_941 = arith.addi %mul3A_939, %add3A_940 : i32
    %dma_start3A_942 = arith.constant 1 : i32
    %dma_start3A_943 = arith.constant 0 : i32
    %dma_start3A_944 = arith.constant 0 : i32
    %dma_start3A_945 = tpu.memref_slice %arg12[%dma_start3A_942, %dma_start3A_943, %dma_start3A_944] : memref<2x60x128xf32, #tpu.memory_space<vmem>> -> memref<1x60x128xf32, #tpu.memory_space<vmem>>
    %dma_start3A_946 = tpu.memref_squeeze %dma_start3A_945 : memref<1x60x128xf32, #tpu.memory_space<vmem>> -> memref<60x128xf32, #tpu.memory_space<vmem>>
    %dma_start3A_947 = arith.constant 0 : i32
    %dma_start3A_948 = tpu.memref_slice %arg5[%add3A_941, %dma_start3A_947] : memref<30720x128xf32, #tpu.memory_space<hbm>> -> memref<60x128xf32, #tpu.memory_space<hbm>>
    %dma_start3A_949 = arith.constant 0 : i32
    %dma_start3A_950 = tpu.memref_slice %arg5[%add3A_941, %dma_start3A_949] : memref<30720x128xf32, #tpu.memory_space<hbm>> -> memref<60x128xf32, #tpu.memory_space<hbm>>
    %dma_start3A_951 = arith.constant 0 : i32
    %dma_start3A_952 = arith.constant 0 : i32
    %dma_start3A_953 = tpu.memref_slice %arg12[%dma_start3A_942, %dma_start3A_951, %dma_start3A_952] : memref<2x60x128xf32, #tpu.memory_space<vmem>> -> memref<1x60x128xf32, #tpu.memory_space<vmem>>
    %dma_start3A_954 = tpu.memref_squeeze %dma_start3A_953 : memref<1x60x128xf32, #tpu.memory_space<vmem>> -> memref<60x128xf32, #tpu.memory_space<vmem>>
    tpu.enqueue_dma source(%dma_start3A_954 : memref<60x128xf32, #tpu.memory_space<vmem>>) target(%dma_start3A_950 : memref<60x128xf32, #tpu.memory_space<hbm>>) target_semaphore(%arg14 : memref<!tpu.dma_semaphore, #tpu.memory_space<semaphore_mem>>)
    %mul3A_955 = arith.constant 960 : i32
    %mul3A_956 = arith.muli %arg1, %mul3A_955 : i32
    %add3A_957 = arith.constant 540 : i32
    %add3A_958 = arith.addi %mul3A_956, %add3A_957 : i32
    %dma_start3A_959 = arith.constant 0 : i32
    %dma_start3A_960 = arith.constant 0 : i32
    %dma_start3A_961 = tpu.memref_slice %arg10[%dma_start3A_959, %dma_start3A_960] : memref<128x80xf32, #tpu.memory_space<vmem>> -> memref<60x80xf32, #tpu.memory_space<vmem>>
    %dma_start3A_962 = arith.constant 0 : i32
    %dma_start3A_963 = tpu.memref_slice %arg6[%add3A_958, %dma_start3A_962] : memref<15360x80xf32, #tpu.memory_space<vmem_shared>> -> memref<60x80xf32, #tpu.memory_space<vmem_shared>>
    %dma_start3A_964 = arith.constant 0 : i32
    %dma_start3A_965 = arith.constant 0 : i32
    %dma_start3A_966 = tpu.memref_slice %arg10[%dma_start3A_964, %dma_start3A_965] : memref<128x80xf32, #tpu.memory_space<vmem>> -> memref<60x80xf32, #tpu.memory_space<vmem>>
    %dma_start3A_967 = arith.constant 0 : i32
    %dma_start3A_968 = tpu.memref_slice %arg6[%add3A_958, %dma_start3A_967] : memref<15360x80xf32, #tpu.memory_space<vmem_shared>> -> memref<60x80xf32, #tpu.memory_space<vmem_shared>>
    tpu.enqueue_dma source(%dma_start3A_968 : memref<60x80xf32, #tpu.memory_space<vmem_shared>>) target(%dma_start3A_966 : memref<60x80xf32, #tpu.memory_space<vmem>>) target_semaphore(%arg13 : memref<!tpu.dma_semaphore, #tpu.memory_space<semaphore_mem>>)
    %dma_wait3A_969 = arith.constant 0 : i32
    %dma_wait3A_970 = arith.constant 0 : i32
    %dma_wait3A_971 = tpu.memref_slice %arg9[%dma_wait3A_969, %dma_wait3A_970] : memref<128x80xf32, #tpu.memory_space<vmem>> -> memref<60x80xf32, #tpu.memory_space<vmem>>
    %dma_wait3A_972 = arith.constant 0 : i32
    %dma_wait3A_973 = tpu.memref_slice %arg6[%add3A_898, %dma_wait3A_972] : memref<15360x80xf32, #tpu.memory_space<vmem_shared>> -> memref<60x80xf32, #tpu.memory_space<vmem_shared>>
    %dma_wait3A_974 = arith.constant 0 : i32
    %dma_wait3A_975 = arith.constant 0 : i32
    %dma_wait3A_976 = tpu.memref_slice %arg9[%dma_wait3A_974, %dma_wait3A_975] : memref<128x80xf32, #tpu.memory_space<vmem>> -> memref<60x80xf32, #tpu.memory_space<vmem>>
    %dma_wait3A_977 = arith.constant 0 : i32
    %dma_wait3A_978 = tpu.memref_slice %arg6[%add3A_898, %dma_wait3A_977] : memref<15360x80xf32, #tpu.memory_space<vmem_shared>> -> memref<60x80xf32, #tpu.memory_space<vmem_shared>>
    tpu.wait_dma2 semaphore(%arg13 : memref<!tpu.dma_semaphore, #tpu.memory_space<semaphore_mem>>) src(%dma_wait3A_978 : memref<60x80xf32, #tpu.memory_space<vmem_shared>>) dst(%dma_wait3A_976 : memref<60x80xf32, #tpu.memory_space<vmem>>)
    %dma_wait3A_979 = arith.constant 0 : i32
    %dma_wait3A_980 = arith.constant 0 : i32
    %dma_wait3A_981 = arith.constant 0 : i32
    %dma_wait3A_982 = tpu.memref_slice %arg12[%dma_wait3A_979, %dma_wait3A_980, %dma_wait3A_981] : memref<2x60x128xf32, #tpu.memory_space<vmem>> -> memref<1x60x128xf32, #tpu.memory_space<vmem>>
    %dma_wait3A_983 = tpu.memref_squeeze %dma_wait3A_982 : memref<1x60x128xf32, #tpu.memory_space<vmem>> -> memref<60x128xf32, #tpu.memory_space<vmem>>
    %dma_wait3A_984 = arith.constant 0 : i32
    %dma_wait3A_985 = tpu.memref_slice %arg5[%add3A_881, %dma_wait3A_984] : memref<30720x128xf32, #tpu.memory_space<hbm>> -> memref<60x128xf32, #tpu.memory_space<hbm>>
    %dma_wait3A_986 = arith.constant 0 : i32
    %dma_wait3A_987 = tpu.memref_slice %arg5[%add3A_881, %dma_wait3A_986] : memref<30720x128xf32, #tpu.memory_space<hbm>> -> memref<60x128xf32, #tpu.memory_space<hbm>>
    %dma_wait3A_988 = arith.constant 0 : i32
    %dma_wait3A_989 = arith.constant 0 : i32
    %dma_wait3A_990 = tpu.memref_slice %arg12[%dma_wait3A_979, %dma_wait3A_988, %dma_wait3A_989] : memref<2x60x128xf32, #tpu.memory_space<vmem>> -> memref<1x60x128xf32, #tpu.memory_space<vmem>>
    %dma_wait3A_991 = tpu.memref_squeeze %dma_wait3A_990 : memref<1x60x128xf32, #tpu.memory_space<vmem>> -> memref<60x128xf32, #tpu.memory_space<vmem>>
    tpu.wait_dma2 semaphore(%arg14 : memref<!tpu.dma_semaphore, #tpu.memory_space<semaphore_mem>>) src(%dma_wait3A_991 : memref<60x128xf32, #tpu.memory_space<vmem>>) dst(%dma_wait3A_987 : memref<60x128xf32, #tpu.memory_space<hbm>>)
    %scan3A_992 = arith.constant 0 : i32
    %scan3A_993 = arith.constant 0 : i32
    %scan3A_994 = arith.constant 60 : i32
    %scan3A_995 = arith.addi %scan3A_993, %scan3A_994 : i32
    %scan3A_996 = arith.constant 1 : i32
    scf.for %scan3A_1447 = %scan3A_993 to %scan3A_995 step %scan3A_996  : i32 {
      %get3A = arith.index_cast %scan3A_1447 : i32 to index
      %get3A_1448 = arith.constant 0 : index
      %get3A_1449 = tpu.vector_load %arg9[%get3A, %get3A_1448] {strides = array<i32>} : memref<128x80xf32, #tpu.memory_space<vmem>>, vector<1x16xf32>,
      %get3A_1450 = vector.shape_cast %get3A_1449 : vector<1x16xf32> to vector<16xf32>
      %swap3A = arith.constant 0 : i32
      %swap3A_1451 = arith.index_cast %swap3A : i32 to index
      %swap3A_1452 = arith.index_cast %scan3A_1447 : i32 to index
      %swap3A_1453 = arith.constant 0 : index
      %swap3A_1454 = tpu.vector_load %arg12[%swap3A_1451, %swap3A_1452, %swap3A_1453] {strides = array<i32>} : memref<2x60x128xf32, #tpu.memory_space<vmem>>, vector<1x1x16xf32>,
      %swap3A_1455 = vector.shape_cast %swap3A_1454 : vector<1x1x16xf32> to vector<16xf32>
      %swap3A_1456 = vector.shape_cast %get3A_1450 : vector<16xf32> to vector<1x1x16xf32>
      tpu.vector_store %arg12[%swap3A_1451, %swap3A_1452, %swap3A_1453], %swap3A_1456 {strides = array<i32>} : memref<2x60x128xf32, #tpu.memory_space<vmem>>, vector<1x1x16xf32>,
      %get3A_1457 = arith.index_cast %scan3A_1447 : i32 to index
      %get3A_1458 = arith.constant 16 : index
      %get3A_1459 = tpu.vector_load %arg9[%get3A_1457, %get3A_1458] {strides = array<i32>} : memref<128x80xf32, #tpu.memory_space<vmem>>, vector<1x16xf32>,
      %get3A_1460 = vector.shape_cast %get3A_1459 : vector<1x16xf32> to vector<16xf32>
      %swap3A_1461 = arith.constant 0 : i32
      %swap3A_1462 = arith.index_cast %swap3A_1461 : i32 to index
      %swap3A_1463 = arith.index_cast %scan3A_1447 : i32 to index
      %swap3A_1464 = arith.constant 16 : index
      %swap3A_1465 = tpu.vector_load %arg12[%swap3A_1462, %swap3A_1463, %swap3A_1464] {strides = array<i32>} : memref<2x60x128xf32, #tpu.memory_space<vmem>>, vector<1x1x16xf32>,
      %swap3A_1466 = vector.shape_cast %swap3A_1465 : vector<1x1x16xf32> to vector<16xf32>
      %swap3A_1467 = vector.shape_cast %get3A_1460 : vector<16xf32> to vector<1x1x16xf32>
      tpu.vector_store %arg12[%swap3A_1462, %swap3A_1463, %swap3A_1464], %swap3A_1467 {strides = array<i32>} : memref<2x60x128xf32, #tpu.memory_space<vmem>>, vector<1x1x16xf32>,
      %get3A_1468 = arith.index_cast %scan3A_1447 : i32 to index
      %get3A_1469 = arith.constant 32 : index
      %get3A_1470 = tpu.vector_load %arg9[%get3A_1468, %get3A_1469] {strides = array<i32>} : memref<128x80xf32, #tpu.memory_space<vmem>>, vector<1x16xf32>,
      %get3A_1471 = vector.shape_cast %get3A_1470 : vector<1x16xf32> to vector<16xf32>
      %swap3A_1472 = arith.constant 0 : i32
      %swap3A_1473 = arith.index_cast %swap3A_1472 : i32 to index
      %swap3A_1474 = arith.index_cast %scan3A_1447 : i32 to index
      %swap3A_1475 = arith.constant 32 : index
      %swap3A_1476 = tpu.vector_load %arg12[%swap3A_1473, %swap3A_1474, %swap3A_1475] {strides = array<i32>} : memref<2x60x128xf32, #tpu.memory_space<vmem>>, vector<1x1x16xf32>,
      %swap3A_1477 = vector.shape_cast %swap3A_1476 : vector<1x1x16xf32> to vector<16xf32>
      %swap3A_1478 = vector.shape_cast %get3A_1471 : vector<16xf32> to vector<1x1x16xf32>
      tpu.vector_store %arg12[%swap3A_1473, %swap3A_1474, %swap3A_1475], %swap3A_1478 {strides = array<i32>} : memref<2x60x128xf32, #tpu.memory_space<vmem>>, vector<1x1x16xf32>,
      %get3A_1479 = arith.index_cast %scan3A_1447 : i32 to index
      %get3A_1480 = arith.constant 48 : index
      %get3A_1481 = tpu.vector_load %arg9[%get3A_1479, %get3A_1480] {strides = array<i32>} : memref<128x80xf32, #tpu.memory_space<vmem>>, vector<1x16xf32>,
      %get3A_1482 = vector.shape_cast %get3A_1481 : vector<1x16xf32> to vector<16xf32>
      %swap3A_1483 = arith.constant 0 : i32
      %swap3A_1484 = arith.index_cast %swap3A_1483 : i32 to index
      %swap3A_1485 = arith.index_cast %scan3A_1447 : i32 to index
      %swap3A_1486 = arith.constant 48 : index
      %swap3A_1487 = tpu.vector_load %arg12[%swap3A_1484, %swap3A_1485, %swap3A_1486] {strides = array<i32>} : memref<2x60x128xf32, #tpu.memory_space<vmem>>, vector<1x1x16xf32>,
      %swap3A_1488 = vector.shape_cast %swap3A_1487 : vector<1x1x16xf32> to vector<16xf32>
      %swap3A_1489 = vector.shape_cast %get3A_1482 : vector<16xf32> to vector<1x1x16xf32>
      tpu.vector_store %arg12[%swap3A_1484, %swap3A_1485, %swap3A_1486], %swap3A_1489 {strides = array<i32>} : memref<2x60x128xf32, #tpu.memory_space<vmem>>, vector<1x1x16xf32>,
      %get3A_1490 = arith.index_cast %scan3A_1447 : i32 to index
      %get3A_1491 = arith.constant 64 : index
      %get3A_1492 = tpu.vector_load %arg9[%get3A_1490, %get3A_1491] {strides = array<i32>} : memref<128x80xf32, #tpu.memory_space<vmem>>, vector<1x16xf32>,
      %get3A_1493 = vector.shape_cast %get3A_1492 : vector<1x16xf32> to vector<16xf32>
      %swap3A_1494 = arith.constant 0 : i32
      %swap3A_1495 = arith.index_cast %swap3A_1494 : i32 to index
      %swap3A_1496 = arith.index_cast %scan3A_1447 : i32 to index
      %swap3A_1497 = arith.constant 64 : index
      %swap3A_1498 = tpu.vector_load %arg12[%swap3A_1495, %swap3A_1496, %swap3A_1497] {strides = array<i32>} : memref<2x60x128xf32, #tpu.memory_space<vmem>>, vector<1x1x16xf32>,
      %swap3A_1499 = vector.shape_cast %swap3A_1498 : vector<1x1x16xf32> to vector<16xf32>
      %swap3A_1500 = vector.shape_cast %get3A_1493 : vector<16xf32> to vector<1x1x16xf32>
      tpu.vector_store %arg12[%swap3A_1495, %swap3A_1496, %swap3A_1497], %swap3A_1500 {strides = array<i32>} : memref<2x60x128xf32, #tpu.memory_space<vmem>>, vector<1x1x16xf32>,
    }
    %scan3A_997 = arith.constant 60 : i32
    %mul3A_998 = arith.constant 960 : i32
    %mul3A_999 = arith.muli %add3A, %mul3A_998 : i32
    %add3A_1000 = arith.constant 480 : i32
    %add3A_1001 = arith.addi %mul3A_999, %add3A_1000 : i32
    %dma_start3A_1002 = arith.constant 0 : i32
    %dma_start3A_1003 = arith.constant 0 : i32
    %dma_start3A_1004 = arith.constant 0 : i32
    %dma_start3A_1005 = tpu.memref_slice %arg12[%dma_start3A_1002, %dma_start3A_1003, %dma_start3A_1004] : memref<2x60x128xf32, #tpu.memory_space<vmem>> -> memref<1x60x128xf32, #tpu.memory_space<vmem>>
    %dma_start3A_1006 = tpu.memref_squeeze %dma_start3A_1005 : memref<1x60x128xf32, #tpu.memory_space<vmem>> -> memref<60x128xf32, #tpu.memory_space<vmem>>
    %dma_start3A_1007 = arith.constant 0 : i32
    %dma_start3A_1008 = tpu.memref_slice %arg5[%add3A_1001, %dma_start3A_1007] : memref<30720x128xf32, #tpu.memory_space<hbm>> -> memref<60x128xf32, #tpu.memory_space<hbm>>
    %dma_start3A_1009 = arith.constant 0 : i32
    %dma_start3A_1010 = tpu.memref_slice %arg5[%add3A_1001, %dma_start3A_1009] : memref<30720x128xf32, #tpu.memory_space<hbm>> -> memref<60x128xf32, #tpu.memory_space<hbm>>
    %dma_start3A_1011 = arith.constant 0 : i32
    %dma_start3A_1012 = arith.constant 0 : i32
    %dma_start3A_1013 = tpu.memref_slice %arg12[%dma_start3A_1002, %dma_start3A_1011, %dma_start3A_1012] : memref<2x60x128xf32, #tpu.memory_space<vmem>> -> memref<1x60x128xf32, #tpu.memory_space<vmem>>
    %dma_start3A_1014 = tpu.memref_squeeze %dma_start3A_1013 : memref<1x60x128xf32, #tpu.memory_space<vmem>> -> memref<60x128xf32, #tpu.memory_space<vmem>>
    tpu.enqueue_dma source(%dma_start3A_1014 : memref<60x128xf32, #tpu.memory_space<vmem>>) target(%dma_start3A_1010 : memref<60x128xf32, #tpu.memory_space<hbm>>) target_semaphore(%arg14 : memref<!tpu.dma_semaphore, #tpu.memory_space<semaphore_mem>>)
    %mul3A_1015 = arith.constant 960 : i32
    %mul3A_1016 = arith.muli %arg1, %mul3A_1015 : i32
    %add3A_1017 = arith.constant 600 : i32
    %add3A_1018 = arith.addi %mul3A_1016, %add3A_1017 : i32
    %dma_start3A_1019 = arith.constant 0 : i32
    %dma_start3A_1020 = arith.constant 0 : i32
    %dma_start3A_1021 = tpu.memref_slice %arg9[%dma_start3A_1019, %dma_start3A_1020] : memref<128x80xf32, #tpu.memory_space<vmem>> -> memref<60x80xf32, #tpu.memory_space<vmem>>
    %dma_start3A_1022 = arith.constant 0 : i32
    %dma_start3A_1023 = tpu.memref_slice %arg6[%add3A_1018, %dma_start3A_1022] : memref<15360x80xf32, #tpu.memory_space<vmem_shared>> -> memref<60x80xf32, #tpu.memory_space<vmem_shared>>
    %dma_start3A_1024 = arith.constant 0 : i32
    %dma_start3A_1025 = arith.constant 0 : i32
    %dma_start3A_1026 = tpu.memref_slice %arg9[%dma_start3A_1024, %dma_start3A_1025] : memref<128x80xf32, #tpu.memory_space<vmem>> -> memref<60x80xf32, #tpu.memory_space<vmem>>
    %dma_start3A_1027 = arith.constant 0 : i32
    %dma_start3A_1028 = tpu.memref_slice %arg6[%add3A_1018, %dma_start3A_1027] : memref<15360x80xf32, #tpu.memory_space<vmem_shared>> -> memref<60x80xf32, #tpu.memory_space<vmem_shared>>
    tpu.enqueue_dma source(%dma_start3A_1028 : memref<60x80xf32, #tpu.memory_space<vmem_shared>>) target(%dma_start3A_1026 : memref<60x80xf32, #tpu.memory_space<vmem>>) target_semaphore(%arg13 : memref<!tpu.dma_semaphore, #tpu.memory_space<semaphore_mem>>)
    %dma_wait3A_1029 = arith.constant 0 : i32
    %dma_wait3A_1030 = arith.constant 0 : i32
    %dma_wait3A_1031 = tpu.memref_slice %arg10[%dma_wait3A_1029, %dma_wait3A_1030] : memref<128x80xf32, #tpu.memory_space<vmem>> -> memref<60x80xf32, #tpu.memory_space<vmem>>
    %dma_wait3A_1032 = arith.constant 0 : i32
    %dma_wait3A_1033 = tpu.memref_slice %arg6[%add3A_958, %dma_wait3A_1032] : memref<15360x80xf32, #tpu.memory_space<vmem_shared>> -> memref<60x80xf32, #tpu.memory_space<vmem_shared>>
    %dma_wait3A_1034 = arith.constant 0 : i32
    %dma_wait3A_1035 = arith.constant 0 : i32
    %dma_wait3A_1036 = tpu.memref_slice %arg10[%dma_wait3A_1034, %dma_wait3A_1035] : memref<128x80xf32, #tpu.memory_space<vmem>> -> memref<60x80xf32, #tpu.memory_space<vmem>>
    %dma_wait3A_1037 = arith.constant 0 : i32
    %dma_wait3A_1038 = tpu.memref_slice %arg6[%add3A_958, %dma_wait3A_1037] : memref<15360x80xf32, #tpu.memory_space<vmem_shared>> -> memref<60x80xf32, #tpu.memory_space<vmem_shared>>
    tpu.wait_dma2 semaphore(%arg13 : memref<!tpu.dma_semaphore, #tpu.memory_space<semaphore_mem>>) src(%dma_wait3A_1038 : memref<60x80xf32, #tpu.memory_space<vmem_shared>>) dst(%dma_wait3A_1036 : memref<60x80xf32, #tpu.memory_space<vmem>>)
    %dma_wait3A_1039 = arith.constant 1 : i32
    %dma_wait3A_1040 = arith.constant 0 : i32
    %dma_wait3A_1041 = arith.constant 0 : i32
    %dma_wait3A_1042 = tpu.memref_slice %arg12[%dma_wait3A_1039, %dma_wait3A_1040, %dma_wait3A_1041] : memref<2x60x128xf32, #tpu.memory_space<vmem>> -> memref<1x60x128xf32, #tpu.memory_space<vmem>>
    %dma_wait3A_1043 = tpu.memref_squeeze %dma_wait3A_1042 : memref<1x60x128xf32, #tpu.memory_space<vmem>> -> memref<60x128xf32, #tpu.memory_space<vmem>>
    %dma_wait3A_1044 = arith.constant 0 : i32
    %dma_wait3A_1045 = tpu.memref_slice %arg5[%add3A_941, %dma_wait3A_1044] : memref<30720x128xf32, #tpu.memory_space<hbm>> -> memref<60x128xf32, #tpu.memory_space<hbm>>
    %dma_wait3A_1046 = arith.constant 0 : i32
    %dma_wait3A_1047 = tpu.memref_slice %arg5[%add3A_941, %dma_wait3A_1046] : memref<30720x128xf32, #tpu.memory_space<hbm>> -> memref<60x128xf32, #tpu.memory_space<hbm>>
    %dma_wait3A_1048 = arith.constant 0 : i32
    %dma_wait3A_1049 = arith.constant 0 : i32
    %dma_wait3A_1050 = tpu.memref_slice %arg12[%dma_wait3A_1039, %dma_wait3A_1048, %dma_wait3A_1049] : memref<2x60x128xf32, #tpu.memory_space<vmem>> -> memref<1x60x128xf32, #tpu.memory_space<vmem>>
    %dma_wait3A_1051 = tpu.memref_squeeze %dma_wait3A_1050 : memref<1x60x128xf32, #tpu.memory_space<vmem>> -> memref<60x128xf32, #tpu.memory_space<vmem>>
    tpu.wait_dma2 semaphore(%arg14 : memref<!tpu.dma_semaphore, #tpu.memory_space<semaphore_mem>>) src(%dma_wait3A_1051 : memref<60x128xf32, #tpu.memory_space<vmem>>) dst(%dma_wait3A_1047 : memref<60x128xf32, #tpu.memory_space<hbm>>)
    %scan3A_1052 = arith.constant 0 : i32
    %scan3A_1053 = arith.constant 0 : i32
    %scan3A_1054 = arith.constant 60 : i32
    %scan3A_1055 = arith.addi %scan3A_1053, %scan3A_1054 : i32
    %scan3A_1056 = arith.constant 1 : i32
    scf.for %scan3A_1447 = %scan3A_1053 to %scan3A_1055 step %scan3A_1056  : i32 {
      %get3A = arith.index_cast %scan3A_1447 : i32 to index
      %get3A_1448 = arith.constant 0 : index
      %get3A_1449 = tpu.vector_load %arg10[%get3A, %get3A_1448] {strides = array<i32>} : memref<128x80xf32, #tpu.memory_space<vmem>>, vector<1x16xf32>,
      %get3A_1450 = vector.shape_cast %get3A_1449 : vector<1x16xf32> to vector<16xf32>
      %swap3A = arith.constant 1 : i32
      %swap3A_1451 = arith.index_cast %swap3A : i32 to index
      %swap3A_1452 = arith.index_cast %scan3A_1447 : i32 to index
      %swap3A_1453 = arith.constant 0 : index
      %swap3A_1454 = tpu.vector_load %arg12[%swap3A_1451, %swap3A_1452, %swap3A_1453] {strides = array<i32>} : memref<2x60x128xf32, #tpu.memory_space<vmem>>, vector<1x1x16xf32>,
      %swap3A_1455 = vector.shape_cast %swap3A_1454 : vector<1x1x16xf32> to vector<16xf32>
      %swap3A_1456 = vector.shape_cast %get3A_1450 : vector<16xf32> to vector<1x1x16xf32>
      tpu.vector_store %arg12[%swap3A_1451, %swap3A_1452, %swap3A_1453], %swap3A_1456 {strides = array<i32>} : memref<2x60x128xf32, #tpu.memory_space<vmem>>, vector<1x1x16xf32>,
      %get3A_1457 = arith.index_cast %scan3A_1447 : i32 to index
      %get3A_1458 = arith.constant 16 : index
      %get3A_1459 = tpu.vector_load %arg10[%get3A_1457, %get3A_1458] {strides = array<i32>} : memref<128x80xf32, #tpu.memory_space<vmem>>, vector<1x16xf32>,
      %get3A_1460 = vector.shape_cast %get3A_1459 : vector<1x16xf32> to vector<16xf32>
      %swap3A_1461 = arith.constant 1 : i32
      %swap3A_1462 = arith.index_cast %swap3A_1461 : i32 to index
      %swap3A_1463 = arith.index_cast %scan3A_1447 : i32 to index
      %swap3A_1464 = arith.constant 16 : index
      %swap3A_1465 = tpu.vector_load %arg12[%swap3A_1462, %swap3A_1463, %swap3A_1464] {strides = array<i32>} : memref<2x60x128xf32, #tpu.memory_space<vmem>>, vector<1x1x16xf32>,
      %swap3A_1466 = vector.shape_cast %swap3A_1465 : vector<1x1x16xf32> to vector<16xf32>
      %swap3A_1467 = vector.shape_cast %get3A_1460 : vector<16xf32> to vector<1x1x16xf32>
      tpu.vector_store %arg12[%swap3A_1462, %swap3A_1463, %swap3A_1464], %swap3A_1467 {strides = array<i32>} : memref<2x60x128xf32, #tpu.memory_space<vmem>>, vector<1x1x16xf32>,
      %get3A_1468 = arith.index_cast %scan3A_1447 : i32 to index
      %get3A_1469 = arith.constant 32 : index
      %get3A_1470 = tpu.vector_load %arg10[%get3A_1468, %get3A_1469] {strides = array<i32>} : memref<128x80xf32, #tpu.memory_space<vmem>>, vector<1x16xf32>,
      %get3A_1471 = vector.shape_cast %get3A_1470 : vector<1x16xf32> to vector<16xf32>
      %swap3A_1472 = arith.constant 1 : i32
      %swap3A_1473 = arith.index_cast %swap3A_1472 : i32 to index
      %swap3A_1474 = arith.index_cast %scan3A_1447 : i32 to index
      %swap3A_1475 = arith.constant 32 : index
      %swap3A_1476 = tpu.vector_load %arg12[%swap3A_1473, %swap3A_1474, %swap3A_1475] {strides = array<i32>} : memref<2x60x128xf32, #tpu.memory_space<vmem>>, vector<1x1x16xf32>,
      %swap3A_1477 = vector.shape_cast %swap3A_1476 : vector<1x1x16xf32> to vector<16xf32>
      %swap3A_1478 = vector.shape_cast %get3A_1471 : vector<16xf32> to vector<1x1x16xf32>
      tpu.vector_store %arg12[%swap3A_1473, %swap3A_1474, %swap3A_1475], %swap3A_1478 {strides = array<i32>} : memref<2x60x128xf32, #tpu.memory_space<vmem>>, vector<1x1x16xf32>,
      %get3A_1479 = arith.index_cast %scan3A_1447 : i32 to index
      %get3A_1480 = arith.constant 48 : index
      %get3A_1481 = tpu.vector_load %arg10[%get3A_1479, %get3A_1480] {strides = array<i32>} : memref<128x80xf32, #tpu.memory_space<vmem>>, vector<1x16xf32>,
      %get3A_1482 = vector.shape_cast %get3A_1481 : vector<1x16xf32> to vector<16xf32>
      %swap3A_1483 = arith.constant 1 : i32
      %swap3A_1484 = arith.index_cast %swap3A_1483 : i32 to index
      %swap3A_1485 = arith.index_cast %scan3A_1447 : i32 to index
      %swap3A_1486 = arith.constant 48 : index
      %swap3A_1487 = tpu.vector_load %arg12[%swap3A_1484, %swap3A_1485, %swap3A_1486] {strides = array<i32>} : memref<2x60x128xf32, #tpu.memory_space<vmem>>, vector<1x1x16xf32>,
      %swap3A_1488 = vector.shape_cast %swap3A_1487 : vector<1x1x16xf32> to vector<16xf32>
      %swap3A_1489 = vector.shape_cast %get3A_1482 : vector<16xf32> to vector<1x1x16xf32>
      tpu.vector_store %arg12[%swap3A_1484, %swap3A_1485, %swap3A_1486], %swap3A_1489 {strides = array<i32>} : memref<2x60x128xf32, #tpu.memory_space<vmem>>, vector<1x1x16xf32>,
      %get3A_1490 = arith.index_cast %scan3A_1447 : i32 to index
      %get3A_1491 = arith.constant 64 : index
      %get3A_1492 = tpu.vector_load %arg10[%get3A_1490, %get3A_1491] {strides = array<i32>} : memref<128x80xf32, #tpu.memory_space<vmem>>, vector<1x16xf32>,
      %get3A_1493 = vector.shape_cast %get3A_1492 : vector<1x16xf32> to vector<16xf32>
      %swap3A_1494 = arith.constant 1 : i32
      %swap3A_1495 = arith.index_cast %swap3A_1494 : i32 to index
      %swap3A_1496 = arith.index_cast %scan3A_1447 : i32 to index
      %swap3A_1497 = arith.constant 64 : index
      %swap3A_1498 = tpu.vector_load %arg12[%swap3A_1495, %swap3A_1496, %swap3A_1497] {strides = array<i32>} : memref<2x60x128xf32, #tpu.memory_space<vmem>>, vector<1x1x16xf32>,
      %swap3A_1499 = vector.shape_cast %swap3A_1498 : vector<1x1x16xf32> to vector<16xf32>
      %swap3A_1500 = vector.shape_cast %get3A_1493 : vector<16xf32> to vector<1x1x16xf32>
      tpu.vector_store %arg12[%swap3A_1495, %swap3A_1496, %swap3A_1497], %swap3A_1500 {strides = array<i32>} : memref<2x60x128xf32, #tpu.memory_space<vmem>>, vector<1x1x16xf32>,
    }
    %scan3A_1057 = arith.constant 60 : i32
    %mul3A_1058 = arith.constant 960 : i32
    %mul3A_1059 = arith.muli %add3A, %mul3A_1058 : i32
    %add3A_1060 = arith.constant 540 : i32
    %add3A_1061 = arith.addi %mul3A_1059, %add3A_1060 : i32
    %dma_start3A_1062 = arith.constant 1 : i32
    %dma_start3A_1063 = arith.constant 0 : i32
    %dma_start3A_1064 = arith.constant 0 : i32
    %dma_start3A_1065 = tpu.memref_slice %arg12[%dma_start3A_1062, %dma_start3A_1063, %dma_start3A_1064] : memref<2x60x128xf32, #tpu.memory_space<vmem>> -> memref<1x60x128xf32, #tpu.memory_space<vmem>>
    %dma_start3A_1066 = tpu.memref_squeeze %dma_start3A_1065 : memref<1x60x128xf32, #tpu.memory_space<vmem>> -> memref<60x128xf32, #tpu.memory_space<vmem>>
    %dma_start3A_1067 = arith.constant 0 : i32
    %dma_start3A_1068 = tpu.memref_slice %arg5[%add3A_1061, %dma_start3A_1067] : memref<30720x128xf32, #tpu.memory_space<hbm>> -> memref<60x128xf32, #tpu.memory_space<hbm>>
    %dma_start3A_1069 = arith.constant 0 : i32
    %dma_start3A_1070 = tpu.memref_slice %arg5[%add3A_1061, %dma_start3A_1069] : memref<30720x128xf32, #tpu.memory_space<hbm>> -> memref<60x128xf32, #tpu.memory_space<hbm>>
    %dma_start3A_1071 = arith.constant 0 : i32
    %dma_start3A_1072 = arith.constant 0 : i32
    %dma_start3A_1073 = tpu.memref_slice %arg12[%dma_start3A_1062, %dma_start3A_1071, %dma_start3A_1072] : memref<2x60x128xf32, #tpu.memory_space<vmem>> -> memref<1x60x128xf32, #tpu.memory_space<vmem>>
    %dma_start3A_1074 = tpu.memref_squeeze %dma_start3A_1073 : memref<1x60x128xf32, #tpu.memory_space<vmem>> -> memref<60x128xf32, #tpu.memory_space<vmem>>
    tpu.enqueue_dma source(%dma_start3A_1074 : memref<60x128xf32, #tpu.memory_space<vmem>>) target(%dma_start3A_1070 : memref<60x128xf32, #tpu.memory_space<hbm>>) target_semaphore(%arg14 : memref<!tpu.dma_semaphore, #tpu.memory_space<semaphore_mem>>)
    %mul3A_1075 = arith.constant 960 : i32
    %mul3A_1076 = arith.muli %arg1, %mul3A_1075 : i32
    %add3A_1077 = arith.constant 660 : i32
    %add3A_1078 = arith.addi %mul3A_1076, %add3A_1077 : i32
    %dma_start3A_1079 = arith.constant 0 : i32
    %dma_start3A_1080 = arith.constant 0 : i32
    %dma_start3A_1081 = tpu.memref_slice %arg10[%dma_start3A_1079, %dma_start3A_1080] : memref<128x80xf32, #tpu.memory_space<vmem>> -> memref<60x80xf32, #tpu.memory_space<vmem>>
    %dma_start3A_1082 = arith.constant 0 : i32
    %dma_start3A_1083 = tpu.memref_slice %arg6[%add3A_1078, %dma_start3A_1082] : memref<15360x80xf32, #tpu.memory_space<vmem_shared>> -> memref<60x80xf32, #tpu.memory_space<vmem_shared>>
    %dma_start3A_1084 = arith.constant 0 : i32
    %dma_start3A_1085 = arith.constant 0 : i32
    %dma_start3A_1086 = tpu.memref_slice %arg10[%dma_start3A_1084, %dma_start3A_1085] : memref<128x80xf32, #tpu.memory_space<vmem>> -> memref<60x80xf32, #tpu.memory_space<vmem>>
    %dma_start3A_1087 = arith.constant 0 : i32
    %dma_start3A_1088 = tpu.memref_slice %arg6[%add3A_1078, %dma_start3A_1087] : memref<15360x80xf32, #tpu.memory_space<vmem_shared>> -> memref<60x80xf32, #tpu.memory_space<vmem_shared>>
    tpu.enqueue_dma source(%dma_start3A_1088 : memref<60x80xf32, #tpu.memory_space<vmem_shared>>) target(%dma_start3A_1086 : memref<60x80xf32, #tpu.memory_space<vmem>>) target_semaphore(%arg13 : memref<!tpu.dma_semaphore, #tpu.memory_space<semaphore_mem>>)
    %dma_wait3A_1089 = arith.constant 0 : i32
    %dma_wait3A_1090 = arith.constant 0 : i32
    %dma_wait3A_1091 = tpu.memref_slice %arg9[%dma_wait3A_1089, %dma_wait3A_1090] : memref<128x80xf32, #tpu.memory_space<vmem>> -> memref<60x80xf32, #tpu.memory_space<vmem>>
    %dma_wait3A_1092 = arith.constant 0 : i32
    %dma_wait3A_1093 = tpu.memref_slice %arg6[%add3A_1018, %dma_wait3A_1092] : memref<15360x80xf32, #tpu.memory_space<vmem_shared>> -> memref<60x80xf32, #tpu.memory_space<vmem_shared>>
    %dma_wait3A_1094 = arith.constant 0 : i32
    %dma_wait3A_1095 = arith.constant 0 : i32
    %dma_wait3A_1096 = tpu.memref_slice %arg9[%dma_wait3A_1094, %dma_wait3A_1095] : memref<128x80xf32, #tpu.memory_space<vmem>> -> memref<60x80xf32, #tpu.memory_space<vmem>>
    %dma_wait3A_1097 = arith.constant 0 : i32
    %dma_wait3A_1098 = tpu.memref_slice %arg6[%add3A_1018, %dma_wait3A_1097] : memref<15360x80xf32, #tpu.memory_space<vmem_shared>> -> memref<60x80xf32, #tpu.memory_space<vmem_shared>>
    tpu.wait_dma2 semaphore(%arg13 : memref<!tpu.dma_semaphore, #tpu.memory_space<semaphore_mem>>) src(%dma_wait3A_1098 : memref<60x80xf32, #tpu.memory_space<vmem_shared>>) dst(%dma_wait3A_1096 : memref<60x80xf32, #tpu.memory_space<vmem>>)
    %dma_wait3A_1099 = arith.constant 0 : i32
    %dma_wait3A_1100 = arith.constant 0 : i32
    %dma_wait3A_1101 = arith.constant 0 : i32
    %dma_wait3A_1102 = tpu.memref_slice %arg12[%dma_wait3A_1099, %dma_wait3A_1100, %dma_wait3A_1101] : memref<2x60x128xf32, #tpu.memory_space<vmem>> -> memref<1x60x128xf32, #tpu.memory_space<vmem>>
    %dma_wait3A_1103 = tpu.memref_squeeze %dma_wait3A_1102 : memref<1x60x128xf32, #tpu.memory_space<vmem>> -> memref<60x128xf32, #tpu.memory_space<vmem>>
    %dma_wait3A_1104 = arith.constant 0 : i32
    %dma_wait3A_1105 = tpu.memref_slice %arg5[%add3A_1001, %dma_wait3A_1104] : memref<30720x128xf32, #tpu.memory_space<hbm>> -> memref<60x128xf32, #tpu.memory_space<hbm>>
    %dma_wait3A_1106 = arith.constant 0 : i32
    %dma_wait3A_1107 = tpu.memref_slice %arg5[%add3A_1001, %dma_wait3A_1106] : memref<30720x128xf32, #tpu.memory_space<hbm>> -> memref<60x128xf32, #tpu.memory_space<hbm>>
    %dma_wait3A_1108 = arith.constant 0 : i32
    %dma_wait3A_1109 = arith.constant 0 : i32
    %dma_wait3A_1110 = tpu.memref_slice %arg12[%dma_wait3A_1099, %dma_wait3A_1108, %dma_wait3A_1109] : memref<2x60x128xf32, #tpu.memory_space<vmem>> -> memref<1x60x128xf32, #tpu.memory_space<vmem>>
    %dma_wait3A_1111 = tpu.memref_squeeze %dma_wait3A_1110 : memref<1x60x128xf32, #tpu.memory_space<vmem>> -> memref<60x128xf32, #tpu.memory_space<vmem>>
    tpu.wait_dma2 semaphore(%arg14 : memref<!tpu.dma_semaphore, #tpu.memory_space<semaphore_mem>>) src(%dma_wait3A_1111 : memref<60x128xf32, #tpu.memory_space<vmem>>) dst(%dma_wait3A_1107 : memref<60x128xf32, #tpu.memory_space<hbm>>)
    %scan3A_1112 = arith.constant 0 : i32
    %scan3A_1113 = arith.constant 0 : i32
    %scan3A_1114 = arith.constant 60 : i32
    %scan3A_1115 = arith.addi %scan3A_1113, %scan3A_1114 : i32
    %scan3A_1116 = arith.constant 1 : i32
    scf.for %scan3A_1447 = %scan3A_1113 to %scan3A_1115 step %scan3A_1116  : i32 {
      %get3A = arith.index_cast %scan3A_1447 : i32 to index
      %get3A_1448 = arith.constant 0 : index
      %get3A_1449 = tpu.vector_load %arg9[%get3A, %get3A_1448] {strides = array<i32>} : memref<128x80xf32, #tpu.memory_space<vmem>>, vector<1x16xf32>,
      %get3A_1450 = vector.shape_cast %get3A_1449 : vector<1x16xf32> to vector<16xf32>
      %swap3A = arith.constant 0 : i32
      %swap3A_1451 = arith.index_cast %swap3A : i32 to index
      %swap3A_1452 = arith.index_cast %scan3A_1447 : i32 to index
      %swap3A_1453 = arith.constant 0 : index
      %swap3A_1454 = tpu.vector_load %arg12[%swap3A_1451, %swap3A_1452, %swap3A_1453] {strides = array<i32>} : memref<2x60x128xf32, #tpu.memory_space<vmem>>, vector<1x1x16xf32>,
      %swap3A_1455 = vector.shape_cast %swap3A_1454 : vector<1x1x16xf32> to vector<16xf32>
      %swap3A_1456 = vector.shape_cast %get3A_1450 : vector<16xf32> to vector<1x1x16xf32>
      tpu.vector_store %arg12[%swap3A_1451, %swap3A_1452, %swap3A_1453], %swap3A_1456 {strides = array<i32>} : memref<2x60x128xf32, #tpu.memory_space<vmem>>, vector<1x1x16xf32>,
      %get3A_1457 = arith.index_cast %scan3A_1447 : i32 to index
      %get3A_1458 = arith.constant 16 : index
      %get3A_1459 = tpu.vector_load %arg9[%get3A_1457, %get3A_1458] {strides = array<i32>} : memref<128x80xf32, #tpu.memory_space<vmem>>, vector<1x16xf32>,
      %get3A_1460 = vector.shape_cast %get3A_1459 : vector<1x16xf32> to vector<16xf32>
      %swap3A_1461 = arith.constant 0 : i32
      %swap3A_1462 = arith.index_cast %swap3A_1461 : i32 to index
      %swap3A_1463 = arith.index_cast %scan3A_1447 : i32 to index
      %swap3A_1464 = arith.constant 16 : index
      %swap3A_1465 = tpu.vector_load %arg12[%swap3A_1462, %swap3A_1463, %swap3A_1464] {strides = array<i32>} : memref<2x60x128xf32, #tpu.memory_space<vmem>>, vector<1x1x16xf32>,
      %swap3A_1466 = vector.shape_cast %swap3A_1465 : vector<1x1x16xf32> to vector<16xf32>
      %swap3A_1467 = vector.shape_cast %get3A_1460 : vector<16xf32> to vector<1x1x16xf32>
      tpu.vector_store %arg12[%swap3A_1462, %swap3A_1463, %swap3A_1464], %swap3A_1467 {strides = array<i32>} : memref<2x60x128xf32, #tpu.memory_space<vmem>>, vector<1x1x16xf32>,
      %get3A_1468 = arith.index_cast %scan3A_1447 : i32 to index
      %get3A_1469 = arith.constant 32 : index
      %get3A_1470 = tpu.vector_load %arg9[%get3A_1468, %get3A_1469] {strides = array<i32>} : memref<128x80xf32, #tpu.memory_space<vmem>>, vector<1x16xf32>,
      %get3A_1471 = vector.shape_cast %get3A_1470 : vector<1x16xf32> to vector<16xf32>
      %swap3A_1472 = arith.constant 0 : i32
      %swap3A_1473 = arith.index_cast %swap3A_1472 : i32 to index
      %swap3A_1474 = arith.index_cast %scan3A_1447 : i32 to index
      %swap3A_1475 = arith.constant 32 : index
      %swap3A_1476 = tpu.vector_load %arg12[%swap3A_1473, %swap3A_1474, %swap3A_1475] {strides = array<i32>} : memref<2x60x128xf32, #tpu.memory_space<vmem>>, vector<1x1x16xf32>,
      %swap3A_1477 = vector.shape_cast %swap3A_1476 : vector<1x1x16xf32> to vector<16xf32>
      %swap3A_1478 = vector.shape_cast %get3A_1471 : vector<16xf32> to vector<1x1x16xf32>
      tpu.vector_store %arg12[%swap3A_1473, %swap3A_1474, %swap3A_1475], %swap3A_1478 {strides = array<i32>} : memref<2x60x128xf32, #tpu.memory_space<vmem>>, vector<1x1x16xf32>,
      %get3A_1479 = arith.index_cast %scan3A_1447 : i32 to index
      %get3A_1480 = arith.constant 48 : index
      %get3A_1481 = tpu.vector_load %arg9[%get3A_1479, %get3A_1480] {strides = array<i32>} : memref<128x80xf32, #tpu.memory_space<vmem>>, vector<1x16xf32>,
      %get3A_1482 = vector.shape_cast %get3A_1481 : vector<1x16xf32> to vector<16xf32>
      %swap3A_1483 = arith.constant 0 : i32
      %swap3A_1484 = arith.index_cast %swap3A_1483 : i32 to index
      %swap3A_1485 = arith.index_cast %scan3A_1447 : i32 to index
      %swap3A_1486 = arith.constant 48 : index
      %swap3A_1487 = tpu.vector_load %arg12[%swap3A_1484, %swap3A_1485, %swap3A_1486] {strides = array<i32>} : memref<2x60x128xf32, #tpu.memory_space<vmem>>, vector<1x1x16xf32>,
      %swap3A_1488 = vector.shape_cast %swap3A_1487 : vector<1x1x16xf32> to vector<16xf32>
      %swap3A_1489 = vector.shape_cast %get3A_1482 : vector<16xf32> to vector<1x1x16xf32>
      tpu.vector_store %arg12[%swap3A_1484, %swap3A_1485, %swap3A_1486], %swap3A_1489 {strides = array<i32>} : memref<2x60x128xf32, #tpu.memory_space<vmem>>, vector<1x1x16xf32>,
      %get3A_1490 = arith.index_cast %scan3A_1447 : i32 to index
      %get3A_1491 = arith.constant 64 : index
      %get3A_1492 = tpu.vector_load %arg9[%get3A_1490, %get3A_1491] {strides = array<i32>} : memref<128x80xf32, #tpu.memory_space<vmem>>, vector<1x16xf32>,
      %get3A_1493 = vector.shape_cast %get3A_1492 : vector<1x16xf32> to vector<16xf32>
      %swap3A_1494 = arith.constant 0 : i32
      %swap3A_1495 = arith.index_cast %swap3A_1494 : i32 to index
      %swap3A_1496 = arith.index_cast %scan3A_1447 : i32 to index
      %swap3A_1497 = arith.constant 64 : index
      %swap3A_1498 = tpu.vector_load %arg12[%swap3A_1495, %swap3A_1496, %swap3A_1497] {strides = array<i32>} : memref<2x60x128xf32, #tpu.memory_space<vmem>>, vector<1x1x16xf32>,
      %swap3A_1499 = vector.shape_cast %swap3A_1498 : vector<1x1x16xf32> to vector<16xf32>
      %swap3A_1500 = vector.shape_cast %get3A_1493 : vector<16xf32> to vector<1x1x16xf32>
      tpu.vector_store %arg12[%swap3A_1495, %swap3A_1496, %swap3A_1497], %swap3A_1500 {strides = array<i32>} : memref<2x60x128xf32, #tpu.memory_space<vmem>>, vector<1x1x16xf32>,
    }
    %scan3A_1117 = arith.constant 60 : i32
    %mul3A_1118 = arith.constant 960 : i32
    %mul3A_1119 = arith.muli %add3A, %mul3A_1118 : i32
    %add3A_1120 = arith.constant 600 : i32
    %add3A_1121 = arith.addi %mul3A_1119, %add3A_1120 : i32
    %dma_start3A_1122 = arith.constant 0 : i32
    %dma_start3A_1123 = arith.constant 0 : i32
    %dma_start3A_1124 = arith.constant 0 : i32
    %dma_start3A_1125 = tpu.memref_slice %arg12[%dma_start3A_1122, %dma_start3A_1123, %dma_start3A_1124] : memref<2x60x128xf32, #tpu.memory_space<vmem>> -> memref<1x60x128xf32, #tpu.memory_space<vmem>>
    %dma_start3A_1126 = tpu.memref_squeeze %dma_start3A_1125 : memref<1x60x128xf32, #tpu.memory_space<vmem>> -> memref<60x128xf32, #tpu.memory_space<vmem>>
    %dma_start3A_1127 = arith.constant 0 : i32
    %dma_start3A_1128 = tpu.memref_slice %arg5[%add3A_1121, %dma_start3A_1127] : memref<30720x128xf32, #tpu.memory_space<hbm>> -> memref<60x128xf32, #tpu.memory_space<hbm>>
    %dma_start3A_1129 = arith.constant 0 : i32
    %dma_start3A_1130 = tpu.memref_slice %arg5[%add3A_1121, %dma_start3A_1129] : memref<30720x128xf32, #tpu.memory_space<hbm>> -> memref<60x128xf32, #tpu.memory_space<hbm>>
    %dma_start3A_1131 = arith.constant 0 : i32
    %dma_start3A_1132 = arith.constant 0 : i32
    %dma_start3A_1133 = tpu.memref_slice %arg12[%dma_start3A_1122, %dma_start3A_1131, %dma_start3A_1132] : memref<2x60x128xf32, #tpu.memory_space<vmem>> -> memref<1x60x128xf32, #tpu.memory_space<vmem>>
    %dma_start3A_1134 = tpu.memref_squeeze %dma_start3A_1133 : memref<1x60x128xf32, #tpu.memory_space<vmem>> -> memref<60x128xf32, #tpu.memory_space<vmem>>
    tpu.enqueue_dma source(%dma_start3A_1134 : memref<60x128xf32, #tpu.memory_space<vmem>>) target(%dma_start3A_1130 : memref<60x128xf32, #tpu.memory_space<hbm>>) target_semaphore(%arg14 : memref<!tpu.dma_semaphore, #tpu.memory_space<semaphore_mem>>)
    %mul3A_1135 = arith.constant 960 : i32
    %mul3A_1136 = arith.muli %arg1, %mul3A_1135 : i32
    %add3A_1137 = arith.constant 720 : i32
    %add3A_1138 = arith.addi %mul3A_1136, %add3A_1137 : i32
    %dma_start3A_1139 = arith.constant 0 : i32
    %dma_start3A_1140 = arith.constant 0 : i32
    %dma_start3A_1141 = tpu.memref_slice %arg9[%dma_start3A_1139, %dma_start3A_1140] : memref<128x80xf32, #tpu.memory_space<vmem>> -> memref<60x80xf32, #tpu.memory_space<vmem>>
    %dma_start3A_1142 = arith.constant 0 : i32
    %dma_start3A_1143 = tpu.memref_slice %arg6[%add3A_1138, %dma_start3A_1142] : memref<15360x80xf32, #tpu.memory_space<vmem_shared>> -> memref<60x80xf32, #tpu.memory_space<vmem_shared>>
    %dma_start3A_1144 = arith.constant 0 : i32
    %dma_start3A_1145 = arith.constant 0 : i32
    %dma_start3A_1146 = tpu.memref_slice %arg9[%dma_start3A_1144, %dma_start3A_1145] : memref<128x80xf32, #tpu.memory_space<vmem>> -> memref<60x80xf32, #tpu.memory_space<vmem>>
    %dma_start3A_1147 = arith.constant 0 : i32
    %dma_start3A_1148 = tpu.memref_slice %arg6[%add3A_1138, %dma_start3A_1147] : memref<15360x80xf32, #tpu.memory_space<vmem_shared>> -> memref<60x80xf32, #tpu.memory_space<vmem_shared>>
    tpu.enqueue_dma source(%dma_start3A_1148 : memref<60x80xf32, #tpu.memory_space<vmem_shared>>) target(%dma_start3A_1146 : memref<60x80xf32, #tpu.memory_space<vmem>>) target_semaphore(%arg13 : memref<!tpu.dma_semaphore, #tpu.memory_space<semaphore_mem>>)
    %dma_wait3A_1149 = arith.constant 0 : i32
    %dma_wait3A_1150 = arith.constant 0 : i32
    %dma_wait3A_1151 = tpu.memref_slice %arg10[%dma_wait3A_1149, %dma_wait3A_1150] : memref<128x80xf32, #tpu.memory_space<vmem>> -> memref<60x80xf32, #tpu.memory_space<vmem>>
    %dma_wait3A_1152 = arith.constant 0 : i32
    %dma_wait3A_1153 = tpu.memref_slice %arg6[%add3A_1078, %dma_wait3A_1152] : memref<15360x80xf32, #tpu.memory_space<vmem_shared>> -> memref<60x80xf32, #tpu.memory_space<vmem_shared>>
    %dma_wait3A_1154 = arith.constant 0 : i32
    %dma_wait3A_1155 = arith.constant 0 : i32
    %dma_wait3A_1156 = tpu.memref_slice %arg10[%dma_wait3A_1154, %dma_wait3A_1155] : memref<128x80xf32, #tpu.memory_space<vmem>> -> memref<60x80xf32, #tpu.memory_space<vmem>>
    %dma_wait3A_1157 = arith.constant 0 : i32
    %dma_wait3A_1158 = tpu.memref_slice %arg6[%add3A_1078, %dma_wait3A_1157] : memref<15360x80xf32, #tpu.memory_space<vmem_shared>> -> memref<60x80xf32, #tpu.memory_space<vmem_shared>>
    tpu.wait_dma2 semaphore(%arg13 : memref<!tpu.dma_semaphore, #tpu.memory_space<semaphore_mem>>) src(%dma_wait3A_1158 : memref<60x80xf32, #tpu.memory_space<vmem_shared>>) dst(%dma_wait3A_1156 : memref<60x80xf32, #tpu.memory_space<vmem>>)
    %dma_wait3A_1159 = arith.constant 1 : i32
    %dma_wait3A_1160 = arith.constant 0 : i32
    %dma_wait3A_1161 = arith.constant 0 : i32
    %dma_wait3A_1162 = tpu.memref_slice %arg12[%dma_wait3A_1159, %dma_wait3A_1160, %dma_wait3A_1161] : memref<2x60x128xf32, #tpu.memory_space<vmem>> -> memref<1x60x128xf32, #tpu.memory_space<vmem>>
    %dma_wait3A_1163 = tpu.memref_squeeze %dma_wait3A_1162 : memref<1x60x128xf32, #tpu.memory_space<vmem>> -> memref<60x128xf32, #tpu.memory_space<vmem>>
    %dma_wait3A_1164 = arith.constant 0 : i32
    %dma_wait3A_1165 = tpu.memref_slice %arg5[%add3A_1061, %dma_wait3A_1164] : memref<30720x128xf32, #tpu.memory_space<hbm>> -> memref<60x128xf32, #tpu.memory_space<hbm>>
    %dma_wait3A_1166 = arith.constant 0 : i32
    %dma_wait3A_1167 = tpu.memref_slice %arg5[%add3A_1061, %dma_wait3A_1166] : memref<30720x128xf32, #tpu.memory_space<hbm>> -> memref<60x128xf32, #tpu.memory_space<hbm>>
    %dma_wait3A_1168 = arith.constant 0 : i32
    %dma_wait3A_1169 = arith.constant 0 : i32
    %dma_wait3A_1170 = tpu.memref_slice %arg12[%dma_wait3A_1159, %dma_wait3A_1168, %dma_wait3A_1169] : memref<2x60x128xf32, #tpu.memory_space<vmem>> -> memref<1x60x128xf32, #tpu.memory_space<vmem>>
    %dma_wait3A_1171 = tpu.memref_squeeze %dma_wait3A_1170 : memref<1x60x128xf32, #tpu.memory_space<vmem>> -> memref<60x128xf32, #tpu.memory_space<vmem>>
    tpu.wait_dma2 semaphore(%arg14 : memref<!tpu.dma_semaphore, #tpu.memory_space<semaphore_mem>>) src(%dma_wait3A_1171 : memref<60x128xf32, #tpu.memory_space<vmem>>) dst(%dma_wait3A_1167 : memref<60x128xf32, #tpu.memory_space<hbm>>)
    %scan3A_1172 = arith.constant 0 : i32
    %scan3A_1173 = arith.constant 0 : i32
    %scan3A_1174 = arith.constant 60 : i32
    %scan3A_1175 = arith.addi %scan3A_1173, %scan3A_1174 : i32
    %scan3A_1176 = arith.constant 1 : i32
    scf.for %scan3A_1447 = %scan3A_1173 to %scan3A_1175 step %scan3A_1176  : i32 {
      %get3A = arith.index_cast %scan3A_1447 : i32 to index
      %get3A_1448 = arith.constant 0 : index
      %get3A_1449 = tpu.vector_load %arg10[%get3A, %get3A_1448] {strides = array<i32>} : memref<128x80xf32, #tpu.memory_space<vmem>>, vector<1x16xf32>,
      %get3A_1450 = vector.shape_cast %get3A_1449 : vector<1x16xf32> to vector<16xf32>
      %swap3A = arith.constant 1 : i32
      %swap3A_1451 = arith.index_cast %swap3A : i32 to index
      %swap3A_1452 = arith.index_cast %scan3A_1447 : i32 to index
      %swap3A_1453 = arith.constant 0 : index
      %swap3A_1454 = tpu.vector_load %arg12[%swap3A_1451, %swap3A_1452, %swap3A_1453] {strides = array<i32>} : memref<2x60x128xf32, #tpu.memory_space<vmem>>, vector<1x1x16xf32>,
      %swap3A_1455 = vector.shape_cast %swap3A_1454 : vector<1x1x16xf32> to vector<16xf32>
      %swap3A_1456 = vector.shape_cast %get3A_1450 : vector<16xf32> to vector<1x1x16xf32>
      tpu.vector_store %arg12[%swap3A_1451, %swap3A_1452, %swap3A_1453], %swap3A_1456 {strides = array<i32>} : memref<2x60x128xf32, #tpu.memory_space<vmem>>, vector<1x1x16xf32>,
      %get3A_1457 = arith.index_cast %scan3A_1447 : i32 to index
      %get3A_1458 = arith.constant 16 : index
      %get3A_1459 = tpu.vector_load %arg10[%get3A_1457, %get3A_1458] {strides = array<i32>} : memref<128x80xf32, #tpu.memory_space<vmem>>, vector<1x16xf32>,
      %get3A_1460 = vector.shape_cast %get3A_1459 : vector<1x16xf32> to vector<16xf32>
      %swap3A_1461 = arith.constant 1 : i32
      %swap3A_1462 = arith.index_cast %swap3A_1461 : i32 to index
      %swap3A_1463 = arith.index_cast %scan3A_1447 : i32 to index
      %swap3A_1464 = arith.constant 16 : index
      %swap3A_1465 = tpu.vector_load %arg12[%swap3A_1462, %swap3A_1463, %swap3A_1464] {strides = array<i32>} : memref<2x60x128xf32, #tpu.memory_space<vmem>>, vector<1x1x16xf32>,
      %swap3A_1466 = vector.shape_cast %swap3A_1465 : vector<1x1x16xf32> to vector<16xf32>
      %swap3A_1467 = vector.shape_cast %get3A_1460 : vector<16xf32> to vector<1x1x16xf32>
      tpu.vector_store %arg12[%swap3A_1462, %swap3A_1463, %swap3A_1464], %swap3A_1467 {strides = array<i32>} : memref<2x60x128xf32, #tpu.memory_space<vmem>>, vector<1x1x16xf32>,
      %get3A_1468 = arith.index_cast %scan3A_1447 : i32 to index
      %get3A_1469 = arith.constant 32 : index
      %get3A_1470 = tpu.vector_load %arg10[%get3A_1468, %get3A_1469] {strides = array<i32>} : memref<128x80xf32, #tpu.memory_space<vmem>>, vector<1x16xf32>,
      %get3A_1471 = vector.shape_cast %get3A_1470 : vector<1x16xf32> to vector<16xf32>
      %swap3A_1472 = arith.constant 1 : i32
      %swap3A_1473 = arith.index_cast %swap3A_1472 : i32 to index
      %swap3A_1474 = arith.index_cast %scan3A_1447 : i32 to index
      %swap3A_1475 = arith.constant 32 : index
      %swap3A_1476 = tpu.vector_load %arg12[%swap3A_1473, %swap3A_1474, %swap3A_1475] {strides = array<i32>} : memref<2x60x128xf32, #tpu.memory_space<vmem>>, vector<1x1x16xf32>,
      %swap3A_1477 = vector.shape_cast %swap3A_1476 : vector<1x1x16xf32> to vector<16xf32>
      %swap3A_1478 = vector.shape_cast %get3A_1471 : vector<16xf32> to vector<1x1x16xf32>
      tpu.vector_store %arg12[%swap3A_1473, %swap3A_1474, %swap3A_1475], %swap3A_1478 {strides = array<i32>} : memref<2x60x128xf32, #tpu.memory_space<vmem>>, vector<1x1x16xf32>,
      %get3A_1479 = arith.index_cast %scan3A_1447 : i32 to index
      %get3A_1480 = arith.constant 48 : index
      %get3A_1481 = tpu.vector_load %arg10[%get3A_1479, %get3A_1480] {strides = array<i32>} : memref<128x80xf32, #tpu.memory_space<vmem>>, vector<1x16xf32>,
      %get3A_1482 = vector.shape_cast %get3A_1481 : vector<1x16xf32> to vector<16xf32>
      %swap3A_1483 = arith.constant 1 : i32
      %swap3A_1484 = arith.index_cast %swap3A_1483 : i32 to index
      %swap3A_1485 = arith.index_cast %scan3A_1447 : i32 to index
      %swap3A_1486 = arith.constant 48 : index
      %swap3A_1487 = tpu.vector_load %arg12[%swap3A_1484, %swap3A_1485, %swap3A_1486] {strides = array<i32>} : memref<2x60x128xf32, #tpu.memory_space<vmem>>, vector<1x1x16xf32>,
      %swap3A_1488 = vector.shape_cast %swap3A_1487 : vector<1x1x16xf32> to vector<16xf32>
      %swap3A_1489 = vector.shape_cast %get3A_1482 : vector<16xf32> to vector<1x1x16xf32>
      tpu.vector_store %arg12[%swap3A_1484, %swap3A_1485, %swap3A_1486], %swap3A_1489 {strides = array<i32>} : memref<2x60x128xf32, #tpu.memory_space<vmem>>, vector<1x1x16xf32>,
      %get3A_1490 = arith.index_cast %scan3A_1447 : i32 to index
      %get3A_1491 = arith.constant 64 : index
      %get3A_1492 = tpu.vector_load %arg10[%get3A_1490, %get3A_1491] {strides = array<i32>} : memref<128x80xf32, #tpu.memory_space<vmem>>, vector<1x16xf32>,
      %get3A_1493 = vector.shape_cast %get3A_1492 : vector<1x16xf32> to vector<16xf32>
      %swap3A_1494 = arith.constant 1 : i32
      %swap3A_1495 = arith.index_cast %swap3A_1494 : i32 to index
      %swap3A_1496 = arith.index_cast %scan3A_1447 : i32 to index
      %swap3A_1497 = arith.constant 64 : index
      %swap3A_1498 = tpu.vector_load %arg12[%swap3A_1495, %swap3A_1496, %swap3A_1497] {strides = array<i32>} : memref<2x60x128xf32, #tpu.memory_space<vmem>>, vector<1x1x16xf32>,
      %swap3A_1499 = vector.shape_cast %swap3A_1498 : vector<1x1x16xf32> to vector<16xf32>
      %swap3A_1500 = vector.shape_cast %get3A_1493 : vector<16xf32> to vector<1x1x16xf32>
      tpu.vector_store %arg12[%swap3A_1495, %swap3A_1496, %swap3A_1497], %swap3A_1500 {strides = array<i32>} : memref<2x60x128xf32, #tpu.memory_space<vmem>>, vector<1x1x16xf32>,
    }
    %scan3A_1177 = arith.constant 60 : i32
    %mul3A_1178 = arith.constant 960 : i32
    %mul3A_1179 = arith.muli %add3A, %mul3A_1178 : i32
    %add3A_1180 = arith.constant 660 : i32
    %add3A_1181 = arith.addi %mul3A_1179, %add3A_1180 : i32
    %dma_start3A_1182 = arith.constant 1 : i32
    %dma_start3A_1183 = arith.constant 0 : i32
    %dma_start3A_1184 = arith.constant 0 : i32
    %dma_start3A_1185 = tpu.memref_slice %arg12[%dma_start3A_1182, %dma_start3A_1183, %dma_start3A_1184] : memref<2x60x128xf32, #tpu.memory_space<vmem>> -> memref<1x60x128xf32, #tpu.memory_space<vmem>>
    %dma_start3A_1186 = tpu.memref_squeeze %dma_start3A_1185 : memref<1x60x128xf32, #tpu.memory_space<vmem>> -> memref<60x128xf32, #tpu.memory_space<vmem>>
    %dma_start3A_1187 = arith.constant 0 : i32
    %dma_start3A_1188 = tpu.memref_slice %arg5[%add3A_1181, %dma_start3A_1187] : memref<30720x128xf32, #tpu.memory_space<hbm>> -> memref<60x128xf32, #tpu.memory_space<hbm>>
    %dma_start3A_1189 = arith.constant 0 : i32
    %dma_start3A_1190 = tpu.memref_slice %arg5[%add3A_1181, %dma_start3A_1189] : memref<30720x128xf32, #tpu.memory_space<hbm>> -> memref<60x128xf32, #tpu.memory_space<hbm>>
    %dma_start3A_1191 = arith.constant 0 : i32
    %dma_start3A_1192 = arith.constant 0 : i32
    %dma_start3A_1193 = tpu.memref_slice %arg12[%dma_start3A_1182, %dma_start3A_1191, %dma_start3A_1192] : memref<2x60x128xf32, #tpu.memory_space<vmem>> -> memref<1x60x128xf32, #tpu.memory_space<vmem>>
    %dma_start3A_1194 = tpu.memref_squeeze %dma_start3A_1193 : memref<1x60x128xf32, #tpu.memory_space<vmem>> -> memref<60x128xf32, #tpu.memory_space<vmem>>
    tpu.enqueue_dma source(%dma_start3A_1194 : memref<60x128xf32, #tpu.memory_space<vmem>>) target(%dma_start3A_1190 : memref<60x128xf32, #tpu.memory_space<hbm>>) target_semaphore(%arg14 : memref<!tpu.dma_semaphore, #tpu.memory_space<semaphore_mem>>)
    %mul3A_1195 = arith.constant 960 : i32
    %mul3A_1196 = arith.muli %arg1, %mul3A_1195 : i32
    %add3A_1197 = arith.constant 780 : i32
    %add3A_1198 = arith.addi %mul3A_1196, %add3A_1197 : i32
    %dma_start3A_1199 = arith.constant 0 : i32
    %dma_start3A_1200 = arith.constant 0 : i32
    %dma_start3A_1201 = tpu.memref_slice %arg10[%dma_start3A_1199, %dma_start3A_1200] : memref<128x80xf32, #tpu.memory_space<vmem>> -> memref<60x80xf32, #tpu.memory_space<vmem>>
    %dma_start3A_1202 = arith.constant 0 : i32
    %dma_start3A_1203 = tpu.memref_slice %arg6[%add3A_1198, %dma_start3A_1202] : memref<15360x80xf32, #tpu.memory_space<vmem_shared>> -> memref<60x80xf32, #tpu.memory_space<vmem_shared>>
    %dma_start3A_1204 = arith.constant 0 : i32
    %dma_start3A_1205 = arith.constant 0 : i32
    %dma_start3A_1206 = tpu.memref_slice %arg10[%dma_start3A_1204, %dma_start3A_1205] : memref<128x80xf32, #tpu.memory_space<vmem>> -> memref<60x80xf32, #tpu.memory_space<vmem>>
    %dma_start3A_1207 = arith.constant 0 : i32
    %dma_start3A_1208 = tpu.memref_slice %arg6[%add3A_1198, %dma_start3A_1207] : memref<15360x80xf32, #tpu.memory_space<vmem_shared>> -> memref<60x80xf32, #tpu.memory_space<vmem_shared>>
    tpu.enqueue_dma source(%dma_start3A_1208 : memref<60x80xf32, #tpu.memory_space<vmem_shared>>) target(%dma_start3A_1206 : memref<60x80xf32, #tpu.memory_space<vmem>>) target_semaphore(%arg13 : memref<!tpu.dma_semaphore, #tpu.memory_space<semaphore_mem>>)
    %dma_wait3A_1209 = arith.constant 0 : i32
    %dma_wait3A_1210 = arith.constant 0 : i32
    %dma_wait3A_1211 = tpu.memref_slice %arg9[%dma_wait3A_1209, %dma_wait3A_1210] : memref<128x80xf32, #tpu.memory_space<vmem>> -> memref<60x80xf32, #tpu.memory_space<vmem>>
    %dma_wait3A_1212 = arith.constant 0 : i32
    %dma_wait3A_1213 = tpu.memref_slice %arg6[%add3A_1138, %dma_wait3A_1212] : memref<15360x80xf32, #tpu.memory_space<vmem_shared>> -> memref<60x80xf32, #tpu.memory_space<vmem_shared>>
    %dma_wait3A_1214 = arith.constant 0 : i32
    %dma_wait3A_1215 = arith.constant 0 : i32
    %dma_wait3A_1216 = tpu.memref_slice %arg9[%dma_wait3A_1214, %dma_wait3A_1215] : memref<128x80xf32, #tpu.memory_space<vmem>> -> memref<60x80xf32, #tpu.memory_space<vmem>>
    %dma_wait3A_1217 = arith.constant 0 : i32
    %dma_wait3A_1218 = tpu.memref_slice %arg6[%add3A_1138, %dma_wait3A_1217] : memref<15360x80xf32, #tpu.memory_space<vmem_shared>> -> memref<60x80xf32, #tpu.memory_space<vmem_shared>>
    tpu.wait_dma2 semaphore(%arg13 : memref<!tpu.dma_semaphore, #tpu.memory_space<semaphore_mem>>) src(%dma_wait3A_1218 : memref<60x80xf32, #tpu.memory_space<vmem_shared>>) dst(%dma_wait3A_1216 : memref<60x80xf32, #tpu.memory_space<vmem>>)
    %dma_wait3A_1219 = arith.constant 0 : i32
    %dma_wait3A_1220 = arith.constant 0 : i32
    %dma_wait3A_1221 = arith.constant 0 : i32
    %dma_wait3A_1222 = tpu.memref_slice %arg12[%dma_wait3A_1219, %dma_wait3A_1220, %dma_wait3A_1221] : memref<2x60x128xf32, #tpu.memory_space<vmem>> -> memref<1x60x128xf32, #tpu.memory_space<vmem>>
    %dma_wait3A_1223 = tpu.memref_squeeze %dma_wait3A_1222 : memref<1x60x128xf32, #tpu.memory_space<vmem>> -> memref<60x128xf32, #tpu.memory_space<vmem>>
    %dma_wait3A_1224 = arith.constant 0 : i32
    %dma_wait3A_1225 = tpu.memref_slice %arg5[%add3A_1121, %dma_wait3A_1224] : memref<30720x128xf32, #tpu.memory_space<hbm>> -> memref<60x128xf32, #tpu.memory_space<hbm>>
    %dma_wait3A_1226 = arith.constant 0 : i32
    %dma_wait3A_1227 = tpu.memref_slice %arg5[%add3A_1121, %dma_wait3A_1226] : memref<30720x128xf32, #tpu.memory_space<hbm>> -> memref<60x128xf32, #tpu.memory_space<hbm>>
    %dma_wait3A_1228 = arith.constant 0 : i32
    %dma_wait3A_1229 = arith.constant 0 : i32
    %dma_wait3A_1230 = tpu.memref_slice %arg12[%dma_wait3A_1219, %dma_wait3A_1228, %dma_wait3A_1229] : memref<2x60x128xf32, #tpu.memory_space<vmem>> -> memref<1x60x128xf32, #tpu.memory_space<vmem>>
    %dma_wait3A_1231 = tpu.memref_squeeze %dma_wait3A_1230 : memref<1x60x128xf32, #tpu.memory_space<vmem>> -> memref<60x128xf32, #tpu.memory_space<vmem>>
    tpu.wait_dma2 semaphore(%arg14 : memref<!tpu.dma_semaphore, #tpu.memory_space<semaphore_mem>>) src(%dma_wait3A_1231 : memref<60x128xf32, #tpu.memory_space<vmem>>) dst(%dma_wait3A_1227 : memref<60x128xf32, #tpu.memory_space<hbm>>)
    %scan3A_1232 = arith.constant 0 : i32
    %scan3A_1233 = arith.constant 0 : i32
    %scan3A_1234 = arith.constant 60 : i32
    %scan3A_1235 = arith.addi %scan3A_1233, %scan3A_1234 : i32
    %scan3A_1236 = arith.constant 1 : i32
    scf.for %scan3A_1447 = %scan3A_1233 to %scan3A_1235 step %scan3A_1236  : i32 {
      %get3A = arith.index_cast %scan3A_1447 : i32 to index
      %get3A_1448 = arith.constant 0 : index
      %get3A_1449 = tpu.vector_load %arg9[%get3A, %get3A_1448] {strides = array<i32>} : memref<128x80xf32, #tpu.memory_space<vmem>>, vector<1x16xf32>,
      %get3A_1450 = vector.shape_cast %get3A_1449 : vector<1x16xf32> to vector<16xf32>
      %swap3A = arith.constant 0 : i32
      %swap3A_1451 = arith.index_cast %swap3A : i32 to index
      %swap3A_1452 = arith.index_cast %scan3A_1447 : i32 to index
      %swap3A_1453 = arith.constant 0 : index
      %swap3A_1454 = tpu.vector_load %arg12[%swap3A_1451, %swap3A_1452, %swap3A_1453] {strides = array<i32>} : memref<2x60x128xf32, #tpu.memory_space<vmem>>, vector<1x1x16xf32>,
      %swap3A_1455 = vector.shape_cast %swap3A_1454 : vector<1x1x16xf32> to vector<16xf32>
      %swap3A_1456 = vector.shape_cast %get3A_1450 : vector<16xf32> to vector<1x1x16xf32>
      tpu.vector_store %arg12[%swap3A_1451, %swap3A_1452, %swap3A_1453], %swap3A_1456 {strides = array<i32>} : memref<2x60x128xf32, #tpu.memory_space<vmem>>, vector<1x1x16xf32>,
      %get3A_1457 = arith.index_cast %scan3A_1447 : i32 to index
      %get3A_1458 = arith.constant 16 : index
      %get3A_1459 = tpu.vector_load %arg9[%get3A_1457, %get3A_1458] {strides = array<i32>} : memref<128x80xf32, #tpu.memory_space<vmem>>, vector<1x16xf32>,
      %get3A_1460 = vector.shape_cast %get3A_1459 : vector<1x16xf32> to vector<16xf32>
      %swap3A_1461 = arith.constant 0 : i32
      %swap3A_1462 = arith.index_cast %swap3A_1461 : i32 to index
      %swap3A_1463 = arith.index_cast %scan3A_1447 : i32 to index
      %swap3A_1464 = arith.constant 16 : index
      %swap3A_1465 = tpu.vector_load %arg12[%swap3A_1462, %swap3A_1463, %swap3A_1464] {strides = array<i32>} : memref<2x60x128xf32, #tpu.memory_space<vmem>>, vector<1x1x16xf32>,
      %swap3A_1466 = vector.shape_cast %swap3A_1465 : vector<1x1x16xf32> to vector<16xf32>
      %swap3A_1467 = vector.shape_cast %get3A_1460 : vector<16xf32> to vector<1x1x16xf32>
      tpu.vector_store %arg12[%swap3A_1462, %swap3A_1463, %swap3A_1464], %swap3A_1467 {strides = array<i32>} : memref<2x60x128xf32, #tpu.memory_space<vmem>>, vector<1x1x16xf32>,
      %get3A_1468 = arith.index_cast %scan3A_1447 : i32 to index
      %get3A_1469 = arith.constant 32 : index
      %get3A_1470 = tpu.vector_load %arg9[%get3A_1468, %get3A_1469] {strides = array<i32>} : memref<128x80xf32, #tpu.memory_space<vmem>>, vector<1x16xf32>,
      %get3A_1471 = vector.shape_cast %get3A_1470 : vector<1x16xf32> to vector<16xf32>
      %swap3A_1472 = arith.constant 0 : i32
      %swap3A_1473 = arith.index_cast %swap3A_1472 : i32 to index
      %swap3A_1474 = arith.index_cast %scan3A_1447 : i32 to index
      %swap3A_1475 = arith.constant 32 : index
      %swap3A_1476 = tpu.vector_load %arg12[%swap3A_1473, %swap3A_1474, %swap3A_1475] {strides = array<i32>} : memref<2x60x128xf32, #tpu.memory_space<vmem>>, vector<1x1x16xf32>,
      %swap3A_1477 = vector.shape_cast %swap3A_1476 : vector<1x1x16xf32> to vector<16xf32>
      %swap3A_1478 = vector.shape_cast %get3A_1471 : vector<16xf32> to vector<1x1x16xf32>
      tpu.vector_store %arg12[%swap3A_1473, %swap3A_1474, %swap3A_1475], %swap3A_1478 {strides = array<i32>} : memref<2x60x128xf32, #tpu.memory_space<vmem>>, vector<1x1x16xf32>,
      %get3A_1479 = arith.index_cast %scan3A_1447 : i32 to index
      %get3A_1480 = arith.constant 48 : index
      %get3A_1481 = tpu.vector_load %arg9[%get3A_1479, %get3A_1480] {strides = array<i32>} : memref<128x80xf32, #tpu.memory_space<vmem>>, vector<1x16xf32>,
      %get3A_1482 = vector.shape_cast %get3A_1481 : vector<1x16xf32> to vector<16xf32>
      %swap3A_1483 = arith.constant 0 : i32
      %swap3A_1484 = arith.index_cast %swap3A_1483 : i32 to index
      %swap3A_1485 = arith.index_cast %scan3A_1447 : i32 to index
      %swap3A_1486 = arith.constant 48 : index
      %swap3A_1487 = tpu.vector_load %arg12[%swap3A_1484, %swap3A_1485, %swap3A_1486] {strides = array<i32>} : memref<2x60x128xf32, #tpu.memory_space<vmem>>, vector<1x1x16xf32>,
      %swap3A_1488 = vector.shape_cast %swap3A_1487 : vector<1x1x16xf32> to vector<16xf32>
      %swap3A_1489 = vector.shape_cast %get3A_1482 : vector<16xf32> to vector<1x1x16xf32>
      tpu.vector_store %arg12[%swap3A_1484, %swap3A_1485, %swap3A_1486], %swap3A_1489 {strides = array<i32>} : memref<2x60x128xf32, #tpu.memory_space<vmem>>, vector<1x1x16xf32>,
      %get3A_1490 = arith.index_cast %scan3A_1447 : i32 to index
      %get3A_1491 = arith.constant 64 : index
      %get3A_1492 = tpu.vector_load %arg9[%get3A_1490, %get3A_1491] {strides = array<i32>} : memref<128x80xf32, #tpu.memory_space<vmem>>, vector<1x16xf32>,
      %get3A_1493 = vector.shape_cast %get3A_1492 : vector<1x16xf32> to vector<16xf32>
      %swap3A_1494 = arith.constant 0 : i32
      %swap3A_1495 = arith.index_cast %swap3A_1494 : i32 to index
      %swap3A_1496 = arith.index_cast %scan3A_1447 : i32 to index
      %swap3A_1497 = arith.constant 64 : index
      %swap3A_1498 = tpu.vector_load %arg12[%swap3A_1495, %swap3A_1496, %swap3A_1497] {strides = array<i32>} : memref<2x60x128xf32, #tpu.memory_space<vmem>>, vector<1x1x16xf32>,
      %swap3A_1499 = vector.shape_cast %swap3A_1498 : vector<1x1x16xf32> to vector<16xf32>
      %swap3A_1500 = vector.shape_cast %get3A_1493 : vector<16xf32> to vector<1x1x16xf32>
      tpu.vector_store %arg12[%swap3A_1495, %swap3A_1496, %swap3A_1497], %swap3A_1500 {strides = array<i32>} : memref<2x60x128xf32, #tpu.memory_space<vmem>>, vector<1x1x16xf32>,
    }
    %scan3A_1237 = arith.constant 60 : i32
    %mul3A_1238 = arith.constant 960 : i32
    %mul3A_1239 = arith.muli %add3A, %mul3A_1238 : i32
    %add3A_1240 = arith.constant 720 : i32
    %add3A_1241 = arith.addi %mul3A_1239, %add3A_1240 : i32
    %dma_start3A_1242 = arith.constant 0 : i32
    %dma_start3A_1243 = arith.constant 0 : i32
    %dma_start3A_1244 = arith.constant 0 : i32
    %dma_start3A_1245 = tpu.memref_slice %arg12[%dma_start3A_1242, %dma_start3A_1243, %dma_start3A_1244] : memref<2x60x128xf32, #tpu.memory_space<vmem>> -> memref<1x60x128xf32, #tpu.memory_space<vmem>>
    %dma_start3A_1246 = tpu.memref_squeeze %dma_start3A_1245 : memref<1x60x128xf32, #tpu.memory_space<vmem>> -> memref<60x128xf32, #tpu.memory_space<vmem>>
    %dma_start3A_1247 = arith.constant 0 : i32
    %dma_start3A_1248 = tpu.memref_slice %arg5[%add3A_1241, %dma_start3A_1247] : memref<30720x128xf32, #tpu.memory_space<hbm>> -> memref<60x128xf32, #tpu.memory_space<hbm>>
    %dma_start3A_1249 = arith.constant 0 : i32
    %dma_start3A_1250 = tpu.memref_slice %arg5[%add3A_1241, %dma_start3A_1249] : memref<30720x128xf32, #tpu.memory_space<hbm>> -> memref<60x128xf32, #tpu.memory_space<hbm>>
    %dma_start3A_1251 = arith.constant 0 : i32
    %dma_start3A_1252 = arith.constant 0 : i32
    %dma_start3A_1253 = tpu.memref_slice %arg12[%dma_start3A_1242, %dma_start3A_1251, %dma_start3A_1252] : memref<2x60x128xf32, #tpu.memory_space<vmem>> -> memref<1x60x128xf32, #tpu.memory_space<vmem>>
    %dma_start3A_1254 = tpu.memref_squeeze %dma_start3A_1253 : memref<1x60x128xf32, #tpu.memory_space<vmem>> -> memref<60x128xf32, #tpu.memory_space<vmem>>
    tpu.enqueue_dma source(%dma_start3A_1254 : memref<60x128xf32, #tpu.memory_space<vmem>>) target(%dma_start3A_1250 : memref<60x128xf32, #tpu.memory_space<hbm>>) target_semaphore(%arg14 : memref<!tpu.dma_semaphore, #tpu.memory_space<semaphore_mem>>)
    %mul3A_1255 = arith.constant 960 : i32
    %mul3A_1256 = arith.muli %arg1, %mul3A_1255 : i32
    %add3A_1257 = arith.constant 840 : i32
    %add3A_1258 = arith.addi %mul3A_1256, %add3A_1257 : i32
    %dma_start3A_1259 = arith.constant 0 : i32
    %dma_start3A_1260 = arith.constant 0 : i32
    %dma_start3A_1261 = tpu.memref_slice %arg9[%dma_start3A_1259, %dma_start3A_1260] : memref<128x80xf32, #tpu.memory_space<vmem>> -> memref<60x80xf32, #tpu.memory_space<vmem>>
    %dma_start3A_1262 = arith.constant 0 : i32
    %dma_start3A_1263 = tpu.memref_slice %arg6[%add3A_1258, %dma_start3A_1262] : memref<15360x80xf32, #tpu.memory_space<vmem_shared>> -> memref<60x80xf32, #tpu.memory_space<vmem_shared>>
    %dma_start3A_1264 = arith.constant 0 : i32
    %dma_start3A_1265 = arith.constant 0 : i32
    %dma_start3A_1266 = tpu.memref_slice %arg9[%dma_start3A_1264, %dma_start3A_1265] : memref<128x80xf32, #tpu.memory_space<vmem>> -> memref<60x80xf32, #tpu.memory_space<vmem>>
    %dma_start3A_1267 = arith.constant 0 : i32
    %dma_start3A_1268 = tpu.memref_slice %arg6[%add3A_1258, %dma_start3A_1267] : memref<15360x80xf32, #tpu.memory_space<vmem_shared>> -> memref<60x80xf32, #tpu.memory_space<vmem_shared>>
    tpu.enqueue_dma source(%dma_start3A_1268 : memref<60x80xf32, #tpu.memory_space<vmem_shared>>) target(%dma_start3A_1266 : memref<60x80xf32, #tpu.memory_space<vmem>>) target_semaphore(%arg13 : memref<!tpu.dma_semaphore, #tpu.memory_space<semaphore_mem>>)
    %dma_wait3A_1269 = arith.constant 0 : i32
    %dma_wait3A_1270 = arith.constant 0 : i32
    %dma_wait3A_1271 = tpu.memref_slice %arg10[%dma_wait3A_1269, %dma_wait3A_1270] : memref<128x80xf32, #tpu.memory_space<vmem>> -> memref<60x80xf32, #tpu.memory_space<vmem>>
    %dma_wait3A_1272 = arith.constant 0 : i32
    %dma_wait3A_1273 = tpu.memref_slice %arg6[%add3A_1198, %dma_wait3A_1272] : memref<15360x80xf32, #tpu.memory_space<vmem_shared>> -> memref<60x80xf32, #tpu.memory_space<vmem_shared>>
    %dma_wait3A_1274 = arith.constant 0 : i32
    %dma_wait3A_1275 = arith.constant 0 : i32
    %dma_wait3A_1276 = tpu.memref_slice %arg10[%dma_wait3A_1274, %dma_wait3A_1275] : memref<128x80xf32, #tpu.memory_space<vmem>> -> memref<60x80xf32, #tpu.memory_space<vmem>>
    %dma_wait3A_1277 = arith.constant 0 : i32
    %dma_wait3A_1278 = tpu.memref_slice %arg6[%add3A_1198, %dma_wait3A_1277] : memref<15360x80xf32, #tpu.memory_space<vmem_shared>> -> memref<60x80xf32, #tpu.memory_space<vmem_shared>>
    tpu.wait_dma2 semaphore(%arg13 : memref<!tpu.dma_semaphore, #tpu.memory_space<semaphore_mem>>) src(%dma_wait3A_1278 : memref<60x80xf32, #tpu.memory_space<vmem_shared>>) dst(%dma_wait3A_1276 : memref<60x80xf32, #tpu.memory_space<vmem>>)
    %dma_wait3A_1279 = arith.constant 1 : i32
    %dma_wait3A_1280 = arith.constant 0 : i32
    %dma_wait3A_1281 = arith.constant 0 : i32
    %dma_wait3A_1282 = tpu.memref_slice %arg12[%dma_wait3A_1279, %dma_wait3A_1280, %dma_wait3A_1281] : memref<2x60x128xf32, #tpu.memory_space<vmem>> -> memref<1x60x128xf32, #tpu.memory_space<vmem>>
    %dma_wait3A_1283 = tpu.memref_squeeze %dma_wait3A_1282 : memref<1x60x128xf32, #tpu.memory_space<vmem>> -> memref<60x128xf32, #tpu.memory_space<vmem>>
    %dma_wait3A_1284 = arith.constant 0 : i32
    %dma_wait3A_1285 = tpu.memref_slice %arg5[%add3A_1181, %dma_wait3A_1284] : memref<30720x128xf32, #tpu.memory_space<hbm>> -> memref<60x128xf32, #tpu.memory_space<hbm>>
    %dma_wait3A_1286 = arith.constant 0 : i32
    %dma_wait3A_1287 = tpu.memref_slice %arg5[%add3A_1181, %dma_wait3A_1286] : memref<30720x128xf32, #tpu.memory_space<hbm>> -> memref<60x128xf32, #tpu.memory_space<hbm>>
    %dma_wait3A_1288 = arith.constant 0 : i32
    %dma_wait3A_1289 = arith.constant 0 : i32
    %dma_wait3A_1290 = tpu.memref_slice %arg12[%dma_wait3A_1279, %dma_wait3A_1288, %dma_wait3A_1289] : memref<2x60x128xf32, #tpu.memory_space<vmem>> -> memref<1x60x128xf32, #tpu.memory_space<vmem>>
    %dma_wait3A_1291 = tpu.memref_squeeze %dma_wait3A_1290 : memref<1x60x128xf32, #tpu.memory_space<vmem>> -> memref<60x128xf32, #tpu.memory_space<vmem>>
    tpu.wait_dma2 semaphore(%arg14 : memref<!tpu.dma_semaphore, #tpu.memory_space<semaphore_mem>>) src(%dma_wait3A_1291 : memref<60x128xf32, #tpu.memory_space<vmem>>) dst(%dma_wait3A_1287 : memref<60x128xf32, #tpu.memory_space<hbm>>)
    %scan3A_1292 = arith.constant 0 : i32
    %scan3A_1293 = arith.constant 0 : i32
    %scan3A_1294 = arith.constant 60 : i32
    %scan3A_1295 = arith.addi %scan3A_1293, %scan3A_1294 : i32
    %scan3A_1296 = arith.constant 1 : i32
    scf.for %scan3A_1447 = %scan3A_1293 to %scan3A_1295 step %scan3A_1296  : i32 {
      %get3A = arith.index_cast %scan3A_1447 : i32 to index
      %get3A_1448 = arith.constant 0 : index
      %get3A_1449 = tpu.vector_load %arg10[%get3A, %get3A_1448] {strides = array<i32>} : memref<128x80xf32, #tpu.memory_space<vmem>>, vector<1x16xf32>,
      %get3A_1450 = vector.shape_cast %get3A_1449 : vector<1x16xf32> to vector<16xf32>
      %swap3A = arith.constant 1 : i32
      %swap3A_1451 = arith.index_cast %swap3A : i32 to index
      %swap3A_1452 = arith.index_cast %scan3A_1447 : i32 to index
      %swap3A_1453 = arith.constant 0 : index
      %swap3A_1454 = tpu.vector_load %arg12[%swap3A_1451, %swap3A_1452, %swap3A_1453] {strides = array<i32>} : memref<2x60x128xf32, #tpu.memory_space<vmem>>, vector<1x1x16xf32>,
      %swap3A_1455 = vector.shape_cast %swap3A_1454 : vector<1x1x16xf32> to vector<16xf32>
      %swap3A_1456 = vector.shape_cast %get3A_1450 : vector<16xf32> to vector<1x1x16xf32>
      tpu.vector_store %arg12[%swap3A_1451, %swap3A_1452, %swap3A_1453], %swap3A_1456 {strides = array<i32>} : memref<2x60x128xf32, #tpu.memory_space<vmem>>, vector<1x1x16xf32>,
      %get3A_1457 = arith.index_cast %scan3A_1447 : i32 to index
      %get3A_1458 = arith.constant 16 : index
      %get3A_1459 = tpu.vector_load %arg10[%get3A_1457, %get3A_1458] {strides = array<i32>} : memref<128x80xf32, #tpu.memory_space<vmem>>, vector<1x16xf32>,
      %get3A_1460 = vector.shape_cast %get3A_1459 : vector<1x16xf32> to vector<16xf32>
      %swap3A_1461 = arith.constant 1 : i32
      %swap3A_1462 = arith.index_cast %swap3A_1461 : i32 to index
      %swap3A_1463 = arith.index_cast %scan3A_1447 : i32 to index
      %swap3A_1464 = arith.constant 16 : index
      %swap3A_1465 = tpu.vector_load %arg12[%swap3A_1462, %swap3A_1463, %swap3A_1464] {strides = array<i32>} : memref<2x60x128xf32, #tpu.memory_space<vmem>>, vector<1x1x16xf32>,
      %swap3A_1466 = vector.shape_cast %swap3A_1465 : vector<1x1x16xf32> to vector<16xf32>
      %swap3A_1467 = vector.shape_cast %get3A_1460 : vector<16xf32> to vector<1x1x16xf32>
      tpu.vector_store %arg12[%swap3A_1462, %swap3A_1463, %swap3A_1464], %swap3A_1467 {strides = array<i32>} : memref<2x60x128xf32, #tpu.memory_space<vmem>>, vector<1x1x16xf32>,
      %get3A_1468 = arith.index_cast %scan3A_1447 : i32 to index
      %get3A_1469 = arith.constant 32 : index
      %get3A_1470 = tpu.vector_load %arg10[%get3A_1468, %get3A_1469] {strides = array<i32>} : memref<128x80xf32, #tpu.memory_space<vmem>>, vector<1x16xf32>,
      %get3A_1471 = vector.shape_cast %get3A_1470 : vector<1x16xf32> to vector<16xf32>
      %swap3A_1472 = arith.constant 1 : i32
      %swap3A_1473 = arith.index_cast %swap3A_1472 : i32 to index
      %swap3A_1474 = arith.index_cast %scan3A_1447 : i32 to index
      %swap3A_1475 = arith.constant 32 : index
      %swap3A_1476 = tpu.vector_load %arg12[%swap3A_1473, %swap3A_1474, %swap3A_1475] {strides = array<i32>} : memref<2x60x128xf32, #tpu.memory_space<vmem>>, vector<1x1x16xf32>,
      %swap3A_1477 = vector.shape_cast %swap3A_1476 : vector<1x1x16xf32> to vector<16xf32>
      %swap3A_1478 = vector.shape_cast %get3A_1471 : vector<16xf32> to vector<1x1x16xf32>
      tpu.vector_store %arg12[%swap3A_1473, %swap3A_1474, %swap3A_1475], %swap3A_1478 {strides = array<i32>} : memref<2x60x128xf32, #tpu.memory_space<vmem>>, vector<1x1x16xf32>,
      %get3A_1479 = arith.index_cast %scan3A_1447 : i32 to index
      %get3A_1480 = arith.constant 48 : index
      %get3A_1481 = tpu.vector_load %arg10[%get3A_1479, %get3A_1480] {strides = array<i32>} : memref<128x80xf32, #tpu.memory_space<vmem>>, vector<1x16xf32>,
      %get3A_1482 = vector.shape_cast %get3A_1481 : vector<1x16xf32> to vector<16xf32>
      %swap3A_1483 = arith.constant 1 : i32
      %swap3A_1484 = arith.index_cast %swap3A_1483 : i32 to index
      %swap3A_1485 = arith.index_cast %scan3A_1447 : i32 to index
      %swap3A_1486 = arith.constant 48 : index
      %swap3A_1487 = tpu.vector_load %arg12[%swap3A_1484, %swap3A_1485, %swap3A_1486] {strides = array<i32>} : memref<2x60x128xf32, #tpu.memory_space<vmem>>, vector<1x1x16xf32>,
      %swap3A_1488 = vector.shape_cast %swap3A_1487 : vector<1x1x16xf32> to vector<16xf32>
      %swap3A_1489 = vector.shape_cast %get3A_1482 : vector<16xf32> to vector<1x1x16xf32>
      tpu.vector_store %arg12[%swap3A_1484, %swap3A_1485, %swap3A_1486], %swap3A_1489 {strides = array<i32>} : memref<2x60x128xf32, #tpu.memory_space<vmem>>, vector<1x1x16xf32>,
      %get3A_1490 = arith.index_cast %scan3A_1447 : i32 to index
      %get3A_1491 = arith.constant 64 : index
      %get3A_1492 = tpu.vector_load %arg10[%get3A_1490, %get3A_1491] {strides = array<i32>} : memref<128x80xf32, #tpu.memory_space<vmem>>, vector<1x16xf32>,
      %get3A_1493 = vector.shape_cast %get3A_1492 : vector<1x16xf32> to vector<16xf32>
      %swap3A_1494 = arith.constant 1 : i32
      %swap3A_1495 = arith.index_cast %swap3A_1494 : i32 to index
      %swap3A_1496 = arith.index_cast %scan3A_1447 : i32 to index
      %swap3A_1497 = arith.constant 64 : index
      %swap3A_1498 = tpu.vector_load %arg12[%swap3A_1495, %swap3A_1496, %swap3A_1497] {strides = array<i32>} : memref<2x60x128xf32, #tpu.memory_space<vmem>>, vector<1x1x16xf32>,
      %swap3A_1499 = vector.shape_cast %swap3A_1498 : vector<1x1x16xf32> to vector<16xf32>
      %swap3A_1500 = vector.shape_cast %get3A_1493 : vector<16xf32> to vector<1x1x16xf32>
      tpu.vector_store %arg12[%swap3A_1495, %swap3A_1496, %swap3A_1497], %swap3A_1500 {strides = array<i32>} : memref<2x60x128xf32, #tpu.memory_space<vmem>>, vector<1x1x16xf32>,
    }
    %scan3A_1297 = arith.constant 60 : i32
    %mul3A_1298 = arith.constant 960 : i32
    %mul3A_1299 = arith.muli %add3A, %mul3A_1298 : i32
    %add3A_1300 = arith.constant 780 : i32
    %add3A_1301 = arith.addi %mul3A_1299, %add3A_1300 : i32
    %dma_start3A_1302 = arith.constant 1 : i32
    %dma_start3A_1303 = arith.constant 0 : i32
    %dma_start3A_1304 = arith.constant 0 : i32
    %dma_start3A_1305 = tpu.memref_slice %arg12[%dma_start3A_1302, %dma_start3A_1303, %dma_start3A_1304] : memref<2x60x128xf32, #tpu.memory_space<vmem>> -> memref<1x60x128xf32, #tpu.memory_space<vmem>>
    %dma_start3A_1306 = tpu.memref_squeeze %dma_start3A_1305 : memref<1x60x128xf32, #tpu.memory_space<vmem>> -> memref<60x128xf32, #tpu.memory_space<vmem>>
    %dma_start3A_1307 = arith.constant 0 : i32
    %dma_start3A_1308 = tpu.memref_slice %arg5[%add3A_1301, %dma_start3A_1307] : memref<30720x128xf32, #tpu.memory_space<hbm>> -> memref<60x128xf32, #tpu.memory_space<hbm>>
    %dma_start3A_1309 = arith.constant 0 : i32
    %dma_start3A_1310 = tpu.memref_slice %arg5[%add3A_1301, %dma_start3A_1309] : memref<30720x128xf32, #tpu.memory_space<hbm>> -> memref<60x128xf32, #tpu.memory_space<hbm>>
    %dma_start3A_1311 = arith.constant 0 : i32
    %dma_start3A_1312 = arith.constant 0 : i32
    %dma_start3A_1313 = tpu.memref_slice %arg12[%dma_start3A_1302, %dma_start3A_1311, %dma_start3A_1312] : memref<2x60x128xf32, #tpu.memory_space<vmem>> -> memref<1x60x128xf32, #tpu.memory_space<vmem>>
    %dma_start3A_1314 = tpu.memref_squeeze %dma_start3A_1313 : memref<1x60x128xf32, #tpu.memory_space<vmem>> -> memref<60x128xf32, #tpu.memory_space<vmem>>
    tpu.enqueue_dma source(%dma_start3A_1314 : memref<60x128xf32, #tpu.memory_space<vmem>>) target(%dma_start3A_1310 : memref<60x128xf32, #tpu.memory_space<hbm>>) target_semaphore(%arg14 : memref<!tpu.dma_semaphore, #tpu.memory_space<semaphore_mem>>)
    %mul3A_1315 = arith.constant 960 : i32
    %mul3A_1316 = arith.muli %arg1, %mul3A_1315 : i32
    %add3A_1317 = arith.constant 900 : i32
    %add3A_1318 = arith.addi %mul3A_1316, %add3A_1317 : i32
    %dma_start3A_1319 = arith.constant 0 : i32
    %dma_start3A_1320 = arith.constant 0 : i32
    %dma_start3A_1321 = tpu.memref_slice %arg10[%dma_start3A_1319, %dma_start3A_1320] : memref<128x80xf32, #tpu.memory_space<vmem>> -> memref<60x80xf32, #tpu.memory_space<vmem>>
    %dma_start3A_1322 = arith.constant 0 : i32
    %dma_start3A_1323 = tpu.memref_slice %arg6[%add3A_1318, %dma_start3A_1322] : memref<15360x80xf32, #tpu.memory_space<vmem_shared>> -> memref<60x80xf32, #tpu.memory_space<vmem_shared>>
    %dma_start3A_1324 = arith.constant 0 : i32
    %dma_start3A_1325 = arith.constant 0 : i32
    %dma_start3A_1326 = tpu.memref_slice %arg10[%dma_start3A_1324, %dma_start3A_1325] : memref<128x80xf32, #tpu.memory_space<vmem>> -> memref<60x80xf32, #tpu.memory_space<vmem>>
    %dma_start3A_1327 = arith.constant 0 : i32
    %dma_start3A_1328 = tpu.memref_slice %arg6[%add3A_1318, %dma_start3A_1327] : memref<15360x80xf32, #tpu.memory_space<vmem_shared>> -> memref<60x80xf32, #tpu.memory_space<vmem_shared>>
    tpu.enqueue_dma source(%dma_start3A_1328 : memref<60x80xf32, #tpu.memory_space<vmem_shared>>) target(%dma_start3A_1326 : memref<60x80xf32, #tpu.memory_space<vmem>>) target_semaphore(%arg13 : memref<!tpu.dma_semaphore, #tpu.memory_space<semaphore_mem>>)
    %dma_wait3A_1329 = arith.constant 0 : i32
    %dma_wait3A_1330 = arith.constant 0 : i32
    %dma_wait3A_1331 = tpu.memref_slice %arg9[%dma_wait3A_1329, %dma_wait3A_1330] : memref<128x80xf32, #tpu.memory_space<vmem>> -> memref<60x80xf32, #tpu.memory_space<vmem>>
    %dma_wait3A_1332 = arith.constant 0 : i32
    %dma_wait3A_1333 = tpu.memref_slice %arg6[%add3A_1258, %dma_wait3A_1332] : memref<15360x80xf32, #tpu.memory_space<vmem_shared>> -> memref<60x80xf32, #tpu.memory_space<vmem_shared>>
    %dma_wait3A_1334 = arith.constant 0 : i32
    %dma_wait3A_1335 = arith.constant 0 : i32
    %dma_wait3A_1336 = tpu.memref_slice %arg9[%dma_wait3A_1334, %dma_wait3A_1335] : memref<128x80xf32, #tpu.memory_space<vmem>> -> memref<60x80xf32, #tpu.memory_space<vmem>>
    %dma_wait3A_1337 = arith.constant 0 : i32
    %dma_wait3A_1338 = tpu.memref_slice %arg6[%add3A_1258, %dma_wait3A_1337] : memref<15360x80xf32, #tpu.memory_space<vmem_shared>> -> memref<60x80xf32, #tpu.memory_space<vmem_shared>>
    tpu.wait_dma2 semaphore(%arg13 : memref<!tpu.dma_semaphore, #tpu.memory_space<semaphore_mem>>) src(%dma_wait3A_1338 : memref<60x80xf32, #tpu.memory_space<vmem_shared>>) dst(%dma_wait3A_1336 : memref<60x80xf32, #tpu.memory_space<vmem>>)
    %dma_wait3A_1339 = arith.constant 0 : i32
    %dma_wait3A_1340 = arith.constant 0 : i32
    %dma_wait3A_1341 = arith.constant 0 : i32
    %dma_wait3A_1342 = tpu.memref_slice %arg12[%dma_wait3A_1339, %dma_wait3A_1340, %dma_wait3A_1341] : memref<2x60x128xf32, #tpu.memory_space<vmem>> -> memref<1x60x128xf32, #tpu.memory_space<vmem>>
    %dma_wait3A_1343 = tpu.memref_squeeze %dma_wait3A_1342 : memref<1x60x128xf32, #tpu.memory_space<vmem>> -> memref<60x128xf32, #tpu.memory_space<vmem>>
    %dma_wait3A_1344 = arith.constant 0 : i32
    %dma_wait3A_1345 = tpu.memref_slice %arg5[%add3A_1241, %dma_wait3A_1344] : memref<30720x128xf32, #tpu.memory_space<hbm>> -> memref<60x128xf32, #tpu.memory_space<hbm>>
    %dma_wait3A_1346 = arith.constant 0 : i32
    %dma_wait3A_1347 = tpu.memref_slice %arg5[%add3A_1241, %dma_wait3A_1346] : memref<30720x128xf32, #tpu.memory_space<hbm>> -> memref<60x128xf32, #tpu.memory_space<hbm>>
    %dma_wait3A_1348 = arith.constant 0 : i32
    %dma_wait3A_1349 = arith.constant 0 : i32
    %dma_wait3A_1350 = tpu.memref_slice %arg12[%dma_wait3A_1339, %dma_wait3A_1348, %dma_wait3A_1349] : memref<2x60x128xf32, #tpu.memory_space<vmem>> -> memref<1x60x128xf32, #tpu.memory_space<vmem>>
    %dma_wait3A_1351 = tpu.memref_squeeze %dma_wait3A_1350 : memref<1x60x128xf32, #tpu.memory_space<vmem>> -> memref<60x128xf32, #tpu.memory_space<vmem>>
    tpu.wait_dma2 semaphore(%arg14 : memref<!tpu.dma_semaphore, #tpu.memory_space<semaphore_mem>>) src(%dma_wait3A_1351 : memref<60x128xf32, #tpu.memory_space<vmem>>) dst(%dma_wait3A_1347 : memref<60x128xf32, #tpu.memory_space<hbm>>)
    %scan3A_1352 = arith.constant 0 : i32
    %scan3A_1353 = arith.constant 0 : i32
    %scan3A_1354 = arith.constant 60 : i32
    %scan3A_1355 = arith.addi %scan3A_1353, %scan3A_1354 : i32
    %scan3A_1356 = arith.constant 1 : i32
    scf.for %scan3A_1447 = %scan3A_1353 to %scan3A_1355 step %scan3A_1356  : i32 {
      %get3A = arith.index_cast %scan3A_1447 : i32 to index
      %get3A_1448 = arith.constant 0 : index
      %get3A_1449 = tpu.vector_load %arg9[%get3A, %get3A_1448] {strides = array<i32>} : memref<128x80xf32, #tpu.memory_space<vmem>>, vector<1x16xf32>,
      %get3A_1450 = vector.shape_cast %get3A_1449 : vector<1x16xf32> to vector<16xf32>
      %swap3A = arith.constant 0 : i32
      %swap3A_1451 = arith.index_cast %swap3A : i32 to index
      %swap3A_1452 = arith.index_cast %scan3A_1447 : i32 to index
      %swap3A_1453 = arith.constant 0 : index
      %swap3A_1454 = tpu.vector_load %arg12[%swap3A_1451, %swap3A_1452, %swap3A_1453] {strides = array<i32>} : memref<2x60x128xf32, #tpu.memory_space<vmem>>, vector<1x1x16xf32>,
      %swap3A_1455 = vector.shape_cast %swap3A_1454 : vector<1x1x16xf32> to vector<16xf32>
      %swap3A_1456 = vector.shape_cast %get3A_1450 : vector<16xf32> to vector<1x1x16xf32>
      tpu.vector_store %arg12[%swap3A_1451, %swap3A_1452, %swap3A_1453], %swap3A_1456 {strides = array<i32>} : memref<2x60x128xf32, #tpu.memory_space<vmem>>, vector<1x1x16xf32>,
      %get3A_1457 = arith.index_cast %scan3A_1447 : i32 to index
      %get3A_1458 = arith.constant 16 : index
      %get3A_1459 = tpu.vector_load %arg9[%get3A_1457, %get3A_1458] {strides = array<i32>} : memref<128x80xf32, #tpu.memory_space<vmem>>, vector<1x16xf32>,
      %get3A_1460 = vector.shape_cast %get3A_1459 : vector<1x16xf32> to vector<16xf32>
      %swap3A_1461 = arith.constant 0 : i32
      %swap3A_1462 = arith.index_cast %swap3A_1461 : i32 to index
      %swap3A_1463 = arith.index_cast %scan3A_1447 : i32 to index
      %swap3A_1464 = arith.constant 16 : index
      %swap3A_1465 = tpu.vector_load %arg12[%swap3A_1462, %swap3A_1463, %swap3A_1464] {strides = array<i32>} : memref<2x60x128xf32, #tpu.memory_space<vmem>>, vector<1x1x16xf32>,
      %swap3A_1466 = vector.shape_cast %swap3A_1465 : vector<1x1x16xf32> to vector<16xf32>
      %swap3A_1467 = vector.shape_cast %get3A_1460 : vector<16xf32> to vector<1x1x16xf32>
      tpu.vector_store %arg12[%swap3A_1462, %swap3A_1463, %swap3A_1464], %swap3A_1467 {strides = array<i32>} : memref<2x60x128xf32, #tpu.memory_space<vmem>>, vector<1x1x16xf32>,
      %get3A_1468 = arith.index_cast %scan3A_1447 : i32 to index
      %get3A_1469 = arith.constant 32 : index
      %get3A_1470 = tpu.vector_load %arg9[%get3A_1468, %get3A_1469] {strides = array<i32>} : memref<128x80xf32, #tpu.memory_space<vmem>>, vector<1x16xf32>,
      %get3A_1471 = vector.shape_cast %get3A_1470 : vector<1x16xf32> to vector<16xf32>
      %swap3A_1472 = arith.constant 0 : i32
      %swap3A_1473 = arith.index_cast %swap3A_1472 : i32 to index
      %swap3A_1474 = arith.index_cast %scan3A_1447 : i32 to index
      %swap3A_1475 = arith.constant 32 : index
      %swap3A_1476 = tpu.vector_load %arg12[%swap3A_1473, %swap3A_1474, %swap3A_1475] {strides = array<i32>} : memref<2x60x128xf32, #tpu.memory_space<vmem>>, vector<1x1x16xf32>,
      %swap3A_1477 = vector.shape_cast %swap3A_1476 : vector<1x1x16xf32> to vector<16xf32>
      %swap3A_1478 = vector.shape_cast %get3A_1471 : vector<16xf32> to vector<1x1x16xf32>
      tpu.vector_store %arg12[%swap3A_1473, %swap3A_1474, %swap3A_1475], %swap3A_1478 {strides = array<i32>} : memref<2x60x128xf32, #tpu.memory_space<vmem>>, vector<1x1x16xf32>,
      %get3A_1479 = arith.index_cast %scan3A_1447 : i32 to index
      %get3A_1480 = arith.constant 48 : index
      %get3A_1481 = tpu.vector_load %arg9[%get3A_1479, %get3A_1480] {strides = array<i32>} : memref<128x80xf32, #tpu.memory_space<vmem>>, vector<1x16xf32>,
      %get3A_1482 = vector.shape_cast %get3A_1481 : vector<1x16xf32> to vector<16xf32>
      %swap3A_1483 = arith.constant 0 : i32
      %swap3A_1484 = arith.index_cast %swap3A_1483 : i32 to index
      %swap3A_1485 = arith.index_cast %scan3A_1447 : i32 to index
      %swap3A_1486 = arith.constant 48 : index
      %swap3A_1487 = tpu.vector_load %arg12[%swap3A_1484, %swap3A_1485, %swap3A_1486] {strides = array<i32>} : memref<2x60x128xf32, #tpu.memory_space<vmem>>, vector<1x1x16xf32>,
      %swap3A_1488 = vector.shape_cast %swap3A_1487 : vector<1x1x16xf32> to vector<16xf32>
      %swap3A_1489 = vector.shape_cast %get3A_1482 : vector<16xf32> to vector<1x1x16xf32>
      tpu.vector_store %arg12[%swap3A_1484, %swap3A_1485, %swap3A_1486], %swap3A_1489 {strides = array<i32>} : memref<2x60x128xf32, #tpu.memory_space<vmem>>, vector<1x1x16xf32>,
      %get3A_1490 = arith.index_cast %scan3A_1447 : i32 to index
      %get3A_1491 = arith.constant 64 : index
      %get3A_1492 = tpu.vector_load %arg9[%get3A_1490, %get3A_1491] {strides = array<i32>} : memref<128x80xf32, #tpu.memory_space<vmem>>, vector<1x16xf32>,
      %get3A_1493 = vector.shape_cast %get3A_1492 : vector<1x16xf32> to vector<16xf32>
      %swap3A_1494 = arith.constant 0 : i32
      %swap3A_1495 = arith.index_cast %swap3A_1494 : i32 to index
      %swap3A_1496 = arith.index_cast %scan3A_1447 : i32 to index
      %swap3A_1497 = arith.constant 64 : index
      %swap3A_1498 = tpu.vector_load %arg12[%swap3A_1495, %swap3A_1496, %swap3A_1497] {strides = array<i32>} : memref<2x60x128xf32, #tpu.memory_space<vmem>>, vector<1x1x16xf32>,
      %swap3A_1499 = vector.shape_cast %swap3A_1498 : vector<1x1x16xf32> to vector<16xf32>
      %swap3A_1500 = vector.shape_cast %get3A_1493 : vector<16xf32> to vector<1x1x16xf32>
      tpu.vector_store %arg12[%swap3A_1495, %swap3A_1496, %swap3A_1497], %swap3A_1500 {strides = array<i32>} : memref<2x60x128xf32, #tpu.memory_space<vmem>>, vector<1x1x16xf32>,
    }
    %scan3A_1357 = arith.constant 60 : i32
    %mul3A_1358 = arith.constant 960 : i32
    %mul3A_1359 = arith.muli %add3A, %mul3A_1358 : i32
    %add3A_1360 = arith.constant 840 : i32
    %add3A_1361 = arith.addi %mul3A_1359, %add3A_1360 : i32
    %dma_start3A_1362 = arith.constant 0 : i32
    %dma_start3A_1363 = arith.constant 0 : i32
    %dma_start3A_1364 = arith.constant 0 : i32
    %dma_start3A_1365 = tpu.memref_slice %arg12[%dma_start3A_1362, %dma_start3A_1363, %dma_start3A_1364] : memref<2x60x128xf32, #tpu.memory_space<vmem>> -> memref<1x60x128xf32, #tpu.memory_space<vmem>>
    %dma_start3A_1366 = tpu.memref_squeeze %dma_start3A_1365 : memref<1x60x128xf32, #tpu.memory_space<vmem>> -> memref<60x128xf32, #tpu.memory_space<vmem>>
    %dma_start3A_1367 = arith.constant 0 : i32
    %dma_start3A_1368 = tpu.memref_slice %arg5[%add3A_1361, %dma_start3A_1367] : memref<30720x128xf32, #tpu.memory_space<hbm>> -> memref<60x128xf32, #tpu.memory_space<hbm>>
    %dma_start3A_1369 = arith.constant 0 : i32
    %dma_start3A_1370 = tpu.memref_slice %arg5[%add3A_1361, %dma_start3A_1369] : memref<30720x128xf32, #tpu.memory_space<hbm>> -> memref<60x128xf32, #tpu.memory_space<hbm>>
    %dma_start3A_1371 = arith.constant 0 : i32
    %dma_start3A_1372 = arith.constant 0 : i32
    %dma_start3A_1373 = tpu.memref_slice %arg12[%dma_start3A_1362, %dma_start3A_1371, %dma_start3A_1372] : memref<2x60x128xf32, #tpu.memory_space<vmem>> -> memref<1x60x128xf32, #tpu.memory_space<vmem>>
    %dma_start3A_1374 = tpu.memref_squeeze %dma_start3A_1373 : memref<1x60x128xf32, #tpu.memory_space<vmem>> -> memref<60x128xf32, #tpu.memory_space<vmem>>
    tpu.enqueue_dma source(%dma_start3A_1374 : memref<60x128xf32, #tpu.memory_space<vmem>>) target(%dma_start3A_1370 : memref<60x128xf32, #tpu.memory_space<hbm>>) target_semaphore(%arg14 : memref<!tpu.dma_semaphore, #tpu.memory_space<semaphore_mem>>)
    %dma_wait3A_1375 = arith.constant 0 : i32
    %dma_wait3A_1376 = arith.constant 0 : i32
    %dma_wait3A_1377 = tpu.memref_slice %arg10[%dma_wait3A_1375, %dma_wait3A_1376] : memref<128x80xf32, #tpu.memory_space<vmem>> -> memref<60x80xf32, #tpu.memory_space<vmem>>
    %dma_wait3A_1378 = arith.constant 0 : i32
    %dma_wait3A_1379 = tpu.memref_slice %arg6[%add3A_1318, %dma_wait3A_1378] : memref<15360x80xf32, #tpu.memory_space<vmem_shared>> -> memref<60x80xf32, #tpu.memory_space<vmem_shared>>
    %dma_wait3A_1380 = arith.constant 0 : i32
    %dma_wait3A_1381 = arith.constant 0 : i32
    %dma_wait3A_1382 = tpu.memref_slice %arg10[%dma_wait3A_1380, %dma_wait3A_1381] : memref<128x80xf32, #tpu.memory_space<vmem>> -> memref<60x80xf32, #tpu.memory_space<vmem>>
    %dma_wait3A_1383 = arith.constant 0 : i32
    %dma_wait3A_1384 = tpu.memref_slice %arg6[%add3A_1318, %dma_wait3A_1383] : memref<15360x80xf32, #tpu.memory_space<vmem_shared>> -> memref<60x80xf32, #tpu.memory_space<vmem_shared>>
    tpu.wait_dma2 semaphore(%arg13 : memref<!tpu.dma_semaphore, #tpu.memory_space<semaphore_mem>>) src(%dma_wait3A_1384 : memref<60x80xf32, #tpu.memory_space<vmem_shared>>) dst(%dma_wait3A_1382 : memref<60x80xf32, #tpu.memory_space<vmem>>)
    %dma_wait3A_1385 = arith.constant 1 : i32
    %dma_wait3A_1386 = arith.constant 0 : i32
    %dma_wait3A_1387 = arith.constant 0 : i32
    %dma_wait3A_1388 = tpu.memref_slice %arg12[%dma_wait3A_1385, %dma_wait3A_1386, %dma_wait3A_1387] : memref<2x60x128xf32, #tpu.memory_space<vmem>> -> memref<1x60x128xf32, #tpu.memory_space<vmem>>
    %dma_wait3A_1389 = tpu.memref_squeeze %dma_wait3A_1388 : memref<1x60x128xf32, #tpu.memory_space<vmem>> -> memref<60x128xf32, #tpu.memory_space<vmem>>
    %dma_wait3A_1390 = arith.constant 0 : i32
    %dma_wait3A_1391 = tpu.memref_slice %arg5[%add3A_1301, %dma_wait3A_1390] : memref<30720x128xf32, #tpu.memory_space<hbm>> -> memref<60x128xf32, #tpu.memory_space<hbm>>
    %dma_wait3A_1392 = arith.constant 0 : i32
    %dma_wait3A_1393 = tpu.memref_slice %arg5[%add3A_1301, %dma_wait3A_1392] : memref<30720x128xf32, #tpu.memory_space<hbm>> -> memref<60x128xf32, #tpu.memory_space<hbm>>
    %dma_wait3A_1394 = arith.constant 0 : i32
    %dma_wait3A_1395 = arith.constant 0 : i32
    %dma_wait3A_1396 = tpu.memref_slice %arg12[%dma_wait3A_1385, %dma_wait3A_1394, %dma_wait3A_1395] : memref<2x60x128xf32, #tpu.memory_space<vmem>> -> memref<1x60x128xf32, #tpu.memory_space<vmem>>
    %dma_wait3A_1397 = tpu.memref_squeeze %dma_wait3A_1396 : memref<1x60x128xf32, #tpu.memory_space<vmem>> -> memref<60x128xf32, #tpu.memory_space<vmem>>
    tpu.wait_dma2 semaphore(%arg14 : memref<!tpu.dma_semaphore, #tpu.memory_space<semaphore_mem>>) src(%dma_wait3A_1397 : memref<60x128xf32, #tpu.memory_space<vmem>>) dst(%dma_wait3A_1393 : memref<60x128xf32, #tpu.memory_space<hbm>>)
    %scan3A_1398 = arith.constant 0 : i32
    %scan3A_1399 = arith.constant 0 : i32
    %scan3A_1400 = arith.constant 60 : i32
    %scan3A_1401 = arith.addi %scan3A_1399, %scan3A_1400 : i32
    %scan3A_1402 = arith.constant 1 : i32
    scf.for %scan3A_1447 = %scan3A_1399 to %scan3A_1401 step %scan3A_1402  : i32 {
      %get3A = arith.index_cast %scan3A_1447 : i32 to index
      %get3A_1448 = arith.constant 0 : index
      %get3A_1449 = tpu.vector_load %arg10[%get3A, %get3A_1448] {strides = array<i32>} : memref<128x80xf32, #tpu.memory_space<vmem>>, vector<1x16xf32>,
      %get3A_1450 = vector.shape_cast %get3A_1449 : vector<1x16xf32> to vector<16xf32>
      %swap3A = arith.constant 1 : i32
      %swap3A_1451 = arith.index_cast %swap3A : i32 to index
      %swap3A_1452 = arith.index_cast %scan3A_1447 : i32 to index
      %swap3A_1453 = arith.constant 0 : index
      %swap3A_1454 = tpu.vector_load %arg12[%swap3A_1451, %swap3A_1452, %swap3A_1453] {strides = array<i32>} : memref<2x60x128xf32, #tpu.memory_space<vmem>>, vector<1x1x16xf32>,
      %swap3A_1455 = vector.shape_cast %swap3A_1454 : vector<1x1x16xf32> to vector<16xf32>
      %swap3A_1456 = vector.shape_cast %get3A_1450 : vector<16xf32> to vector<1x1x16xf32>
      tpu.vector_store %arg12[%swap3A_1451, %swap3A_1452, %swap3A_1453], %swap3A_1456 {strides = array<i32>} : memref<2x60x128xf32, #tpu.memory_space<vmem>>, vector<1x1x16xf32>,
      %get3A_1457 = arith.index_cast %scan3A_1447 : i32 to index
      %get3A_1458 = arith.constant 16 : index
      %get3A_1459 = tpu.vector_load %arg10[%get3A_1457, %get3A_1458] {strides = array<i32>} : memref<128x80xf32, #tpu.memory_space<vmem>>, vector<1x16xf32>,
      %get3A_1460 = vector.shape_cast %get3A_1459 : vector<1x16xf32> to vector<16xf32>
      %swap3A_1461 = arith.constant 1 : i32
      %swap3A_1462 = arith.index_cast %swap3A_1461 : i32 to index
      %swap3A_1463 = arith.index_cast %scan3A_1447 : i32 to index
      %swap3A_1464 = arith.constant 16 : index
      %swap3A_1465 = tpu.vector_load %arg12[%swap3A_1462, %swap3A_1463, %swap3A_1464] {strides = array<i32>} : memref<2x60x128xf32, #tpu.memory_space<vmem>>, vector<1x1x16xf32>,
      %swap3A_1466 = vector.shape_cast %swap3A_1465 : vector<1x1x16xf32> to vector<16xf32>
      %swap3A_1467 = vector.shape_cast %get3A_1460 : vector<16xf32> to vector<1x1x16xf32>
      tpu.vector_store %arg12[%swap3A_1462, %swap3A_1463, %swap3A_1464], %swap3A_1467 {strides = array<i32>} : memref<2x60x128xf32, #tpu.memory_space<vmem>>, vector<1x1x16xf32>,
      %get3A_1468 = arith.index_cast %scan3A_1447 : i32 to index
      %get3A_1469 = arith.constant 32 : index
      %get3A_1470 = tpu.vector_load %arg10[%get3A_1468, %get3A_1469] {strides = array<i32>} : memref<128x80xf32, #tpu.memory_space<vmem>>, vector<1x16xf32>,
      %get3A_1471 = vector.shape_cast %get3A_1470 : vector<1x16xf32> to vector<16xf32>
      %swap3A_1472 = arith.constant 1 : i32
      %swap3A_1473 = arith.index_cast %swap3A_1472 : i32 to index
      %swap3A_1474 = arith.index_cast %scan3A_1447 : i32 to index
      %swap3A_1475 = arith.constant 32 : index
      %swap3A_1476 = tpu.vector_load %arg12[%swap3A_1473, %swap3A_1474, %swap3A_1475] {strides = array<i32>} : memref<2x60x128xf32, #tpu.memory_space<vmem>>, vector<1x1x16xf32>,
      %swap3A_1477 = vector.shape_cast %swap3A_1476 : vector<1x1x16xf32> to vector<16xf32>
      %swap3A_1478 = vector.shape_cast %get3A_1471 : vector<16xf32> to vector<1x1x16xf32>
      tpu.vector_store %arg12[%swap3A_1473, %swap3A_1474, %swap3A_1475], %swap3A_1478 {strides = array<i32>} : memref<2x60x128xf32, #tpu.memory_space<vmem>>, vector<1x1x16xf32>,
      %get3A_1479 = arith.index_cast %scan3A_1447 : i32 to index
      %get3A_1480 = arith.constant 48 : index
      %get3A_1481 = tpu.vector_load %arg10[%get3A_1479, %get3A_1480] {strides = array<i32>} : memref<128x80xf32, #tpu.memory_space<vmem>>, vector<1x16xf32>,
      %get3A_1482 = vector.shape_cast %get3A_1481 : vector<1x16xf32> to vector<16xf32>
      %swap3A_1483 = arith.constant 1 : i32
      %swap3A_1484 = arith.index_cast %swap3A_1483 : i32 to index
      %swap3A_1485 = arith.index_cast %scan3A_1447 : i32 to index
      %swap3A_1486 = arith.constant 48 : index
      %swap3A_1487 = tpu.vector_load %arg12[%swap3A_1484, %swap3A_1485, %swap3A_1486] {strides = array<i32>} : memref<2x60x128xf32, #tpu.memory_space<vmem>>, vector<1x1x16xf32>,
      %swap3A_1488 = vector.shape_cast %swap3A_1487 : vector<1x1x16xf32> to vector<16xf32>
      %swap3A_1489 = vector.shape_cast %get3A_1482 : vector<16xf32> to vector<1x1x16xf32>
      tpu.vector_store %arg12[%swap3A_1484, %swap3A_1485, %swap3A_1486], %swap3A_1489 {strides = array<i32>} : memref<2x60x128xf32, #tpu.memory_space<vmem>>, vector<1x1x16xf32>,
      %get3A_1490 = arith.index_cast %scan3A_1447 : i32 to index
      %get3A_1491 = arith.constant 64 : index
      %get3A_1492 = tpu.vector_load %arg10[%get3A_1490, %get3A_1491] {strides = array<i32>} : memref<128x80xf32, #tpu.memory_space<vmem>>, vector<1x16xf32>,
      %get3A_1493 = vector.shape_cast %get3A_1492 : vector<1x16xf32> to vector<16xf32>
      %swap3A_1494 = arith.constant 1 : i32
      %swap3A_1495 = arith.index_cast %swap3A_1494 : i32 to index
      %swap3A_1496 = arith.index_cast %scan3A_1447 : i32 to index
      %swap3A_1497 = arith.constant 64 : index
      %swap3A_1498 = tpu.vector_load %arg12[%swap3A_1495, %swap3A_1496, %swap3A_1497] {strides = array<i32>} : memref<2x60x128xf32, #tpu.memory_space<vmem>>, vector<1x1x16xf32>,
      %swap3A_1499 = vector.shape_cast %swap3A_1498 : vector<1x1x16xf32> to vector<16xf32>
      %swap3A_1500 = vector.shape_cast %get3A_1493 : vector<16xf32> to vector<1x1x16xf32>
      tpu.vector_store %arg12[%swap3A_1495, %swap3A_1496, %swap3A_1497], %swap3A_1500 {strides = array<i32>} : memref<2x60x128xf32, #tpu.memory_space<vmem>>, vector<1x1x16xf32>,
    }
    %scan3A_1403 = arith.constant 60 : i32
    %mul3A_1404 = arith.constant 960 : i32
    %mul3A_1405 = arith.muli %add3A, %mul3A_1404 : i32
    %add3A_1406 = arith.constant 900 : i32
    %add3A_1407 = arith.addi %mul3A_1405, %add3A_1406 : i32
    %dma_start3A_1408 = arith.constant 1 : i32
    %dma_start3A_1409 = arith.constant 0 : i32
    %dma_start3A_1410 = arith.constant 0 : i32
    %dma_start3A_1411 = tpu.memref_slice %arg12[%dma_start3A_1408, %dma_start3A_1409, %dma_start3A_1410] : memref<2x60x128xf32, #tpu.memory_space<vmem>> -> memref<1x60x128xf32, #tpu.memory_space<vmem>>
    %dma_start3A_1412 = tpu.memref_squeeze %dma_start3A_1411 : memref<1x60x128xf32, #tpu.memory_space<vmem>> -> memref<60x128xf32, #tpu.memory_space<vmem>>
    %dma_start3A_1413 = arith.constant 0 : i32
    %dma_start3A_1414 = tpu.memref_slice %arg5[%add3A_1407, %dma_start3A_1413] : memref<30720x128xf32, #tpu.memory_space<hbm>> -> memref<60x128xf32, #tpu.memory_space<hbm>>
    %dma_start3A_1415 = arith.constant 0 : i32
    %dma_start3A_1416 = tpu.memref_slice %arg5[%add3A_1407, %dma_start3A_1415] : memref<30720x128xf32, #tpu.memory_space<hbm>> -> memref<60x128xf32, #tpu.memory_space<hbm>>
    %dma_start3A_1417 = arith.constant 0 : i32
    %dma_start3A_1418 = arith.constant 0 : i32
    %dma_start3A_1419 = tpu.memref_slice %arg12[%dma_start3A_1408, %dma_start3A_1417, %dma_start3A_1418] : memref<2x60x128xf32, #tpu.memory_space<vmem>> -> memref<1x60x128xf32, #tpu.memory_space<vmem>>
    %dma_start3A_1420 = tpu.memref_squeeze %dma_start3A_1419 : memref<1x60x128xf32, #tpu.memory_space<vmem>> -> memref<60x128xf32, #tpu.memory_space<vmem>>
    tpu.enqueue_dma source(%dma_start3A_1420 : memref<60x128xf32, #tpu.memory_space<vmem>>) target(%dma_start3A_1416 : memref<60x128xf32, #tpu.memory_space<hbm>>) target_semaphore(%arg14 : memref<!tpu.dma_semaphore, #tpu.memory_space<semaphore_mem>>)
    %dma_wait3A_1421 = arith.constant 1 : i32
    %dma_wait3A_1422 = arith.constant 0 : i32
    %dma_wait3A_1423 = arith.constant 0 : i32
    %dma_wait3A_1424 = tpu.memref_slice %arg12[%dma_wait3A_1421, %dma_wait3A_1422, %dma_wait3A_1423] : memref<2x60x128xf32, #tpu.memory_space<vmem>> -> memref<1x60x128xf32, #tpu.memory_space<vmem>>
    %dma_wait3A_1425 = tpu.memref_squeeze %dma_wait3A_1424 : memref<1x60x128xf32, #tpu.memory_space<vmem>> -> memref<60x128xf32, #tpu.memory_space<vmem>>
    %dma_wait3A_1426 = arith.constant 0 : i32
    %dma_wait3A_1427 = tpu.memref_slice %arg5[%add3A_1407, %dma_wait3A_1426] : memref<30720x128xf32, #tpu.memory_space<hbm>> -> memref<60x128xf32, #tpu.memory_space<hbm>>
    %dma_wait3A_1428 = arith.constant 0 : i32
    %dma_wait3A_1429 = tpu.memref_slice %arg5[%add3A_1407, %dma_wait3A_1428] : memref<30720x128xf32, #tpu.memory_space<hbm>> -> memref<60x128xf32, #tpu.memory_space<hbm>>
    %dma_wait3A_1430 = arith.constant 0 : i32
    %dma_wait3A_1431 = arith.constant 0 : i32
    %dma_wait3A_1432 = tpu.memref_slice %arg12[%dma_wait3A_1421, %dma_wait3A_1430, %dma_wait3A_1431] : memref<2x60x128xf32, #tpu.memory_space<vmem>> -> memref<1x60x128xf32, #tpu.memory_space<vmem>>
    %dma_wait3A_1433 = tpu.memref_squeeze %dma_wait3A_1432 : memref<1x60x128xf32, #tpu.memory_space<vmem>> -> memref<60x128xf32, #tpu.memory_space<vmem>>
    tpu.wait_dma2 semaphore(%arg14 : memref<!tpu.dma_semaphore, #tpu.memory_space<semaphore_mem>>) src(%dma_wait3A_1433 : memref<60x128xf32, #tpu.memory_space<vmem>>) dst(%dma_wait3A_1429 : memref<60x128xf32, #tpu.memory_space<hbm>>)
    %dma_wait3A_1434 = arith.constant 0 : i32
    %dma_wait3A_1435 = arith.constant 0 : i32
    %dma_wait3A_1436 = arith.constant 0 : i32
    %dma_wait3A_1437 = tpu.memref_slice %arg12[%dma_wait3A_1434, %dma_wait3A_1435, %dma_wait3A_1436] : memref<2x60x128xf32, #tpu.memory_space<vmem>> -> memref<1x60x128xf32, #tpu.memory_space<vmem>>
    %dma_wait3A_1438 = tpu.memref_squeeze %dma_wait3A_1437 : memref<1x60x128xf32, #tpu.memory_space<vmem>> -> memref<60x128xf32, #tpu.memory_space<vmem>>
    %dma_wait3A_1439 = arith.constant 0 : i32
    %dma_wait3A_1440 = tpu.memref_slice %arg5[%add3A_1361, %dma_wait3A_1439] : memref<30720x128xf32, #tpu.memory_space<hbm>> -> memref<60x128xf32, #tpu.memory_space<hbm>>
    %dma_wait3A_1441 = arith.constant 0 : i32
    %dma_wait3A_1442 = tpu.memref_slice %arg5[%add3A_1361, %dma_wait3A_1441] : memref<30720x128xf32, #tpu.memory_space<hbm>> -> memref<60x128xf32, #tpu.memory_space<hbm>>
    %dma_wait3A_1443 = arith.constant 0 : i32
    %dma_wait3A_1444 = arith.constant 0 : i32
    %dma_wait3A_1445 = tpu.memref_slice %arg12[%dma_wait3A_1434, %dma_wait3A_1443, %dma_wait3A_1444] : memref<2x60x128xf32, #tpu.memory_space<vmem>> -> memref<1x60x128xf32, #tpu.memory_space<vmem>>
    %dma_wait3A_1446 = tpu.memref_squeeze %dma_wait3A_1445 : memref<1x60x128xf32, #tpu.memory_space<vmem>> -> memref<60x128xf32, #tpu.memory_space<vmem>>
    tpu.wait_dma2 semaphore(%arg14 : memref<!tpu.dma_semaphore, #tpu.memory_space<semaphore_mem>>) src(%dma_wait3A_1446 : memref<60x128xf32, #tpu.memory_space<vmem>>) dst(%dma_wait3A_1442 : memref<60x128xf32, #tpu.memory_space<hbm>>)
    return
  }
}

module attributes {stable_mosaic.version = 14 : i64} {
  func.func @_mm1_body(%arg0: i32, %arg1: memref<768x1024xf32, #tpu.memory_space<vmem>>, %arg2: memref<4x1024x64xf32, #tpu.memory_space<vmem>>, %arg3: memref<1024x64xf32, #tpu.memory_space<vmem>>, %arg4: memref<5x768x80xf32, #tpu.memory_space<vmem>>) attributes {dimension_semantics = [#tpu.dimension_semantics<arbitrary>], iteration_bounds = array<i64: 5>, scalar_prefetch = 0 : i64, scratch_operands = 0 : i64, tpu.core_type = #tpu.core_type<tc>, window_params = [{transform_indices = @transform_0, window_bounds = array<i64: 768, 1024>}, {pipeline_mode = #tpu.pipeline_mode<synchronous>, transform_indices = @transform_1, window_bounds = array<i64: 4, 1024, 64>}, {pipeline_mode = #tpu.pipeline_mode<synchronous>, transform_indices = @transform_2, window_bounds = array<i64: 1024, 64>}, {transform_indices = @transform_3, window_bounds = array<i64: 5, 768, 80>}]} {
    %get3A = arith.constant 0 : index
    %get3A_0 = arith.constant 0 : index
    %get3A_1 = vector.load %arg1[%get3A, %get3A_0] : memref<768x1024xf32, #tpu.memory_space<vmem>>, vector<768x1024xf32>
    %get3A_2 = arith.constant 0 : index
    %get3A_3 = arith.constant 0 : index
    %get3A_4 = arith.constant 0 : index
    %get3A_5 = vector.load %arg2[%get3A_2, %get3A_3, %get3A_4] : memref<4x1024x64xf32, #tpu.memory_space<vmem>>, vector<1x1024x64xf32>
    %get3A_6 = vector.shape_cast %get3A_5 : vector<1x1024x64xf32> to vector<1024x64xf32>
    %dot_general3A = arith.constant dense<0.000000e+00> : vector<768x64xf32>
    %dot_general3A_7 = tpu.matmul %get3A_1, %get3A_6, %dot_general3A {dimension_numbers = #tpu.dot_dimension_numbers<[1], [0], [0], [1], [0, 0, 1, 1], [], []>, transpose_lhs_hint = false} : vector<768x1024xf32>, vector<1024x64xf32>, vector<768x64xf32> -> vector<768x64xf32>
    %swap3A = arith.constant 0 : index
    %swap3A_8 = arith.constant 0 : index
    %swap3A_9 = arith.constant 0 : index
    %swap3A_10 = vector.load %arg4[%swap3A, %swap3A_8, %swap3A_9] : memref<5x768x80xf32, #tpu.memory_space<vmem>>, vector<1x768x64xf32>
    %swap3A_11 = vector.shape_cast %swap3A_10 : vector<1x768x64xf32> to vector<768x64xf32>
    %swap3A_12 = vector.shape_cast %dot_general3A_7 : vector<768x64xf32> to vector<1x768x64xf32>
    tpu.vector_store %arg4[%swap3A, %swap3A_8, %swap3A_9], %swap3A_12 {strides = array<i32>} : memref<5x768x80xf32, #tpu.memory_space<vmem>>, vector<1x768x64xf32>,
    %get3A_13 = arith.constant 1 : index
    %get3A_14 = arith.constant 0 : index
    %get3A_15 = arith.constant 0 : index
    %get3A_16 = vector.load %arg2[%get3A_13, %get3A_14, %get3A_15] : memref<4x1024x64xf32, #tpu.memory_space<vmem>>, vector<1x1024x64xf32>
    %get3A_17 = vector.shape_cast %get3A_16 : vector<1x1024x64xf32> to vector<1024x64xf32>
    %dot_general3A_18 = arith.constant dense<0.000000e+00> : vector<768x64xf32>
    %dot_general3A_19 = tpu.matmul %get3A_1, %get3A_17, %dot_general3A_18 {dimension_numbers = #tpu.dot_dimension_numbers<[1], [0], [0], [1], [0, 0, 1, 1], [], []>, transpose_lhs_hint = false} : vector<768x1024xf32>, vector<1024x64xf32>, vector<768x64xf32> -> vector<768x64xf32>
    %swap3A_20 = arith.constant 1 : index
    %swap3A_21 = arith.constant 0 : index
    %swap3A_22 = arith.constant 0 : index
    %swap3A_23 = vector.load %arg4[%swap3A_20, %swap3A_21, %swap3A_22] : memref<5x768x80xf32, #tpu.memory_space<vmem>>, vector<1x768x64xf32>
    %swap3A_24 = vector.shape_cast %swap3A_23 : vector<1x768x64xf32> to vector<768x64xf32>
    %swap3A_25 = vector.shape_cast %dot_general3A_19 : vector<768x64xf32> to vector<1x768x64xf32>
    tpu.vector_store %arg4[%swap3A_20, %swap3A_21, %swap3A_22], %swap3A_25 {strides = array<i32>} : memref<5x768x80xf32, #tpu.memory_space<vmem>>, vector<1x768x64xf32>,
    %get3A_26 = arith.constant 2 : index
    %get3A_27 = arith.constant 0 : index
    %get3A_28 = arith.constant 0 : index
    %get3A_29 = vector.load %arg2[%get3A_26, %get3A_27, %get3A_28] : memref<4x1024x64xf32, #tpu.memory_space<vmem>>, vector<1x1024x64xf32>
    %get3A_30 = vector.shape_cast %get3A_29 : vector<1x1024x64xf32> to vector<1024x64xf32>
    %dot_general3A_31 = arith.constant dense<0.000000e+00> : vector<768x64xf32>
    %dot_general3A_32 = tpu.matmul %get3A_1, %get3A_30, %dot_general3A_31 {dimension_numbers = #tpu.dot_dimension_numbers<[1], [0], [0], [1], [0, 0, 1, 1], [], []>, transpose_lhs_hint = false} : vector<768x1024xf32>, vector<1024x64xf32>, vector<768x64xf32> -> vector<768x64xf32>
    %swap3A_33 = arith.constant 2 : index
    %swap3A_34 = arith.constant 0 : index
    %swap3A_35 = arith.constant 0 : index
    %swap3A_36 = vector.load %arg4[%swap3A_33, %swap3A_34, %swap3A_35] : memref<5x768x80xf32, #tpu.memory_space<vmem>>, vector<1x768x64xf32>
    %swap3A_37 = vector.shape_cast %swap3A_36 : vector<1x768x64xf32> to vector<768x64xf32>
    %swap3A_38 = vector.shape_cast %dot_general3A_32 : vector<768x64xf32> to vector<1x768x64xf32>
    tpu.vector_store %arg4[%swap3A_33, %swap3A_34, %swap3A_35], %swap3A_38 {strides = array<i32>} : memref<5x768x80xf32, #tpu.memory_space<vmem>>, vector<1x768x64xf32>,
    %get3A_39 = arith.constant 3 : index
    %get3A_40 = arith.constant 0 : index
    %get3A_41 = arith.constant 0 : index
    %get3A_42 = vector.load %arg2[%get3A_39, %get3A_40, %get3A_41] : memref<4x1024x64xf32, #tpu.memory_space<vmem>>, vector<1x1024x64xf32>
    %get3A_43 = vector.shape_cast %get3A_42 : vector<1x1024x64xf32> to vector<1024x64xf32>
    %dot_general3A_44 = arith.constant dense<0.000000e+00> : vector<768x64xf32>
    %dot_general3A_45 = tpu.matmul %get3A_1, %get3A_43, %dot_general3A_44 {dimension_numbers = #tpu.dot_dimension_numbers<[1], [0], [0], [1], [0, 0, 1, 1], [], []>, transpose_lhs_hint = false} : vector<768x1024xf32>, vector<1024x64xf32>, vector<768x64xf32> -> vector<768x64xf32>
    %swap3A_46 = arith.constant 3 : index
    %swap3A_47 = arith.constant 0 : index
    %swap3A_48 = arith.constant 0 : index
    %swap3A_49 = vector.load %arg4[%swap3A_46, %swap3A_47, %swap3A_48] : memref<5x768x80xf32, #tpu.memory_space<vmem>>, vector<1x768x64xf32>
    %swap3A_50 = vector.shape_cast %swap3A_49 : vector<1x768x64xf32> to vector<768x64xf32>
    %swap3A_51 = vector.shape_cast %dot_general3A_45 : vector<768x64xf32> to vector<1x768x64xf32>
    tpu.vector_store %arg4[%swap3A_46, %swap3A_47, %swap3A_48], %swap3A_51 {strides = array<i32>} : memref<5x768x80xf32, #tpu.memory_space<vmem>>, vector<1x768x64xf32>,
    %get3A_52 = arith.constant 0 : index
    %get3A_53 = arith.constant 0 : index
    %get3A_54 = vector.load %arg3[%get3A_52, %get3A_53] : memref<1024x64xf32, #tpu.memory_space<vmem>>, vector<1024x64xf32>
    %dot_general3A_55 = arith.constant dense<0.000000e+00> : vector<768x64xf32>
    %dot_general3A_56 = tpu.matmul %get3A_1, %get3A_54, %dot_general3A_55 {dimension_numbers = #tpu.dot_dimension_numbers<[1], [0], [0], [1], [0, 0, 1, 1], [], []>, transpose_lhs_hint = false} : vector<768x1024xf32>, vector<1024x64xf32>, vector<768x64xf32> -> vector<768x64xf32>
    %swap3A_57 = arith.constant 4 : index
    %swap3A_58 = arith.constant 0 : index
    %swap3A_59 = arith.constant 0 : index
    %swap3A_60 = vector.load %arg4[%swap3A_57, %swap3A_58, %swap3A_59] : memref<5x768x80xf32, #tpu.memory_space<vmem>>, vector<1x768x64xf32>
    %swap3A_61 = vector.shape_cast %swap3A_60 : vector<1x768x64xf32> to vector<768x64xf32>
    %swap3A_62 = vector.shape_cast %dot_general3A_56 : vector<768x64xf32> to vector<1x768x64xf32>
    tpu.vector_store %arg4[%swap3A_57, %swap3A_58, %swap3A_59], %swap3A_62 {strides = array<i32>} : memref<5x768x80xf32, #tpu.memory_space<vmem>>, vector<1x768x64xf32>,
    %broadcast_in_dim3A = arith.constant 1.000000e+00 : f32
    %broadcast_in_dim3A_63 = vector.broadcast %broadcast_in_dim3A : f32 to vector<5x768x16xf32>
    %swap3A_64 = arith.constant 0 : index
    %swap3A_65 = arith.constant 0 : index
    %swap3A_66 = arith.constant 64 : index
    %swap3A_67 = vector.load %arg4[%swap3A_64, %swap3A_65, %swap3A_66] : memref<5x768x80xf32, #tpu.memory_space<vmem>>, vector<5x768x16xf32>
    tpu.vector_store %arg4[%swap3A_64, %swap3A_65, %swap3A_66], %broadcast_in_dim3A_63 {strides = array<i32>} : memref<5x768x80xf32, #tpu.memory_space<vmem>>, vector<5x768x16xf32>,
    return
  }
  func.func @transform_0(%arg0: i32) -> (i32, i32) {
    %c0_i32 = arith.constant 0 : i32
    %c0_i32_0 = arith.constant 0 : i32
    return %arg0, %c0_i32 : i32, i32
  }
  func.func @transform_1(%arg0: i32) -> (i32, i32, i32) {
    %c0_i32 = arith.constant 0 : i32
    %c0_i32_0 = arith.constant 0 : i32
    %c0_i32_1 = arith.constant 0 : i32
    %c0_i32_2 = arith.constant 0 : i32
    return %c0_i32, %c0_i32_0, %c0_i32_1 : i32, i32, i32
  }
  func.func @transform_2(%arg0: i32) -> (i32, i32) {
    %c0_i32 = arith.constant 0 : i32
    %c0_i32_0 = arith.constant 0 : i32
    %c0_i32_1 = arith.constant 0 : i32
    return %c0_i32, %c0_i32_0 : i32, i32
  }
  func.func @transform_3(%arg0: i32) -> (i32, i32, i32) {
    %c0_i32 = arith.constant 0 : i32
    %c0_i32_0 = arith.constant 0 : i32
    %c0_i32_1 = arith.constant 0 : i32
    return %c0_i32, %arg0, %c0_i32_0 : i32, i32, i32
  }
}

module attributes {stable_mosaic.version = 14 : i64} {
  func.func @_comb1_body(%arg0: i32, %arg1: memref<2x4x768x128xf32, #tpu.memory_space<vmem>>, %arg2: memref<1x768x80xf32, #tpu.memory_space<vmem>>, %arg3: memref<1x64xf32, #tpu.memory_space<vmem>>, %arg4: memref<4x64x32xf32, #tpu.memory_space<vmem>>, %arg5: memref<64x32xf32, #tpu.memory_space<vmem>>, %arg6: memref<5x768x32xf32, #tpu.memory_space<vmem>>, %arg7: memref<4x768x32xf32, #tpu.memory_space<vmem>>) attributes {dimension_semantics = [#tpu.dimension_semantics<arbitrary>], iteration_bounds = array<i64: 5>, scalar_prefetch = 0 : i64, scratch_operands = 0 : i64, tpu.core_type = #tpu.core_type<tc>, window_params = [{transform_indices = @transform_0, window_bounds = array<i64: 2, 4, 768, 128>}, {transform_indices = @transform_1, window_bounds = array<i64: 1, 768, 80>}, {pipeline_mode = #tpu.pipeline_mode<synchronous>, transform_indices = @transform_2, window_bounds = array<i64: 1, 64>}, {pipeline_mode = #tpu.pipeline_mode<synchronous>, transform_indices = @transform_3, window_bounds = array<i64: 4, 64, 32>}, {pipeline_mode = #tpu.pipeline_mode<synchronous>, transform_indices = @transform_4, window_bounds = array<i64: 64, 32>}, {transform_indices = @transform_5, window_bounds = array<i64: 5, 768, 32>}, {transform_indices = @transform_6, window_bounds = array<i64: 4, 768, 32>}]} {
    %get3A = arith.constant 0 : index
    %get3A_0 = arith.constant 0 : index
    %get3A_1 = arith.constant 0 : index
    %get3A_2 = arith.constant 0 : index
    %get3A_3 = vector.load %arg1[%get3A, %get3A_0, %get3A_1, %get3A_2] : memref<2x4x768x128xf32, #tpu.memory_space<vmem>>, vector<1x4x768x128xf32>
    %get3A_4 = vector.shape_cast %get3A_3 : vector<1x4x768x128xf32> to vector<4x768x128xf32>
    %get3A_5 = arith.constant 1 : index
    %get3A_6 = arith.constant 0 : index
    %get3A_7 = arith.constant 0 : index
    %get3A_8 = arith.constant 0 : index
    %get3A_9 = vector.load %arg1[%get3A_5, %get3A_6, %get3A_7, %get3A_8] : memref<2x4x768x128xf32, #tpu.memory_space<vmem>>, vector<1x4x768x128xf32>
    %get3A_10 = vector.shape_cast %get3A_9 : vector<1x4x768x128xf32> to vector<4x768x128xf32>
    %add3A = arith.addf %get3A_4, %get3A_10 : vector<4x768x128xf32>
    %slice3A = vector.extract_strided_slice %add3A {offsets = [0, 0, 64], sizes = [4, 768, 1], strides = [1, 1, 1]} : vector<4x768x128xf32> to vector<4x768x1xf32>
    %max3A = arith.constant 1.000000e+00 : f32
    %max3A_11 = vector.broadcast %max3A : f32 to vector<4x768x1xf32>
    %max3A_12 = arith.maximumf %slice3A, %max3A_11 : vector<4x768x1xf32>
    %div3A = arith.constant 1.000000e+00 : f32
    %div3A_13 = vector.broadcast %div3A : f32 to vector<4x768x1xf32>
    %div3A_14 = arith.divf %div3A_13, %max3A_12 : vector<4x768x1xf32>
    %mul3A = arith.mulf %max3A_12, %div3A_14 : vector<4x768x1xf32>
    %sub3A = arith.constant 2.000000e+00 : f32
    %sub3A_15 = vector.broadcast %sub3A : f32 to vector<4x768x1xf32>
    %sub3A_16 = arith.subf %sub3A_15, %mul3A : vector<4x768x1xf32>
    %mul3A_17 = arith.mulf %div3A_14, %sub3A_16 : vector<4x768x1xf32>
    %slice3A_18 = vector.extract_strided_slice %add3A {offsets = [0, 0, 0], sizes = [4, 768, 64], strides = [1, 1, 1]} : vector<4x768x128xf32> to vector<4x768x64xf32>
    %mul3A_19 = vector.broadcast %mul3A_17 : vector<4x768x1xf32> to vector<4x768x64xf32>
    %mul3A_20 = arith.mulf %slice3A_18, %mul3A_19 : vector<4x768x64xf32>
    %reduce_sum3A = arith.constant dense<0.000000e+00> : vector<768x64xf32>
    %reduce_sum3A_21 = vector.multi_reduction <add>, %mul3A_20, %reduce_sum3A [0] : vector<4x768x64xf32> to vector<768x64xf32>
    %get3A_22 = arith.constant 0 : index
    %get3A_23 = arith.constant 0 : index
    %get3A_24 = arith.constant 0 : index
    %get3A_25 = vector.load %arg2[%get3A_22, %get3A_23, %get3A_24] : memref<1x768x80xf32, #tpu.memory_space<vmem>>, vector<1x768x64xf32>
    %get3A_26 = vector.shape_cast %get3A_25 : vector<1x768x64xf32> to vector<768x64xf32>
    %add3A_27 = arith.addf %reduce_sum3A_21, %get3A_26 : vector<768x64xf32>
    %get3A_28 = arith.constant 0 : index
    %get3A_29 = arith.constant 0 : index
    %get3A_30 = vector.load %arg3[%get3A_28, %get3A_29] : memref<1x64xf32, #tpu.memory_space<vmem>>, vector<1x64xf32>
    %get3A_31 = vector.shape_cast %get3A_30 : vector<1x64xf32> to vector<64xf32>
    %broadcast_in_dim3A = vector.shape_cast %get3A_31 : vector<64xf32> to vector<1x64xf32>
    %add3A_32 = vector.broadcast %broadcast_in_dim3A : vector<1x64xf32> to vector<768x64xf32>
    %add3A_33 = arith.addf %add3A_27, %add3A_32 : vector<768x64xf32>
    %max3A_34 = arith.constant 0.000000e+00 : f32
    %max3A_35 = vector.broadcast %max3A_34 : f32 to vector<768x64xf32>
    %max3A_36 = arith.maximumf %add3A_33, %max3A_35 : vector<768x64xf32>
    %get3A_37 = arith.constant 0 : index
    %get3A_38 = arith.constant 0 : index
    %get3A_39 = arith.constant 0 : index
    %get3A_40 = vector.load %arg4[%get3A_37, %get3A_38, %get3A_39] : memref<4x64x32xf32, #tpu.memory_space<vmem>>, vector<1x64x32xf32>
    %get3A_41 = vector.shape_cast %get3A_40 : vector<1x64x32xf32> to vector<64x32xf32>
    %dot_general3A = arith.constant dense<0.000000e+00> : vector<768x32xf32>
    %dot_general3A_42 = tpu.matmul %max3A_36, %get3A_41, %dot_general3A {dimension_numbers = #tpu.dot_dimension_numbers<[1], [0], [0], [1], [0, 0, 1, 1], [], []>, transpose_lhs_hint = false} : vector<768x64xf32>, vector<64x32xf32>, vector<768x32xf32> -> vector<768x32xf32>
    %swap3A = arith.constant 0 : index
    %swap3A_43 = arith.constant 0 : index
    %swap3A_44 = arith.constant 0 : index
    %swap3A_45 = vector.load %arg6[%swap3A, %swap3A_43, %swap3A_44] : memref<5x768x32xf32, #tpu.memory_space<vmem>>, vector<1x768x32xf32>
    %swap3A_46 = vector.shape_cast %swap3A_45 : vector<1x768x32xf32> to vector<768x32xf32>
    %swap3A_47 = vector.shape_cast %dot_general3A_42 : vector<768x32xf32> to vector<1x768x32xf32>
    tpu.vector_store %arg6[%swap3A, %swap3A_43, %swap3A_44], %swap3A_47 {strides = array<i32>} : memref<5x768x32xf32, #tpu.memory_space<vmem>>, vector<1x768x32xf32>,
    %get3A_48 = arith.constant 1 : index
    %get3A_49 = arith.constant 0 : index
    %get3A_50 = arith.constant 0 : index
    %get3A_51 = vector.load %arg4[%get3A_48, %get3A_49, %get3A_50] : memref<4x64x32xf32, #tpu.memory_space<vmem>>, vector<1x64x32xf32>
    %get3A_52 = vector.shape_cast %get3A_51 : vector<1x64x32xf32> to vector<64x32xf32>
    %dot_general3A_53 = arith.constant dense<0.000000e+00> : vector<768x32xf32>
    %dot_general3A_54 = tpu.matmul %max3A_36, %get3A_52, %dot_general3A_53 {dimension_numbers = #tpu.dot_dimension_numbers<[1], [0], [0], [1], [0, 0, 1, 1], [], []>, transpose_lhs_hint = false} : vector<768x64xf32>, vector<64x32xf32>, vector<768x32xf32> -> vector<768x32xf32>
    %swap3A_55 = arith.constant 1 : index
    %swap3A_56 = arith.constant 0 : index
    %swap3A_57 = arith.constant 0 : index
    %swap3A_58 = vector.load %arg6[%swap3A_55, %swap3A_56, %swap3A_57] : memref<5x768x32xf32, #tpu.memory_space<vmem>>, vector<1x768x32xf32>
    %swap3A_59 = vector.shape_cast %swap3A_58 : vector<1x768x32xf32> to vector<768x32xf32>
    %swap3A_60 = vector.shape_cast %dot_general3A_54 : vector<768x32xf32> to vector<1x768x32xf32>
    tpu.vector_store %arg6[%swap3A_55, %swap3A_56, %swap3A_57], %swap3A_60 {strides = array<i32>} : memref<5x768x32xf32, #tpu.memory_space<vmem>>, vector<1x768x32xf32>,
    %get3A_61 = arith.constant 2 : index
    %get3A_62 = arith.constant 0 : index
    %get3A_63 = arith.constant 0 : index
    %get3A_64 = vector.load %arg4[%get3A_61, %get3A_62, %get3A_63] : memref<4x64x32xf32, #tpu.memory_space<vmem>>, vector<1x64x32xf32>
    %get3A_65 = vector.shape_cast %get3A_64 : vector<1x64x32xf32> to vector<64x32xf32>
    %dot_general3A_66 = arith.constant dense<0.000000e+00> : vector<768x32xf32>
    %dot_general3A_67 = tpu.matmul %max3A_36, %get3A_65, %dot_general3A_66 {dimension_numbers = #tpu.dot_dimension_numbers<[1], [0], [0], [1], [0, 0, 1, 1], [], []>, transpose_lhs_hint = false} : vector<768x64xf32>, vector<64x32xf32>, vector<768x32xf32> -> vector<768x32xf32>
    %swap3A_68 = arith.constant 2 : index
    %swap3A_69 = arith.constant 0 : index
    %swap3A_70 = arith.constant 0 : index
    %swap3A_71 = vector.load %arg6[%swap3A_68, %swap3A_69, %swap3A_70] : memref<5x768x32xf32, #tpu.memory_space<vmem>>, vector<1x768x32xf32>
    %swap3A_72 = vector.shape_cast %swap3A_71 : vector<1x768x32xf32> to vector<768x32xf32>
    %swap3A_73 = vector.shape_cast %dot_general3A_67 : vector<768x32xf32> to vector<1x768x32xf32>
    tpu.vector_store %arg6[%swap3A_68, %swap3A_69, %swap3A_70], %swap3A_73 {strides = array<i32>} : memref<5x768x32xf32, #tpu.memory_space<vmem>>, vector<1x768x32xf32>,
    %get3A_74 = arith.constant 3 : index
    %get3A_75 = arith.constant 0 : index
    %get3A_76 = arith.constant 0 : index
    %get3A_77 = vector.load %arg4[%get3A_74, %get3A_75, %get3A_76] : memref<4x64x32xf32, #tpu.memory_space<vmem>>, vector<1x64x32xf32>
    %get3A_78 = vector.shape_cast %get3A_77 : vector<1x64x32xf32> to vector<64x32xf32>
    %dot_general3A_79 = arith.constant dense<0.000000e+00> : vector<768x32xf32>
    %dot_general3A_80 = tpu.matmul %max3A_36, %get3A_78, %dot_general3A_79 {dimension_numbers = #tpu.dot_dimension_numbers<[1], [0], [0], [1], [0, 0, 1, 1], [], []>, transpose_lhs_hint = false} : vector<768x64xf32>, vector<64x32xf32>, vector<768x32xf32> -> vector<768x32xf32>
    %swap3A_81 = arith.constant 3 : index
    %swap3A_82 = arith.constant 0 : index
    %swap3A_83 = arith.constant 0 : index
    %swap3A_84 = vector.load %arg6[%swap3A_81, %swap3A_82, %swap3A_83] : memref<5x768x32xf32, #tpu.memory_space<vmem>>, vector<1x768x32xf32>
    %swap3A_85 = vector.shape_cast %swap3A_84 : vector<1x768x32xf32> to vector<768x32xf32>
    %swap3A_86 = vector.shape_cast %dot_general3A_80 : vector<768x32xf32> to vector<1x768x32xf32>
    tpu.vector_store %arg6[%swap3A_81, %swap3A_82, %swap3A_83], %swap3A_86 {strides = array<i32>} : memref<5x768x32xf32, #tpu.memory_space<vmem>>, vector<1x768x32xf32>,
    %get3A_87 = arith.constant 0 : index
    %get3A_88 = arith.constant 0 : index
    %get3A_89 = vector.load %arg5[%get3A_87, %get3A_88] : memref<64x32xf32, #tpu.memory_space<vmem>>, vector<64x32xf32>
    %dot_general3A_90 = arith.constant dense<0.000000e+00> : vector<768x32xf32>
    %dot_general3A_91 = tpu.matmul %max3A_36, %get3A_89, %dot_general3A_90 {dimension_numbers = #tpu.dot_dimension_numbers<[1], [0], [0], [1], [0, 0, 1, 1], [], []>, transpose_lhs_hint = false} : vector<768x64xf32>, vector<64x32xf32>, vector<768x32xf32> -> vector<768x32xf32>
    %swap3A_92 = arith.constant 4 : index
    %swap3A_93 = arith.constant 0 : index
    %swap3A_94 = arith.constant 0 : index
    %swap3A_95 = vector.load %arg6[%swap3A_92, %swap3A_93, %swap3A_94] : memref<5x768x32xf32, #tpu.memory_space<vmem>>, vector<1x768x32xf32>
    %swap3A_96 = vector.shape_cast %swap3A_95 : vector<1x768x32xf32> to vector<768x32xf32>
    %swap3A_97 = vector.shape_cast %dot_general3A_91 : vector<768x32xf32> to vector<1x768x32xf32>
    tpu.vector_store %arg6[%swap3A_92, %swap3A_93, %swap3A_94], %swap3A_97 {strides = array<i32>} : memref<5x768x32xf32, #tpu.memory_space<vmem>>, vector<1x768x32xf32>,
    %broadcast_in_dim3A_98 = vector.shape_cast %mul3A_17 : vector<4x768x1xf32> to vector<4x768x1xf32>
    %broadcast_in_dim3A_99 = vector.broadcast %broadcast_in_dim3A_98 : vector<4x768x1xf32> to vector<4x768x32xf32>
    %swap3A_100 = arith.constant 0 : index
    %swap3A_101 = arith.constant 0 : index
    %swap3A_102 = arith.constant 0 : index
    %swap3A_103 = vector.load %arg7[%swap3A_100, %swap3A_101, %swap3A_102] : memref<4x768x32xf32, #tpu.memory_space<vmem>>, vector<4x768x32xf32>
    tpu.vector_store %arg7[%swap3A_100, %swap3A_101, %swap3A_102], %broadcast_in_dim3A_99 {strides = array<i32>} : memref<4x768x32xf32, #tpu.memory_space<vmem>>, vector<4x768x32xf32>,
    return
  }
  func.func @transform_0(%arg0: i32) -> (i32, i32, i32, i32) {
    %c0_i32 = arith.constant 0 : i32
    %c0_i32_0 = arith.constant 0 : i32
    %c0_i32_1 = arith.constant 0 : i32
    %c0_i32_2 = arith.constant 0 : i32
    return %c0_i32, %c0_i32_0, %arg0, %c0_i32_1 : i32, i32, i32, i32
  }
  func.func @transform_1(%arg0: i32) -> (i32, i32, i32) {
    %c4_i32 = arith.constant 4 : i32
    %c0_i32 = arith.constant 0 : i32
    %c0_i32_0 = arith.constant 0 : i32
    return %c4_i32, %arg0, %c0_i32 : i32, i32, i32
  }
  func.func @transform_2(%arg0: i32) -> (i32, i32) {
    %c0_i32 = arith.constant 0 : i32
    %c0_i32_0 = arith.constant 0 : i32
    %c0_i32_1 = arith.constant 0 : i32
    return %c0_i32, %c0_i32_0 : i32, i32
  }
  func.func @transform_3(%arg0: i32) -> (i32, i32, i32) {
    %c0_i32 = arith.constant 0 : i32
    %c0_i32_0 = arith.constant 0 : i32
    %c0_i32_1 = arith.constant 0 : i32
    %c0_i32_2 = arith.constant 0 : i32
    return %c0_i32, %c0_i32_0, %c0_i32_1 : i32, i32, i32
  }
  func.func @transform_4(%arg0: i32) -> (i32, i32) {
    %c0_i32 = arith.constant 0 : i32
    %c0_i32_0 = arith.constant 0 : i32
    %c0_i32_1 = arith.constant 0 : i32
    return %c0_i32, %c0_i32_0 : i32, i32
  }
  func.func @transform_5(%arg0: i32) -> (i32, i32, i32) {
    %c0_i32 = arith.constant 0 : i32
    %c0_i32_0 = arith.constant 0 : i32
    %c0_i32_1 = arith.constant 0 : i32
    return %c0_i32, %arg0, %c0_i32_0 : i32, i32, i32
  }
  func.func @transform_6(%arg0: i32) -> (i32, i32, i32) {
    %c0_i32 = arith.constant 0 : i32
    %c0_i32_0 = arith.constant 0 : i32
    %c0_i32_1 = arith.constant 0 : i32
    return %c0_i32, %arg0, %c0_i32_0 : i32, i32, i32
  }
}

module attributes {stable_mosaic.version = 14 : i64} {
  func.func @_comb2_body(%arg0: i32, %arg1: memref<2x768x128xf32, #tpu.memory_space<vmem>>, %arg2: memref<4x768x32xf32, #tpu.memory_space<vmem>>, %arg3: memref<1x768x32xf32, #tpu.memory_space<vmem>>, %arg4: memref<1x32xf32, #tpu.memory_space<vmem>>, %arg5: memref<768x32xf32, #tpu.memory_space<vmem>>) attributes {dimension_semantics = [#tpu.dimension_semantics<arbitrary>], iteration_bounds = array<i64: 5>, scalar_prefetch = 0 : i64, scratch_operands = 0 : i64, tpu.core_type = #tpu.core_type<tc>, window_params = [{transform_indices = @transform_0, window_bounds = array<i64: 2, 768, 128>}, {transform_indices = @transform_1, window_bounds = array<i64: 4, 768, 32>}, {transform_indices = @transform_2, window_bounds = array<i64: 1, 768, 32>}, {pipeline_mode = #tpu.pipeline_mode<synchronous>, transform_indices = @transform_3, window_bounds = array<i64: 1, 32>}, {transform_indices = @transform_4, window_bounds = array<i64: 768, 32>}]} {
    %get3A = arith.constant 0 : index
    %get3A_0 = arith.constant 0 : index
    %get3A_1 = arith.constant 0 : index
    %get3A_2 = vector.load %arg1[%get3A, %get3A_0, %get3A_1] : memref<2x768x128xf32, #tpu.memory_space<vmem>>, vector<1x768x128xf32>
    %get3A_3 = vector.shape_cast %get3A_2 : vector<1x768x128xf32> to vector<768x128xf32>
    %get3A_4 = arith.constant 1 : index
    %get3A_5 = arith.constant 0 : index
    %get3A_6 = arith.constant 0 : index
    %get3A_7 = vector.load %arg1[%get3A_4, %get3A_5, %get3A_6] : memref<2x768x128xf32, #tpu.memory_space<vmem>>, vector<1x768x128xf32>
    %get3A_8 = vector.shape_cast %get3A_7 : vector<1x768x128xf32> to vector<768x128xf32>
    %add3A = arith.addf %get3A_3, %get3A_8 : vector<768x128xf32>
    %get3A_9 = arith.constant 0 : index
    %get3A_10 = arith.constant 0 : index
    %get3A_11 = arith.constant 0 : index
    %get3A_12 = vector.load %arg3[%get3A_9, %get3A_10, %get3A_11] : memref<1x768x32xf32, #tpu.memory_space<vmem>>, vector<1x768x32xf32>
    %get3A_13 = vector.shape_cast %get3A_12 : vector<1x768x32xf32> to vector<768x32xf32>
    %get3A_14 = arith.constant 0 : index
    %get3A_15 = arith.constant 0 : index
    %get3A_16 = vector.load %arg4[%get3A_14, %get3A_15] : memref<1x32xf32, #tpu.memory_space<vmem>>, vector<1x32xf32>
    %get3A_17 = vector.shape_cast %get3A_16 : vector<1x32xf32> to vector<32xf32>
    %broadcast_in_dim3A = vector.shape_cast %get3A_17 : vector<32xf32> to vector<1x32xf32>
    %add3A_18 = vector.broadcast %broadcast_in_dim3A : vector<1x32xf32> to vector<768x32xf32>
    %add3A_19 = arith.addf %get3A_13, %add3A_18 : vector<768x32xf32>
    %slice3A = vector.extract_strided_slice %add3A {offsets = [0, 0], sizes = [768, 32], strides = [1, 1]} : vector<768x128xf32> to vector<768x32xf32>
    %get3A_20 = arith.constant 0 : index
    %get3A_21 = arith.constant 0 : index
    %get3A_22 = arith.constant 0 : index
    %get3A_23 = vector.load %arg2[%get3A_20, %get3A_21, %get3A_22] : memref<4x768x32xf32, #tpu.memory_space<vmem>>, vector<1x768x32xf32>
    %get3A_24 = vector.shape_cast %get3A_23 : vector<1x768x32xf32> to vector<768x32xf32>
    %mul3A = arith.mulf %slice3A, %get3A_24 : vector<768x32xf32>
    %add3A_25 = arith.addf %add3A_19, %mul3A : vector<768x32xf32>
    %slice3A_26 = vector.extract_strided_slice %add3A {offsets = [0, 32], sizes = [768, 32], strides = [1, 1]} : vector<768x128xf32> to vector<768x32xf32>
    %get3A_27 = arith.constant 1 : index
    %get3A_28 = arith.constant 0 : index
    %get3A_29 = arith.constant 0 : index
    %get3A_30 = vector.load %arg2[%get3A_27, %get3A_28, %get3A_29] : memref<4x768x32xf32, #tpu.memory_space<vmem>>, vector<1x768x32xf32>
    %get3A_31 = vector.shape_cast %get3A_30 : vector<1x768x32xf32> to vector<768x32xf32>
    %mul3A_32 = arith.mulf %slice3A_26, %get3A_31 : vector<768x32xf32>
    %add3A_33 = arith.addf %add3A_25, %mul3A_32 : vector<768x32xf32>
    %slice3A_34 = vector.extract_strided_slice %add3A {offsets = [0, 64], sizes = [768, 32], strides = [1, 1]} : vector<768x128xf32> to vector<768x32xf32>
    %get3A_35 = arith.constant 2 : index
    %get3A_36 = arith.constant 0 : index
    %get3A_37 = arith.constant 0 : index
    %get3A_38 = vector.load %arg2[%get3A_35, %get3A_36, %get3A_37] : memref<4x768x32xf32, #tpu.memory_space<vmem>>, vector<1x768x32xf32>
    %get3A_39 = vector.shape_cast %get3A_38 : vector<1x768x32xf32> to vector<768x32xf32>
    %mul3A_40 = arith.mulf %slice3A_34, %get3A_39 : vector<768x32xf32>
    %add3A_41 = arith.addf %add3A_33, %mul3A_40 : vector<768x32xf32>
    %slice3A_42 = vector.extract_strided_slice %add3A {offsets = [0, 96], sizes = [768, 32], strides = [1, 1]} : vector<768x128xf32> to vector<768x32xf32>
    %get3A_43 = arith.constant 3 : index
    %get3A_44 = arith.constant 0 : index
    %get3A_45 = arith.constant 0 : index
    %get3A_46 = vector.load %arg2[%get3A_43, %get3A_44, %get3A_45] : memref<4x768x32xf32, #tpu.memory_space<vmem>>, vector<1x768x32xf32>
    %get3A_47 = vector.shape_cast %get3A_46 : vector<1x768x32xf32> to vector<768x32xf32>
    %mul3A_48 = arith.mulf %slice3A_42, %get3A_47 : vector<768x32xf32>
    %add3A_49 = arith.addf %add3A_41, %mul3A_48 : vector<768x32xf32>
    %swap3A = arith.constant 0 : index
    %swap3A_50 = arith.constant 0 : index
    %swap3A_51 = vector.load %arg5[%swap3A, %swap3A_50] : memref<768x32xf32, #tpu.memory_space<vmem>>, vector<768x32xf32>
    tpu.vector_store %arg5[%swap3A, %swap3A_50], %add3A_49 {strides = array<i32>} : memref<768x32xf32, #tpu.memory_space<vmem>>, vector<768x32xf32>,
    return
  }
  func.func @transform_0(%arg0: i32) -> (i32, i32, i32) {
    %c0_i32 = arith.constant 0 : i32
    %c0_i32_0 = arith.constant 0 : i32
    %c0_i32_1 = arith.constant 0 : i32
    return %c0_i32, %arg0, %c0_i32_0 : i32, i32, i32
  }
  func.func @transform_1(%arg0: i32) -> (i32, i32, i32) {
    %c0_i32 = arith.constant 0 : i32
    %c0_i32_0 = arith.constant 0 : i32
    %c0_i32_1 = arith.constant 0 : i32
    return %c0_i32, %arg0, %c0_i32_0 : i32, i32, i32
  }
  func.func @transform_2(%arg0: i32) -> (i32, i32, i32) {
    %c4_i32 = arith.constant 4 : i32
    %c0_i32 = arith.constant 0 : i32
    %c0_i32_0 = arith.constant 0 : i32
    return %c4_i32, %arg0, %c0_i32 : i32, i32, i32
  }
  func.func @transform_3(%arg0: i32) -> (i32, i32) {
    %c0_i32 = arith.constant 0 : i32
    %c0_i32_0 = arith.constant 0 : i32
    %c0_i32_1 = arith.constant 0 : i32
    return %c0_i32, %c0_i32_0 : i32, i32
  }
  func.func @transform_4(%arg0: i32) -> (i32, i32) {
    %c0_i32 = arith.constant 0 : i32
    %c0_i32_0 = arith.constant 0 : i32
    return %arg0, %c0_i32 : i32, i32
  }
}

</mosaic_0001>

<sc_bundles>
// kernel: kernel.10.cloned.1.call-start
scs
__scs_entry_jumppad:
0x0: {  	(pc) =	sbr.rel $0x88, $3  }
0x1: {  	(tag) =	ssettag $0x0;
	lr =	simm.s32 $0x1  }
0x2: {  	[smem:$0x3F98] =	sst lr;
	_ =	strace $0xD0000000  }
0x3: {  	_ = 	snop  }
0x4: {  	_ = 	snop  }
0x5: {  	_ = 	snop  }
0x6: {  	_ = 	snop  }
0x7: {  	_ = 	snop  }
__scs_overlays_trampoline_lowered:
0x8: {  	[smem:$0x3FA7] =	sst s0  }
0x9: {  	[smem:$0x3FA8] =	sst s1  }
0xa: {  	[smem:$0x3FA9] =	sst s2  }
0xb: {  	[smem:$0x3FAA] =	sst s3  }
0xc: {  	[smem:$0x3FAB] =	sst s4  }
0xd: {  	[smem:$0x3FAC] =	sst s5  }
0xe: {  	[smem:$0x3FAD] =	sst s6  }
0xf: {  	[smem:$0x3FAE] =	sst s7  }
0x10: {  	[smem:$0x3FAF] =	sst s8  }
0x11: {  	[smem:$0x3FB0] =	sst s9;
	s0 =	simm.s32 @!p0 $0x0  }
0x12: {  	s1 =	sld [smem:$0x3F96];
	s0 =	simm.s32 @p0 $0x1  }
0x13: {  	[smem:$0x3FB1] =	sst s0;
	s0 =	simm.s32 @!p1 $0x0  }
0x14: {  	s2 =	sld [smem:$0x3F95];
	s0 =	simm.s32 @p1 $0x1  }
0x15: {  	[smem:$0x3FB2] =	sst s0;
	s0 =	simm.s32 @!p2 $0x0  }
0x16: {  	s3 =	sld [smem:$0x3FDB];
	s0 =	simm.s32 @p2 $0x1  }
0x17: {  	s4 =	simm.s32 $0x1BF5;
	[smem:$0x3FB4] =	sst s0  }
0x18: {  	s0 =	sld [smem:$0x3F97];
	_ =	swait.ge [sflag:s4], $0x0  }
0x19: {  	s7 =	sld [smem:$0x3F98]  }
0x1a: {  	s8 =	sadd.s32 $0xFFFFE003, lr  }
0x1b: {  	s9 =	sadd.s32 $0xFFFFFEF7, lr;
	s5 =	simm.s32 $0xFFFFFFFF;
	p2 =	slt.u32 s8, $0xFFFFF086  }
0x1c: {  	p1 =	slt.u32 s9, $0xF7A;
	s5 =	simm.s32 @!p2 $0x0  }
0x1d: {  	s5 =	simm.s32 @p1 $0x1;
	p0 =	seq.s32 s7, s2  }
0x1e: {  	s7 =	smul.u32 @!p0 $0xF7A, s2;
	p2 =	seq.s32 @!p0 s5, $0x0  }
0x1f: {  	s9 =	smul.u32 $0xF7A, s1;
	s8 =	simm.s32 @!p0 $0x1BF5;
	p2 =	por !p2, p0  }
0x20: {  	[sflag:s8] =	ssyncset.s32 @!p0 $0xFFFFF086;
	s6 =	sadd.s32 @!p0 s3, s7;
	s7 =	simm.s32 @!p0 $0x108  }
0x21: {  	s3 =	sadd.s32 s3, s9;
	s6 =	sadd.s32 @!p0 $0x88, s6;
	s7 =	simm.s32 @p2 $0x1082  }
0x22: {  	[simem:s7], [sflag:s8] =	dma.local @!p0 [hbm:s6], $0xF7A  }
0x23: {  	s9 =	sor.u32 $0xD0000000, s2;
	s6 =	simm.s32 $0x108;
	_ =	swait.ge @!p0 [sflag:s8], $0x0  }
0x24: {  	s3 =	sadd.s32 $0x88, s3;
	s6 =	simm.s32 @!p1 $0x1082;
	[sflag:s4] =	ssyncset.s32 $0xFFFFF086  }
0x25: {  	[simem:s6], [sflag:s4] =	dma.local [hbm:s3], $0xF7A  }
0x26: {  	[smem:$0x3F98] =	sst s1;
	(tag) =	ssettag s2;
	_ =	strace s9  }
0x27: {  	s1 =	sld [smem:$0x3FA8]  }
0x28: {  	s2 =	sld [smem:$0x3FA9]  }
0x29: {  	s4 =	sld [smem:$0x3FAB]  }
0x2a: {  	p0 =	seq.s32 s5, $0x0;
	s5 =	sld [smem:$0x3FAC]  }
0x2b: {  	s6 =	sld [smem:$0x3FAD]  }
0x2c: {  	s7 =	sld [smem:$0x3FAE]  }
0x2d: {  	s3 =	simm.s32 $0x108;
	s8 =	sld [smem:$0x3FAF]  }
0x2e: {  	s3 =	simm.s32 @!p0 $0x1082;
	s9 =	sld [smem:$0x3FB0]  }
0x2f: {  	lr =	sadd.s32 s0, s3;
	s0 =	sld [smem:$0x3FA7]  }
0x30: {  	s3 =	sld [smem:$0x3FAA]  }
0x31: {  	[smem:$0x3FB3] =	sst s10  }
0x32: {  	s10 =	sld [smem:$0x3FB1];
	_ =	sdelay $0x3  }
0x33: {  	p0 =	seq.s32 s10, $0x1;
	s10 =	sld [smem:$0x3FB3];
	_ =	sdelay $0x3  }
0x34: {  	[smem:$0x3FB3] =	sst s10  }
0x35: {  	s10 =	sld [smem:$0x3FB2];
	_ =	sdelay $0x3  }
0x36: {  	p1 =	seq.s32 s10, $0x1;
	s10 =	sld [smem:$0x3FB3];
	_ =	sdelay $0x3  }
0x37: {  	[smem:$0x3FB3] =	sst s10  }
0x38: {  	s10 =	sld [smem:$0x3FB4]  }
0x39: {  	_ = 	snop;
	(pc) =	sbr.ind lr, $3  }
0x3a: {  	_ = 	snop  }
0x3b: {  	_ = 	snop  }
0x3c: {  	p2 =	seq.s32 s10, $0x1;
	s10 =	sld [smem:$0x3FB3]  }
0x3d: {  	_ =	shalt  }
0x3e: {  	_ =	shalt  }
0x3f: {  	_ =	shalt  }
0x40: {  	_ =	shalt  }
0x41: {  	_ =	shalt  }
0x42: {  	_ =	shalt  }
0x43: {  	_ =	shalt  }
0x44: {  	_ =	shalt  }
0x45: {  	_ =	shalt  }
0x46: {  	_ =	shalt  }
0x47: {  	_ =	shalt  }
0x48: {  	_ =	shalt  }
0x49: {  	_ =	shalt  }
0x4a: {  	_ =	shalt  }
0x4b: {  	_ =	shalt  }
0x4c: {  	_ =	shalt  }
0x4d: {  	_ =	shalt  }
0x4e: {  	_ =	shalt  }
0x4f: {  	_ =	shalt  }
0x50: {  	_ =	shalt  }
0x51: {  	_ =	shalt  }
0x52: {  	_ =	shalt  }
0x53: {  	_ =	shalt  }
0x54: {  	_ =	shalt  }
0x55: {  	_ =	shalt  }
0x56: {  	_ =	shalt  }
0x57: {  	_ =	shalt  }
0x58: {  	_ =	shalt  }
0x59: {  	_ =	shalt  }
0x5a: {  	_ =	shalt  }
0x5b: {  	_ =	shalt  }
0x5c: {  	_ =	shalt  }
0x5d: {  	_ =	shalt  }
0x5e: {  	_ =	shalt  }
0x5f: {  	_ =	shalt  }
0x60: {  	_ =	shalt  }
0x61: {  	_ =	shalt  }
0x62: {  	_ =	shalt  }
0x63: {  	_ =	shalt  }
0x64: {  	_ =	shalt  }
0x65: {  	_ =	shalt  }
0x66: {  	_ =	shalt  }
0x67: {  	_ =	shalt  }
0x68: {  	_ =	shalt  }
0x69: {  	_ =	shalt  }
0x6a: {  	_ =	shalt  }
0x6b: {  	_ =	shalt  }
0x6c: {  	_ =	shalt  }
0x6d: {  	_ =	shalt  }
0x6e: {  	_ =	shalt  }
0x6f: {  	_ =	shalt  }
0x70: {  	_ =	shalt  }
0x71: {  	_ =	shalt  }
0x72: {  	_ =	shalt  }
0x73: {  	_ =	shalt  }
0x74: {  	_ =	shalt  }
0x75: {  	_ =	shalt  }
0x76: {  	_ =	shalt  }
0x77: {  	_ =	shalt  }
0x78: {  	_ =	shalt  }
0x79: {  	_ =	shalt  }
0x7a: {  	_ =	shalt  }
0x7b: {  	_ =	shalt  }
0x7c: {  	_ =	shalt  }
0x7d: {  	_ =	shalt  }
0x7e: {  	_ =	shalt  }
0x7f: {  	_ =	shalt  }
0x80: {  	_ =	shalt  }
0x81: {  	_ =	shalt  }
0x82: {  	_ =	shalt  }
0x83: {  	_ =	shalt  }
0x84: {  	_ =	shalt  }
0x85: {  	_ =	shalt  }
0x86: {  	_ =	shalt  }
0x87: {  	_ =	shalt  }
.Lfunc_end0:
.L_simem_size_0:
called_computation.1_lowered:
.L_overlay_start_0:
0x88: {  	s2 =	sld [smem:$0x3FD9]  }
0x89: {  	s3 =	sld [smem:$0x3FFE];
	_ =	sdelay $0x1  }
0x8a: {  	s1 =	srdreg.scid  }
0x8b: {  	s0 =	sand.u32 $0x1, s1  }
0x8c: {  	s17 =	sshll.u32 s0, $0xA;
	s2 =	sadd.s32 s3, s2  }
0x8d: {  	s2 =	sadd.s32 s2, s17  }
0x8e: {  	[smem:$0x3FBF] =	sst s2  }
0x8f: {  	_ = 	snop  }
0x90: {  	s2 =	sld [smem:$0x3FD0];
	(tm) =	ssettm $0x1  }
0x91: {  	s18 =	sld [smem:$0x3FFB];
	_ =	sdelay $0x3  }
0x92: {  	_ =	strace s18  }
0x93: {  	s3 =	sld [smem:$0x3FFC];
	_ =	sdelay $0x3  }
0x94: {  	_ =	strace s3  }
0x95: {  	s3 =	sld [smem:$0x3FFD];
	_ =	sdelay $0x3  }
0x96: {  	_ =	strace s3  }
0x97: {  	_ =	strace $0x8FFFFFFF  }
0x98: {  	s19 =	sld [smem:$0x3FDB];
	_ =	sdelay $0x1  }
0x99: {  	s4 =	simm.s32 $_scs_section_size  }
0x9a: {  	s5 =	simm.s32 $_size__tile_overlayer_lowered;
	s6 =	simm.s32 $_tile_overlayer_lowered  }
0x9b: {  	s22 =	simm.s32 $0x1BFF;
	s21 =	sshll.u32 s6, $0x1;
	s3 =	sadd.s32 s4, s19  }
0x9c: {  	s7 =	simm.s32 $0x0;
	s20 =	sshll.u32 s5, $0x1;
	s5 =	sadd.s32 s21, s3  }
0x9d: {  	[timem:s7], [sflag:s22] =	dma.local [hbm:s5], s20  }
0x9e: {  	_ =	swait.ge [sflag:s22], s20  }
0x9f: {  	s4 =	ssub.s32 $0x0, s20;
	[sflag:s22] =	ssyncset.done $0x0  }
0xa0: {  	[sflag:s22] =	ssyncadd.s32 s4;
	_ =	sdelay $0x1  }
0xa1: {  	s23 =	simm.s32 $0x1B8B  }
0xa2: {  	_ =	swait.ge [sflag:s23], $0x1  }
0xa3: {  	[sflag:s23] =	ssyncset.done $0x0  }
0xa4: {  	s25 =	simm.s32 $0x1B8E;
	s24 =	sld [smem:$0x3FFE];
	[sflag:s23] =	ssyncadd.s32 $0xFFFFFFFF  }
0xa5: {  	s26 =	simm.s32 $execute0_lowered;
	[smem:$0x3FD2] =	sst s25  }
0xa6: {  	s5 =	sshll.u32 s26, $0x1;
	_ =	strace $0x80000049;
	[dreg:$0x1] =	wrdreg $0xFFFFFFFF  }
0xa7: {  	s28 =	simm.s32 $_size_execute0_lowered;
	s3 =	sadd.s32 s3, s5;
	[dreg:$0x0] =	wrdreg $0x0  }
0xa8: {  	s5 =	sshll.u32 s28, $0x1;
	[dreg:$0x2] =	wrdreg s3  }
0xa9: {  	[dreg:$0x3] =	wrdreg s5  }
0xaa: {  	[dreg:$0x4] =	wrdreg $0xC0  }
0xab: {  	_ =	task [dreg:s7], $0x5FFFF  }
0xac: {  	[dreg:$0x1] =	wrdreg $0xFFFFFFFF  }
0xad: {  	[dreg:$0x0] =	wrdreg $0x60  }
0xae: {  	[dreg:$0x2] =	wrdreg s24  }
0xaf: {  	[dreg:$0x3] =	wrdreg s2  }
0xb0: {  	[dreg:$0x4] =	wrdreg $0x0  }
0xb1: {  	[dreg:$0x5] =	wrdreg $0x9  }
0xb2: {  	_ =	task.clear_ibuf [dreg:s7], $0x6FFFF;
	_ =	strace $0x90000049  }
0xb3: {  	s29 =	simm.s32 $0x9;
	_ =	strace $0x8000004B  }
0xb4: {  	_ =	swait.ge [sflag:s29], $0x1  }
0xb5: {  	[sflag:s29] =	ssyncadd.s32 $0xFFFFFFFF  }
0xb6: {  	_ =	strace $0x9000004B  }
0xb7: {  	_ =	sfence  }
0xb8: {  	s30 =	sld [smem:$0x0];
	_ =	sdelay $0x2  }
0xb9: {  	s31 =	sshll.u32 s1, $0xD;
	s1 =	sshrl.u32 s1, $0x2  }
0xba: {  	s3 =	sand.u32 $0x4000, s31;
	s1 =	sadd.s32 s1, s30  }
0xbb: {  	s0 =	sor.u32 s3, s0;
	s1 =	sshll.u32 s1, $0x11  }
0xbc: {  	s0 =	sor.u32 s1, s0  }
0xbd: {  	s0 =	sadd.s32 $0x8F2B, s0  }
0xbe: {  	[sflag:s0] =	ssyncadd.remote.s32 $0x1  }
0xbf: {  	_ =	sfence.sel $0xFFFF  }
0xc0: {  	[dreg:$0x0] =	wrdreg $0xFFFFFFFF;
	(pc) =	sbr.abs _section_cstart, $3  }
0xc1: {  	[dreg:$0x1] =	wrdreg $0xFFFFFFFF  }
0xc2: {  	_ =	task.clear_ibuf [dreg:s7], $0x2FFFF;
	_ =	strace $0x9FFFFFFF  }
0xc3: {  	(tm) =	ssettm $0x7FFFFFFF  }
tec
execute0_lowered:
.L_overlay_start_1:
0x0: {  	(tag) =	ssettag $0x1  }
0x1: {  	s0 =	rddreg [dreg:$0x0]  }
0x2: {  	s3 =	rddreg [dreg:$0x1]  }
0x3: {  	s1 =	rddreg [dreg:$0x2];
	s2 =	simm.s32 $0x0  }
0x4: {  	s4 =	srdreg.scid;
	s7 =	stileid.u32;
	s17 =	simm.s32 $0xA800  }
0x5: {  	s18 =	simm.s32 $0x3;
	s19 =	simm.s32 $0x7800;
	s20 =	simm.s32 $0x8000  }
0x6: {  	s21 =	simm.s32 $0x80;
	s22 =	simm.s32 $0x8800;
	s24 =	simm.s32 $0x9800  }
0x7: {  	s26 =	simm.s32 $0x1;
	s28 =	simm.s32 $0x2;
	s23 =	simm.s32 $0x8700  }
0x8: {  	s25 =	simm.s32 $0x8780;
	s29 =	simm.s32 $0x0;
	s5 =	sand.u32 $0x1, s4  }
0x9: {  	[smem:$0x7FF] =	sst s2;
	s4 =	sadd.s32 $0x4CE00, s0;
	s6 =	sshll.u32 s5, $0x4  }
0xa: {  	_ =	strace $0x8000004A;
	s5 =	ssub.s32 $0x2, s5;
	s6 =	sor.u32 s7, s6  }
0xb: {  	s7 =	smul.u32 $0x1E000, s7;
	s8 =	sshrl.u32 s5, $0x1;
	s14 =	sshll.u32 s6, $0x8  }
0xc: {  	s6 =	smul.u32 $0xF00, s6;
	s16 =	ssub.s32 s5, s8;
	s13 =	sadd.s32 s14, s0  }
0xd: {  	s7 =	sshrl.u32 s7, $0x2;
	s14 =	sadd.s32 s3, s14;
	s16 =	smax.u32 s16, $0x1  }
0xe: {  	s3 =	simm.s32 $0x8680;
	s0 =	sadd.s32 s6, s0;
	s5 =	sadd.s32 s7, s1  }
0xf: {  	s13 =	sadd.s32 $0x7DC00, s13;
	s6 =	sadd.s32 $0xF00, s5;
	s7 =	sadd.s32 $0x1E00, s5  }
0x10: {  	s8 =	sadd.s32 $0x2D00, s5;
	s9 =	sadd.s32 $0x3C00, s5;
	s10 =	sadd.s32 $0x4B00, s5  }
0x11: {  	v0 =	vimm.f32 $0.0e+00;
	s11 =	sadd.s32 $0x5A00, s5;
	s12 =	sadd.s32 $0x6900, s5;
	s15 =	sadd.s32 $0x5FA00, s0  }
.LBB2_1:
0x12: {  	s30 =	simm.s32 $0x80;
	s31 =	simm.s32 $0x0  }
.LBB2_2:
0x13: {  	p0 =	sne.s32 s30, $0x3B80;
	[tilespmem:s31+$0xA800] =	vst v0;
	s0 =	smov.u32 s30;
	s30 =	sadd.s32 $0x80, s30  }
.Ltmp0:
0x14: {  	[tilespmem:s31+$0xA810] =	vst v0;
	(pc) =	sbr.rel @p0 .LBB2_2-.Ltmp0, $2  }
0x15: {  	_ =	sdelay $0x2  }
0x16: {  	s31 =	sshra.s32 s0, $0x2  }
0x17: {  	[tilespmem:s31+$0xA800] =	vst v0  }
0x18: {  	[tilespmem:s31+$0xA810] =	vst v0  }
0x19: {  	[spmem:s5] =	stream.linear.scatter [tilespmem:s17], [sflag:$0x3], $0xF00, $0x38;
	[tilespmem:$0xB800] =	vst v63  }
0x1a: {  	_ =	swait.ge [sflag:s18], $0xF00  }
0x1b: {  	[sflag:s18] =	ssyncset.done $0x0  }
0x1c: {  	[sflag:s18] =	ssyncadd.s32 $0xFFFFF100  }
0x1d: {  	[spmem:s6] =	stream.linear.scatter [tilespmem:s17], [sflag:$0x3], $0xF00, $0x38;
	[tilespmem:$0xB800] =	vst v63  }
0x1e: {  	_ =	swait.ge [sflag:s18], $0xF00  }
0x1f: {  	[sflag:s18] =	ssyncset.done $0x0  }
0x20: {  	[sflag:s18] =	ssyncadd.s32 $0xFFFFF100  }
0x21: {  	[spmem:s7] =	stream.linear.scatter [tilespmem:s17], [sflag:$0x3], $0xF00, $0x38;
	[tilespmem:$0xB800] =	vst v63  }
0x22: {  	_ =	swait.ge [sflag:s18], $0xF00  }
0x23: {  	[sflag:s18] =	ssyncset.done $0x0  }
0x24: {  	[sflag:s18] =	ssyncadd.s32 $0xFFFFF100  }
0x25: {  	[spmem:s8] =	stream.linear.scatter [tilespmem:s17], [sflag:$0x3], $0xF00, $0x38;
	[tilespmem:$0xB800] =	vst v63  }
0x26: {  	_ =	swait.ge [sflag:s18], $0xF00  }
0x27: {  	[sflag:s18] =	ssyncset.done $0x0  }
0x28: {  	[sflag:s18] =	ssyncadd.s32 $0xFFFFF100  }
0x29: {  	[spmem:s9] =	stream.linear.scatter [tilespmem:s17], [sflag:$0x3], $0xF00, $0x38;
	[tilespmem:$0xB800] =	vst v63  }
0x2a: {  	_ =	swait.ge [sflag:s18], $0xF00  }
0x2b: {  	[sflag:s18] =	ssyncset.done $0x0  }
0x2c: {  	[sflag:s18] =	ssyncadd.s32 $0xFFFFF100  }
0x2d: {  	[spmem:s10] =	stream.linear.scatter [tilespmem:s17], [sflag:$0x3], $0xF00, $0x38;
	[tilespmem:$0xB800] =	vst v63  }
0x2e: {  	_ =	swait.ge [sflag:s18], $0xF00  }
0x2f: {  	[sflag:s18] =	ssyncset.done $0x0  }
0x30: {  	[sflag:s18] =	ssyncadd.s32 $0xFFFFF100  }
0x31: {  	[spmem:s11] =	stream.linear.scatter [tilespmem:s17], [sflag:$0x3], $0xF00, $0x38;
	[tilespmem:$0xB800] =	vst v63  }
0x32: {  	_ =	swait.ge [sflag:s18], $0xF00  }
0x33: {  	[sflag:s18] =	ssyncset.done $0x0  }
0x34: {  	[sflag:s18] =	ssyncadd.s32 $0xFFFFF100  }
0x35: {  	[spmem:s12] =	stream.linear.scatter [tilespmem:s17], [sflag:$0x3], $0xF00, $0x38;
	[tilespmem:$0xB800] =	vst v63  }
0x36: {  	_ =	swait.ge [sflag:s18], $0xF00  }
0x37: {  	[sflag:s18] =	ssyncset.done $0x0  }
0x38: {  	[sflag:s18] =	ssyncadd.s32 $0xFFFFF100  }
0x39: {  	[tilespmem:s19], [sflag:$0x3] =	stream.linear.gather [hbm4b:s13+s2], $0x800, $0x38;
	[tilespmem:$0xB800] =	vst v63  }
0x3a: {  	_ =	swait.ge [sflag:s18], $0x800  }
0x3b: {  	[sflag:s18] =	ssyncset.done $0x0  }
0x3c: {  	[sflag:s18] =	ssyncadd.s32 $0xFFFFF800  }
0x3d: {  	[tilespmem:s20], [sflag:$0x3] =	stream.linear.gather [hbm4b:s14+s2], $0x800, $0x38;
	[tilespmem:$0xB800] =	vst v63  }
0x3e: {  	_ =	swait.ge [sflag:s18], $0x800  }
0x3f: {  	[sflag:s18] =	ssyncset.done $0x0  }
0x40: {  	[sflag:s18] =	ssyncadd.s32 $0xFFFFF800  }
0x41: {  	[bflag:$0x0] =	sbarrier.arrive $0xFFFF  }
0x42: {  	[tilespmem:s22], [sflag:$0x1] =	stream.indirect.gather [hbm4b:s4+s21], $0x20, s19, s21, $0xb8;
	[tilespmem:$0xB800] =	vst v63  }
0x43: {  	s0 =	simm.s32 $0x7880  }
0x44: {  	[tilespmem:s24], [sflag:$0x1] =	stream.indirect.gather [hbm4b:s4+s21], $0x20, s0, s21, $0xb8;
	[tilespmem:$0xB800] =	vst v63  }
0x45: {  	s31 =	simm.s32 $0x7900  }
0x46: {  	[tilespmem:s17], [sflag:$0x1] =	stream.indirect.gather [hbm4b:s4+s21], $0x20, s31, s21, $0xb8;
	[tilespmem:$0xB800] =	vst v63  }
0x47: {  	_ =	swait.ge [sflag:s26], $0x1000  }
0x48: {  	[sflag:s26] =	ssyncset.done $0x0  }
0x49: {  	[sflag:s26] =	ssyncadd.s32 $0xFFFFF000  }
0x4a: {  	[spmem:s1] =	stream.indirect.scatter.add.f32 [tilespmem:s22], [sflag:$0x2], $0x20, s20, s21, $0xb8;
	[tilespmem:$0xB800] =	vst v63  }
0x4b: {  	_ =	swait.ge [sflag:s28], $0x1000  }
0x4c: {  	[sflag:s28] =	ssyncset.done $0x0  }
0x4d: {  	s30 =	simm.s32 $0x7980;
	[sflag:s28] =	ssyncadd.s32 $0xFFFFF000  }
0x4e: {  	[tilespmem:s22], [sflag:$0x1] =	stream.indirect.gather [hbm4b:s4+s21], $0x20, s30, s21, $0xb8;
	[tilespmem:$0xB800] =	vst v63  }
0x4f: {  	_ =	swait.ge [sflag:s26], $0x1000  }
0x50: {  	[sflag:s26] =	ssyncset.done $0x0  }
0x51: {  	s31 =	simm.s32 $0x8080;
	[sflag:s26] =	ssyncadd.s32 $0xFFFFF000  }
0x52: {  	[spmem:s1] =	stream.indirect.scatter.add.f32 [tilespmem:s24], [sflag:$0x2], $0x20, s31, s21, $0xb8;
	[tilespmem:$0xB800] =	vst v63  }
0x53: {  	_ =	swait.ge [sflag:s28], $0x1000  }
0x54: {  	[sflag:s28] =	ssyncset.done $0x0  }
0x55: {  	s30 =	simm.s32 $0x7A00;
	[sflag:s28] =	ssyncadd.s32 $0xFFFFF000  }
0x56: {  	[tilespmem:s24], [sflag:$0x1] =	stream.indirect.gather [hbm4b:s4+s21], $0x20, s30, s21, $0xb8;
	[tilespmem:$0xB800] =	vst v63  }
0x57: {  	_ =	swait.ge [sflag:s26], $0x1000  }
0x58: {  	[sflag:s26] =	ssyncset.done $0x0  }
0x59: {  	s31 =	simm.s32 $0x8100;
	[sflag:s26] =	ssyncadd.s32 $0xFFFFF000  }
0x5a: {  	[spmem:s1] =	stream.indirect.scatter.add.f32 [tilespmem:s17], [sflag:$0x2], $0x20, s31, s21, $0xb8;
	[tilespmem:$0xB800] =	vst v63  }
0x5b: {  	_ =	swait.ge [sflag:s28], $0x1000  }
0x5c: {  	[sflag:s28] =	ssyncset.done $0x0  }
0x5d: {  	s30 =	simm.s32 $0x7A80;
	[sflag:s28] =	ssyncadd.s32 $0xFFFFF000  }
0x5e: {  	[tilespmem:s17], [sflag:$0x1] =	stream.indirect.gather [hbm4b:s4+s21], $0x20, s30, s21, $0xb8;
	[tilespmem:$0xB800] =	vst v63  }
0x5f: {  	_ =	swait.ge [sflag:s26], $0x1000  }
0x60: {  	[sflag:s26] =	ssyncset.done $0x0  }
0x61: {  	s31 =	simm.s32 $0x8180;
	[sflag:s26] =	ssyncadd.s32 $0xFFFFF000  }
0x62: {  	[spmem:s1] =	stream.indirect.scatter.add.f32 [tilespmem:s22], [sflag:$0x2], $0x20, s31, s21, $0xb8;
	[tilespmem:$0xB800] =	vst v63  }
0x63: {  	_ =	swait.ge [sflag:s28], $0x1000  }
0x64: {  	[sflag:s28] =	ssyncset.done $0x0  }
0x65: {  	s30 =	simm.s32 $0x7B00;
	[sflag:s28] =	ssyncadd.s32 $0xFFFFF000  }
0x66: {  	[tilespmem:s22], [sflag:$0x1] =	stream.indirect.gather [hbm4b:s4+s21], $0x20, s30, s21, $0xb8;
	[tilespmem:$0xB800] =	vst v63  }
0x67: {  	_ =	swait.ge [sflag:s26], $0x1000  }
0x68: {  	[sflag:s26] =	ssyncset.done $0x0  }
0x69: {  	s31 =	simm.s32 $0x8200;
	[sflag:s26] =	ssyncadd.s32 $0xFFFFF000  }
0x6a: {  	[spmem:s1] =	stream.indirect.scatter.add.f32 [tilespmem:s24], [sflag:$0x2], $0x20, s31, s21, $0xb8;
	[tilespmem:$0xB800] =	vst v63  }
0x6b: {  	_ =	swait.ge [sflag:s28], $0x1000  }
0x6c: {  	[sflag:s28] =	ssyncset.done $0x0  }
0x6d: {  	s30 =	simm.s32 $0x7B80;
	[sflag:s28] =	ssyncadd.s32 $0xFFFFF000  }
0x6e: {  	[tilespmem:s24], [sflag:$0x1] =	stream.indirect.gather [hbm4b:s4+s21], $0x20, s30, s21, $0xb8;
	[tilespmem:$0xB800] =	vst v63  }
0x6f: {  	_ =	swait.ge [sflag:s26], $0x1000  }
0x70: {  	[sflag:s26] =	ssyncset.done $0x0  }
0x71: {  	s31 =	simm.s32 $0x8280;
	[sflag:s26] =	ssyncadd.s32 $0xFFFFF000  }
0x72: {  	[spmem:s1] =	stream.indirect.scatter.add.f32 [tilespmem:s17], [sflag:$0x2], $0x20, s31, s21, $0xb8;
	[tilespmem:$0xB800] =	vst v63  }
0x73: {  	_ =	swait.ge [sflag:s28], $0x1000  }
0x74: {  	[sflag:s28] =	ssyncset.done $0x0  }
0x75: {  	s30 =	simm.s32 $0x7C00;
	[sflag:s28] =	ssyncadd.s32 $0xFFFFF000  }
0x76: {  	[tilespmem:s17], [sflag:$0x1] =	stream.indirect.gather [hbm4b:s4+s21], $0x20, s30, s21, $0xb8;
	[tilespmem:$0xB800] =	vst v63  }
0x77: {  	_ =	swait.ge [sflag:s26], $0x1000  }
0x78: {  	[sflag:s26] =	ssyncset.done $0x0  }
0x79: {  	s31 =	simm.s32 $0x8300;
	[sflag:s26] =	ssyncadd.s32 $0xFFFFF000  }
0x7a: {  	[spmem:s1] =	stream.indirect.scatter.add.f32 [tilespmem:s22], [sflag:$0x2], $0x20, s31, s21, $0xb8;
	[tilespmem:$0xB800] =	vst v63  }
0x7b: {  	_ =	swait.ge [sflag:s28], $0x1000  }
0x7c: {  	[sflag:s28] =	ssyncset.done $0x0  }
0x7d: {  	s30 =	simm.s32 $0x7C80;
	[sflag:s28] =	ssyncadd.s32 $0xFFFFF000  }
0x7e: {  	[tilespmem:s22], [sflag:$0x1] =	stream.indirect.gather [hbm4b:s4+s21], $0x20, s30, s21, $0xb8;
	[tilespmem:$0xB800] =	vst v63  }
0x7f: {  	_ =	swait.ge [sflag:s26], $0x1000  }
0x80: {  	[sflag:s26] =	ssyncset.done $0x0  }
0x81: {  	s31 =	simm.s32 $0x8380;
	[sflag:s26] =	ssyncadd.s32 $0xFFFFF000  }
0x82: {  	[spmem:s1] =	stream.indirect.scatter.add.f32 [tilespmem:s24], [sflag:$0x2], $0x20, s31, s21, $0xb8;
	[tilespmem:$0xB800] =	vst v63  }
0x83: {  	_ =	swait.ge [sflag:s28], $0x1000  }
0x84: {  	[sflag:s28] =	ssyncset.done $0x0  }
0x85: {  	s30 =	simm.s32 $0x7D00;
	[sflag:s28] =	ssyncadd.s32 $0xFFFFF000  }
0x86: {  	[tilespmem:s24], [sflag:$0x1] =	stream.indirect.gather [hbm4b:s4+s21], $0x20, s30, s21, $0xb8;
	[tilespmem:$0xB800] =	vst v63  }
0x87: {  	_ =	swait.ge [sflag:s26], $0x1000  }
0x88: {  	[sflag:s26] =	ssyncset.done $0x0  }
0x89: {  	s31 =	simm.s32 $0x8400;
	[sflag:s26] =	ssyncadd.s32 $0xFFFFF000  }
0x8a: {  	[spmem:s1] =	stream.indirect.scatter.add.f32 [tilespmem:s17], [sflag:$0x2], $0x20, s31, s21, $0xb8;
	[tilespmem:$0xB800] =	vst v63  }
0x8b: {  	_ =	swait.ge [sflag:s28], $0x1000  }
0x8c: {  	[sflag:s28] =	ssyncset.done $0x0  }
0x8d: {  	s30 =	simm.s32 $0x7D80;
	[sflag:s28] =	ssyncadd.s32 $0xFFFFF000  }
0x8e: {  	[tilespmem:s17], [sflag:$0x1] =	stream.indirect.gather [hbm4b:s4+s21], $0x20, s30, s21, $0xb8;
	[tilespmem:$0xB800] =	vst v63  }
0x8f: {  	_ =	swait.ge [sflag:s26], $0x1000  }
0x90: {  	[sflag:s26] =	ssyncset.done $0x0  }
0x91: {  	s31 =	simm.s32 $0x8480;
	[sflag:s26] =	ssyncadd.s32 $0xFFFFF000  }
0x92: {  	[spmem:s1] =	stream.indirect.scatter.add.f32 [tilespmem:s22], [sflag:$0x2], $0x20, s31, s21, $0xb8;
	[tilespmem:$0xB800] =	vst v63  }
0x93: {  	_ =	swait.ge [sflag:s28], $0x1000  }
0x94: {  	[sflag:s28] =	ssyncset.done $0x0  }
0x95: {  	s30 =	simm.s32 $0x7E00;
	[sflag:s28] =	ssyncadd.s32 $0xFFFFF000  }
0x96: {  	[tilespmem:s22], [sflag:$0x1] =	stream.indirect.gather [hbm4b:s4+s21], $0x20, s30, s21, $0xb8;
	[tilespmem:$0xB800] =	vst v63  }
0x97: {  	_ =	swait.ge [sflag:s26], $0x1000  }
0x98: {  	[sflag:s26] =	ssyncset.done $0x0  }
0x99: {  	s31 =	simm.s32 $0x8500;
	[sflag:s26] =	ssyncadd.s32 $0xFFFFF000  }
0x9a: {  	[spmem:s1] =	stream.indirect.scatter.add.f32 [tilespmem:s24], [sflag:$0x2], $0x20, s31, s21, $0xb8;
	[tilespmem:$0xB800] =	vst v63  }
0x9b: {  	_ =	swait.ge [sflag:s28], $0x1000  }
0x9c: {  	[sflag:s28] =	ssyncset.done $0x0  }
0x9d: {  	s30 =	simm.s32 $0x7E80;
	[sflag:s28] =	ssyncadd.s32 $0xFFFFF000  }
0x9e: {  	[tilespmem:s24], [sflag:$0x1] =	stream.indirect.gather [hbm4b:s4+s21], $0x20, s30, s21, $0xb8;
	[tilespmem:$0xB800] =	vst v63  }
0x9f: {  	_ =	swait.ge [sflag:s26], $0x1000  }
0xa0: {  	[sflag:s26] =	ssyncset.done $0x0  }
0xa1: {  	s31 =	simm.s32 $0x8580;
	[sflag:s26] =	ssyncadd.s32 $0xFFFFF000  }
0xa2: {  	[spmem:s1] =	stream.indirect.scatter.add.f32 [tilespmem:s17], [sflag:$0x2], $0x20, s31, s21, $0xb8;
	[tilespmem:$0xB800] =	vst v63  }
0xa3: {  	_ =	swait.ge [sflag:s28], $0x1000  }
0xa4: {  	[sflag:s28] =	ssyncset.done $0x0  }
0xa5: {  	s30 =	simm.s32 $0x7F00;
	[sflag:s28] =	ssyncadd.s32 $0xFFFFF000  }
0xa6: {  	[tilespmem:s17], [sflag:$0x1] =	stream.indirect.gather [hbm4b:s4+s21], $0x20, s30, s21, $0xb8;
	[tilespmem:$0xB800] =	vst v63  }
0xa7: {  	_ =	swait.ge [sflag:s26], $0x1000  }
0xa8: {  	[sflag:s26] =	ssyncset.done $0x0  }
0xa9: {  	s31 =	simm.s32 $0x8600;
	[sflag:s26] =	ssyncadd.s32 $0xFFFFF000  }
0xaa: {  	[spmem:s1] =	stream.indirect.scatter.add.f32 [tilespmem:s22], [sflag:$0x2], $0x20, s31, s21, $0xb8;
	[tilespmem:$0xB800] =	vst v63  }
0xab: {  	_ =	swait.ge [sflag:s28], $0x1000  }
0xac: {  	[sflag:s28] =	ssyncset.done $0x0  }
0xad: {  	s30 =	simm.s32 $0x7F80;
	[sflag:s28] =	ssyncadd.s32 $0xFFFFF000  }
0xae: {  	[tilespmem:s22], [sflag:$0x1] =	stream.indirect.gather [hbm4b:s4+s21], $0x20, s30, s21, $0xb8;
	[tilespmem:$0xB800] =	vst v63  }
0xaf: {  	_ =	swait.ge [sflag:s26], $0x1000  }
0xb0: {  	[sflag:s26] =	ssyncset.done $0x0  }
0xb1: {  	[sflag:s26] =	ssyncadd.s32 $0xFFFFF000  }
0xb2: {  	[spmem:s1] =	stream.indirect.scatter.add.f32 [tilespmem:s24], [sflag:$0x2], $0x20, s3, s21, $0xb8;
	[tilespmem:$0xB800] =	vst v63  }
0xb3: {  	_ =	swait.ge [sflag:s26], $0x1000  }
0xb4: {  	[sflag:s26] =	ssyncset.done $0x0  }
0xb5: {  	[sflag:s26] =	ssyncadd.s32 $0xFFFFF000  }
0xb6: {  	[spmem:s1] =	stream.indirect.scatter.add.f32 [tilespmem:s17], [sflag:$0x2], $0x20, s23, s21, $0xb8;
	[tilespmem:$0xB800] =	vst v63  }
0xb7: {  	_ =	swait.ge [sflag:s26], $0x1000  }
0xb8: {  	[sflag:s26] =	ssyncset.done $0x0  }
0xb9: {  	[sflag:s26] =	ssyncadd.s32 $0xFFFFF000  }
0xba: {  	[spmem:s1] =	stream.indirect.scatter.add.f32 [tilespmem:s22], [sflag:$0x2], $0x20, s25, s21, $0xb8;
	[tilespmem:$0xB800] =	vst v63  }
0xbb: {  	_ =	swait.ge [sflag:s28], $0x1000  }
0xbc: {  	[sflag:s28] =	ssyncset.done $0x0  }
0xbd: {  	[sflag:s28] =	ssyncadd.s32 $0xFFFFF000  }
0xbe: {  	_ =	swait.ge [sflag:s28], $0x1000  }
0xbf: {  	[sflag:s28] =	ssyncset.done $0x0  }
0xc0: {  	[sflag:s28] =	ssyncadd.s32 $0xFFFFF000  }
0xc1: {  	s31 =	stileid.u32;
	_ =	swait.ge [sflag:s28], $0x1000  }
0xc2: {  	s29 =	sadd.s32 $0x1, s29;
	s0 =	sshll.u32 s31, $0x6;
	[sflag:s28] =	ssyncset.done $0x0  }
0xc3: {  	p0 =	sne.s32 s29, s16;
	s0 =	sor.u32 $0x1C03, s0;
	[sflag:s28] =	ssyncadd.s32 $0xFFFFF000  }
.Ltmp1:
0xc4: {  	s30 =	sshrl.u32 s5, $0x3;
	[bflag:$0x0] =	sbarrier.arrive $0xFFFF;
	(pc) =	sbr.rel @p0 .LBB2_1-.Ltmp1, $4  }
0xc5: {  	[hbm:s15], [sflag:s0] =	dma.local [spmem:s30], $0xF00  }
0xc6: {  	_ =	swait.ge [sflag:s18], $0xF00  }
0xc7: {  	[sflag:s18] =	ssyncset.done $0x0  }
0xc8: {  	[sflag:s18] =	ssyncadd.s32 $0xFFFFF100  }
0xc9: {  	_ =	sfence.sel $0x180000  }
0xca: {  	[bflag:$0x0] =	sbarrier.arrive $0xFFFF  }
0xcb: {  	_ =	strace $0x9000004A  }
0xcc: {  	s0 =	stileid.u32;
	[bflag:$0x2] =	sbarrier.arrive $0xFFFF  }
0xcd: {  	p0 =	sne.s32 s0, $0x0;
	s0 =	rddreg [dreg:$0x3]  }
0xce: {  	s0 =	sadd.s32 @!p0 $0x100000, s0  }
0xcf: {  	[sflag:s0] =	ssyncadd.tile.s32 @!p0 $0x1;
	_ =	shalt  }
.Lfunc_end2:
_tile_overlayer_lowered:
.L_overlay_start_2:
0xd0: {  	(tag) =	ssettag $0x2  }
0xd1: {  	s0 =	rddreg [dreg:$0x0];
	s2 =	stileid.u32  }
0xd2: {  	s1 =	rddreg [dreg:$0x1];
	p0 =	sne.s32 s2, $0x0  }
0xd3: {  	s3 =	rddreg [dreg:$0x2];
	[bflag:$0x3] =	sbarrier.arrive $0xFFFF;
	s2 =	simm.s32 @!p0 $0x1C03  }
0xd4: {  	[timem:s3], [sflag:s2] =	dma.local @!p0 [hbm:s0], s1  }
0xd5: {  	s0 =	simm.s32 @!p0 $0x3  }
0xd6: {  	_ =	swait.ge @!p0 [sflag:s0], s1  }
0xd7: {  	s1 =	ssub.s32 @!p0 $0x0, s1;
	[sflag:s0] =	ssyncset.done @!p0 $0x0  }
0xd8: {  	[sflag:s0] =	ssyncadd.s32 @!p0 s1  }
0xd9: {  	[bflag:$0x3] =	sbarrier.arrive $0xFFFF  }
0xda: {  	_ =	shalt  }

// kernel: kernel.7.cloned.1.call-start
scs
__scs_entry_jumppad:
0x0: {  	(pc) =	sbr.rel $0x88, $3  }
0x1: {  	(tag) =	ssettag $0x0;
	lr =	simm.s32 $0x1  }
0x2: {  	[smem:$0x3F98] =	sst lr;
	_ =	strace $0xD0000000  }
0x3: {  	_ = 	snop  }
0x4: {  	_ = 	snop  }
0x5: {  	_ = 	snop  }
0x6: {  	_ = 	snop  }
0x7: {  	_ = 	snop  }
__scs_overlays_trampoline_lowered:
0x8: {  	[smem:$0x3FA7] =	sst s0  }
0x9: {  	[smem:$0x3FA8] =	sst s1  }
0xa: {  	[smem:$0x3FA9] =	sst s2  }
0xb: {  	[smem:$0x3FAA] =	sst s3  }
0xc: {  	[smem:$0x3FAB] =	sst s4  }
0xd: {  	[smem:$0x3FAC] =	sst s5  }
0xe: {  	[smem:$0x3FAD] =	sst s6  }
0xf: {  	[smem:$0x3FAE] =	sst s7  }
0x10: {  	[smem:$0x3FAF] =	sst s8  }
0x11: {  	[smem:$0x3FB0] =	sst s9;
	s0 =	simm.s32 @!p0 $0x0  }
0x12: {  	s1 =	sld [smem:$0x3F96];
	s0 =	simm.s32 @p0 $0x1  }
0x13: {  	[smem:$0x3FB1] =	sst s0;
	s0 =	simm.s32 @!p1 $0x0  }
0x14: {  	s2 =	sld [smem:$0x3F95];
	s0 =	simm.s32 @p1 $0x1  }
0x15: {  	[smem:$0x3FB2] =	sst s0;
	s0 =	simm.s32 @!p2 $0x0  }
0x16: {  	s3 =	sld [smem:$0x3FDB];
	s0 =	simm.s32 @p2 $0x1  }
0x17: {  	s4 =	simm.s32 $0x1BF5;
	[smem:$0x3FB4] =	sst s0  }
0x18: {  	s0 =	sld [smem:$0x3F97];
	_ =	swait.ge [sflag:s4], $0x0  }
0x19: {  	s7 =	sld [smem:$0x3F98]  }
0x1a: {  	s8 =	sadd.s32 $0xFFFFE003, lr  }
0x1b: {  	s9 =	sadd.s32 $0xFFFFFEF7, lr;
	s5 =	simm.s32 $0xFFFFFFFF;
	p2 =	slt.u32 s8, $0xFFFFF086  }
0x1c: {  	p1 =	slt.u32 s9, $0xF7A;
	s5 =	simm.s32 @!p2 $0x0  }
0x1d: {  	s5 =	simm.s32 @p1 $0x1;
	p0 =	seq.s32 s7, s2  }
0x1e: {  	s7 =	smul.u32 @!p0 $0xF7A, s2;
	p2 =	seq.s32 @!p0 s5, $0x0  }
0x1f: {  	s9 =	smul.u32 $0xF7A, s1;
	s8 =	simm.s32 @!p0 $0x1BF5;
	p2 =	por !p2, p0  }
0x20: {  	[sflag:s8] =	ssyncset.s32 @!p0 $0xFFFFF086;
	s6 =	sadd.s32 @!p0 s3, s7;
	s7 =	simm.s32 @!p0 $0x108  }
0x21: {  	s3 =	sadd.s32 s3, s9;
	s6 =	sadd.s32 @!p0 $0x88, s6;
	s7 =	simm.s32 @p2 $0x1082  }
0x22: {  	[simem:s7], [sflag:s8] =	dma.local @!p0 [hbm:s6], $0xF7A  }
0x23: {  	s9 =	sor.u32 $0xD0000000, s2;
	s6 =	simm.s32 $0x108;
	_ =	swait.ge @!p0 [sflag:s8], $0x0  }
0x24: {  	s3 =	sadd.s32 $0x88, s3;
	s6 =	simm.s32 @!p1 $0x1082;
	[sflag:s4] =	ssyncset.s32 $0xFFFFF086  }
0x25: {  	[simem:s6], [sflag:s4] =	dma.local [hbm:s3], $0xF7A  }
0x26: {  	[smem:$0x3F98] =	sst s1;
	(tag) =	ssettag s2;
	_ =	strace s9  }
0x27: {  	s1 =	sld [smem:$0x3FA8]  }
0x28: {  	s2 =	sld [smem:$0x3FA9]  }
0x29: {  	s4 =	sld [smem:$0x3FAB]  }
0x2a: {  	p0 =	seq.s32 s5, $0x0;
	s5 =	sld [smem:$0x3FAC]  }
0x2b: {  	s6 =	sld [smem:$0x3FAD]  }
0x2c: {  	s7 =	sld [smem:$0x3FAE]  }
0x2d: {  	s3 =	simm.s32 $0x108;
	s8 =	sld [smem:$0x3FAF]  }
0x2e: {  	s3 =	simm.s32 @!p0 $0x1082;
	s9 =	sld [smem:$0x3FB0]  }
0x2f: {  	lr =	sadd.s32 s0, s3;
	s0 =	sld [smem:$0x3FA7]  }
0x30: {  	s3 =	sld [smem:$0x3FAA]  }
0x31: {  	[smem:$0x3FB3] =	sst s10  }
0x32: {  	s10 =	sld [smem:$0x3FB1];
	_ =	sdelay $0x3  }
0x33: {  	p0 =	seq.s32 s10, $0x1;
	s10 =	sld [smem:$0x3FB3];
	_ =	sdelay $0x3  }
0x34: {  	[smem:$0x3FB3] =	sst s10  }
0x35: {  	s10 =	sld [smem:$0x3FB2];
	_ =	sdelay $0x3  }
0x36: {  	p1 =	seq.s32 s10, $0x1;
	s10 =	sld [smem:$0x3FB3];
	_ =	sdelay $0x3  }
0x37: {  	[smem:$0x3FB3] =	sst s10  }
0x38: {  	s10 =	sld [smem:$0x3FB4]  }
0x39: {  	_ = 	snop;
	(pc) =	sbr.ind lr, $3  }
0x3a: {  	_ = 	snop  }
0x3b: {  	_ = 	snop  }
0x3c: {  	p2 =	seq.s32 s10, $0x1;
	s10 =	sld [smem:$0x3FB3]  }
0x3d: {  	_ =	shalt  }
0x3e: {  	_ =	shalt  }
0x3f: {  	_ =	shalt  }
0x40: {  	_ =	shalt  }
0x41: {  	_ =	shalt  }
0x42: {  	_ =	shalt  }
0x43: {  	_ =	shalt  }
0x44: {  	_ =	shalt  }
0x45: {  	_ =	shalt  }
0x46: {  	_ =	shalt  }
0x47: {  	_ =	shalt  }
0x48: {  	_ =	shalt  }
0x49: {  	_ =	shalt  }
0x4a: {  	_ =	shalt  }
0x4b: {  	_ =	shalt  }
0x4c: {  	_ =	shalt  }
0x4d: {  	_ =	shalt  }
0x4e: {  	_ =	shalt  }
0x4f: {  	_ =	shalt  }
0x50: {  	_ =	shalt  }
0x51: {  	_ =	shalt  }
0x52: {  	_ =	shalt  }
0x53: {  	_ =	shalt  }
0x54: {  	_ =	shalt  }
0x55: {  	_ =	shalt  }
0x56: {  	_ =	shalt  }
0x57: {  	_ =	shalt  }
0x58: {  	_ =	shalt  }
0x59: {  	_ =	shalt  }
0x5a: {  	_ =	shalt  }
0x5b: {  	_ =	shalt  }
0x5c: {  	_ =	shalt  }
0x5d: {  	_ =	shalt  }
0x5e: {  	_ =	shalt  }
0x5f: {  	_ =	shalt  }
0x60: {  	_ =	shalt  }
0x61: {  	_ =	shalt  }
0x62: {  	_ =	shalt  }
0x63: {  	_ =	shalt  }
0x64: {  	_ =	shalt  }
0x65: {  	_ =	shalt  }
0x66: {  	_ =	shalt  }
0x67: {  	_ =	shalt  }
0x68: {  	_ =	shalt  }
0x69: {  	_ =	shalt  }
0x6a: {  	_ =	shalt  }
0x6b: {  	_ =	shalt  }
0x6c: {  	_ =	shalt  }
0x6d: {  	_ =	shalt  }
0x6e: {  	_ =	shalt  }
0x6f: {  	_ =	shalt  }
0x70: {  	_ =	shalt  }
0x71: {  	_ =	shalt  }
0x72: {  	_ =	shalt  }
0x73: {  	_ =	shalt  }
0x74: {  	_ =	shalt  }
0x75: {  	_ =	shalt  }
0x76: {  	_ =	shalt  }
0x77: {  	_ =	shalt  }
0x78: {  	_ =	shalt  }
0x79: {  	_ =	shalt  }
0x7a: {  	_ =	shalt  }
0x7b: {  	_ =	shalt  }
0x7c: {  	_ =	shalt  }
0x7d: {  	_ =	shalt  }
0x7e: {  	_ =	shalt  }
0x7f: {  	_ =	shalt  }
0x80: {  	_ =	shalt  }
0x81: {  	_ =	shalt  }
0x82: {  	_ =	shalt  }
0x83: {  	_ =	shalt  }
0x84: {  	_ =	shalt  }
0x85: {  	_ =	shalt  }
0x86: {  	_ =	shalt  }
0x87: {  	_ =	shalt  }
.Lfunc_end0:
.L_simem_size_0:
called_computation_lowered:
.L_overlay_start_0:
0x88: {  	s2 =	sld [smem:$0x3FD9]  }
0x89: {  	s3 =	sld [smem:$0x3FFE];
	_ =	sdelay $0x1  }
0x8a: {  	s1 =	srdreg.scid  }
0x8b: {  	s0 =	sand.u32 $0x1, s1  }
0x8c: {  	s16 =	sshll.u32 s0, $0xA;
	s2 =	sadd.s32 s3, s2  }
0x8d: {  	s2 =	sadd.s32 s2, s16  }
0x8e: {  	[smem:$0x3FBF] =	sst s2  }
0x8f: {  	_ = 	snop  }
0x90: {  	(tm) =	ssettm $0x1  }
0x91: {  	s17 =	sld [smem:$0x3FFB];
	_ =	sdelay $0x3  }
0x92: {  	_ =	strace s17  }
0x93: {  	s2 =	sld [smem:$0x3FFC];
	_ =	sdelay $0x3  }
0x94: {  	_ =	strace s2  }
0x95: {  	s2 =	sld [smem:$0x3FFD];
	_ =	sdelay $0x3  }
0x96: {  	_ =	strace s2  }
0x97: {  	_ =	strace $0x8FFFFFFF  }
0x98: {  	s18 =	sld [smem:$0x3FDB];
	_ =	sdelay $0x1  }
0x99: {  	s19 =	simm.s32 $_scs_section_size  }
0x9a: {  	s4 =	simm.s32 $_size__tile_overlayer_lowered;
	s5 =	simm.s32 $_tile_overlayer_lowered  }
0x9b: {  	s22 =	simm.s32 $0x1BFF;
	s21 =	sshll.u32 s5, $0x1;
	s2 =	sadd.s32 s19, s18  }
0x9c: {  	s6 =	simm.s32 $0x0;
	s20 =	sshll.u32 s4, $0x1;
	s4 =	sadd.s32 s21, s2  }
0x9d: {  	[timem:s6], [sflag:s22] =	dma.local [hbm:s4], s20  }
0x9e: {  	_ =	swait.ge [sflag:s22], s20  }
0x9f: {  	s3 =	ssub.s32 $0x0, s20;
	[sflag:s22] =	ssyncset.done $0x0  }
0xa0: {  	[sflag:s22] =	ssyncadd.s32 s3;
	_ =	sdelay $0x1  }
0xa1: {  	s23 =	simm.s32 $0x1B8B  }
0xa2: {  	_ =	swait.ge [sflag:s23], $0x1  }
0xa3: {  	[sflag:s23] =	ssyncset.done $0x0  }
0xa4: {  	s25 =	simm.s32 $0x1B8E;
	s24 =	sld [smem:$0x3FFE];
	[sflag:s23] =	ssyncadd.s32 $0xFFFFFFFF  }
0xa5: {  	s26 =	simm.s32 $execute0_lowered;
	[smem:$0x3FD2] =	sst s25  }
0xa6: {  	s4 =	sshll.u32 s26, $0x1;
	_ =	strace $0x80000046;
	[dreg:$0x1] =	wrdreg $0xFFFFFFFF  }
0xa7: {  	s28 =	simm.s32 $_size_execute0_lowered;
	s2 =	sadd.s32 s2, s4;
	[dreg:$0x0] =	wrdreg $0x0  }
0xa8: {  	s4 =	sshll.u32 s28, $0x1;
	[dreg:$0x2] =	wrdreg s2  }
0xa9: {  	[dreg:$0x3] =	wrdreg s4  }
0xaa: {  	[dreg:$0x4] =	wrdreg $0xC0  }
0xab: {  	_ =	task [dreg:s6], $0x5FFFF  }
0xac: {  	[dreg:$0x1] =	wrdreg $0xFFFFFFFF  }
0xad: {  	[dreg:$0x0] =	wrdreg $0x60  }
0xae: {  	[dreg:$0x2] =	wrdreg s24  }
0xaf: {  	[dreg:$0x3] =	wrdreg $0x0  }
0xb0: {  	[dreg:$0x4] =	wrdreg $0x9  }
0xb1: {  	_ =	task.clear_ibuf [dreg:s6], $0x5FFFF;
	_ =	strace $0x90000046  }
0xb2: {  	s29 =	simm.s32 $0x9;
	_ =	strace $0x80000048  }
0xb3: {  	_ =	swait.ge [sflag:s29], $0x1  }
0xb4: {  	[sflag:s29] =	ssyncadd.s32 $0xFFFFFFFF  }
0xb5: {  	_ =	strace $0x90000048  }
0xb6: {  	_ =	sfence  }
0xb7: {  	s30 =	sld [smem:$0x0];
	_ =	sdelay $0x2  }
0xb8: {  	s31 =	sshll.u32 s1, $0xD;
	s1 =	sshrl.u32 s1, $0x2  }
0xb9: {  	s3 =	sand.u32 $0x4000, s31;
	s1 =	sadd.s32 s1, s30  }
0xba: {  	s0 =	sor.u32 s3, s0;
	s1 =	sshll.u32 s1, $0x11  }
0xbb: {  	s0 =	sor.u32 s1, s0  }
0xbc: {  	s0 =	sadd.s32 $0x8F2B, s0  }
0xbd: {  	[sflag:s0] =	ssyncadd.remote.s32 $0x1  }
0xbe: {  	_ =	sfence.sel $0xFFFF  }
0xbf: {  	[dreg:$0x0] =	wrdreg $0xFFFFFFFF;
	(pc) =	sbr.abs _section_cstart, $3  }
0xc0: {  	[dreg:$0x1] =	wrdreg $0xFFFFFFFF  }
0xc1: {  	_ =	task.clear_ibuf [dreg:s6], $0x2FFFF;
	_ =	strace $0x9FFFFFFF  }
0xc2: {  	(tm) =	ssettm $0x7FFFFFFF  }
0xc3: {  	_ =	shalt  }
tec
execute0_lowered:
.L_overlay_start_1:
0x0: {  	(tag) =	ssettag $0x1  }
0x1: {  	s0 =	rddreg [dreg:$0x0]  }
0x2: {  	s1 =	rddreg [dreg:$0x1];
	s2 =	srdreg.scid;
	s5 =	simm.s32 $0x0  }
0x3: {  	s4 =	stileid.u32;
	s2 =	sand.u32 $0x1, s2;
	[smem:$0x7FF] =	sst s5  }
0x4: {  	s23 =	smul.u32 $0x4B000, s4;
	s3 =	sshll.u32 s2, $0x4;
	_ =	strace $0x80000047  }
0x5: {  	s2 =	ssub.s32 $0x2, s2;
	s3 =	sor.u32 s4, s3;
	s4 =	sadd.s32 $0x4CE00, s0  }
0x6: {  	s5 =	sshrl.u32 s23, $0x2;
	s24 =	sshrl.u32 s2, $0x1;
	s6 =	sshll.u32 s3, $0x8  }
0x7: {  	s5 =	sadd.s32 s5, s1;
	s9 =	smul.u32 $0x1E000, s3;
	s2 =	ssub.s32 s2, s24  }
0x8: {  	s3 =	smul.u32 $0x3C00, s3;
	s8 =	sadd.s32 s6, s0;
	s22 =	smax.u32 s2, $0x1  }
0x9: {  	s0 =	sadd.s32 $0x7FC00, s0;
	s23 =	sadd.s32 $0x12C0, s5;
	[dreg:$0x13] =	wrdreg s22  }
0xa: {  	s9 =	sshrl.u32 s9, $0x3;
	s10 =	sadd.s32 $0x7DC00, s8;
	[dreg:$0x14] =	wrdreg s23  }
0xb: {  	s8 =	sadd.s32 $0x7BC00, s8;
	[dreg:$0x3] =	wrdreg s10;
	s25 =	sadd.s32 s0, s9  }
0xc: {  	[dreg:$0x4] =	wrdreg s8;
	s26 =	sadd.s32 $0x780, s25  }
0xd: {  	s10 =	sadd.s32 s0, s3;
	s3 =	sadd.s32 $0xB40, s25;
	[dreg:$0x5] =	wrdreg s26  }
0xe: {  	s9 =	sadd.s32 $0xF00, s25;
	[dreg:$0x6] =	wrdreg s3  }
0xf: {  	s11 =	sadd.s32 $0x12C0, s25;
	[dreg:$0x7] =	wrdreg s9  }
0x10: {  	s12 =	sadd.s32 $0x1680, s25;
	[dreg:$0x8] =	wrdreg s11  }
0x11: {  	s13 =	sadd.s32 $0x1A40, s25;
	[dreg:$0x9] =	wrdreg s12  }
0x12: {  	s6 =	sadd.s32 $0x2580, s5;
	s14 =	sadd.s32 $0x1E00, s25;
	[dreg:$0xa] =	wrdreg s13  }
0x13: {  	s7 =	sadd.s32 $0x4B00, s5;
	s15 =	sadd.s32 $0x21C0, s25;
	[dreg:$0xb] =	wrdreg s14  }
0x14: {  	s28 =	sadd.s32 $0x9600, s5;
	s16 =	sadd.s32 $0x2580, s25;
	[dreg:$0xc] =	wrdreg s15  }
0x15: {  	s29 =	sadd.s32 $0xBB80, s5;
	s17 =	sadd.s32 $0x2940, s25;
	[dreg:$0xd] =	wrdreg s16  }
0x16: {  	s30 =	sadd.s32 $0xE100, s5;
	s18 =	sadd.s32 $0x2D00, s25;
	[dreg:$0xe] =	wrdreg s17  }
0x17: {  	s31 =	sadd.s32 $0x10680, s5;
	s19 =	sadd.s32 $0x30C0, s25;
	[dreg:$0xf] =	wrdreg s18  }
0x18: {  	s22 =	simm.s32 $0x1B400;
	s20 =	sadd.s32 $0x3480, s25;
	[dreg:$0x10] =	wrdreg s19  }
0x19: {  	s23 =	simm.s32 $0x1D200;
	s21 =	sadd.s32 $0x3840, s25;
	[dreg:$0x11] =	wrdreg s20  }
0x1a: {  	s8 =	sadd.s32 $0x5DC0, s5;
	s24 =	sadd.s32 $0x3C0, s10;
	[dreg:$0x12] =	wrdreg s21  }
0x1b: {  	s25 =	sadd.s32 $0x3840, s5;
	s26 =	sadd.s32 $0x7080, s5;
	[dreg:$0x15] =	wrdreg s24  }
0x1c: {  	[dreg:$0x16] =	wrdreg s25;
	s9 =	sadd.s32 $0x8340, s5;
	s11 =	sadd.s32 $0xA8C0, s5  }
0x1d: {  	s12 =	sadd.s32 $0xCE40, s5;
	s13 =	sadd.s32 $0xF3C0, s5;
	s14 =	sadd.s32 $0x11940, s5  }
0x1e: {  	s15 =	simm.s32 $0x18C00;
	s16 =	simm.s32 $0x3;
	s18 =	simm.s32 $0x80  }
0x1f: {  	s17 =	simm.s32 $0x13C00;
	s19 =	simm.s32 $0x16400;
	s20 =	simm.s32 $0x1  }
0x20: {  	v0 =	vimm.f32 $0.0e+00;
	s21 =	simm.s32 $0x2;
	s24 =	simm.s32 $0x0;
	s3 =	simm.s32 $0x13400  }
.LBB2_1:
0x21: {  	s2 =	simm.s32 $0x140;
	s0 =	simm.s32 $0x0  }
.LBB2_2:
0x22: {  	p0 =	sne.s32 s2, $0x94C0;
	[tilespmem:s0+$0x18C40] =	vst v0;
	s25 =	smov.u32 s2;
	s2 =	sadd.s32 $0x140, s2  }
.Ltmp0:
0x23: {  	[tilespmem:s0+$0x18C30] =	vst v0;
	(pc) =	sbr.rel @p0 .LBB2_2-.Ltmp0, $4  }
0x24: {  	[tilespmem:s0+$0x18C20] =	vst v0  }
0x25: {  	[tilespmem:s0+$0x18C00] =	vst v0  }
0x26: {  	[tilespmem:s0+$0x18C10] =	vst v0  }
0x27: {  	s0 =	sshra.s32 s25, $0x2  }
0x28: {  	[tilespmem:s0+$0x18C40] =	vst v0  }
0x29: {  	[tilespmem:s0+$0x18C30] =	vst v0  }
0x2a: {  	[tilespmem:s0+$0x18C20] =	vst v0  }
0x2b: {  	[tilespmem:s0+$0x18C00] =	vst v0  }
0x2c: {  	[tilespmem:s0+$0x18C10] =	vst v0  }
0x2d: {  	[spmem:s5] =	stream.linear.scatter [tilespmem:s15], [sflag:$0x3], $0x2580, $0x38;
	[tilespmem:$0x1F000] =	vst v63  }
0x2e: {  	_ =	swait.ge [sflag:s16], $0x2580  }
0x2f: {  	[sflag:s16] =	ssyncset.done $0x0  }
0x30: {  	[sflag:s16] =	ssyncadd.s32 $0xFFFFDA80  }
0x31: {  	[spmem:s6] =	stream.linear.scatter [tilespmem:s15], [sflag:$0x3], $0x2580, $0x38;
	[tilespmem:$0x1F000] =	vst v63  }
0x32: {  	_ =	swait.ge [sflag:s16], $0x2580  }
0x33: {  	[sflag:s16] =	ssyncset.done $0x0  }
0x34: {  	[sflag:s16] =	ssyncadd.s32 $0xFFFFDA80  }
0x35: {  	[spmem:s7] =	stream.linear.scatter [tilespmem:s15], [sflag:$0x3], $0x2580, $0x38;
	[tilespmem:$0x1F000] =	vst v63  }
0x36: {  	_ =	swait.ge [sflag:s16], $0x2580  }
0x37: {  	[sflag:s16] =	ssyncset.done $0x0  }
0x38: {  	[sflag:s16] =	ssyncadd.s32 $0xFFFFDA80  }
0x39: {  	[spmem:s26] =	stream.linear.scatter [tilespmem:s15], [sflag:$0x3], $0x2580, $0x38;
	[tilespmem:$0x1F000] =	vst v63  }
0x3a: {  	_ =	swait.ge [sflag:s16], $0x2580  }
0x3b: {  	[sflag:s16] =	ssyncset.done $0x0  }
0x3c: {  	[sflag:s16] =	ssyncadd.s32 $0xFFFFDA80  }
0x3d: {  	[spmem:s28] =	stream.linear.scatter [tilespmem:s15], [sflag:$0x3], $0x2580, $0x38;
	[tilespmem:$0x1F000] =	vst v63  }
0x3e: {  	_ =	swait.ge [sflag:s16], $0x2580  }
0x3f: {  	[sflag:s16] =	ssyncset.done $0x0  }
0x40: {  	[sflag:s16] =	ssyncadd.s32 $0xFFFFDA80  }
0x41: {  	[spmem:s29] =	stream.linear.scatter [tilespmem:s15], [sflag:$0x3], $0x2580, $0x38;
	[tilespmem:$0x1F000] =	vst v63  }
0x42: {  	_ =	swait.ge [sflag:s16], $0x2580  }
0x43: {  	[sflag:s16] =	ssyncset.done $0x0  }
0x44: {  	[sflag:s16] =	ssyncadd.s32 $0xFFFFDA80  }
0x45: {  	[spmem:s30] =	stream.linear.scatter [tilespmem:s15], [sflag:$0x3], $0x2580, $0x38;
	[tilespmem:$0x1F000] =	vst v63  }
0x46: {  	_ =	swait.ge [sflag:s16], $0x2580  }
0x47: {  	[sflag:s16] =	ssyncset.done $0x0  }
0x48: {  	[sflag:s16] =	ssyncadd.s32 $0xFFFFDA80  }
0x49: {  	[spmem:s31] =	stream.linear.scatter [tilespmem:s15], [sflag:$0x3], $0x2580, $0x38;
	[tilespmem:$0x1F000] =	vst v63  }
0x4a: {  	_ =	swait.ge [sflag:s16], $0x2580  }
0x4b: {  	s0 =	simm.s32 $0x0;
	[sflag:s16] =	ssyncset.done $0x0  }
0x4c: {  	s25 =	simm.s32 $0x12C00;
	s2 =	rddreg [dreg:$0x3];
	[sflag:s16] =	ssyncadd.s32 $0xFFFFDA80  }
0x4d: {  	[tilespmem:s25], [sflag:$0x3] =	stream.linear.gather [hbm4b:s2+s0], $0x800, $0x38;
	[tilespmem:$0x1F000] =	vst v63  }
0x4e: {  	_ =	swait.ge [sflag:s16], $0x800  }
0x4f: {  	[sflag:s16] =	ssyncset.done $0x0  }
0x50: {  	s2 =	rddreg [dreg:$0x4];
	[sflag:s16] =	ssyncadd.s32 $0xFFFFF800  }
0x51: {  	[tilespmem:s3], [sflag:$0x3] =	stream.linear.gather [hbm4b:s2+s0], $0x800, $0x38;
	[tilespmem:$0x1F000] =	vst v63  }
0x52: {  	_ =	swait.ge [sflag:s16], $0x800  }
0x53: {  	[sflag:s16] =	ssyncset.done $0x0  }
0x54: {  	[sflag:s16] =	ssyncadd.s32 $0xFFFFF800  }
0x55: {  	[bflag:$0x0] =	sbarrier.arrive $0xFFFF  }
0x56: {  	[tilespmem:s17], [sflag:$0x1] =	stream.indirect.gather [hbm4b:s4+s18], $0x50, s25, s18, $0xb8;
	[tilespmem:$0x1F000] =	vst v63  }
0x57: {  	s25 =	simm.s32 $0x12C80  }
0x58: {  	[tilespmem:s19], [sflag:$0x1] =	stream.indirect.gather [hbm4b:s4+s18], $0x50, s25, s18, $0xb8;
	[tilespmem:$0x1F000] =	vst v63  }
0x59: {  	s2 =	simm.s32 $0x12D00  }
0x5a: {  	[tilespmem:s15], [sflag:$0x1] =	stream.indirect.gather [hbm4b:s4+s18], $0x50, s2, s18, $0xb8;
	[tilespmem:$0x1F000] =	vst v63  }
0x5b: {  	_ =	swait.ge [sflag:s20], $0x2800  }
0x5c: {  	[sflag:s20] =	ssyncset.done $0x0  }
0x5d: {  	[sflag:s20] =	ssyncadd.s32 $0xFFFFD800  }
0x5e: {  	[spmem:s1] =	stream.indirect.scatter.add.f32 [tilespmem:s17], [sflag:$0x2], $0x50, s3, s18, $0xb8;
	[tilespmem:$0x1F000] =	vst v63  }
0x5f: {  	_ =	swait.ge [sflag:s21], $0x2800  }
0x60: {  	[sflag:s21] =	ssyncset.done $0x0  }
0x61: {  	s25 =	simm.s32 $0x12D80;
	[sflag:s21] =	ssyncadd.s32 $0xFFFFD800  }
0x62: {  	[tilespmem:s17], [sflag:$0x1] =	stream.indirect.gather [hbm4b:s4+s18], $0x50, s25, s18, $0xb8;
	[tilespmem:$0x1F000] =	vst v63  }
0x63: {  	_ =	swait.ge [sflag:s20], $0x2800  }
0x64: {  	[sflag:s20] =	ssyncset.done $0x0  }
0x65: {  	s2 =	simm.s32 $0x13480;
	[sflag:s20] =	ssyncadd.s32 $0xFFFFD800  }
0x66: {  	[spmem:s1] =	stream.indirect.scatter.add.f32 [tilespmem:s19], [sflag:$0x2], $0x50, s2, s18, $0xb8;
	[tilespmem:$0x1F000] =	vst v63  }
0x67: {  	_ =	swait.ge [sflag:s21], $0x2800  }
0x68: {  	[sflag:s21] =	ssyncset.done $0x0  }
0x69: {  	s25 =	simm.s32 $0x12E00;
	[sflag:s21] =	ssyncadd.s32 $0xFFFFD800  }
0x6a: {  	[tilespmem:s19], [sflag:$0x1] =	stream.indirect.gather [hbm4b:s4+s18], $0x50, s25, s18, $0xb8;
	[tilespmem:$0x1F000] =	vst v63  }
0x6b: {  	_ =	swait.ge [sflag:s20], $0x2800  }
0x6c: {  	[sflag:s20] =	ssyncset.done $0x0  }
0x6d: {  	s2 =	simm.s32 $0x13500;
	[sflag:s20] =	ssyncadd.s32 $0xFFFFD800  }
0x6e: {  	[spmem:s1] =	stream.indirect.scatter.add.f32 [tilespmem:s15], [sflag:$0x2], $0x50, s2, s18, $0xb8;
	[tilespmem:$0x1F000] =	vst v63  }
0x6f: {  	_ =	swait.ge [sflag:s21], $0x2800  }
0x70: {  	[sflag:s21] =	ssyncset.done $0x0  }
0x71: {  	s25 =	simm.s32 $0x12E80;
	[sflag:s21] =	ssyncadd.s32 $0xFFFFD800  }
0x72: {  	[tilespmem:s15], [sflag:$0x1] =	stream.indirect.gather [hbm4b:s4+s18], $0x50, s25, s18, $0xb8;
	[tilespmem:$0x1F000] =	vst v63  }
0x73: {  	_ =	swait.ge [sflag:s20], $0x2800  }
0x74: {  	[sflag:s20] =	ssyncset.done $0x0  }
0x75: {  	s2 =	simm.s32 $0x13580;
	[sflag:s20] =	ssyncadd.s32 $0xFFFFD800  }
0x76: {  	[spmem:s1] =	stream.indirect.scatter.add.f32 [tilespmem:s17], [sflag:$0x2], $0x50, s2, s18, $0xb8;
	[tilespmem:$0x1F000] =	vst v63  }
0x77: {  	_ =	swait.ge [sflag:s21], $0x2800  }
0x78: {  	[sflag:s21] =	ssyncset.done $0x0  }
0x79: {  	s25 =	simm.s32 $0x12F00;
	[sflag:s21] =	ssyncadd.s32 $0xFFFFD800  }
0x7a: {  	[tilespmem:s17], [sflag:$0x1] =	stream.indirect.gather [hbm4b:s4+s18], $0x50, s25, s18, $0xb8;
	[tilespmem:$0x1F000] =	vst v63  }
0x7b: {  	_ =	swait.ge [sflag:s20], $0x2800  }
0x7c: {  	[sflag:s20] =	ssyncset.done $0x0  }
0x7d: {  	s2 =	simm.s32 $0x13600;
	[sflag:s20] =	ssyncadd.s32 $0xFFFFD800  }
0x7e: {  	[spmem:s1] =	stream.indirect.scatter.add.f32 [tilespmem:s19], [sflag:$0x2], $0x50, s2, s18, $0xb8;
	[tilespmem:$0x1F000] =	vst v63  }
0x7f: {  	_ =	swait.ge [sflag:s21], $0x2800  }
0x80: {  	[sflag:s21] =	ssyncset.done $0x0  }
0x81: {  	s25 =	simm.s32 $0x12F80;
	[sflag:s21] =	ssyncadd.s32 $0xFFFFD800  }
0x82: {  	[tilespmem:s19], [sflag:$0x1] =	stream.indirect.gather [hbm4b:s4+s18], $0x50, s25, s18, $0xb8;
	[tilespmem:$0x1F000] =	vst v63  }
0x83: {  	_ =	swait.ge [sflag:s20], $0x2800  }
0x84: {  	[sflag:s20] =	ssyncset.done $0x0  }
0x85: {  	s2 =	simm.s32 $0x13680;
	[sflag:s20] =	ssyncadd.s32 $0xFFFFD800  }
0x86: {  	[spmem:s1] =	stream.indirect.scatter.add.f32 [tilespmem:s15], [sflag:$0x2], $0x50, s2, s18, $0xb8;
	[tilespmem:$0x1F000] =	vst v63  }
0x87: {  	_ =	swait.ge [sflag:s21], $0x2800  }
0x88: {  	[sflag:s21] =	ssyncset.done $0x0  }
0x89: {  	s25 =	simm.s32 $0x13000;
	[sflag:s21] =	ssyncadd.s32 $0xFFFFD800  }
0x8a: {  	[tilespmem:s15], [sflag:$0x1] =	stream.indirect.gather [hbm4b:s4+s18], $0x50, s25, s18, $0xb8;
	[tilespmem:$0x1F000] =	vst v63  }
0x8b: {  	_ =	swait.ge [sflag:s20], $0x2800  }
0x8c: {  	[sflag:s20] =	ssyncset.done $0x0  }
0x8d: {  	s2 =	simm.s32 $0x13700;
	[sflag:s20] =	ssyncadd.s32 $0xFFFFD800  }
0x8e: {  	[spmem:s1] =	stream.indirect.scatter.add.f32 [tilespmem:s17], [sflag:$0x2], $0x50, s2, s18, $0xb8;
	[tilespmem:$0x1F000] =	vst v63  }
0x8f: {  	_ =	swait.ge [sflag:s21], $0x2800  }
0x90: {  	[sflag:s21] =	ssyncset.done $0x0  }
0x91: {  	s25 =	simm.s32 $0x13080;
	[sflag:s21] =	ssyncadd.s32 $0xFFFFD800  }
0x92: {  	[tilespmem:s17], [sflag:$0x1] =	stream.indirect.gather [hbm4b:s4+s18], $0x50, s25, s18, $0xb8;
	[tilespmem:$0x1F000] =	vst v63  }
0x93: {  	_ =	swait.ge [sflag:s20], $0x2800  }
0x94: {  	[sflag:s20] =	ssyncset.done $0x0  }
0x95: {  	s2 =	simm.s32 $0x13780;
	[sflag:s20] =	ssyncadd.s32 $0xFFFFD800  }
0x96: {  	[spmem:s1] =	stream.indirect.scatter.add.f32 [tilespmem:s19], [sflag:$0x2], $0x50, s2, s18, $0xb8;
	[tilespmem:$0x1F000] =	vst v63  }
0x97: {  	_ =	swait.ge [sflag:s21], $0x2800  }
0x98: {  	[sflag:s21] =	ssyncset.done $0x0  }
0x99: {  	s25 =	simm.s32 $0x13100;
	[sflag:s21] =	ssyncadd.s32 $0xFFFFD800  }
0x9a: {  	[tilespmem:s19], [sflag:$0x1] =	stream.indirect.gather [hbm4b:s4+s18], $0x50, s25, s18, $0xb8;
	[tilespmem:$0x1F000] =	vst v63  }
0x9b: {  	_ =	swait.ge [sflag:s20], $0x2800  }
0x9c: {  	[sflag:s20] =	ssyncset.done $0x0  }
0x9d: {  	s2 =	simm.s32 $0x13800;
	[sflag:s20] =	ssyncadd.s32 $0xFFFFD800  }
0x9e: {  	[spmem:s1] =	stream.indirect.scatter.add.f32 [tilespmem:s15], [sflag:$0x2], $0x50, s2, s18, $0xb8;
	[tilespmem:$0x1F000] =	vst v63  }
0x9f: {  	_ =	swait.ge [sflag:s21], $0x2800  }
0xa0: {  	[sflag:s21] =	ssyncset.done $0x0  }
0xa1: {  	s25 =	simm.s32 $0x13180;
	[sflag:s21] =	ssyncadd.s32 $0xFFFFD800  }
0xa2: {  	[tilespmem:s15], [sflag:$0x1] =	stream.indirect.gather [hbm4b:s4+s18], $0x50, s25, s18, $0xb8;
	[tilespmem:$0x1F000] =	vst v63  }
0xa3: {  	_ =	swait.ge [sflag:s20], $0x2800  }
0xa4: {  	[sflag:s20] =	ssyncset.done $0x0  }
0xa5: {  	s2 =	simm.s32 $0x13880;
	[sflag:s20] =	ssyncadd.s32 $0xFFFFD800  }
0xa6: {  	[spmem:s1] =	stream.indirect.scatter.add.f32 [tilespmem:s17], [sflag:$0x2], $0x50, s2, s18, $0xb8;
	[tilespmem:$0x1F000] =	vst v63  }
0xa7: {  	_ =	swait.ge [sflag:s21], $0x2800  }
0xa8: {  	[sflag:s21] =	ssyncset.done $0x0  }
0xa9: {  	s25 =	simm.s32 $0x13200;
	[sflag:s21] =	ssyncadd.s32 $0xFFFFD800  }
0xaa: {  	[tilespmem:s17], [sflag:$0x1] =	stream.indirect.gather [hbm4b:s4+s18], $0x50, s25, s18, $0xb8;
	[tilespmem:$0x1F000] =	vst v63  }
0xab: {  	_ =	swait.ge [sflag:s20], $0x2800  }
0xac: {  	[sflag:s20] =	ssyncset.done $0x0  }
0xad: {  	s2 =	simm.s32 $0x13900;
	[sflag:s20] =	ssyncadd.s32 $0xFFFFD800  }
0xae: {  	[spmem:s1] =	stream.indirect.scatter.add.f32 [tilespmem:s19], [sflag:$0x2], $0x50, s2, s18, $0xb8;
	[tilespmem:$0x1F000] =	vst v63  }
0xaf: {  	_ =	swait.ge [sflag:s21], $0x2800  }
0xb0: {  	[sflag:s21] =	ssyncset.done $0x0  }
0xb1: {  	s25 =	simm.s32 $0x13280;
	[sflag:s21] =	ssyncadd.s32 $0xFFFFD800  }
0xb2: {  	[tilespmem:s19], [sflag:$0x1] =	stream.indirect.gather [hbm4b:s4+s18], $0x50, s25, s18, $0xb8;
	[tilespmem:$0x1F000] =	vst v63  }
0xb3: {  	_ =	swait.ge [sflag:s20], $0x2800  }
0xb4: {  	[sflag:s20] =	ssyncset.done $0x0  }
0xb5: {  	s2 =	simm.s32 $0x13980;
	[sflag:s20] =	ssyncadd.s32 $0xFFFFD800  }
0xb6: {  	[spmem:s1] =	stream.indirect.scatter.add.f32 [tilespmem:s15], [sflag:$0x2], $0x50, s2, s18, $0xb8;
	[tilespmem:$0x1F000] =	vst v63  }
0xb7: {  	_ =	swait.ge [sflag:s21], $0x2800  }
0xb8: {  	[sflag:s21] =	ssyncset.done $0x0  }
0xb9: {  	s25 =	simm.s32 $0x13300;
	[sflag:s21] =	ssyncadd.s32 $0xFFFFD800  }
0xba: {  	[tilespmem:s15], [sflag:$0x1] =	stream.indirect.gather [hbm4b:s4+s18], $0x50, s25, s18, $0xb8;
	[tilespmem:$0x1F000] =	vst v63  }
0xbb: {  	_ =	swait.ge [sflag:s20], $0x2800  }
0xbc: {  	[sflag:s20] =	ssyncset.done $0x0  }
0xbd: {  	s2 =	simm.s32 $0x13A00;
	[sflag:s20] =	ssyncadd.s32 $0xFFFFD800  }
0xbe: {  	[spmem:s1] =	stream.indirect.scatter.add.f32 [tilespmem:s17], [sflag:$0x2], $0x50, s2, s18, $0xb8;
	[tilespmem:$0x1F000] =	vst v63  }
0xbf: {  	_ =	swait.ge [sflag:s21], $0x2800  }
0xc0: {  	[sflag:s21] =	ssyncset.done $0x0  }
0xc1: {  	s25 =	simm.s32 $0x13380;
	[sflag:s21] =	ssyncadd.s32 $0xFFFFD800  }
0xc2: {  	[tilespmem:s17], [sflag:$0x1] =	stream.indirect.gather [hbm4b:s4+s18], $0x50, s25, s18, $0xb8;
	[tilespmem:$0x1F000] =	vst v63  }
0xc3: {  	_ =	swait.ge [sflag:s20], $0x2800  }
0xc4: {  	[sflag:s20] =	ssyncset.done $0x0  }
0xc5: {  	s2 =	simm.s32 $0x13A80;
	[sflag:s20] =	ssyncadd.s32 $0xFFFFD800  }
0xc6: {  	[spmem:s1] =	stream.indirect.scatter.add.f32 [tilespmem:s19], [sflag:$0x2], $0x50, s2, s18, $0xb8;
	[tilespmem:$0x1F000] =	vst v63  }
0xc7: {  	_ =	swait.ge [sflag:s20], $0x2800  }
0xc8: {  	[sflag:s20] =	ssyncset.done $0x0  }
0xc9: {  	s25 =	simm.s32 $0x13B00;
	[sflag:s20] =	ssyncadd.s32 $0xFFFFD800  }
0xca: {  	[spmem:s1] =	stream.indirect.scatter.add.f32 [tilespmem:s15], [sflag:$0x2], $0x50, s25, s18, $0xb8;
	[tilespmem:$0x1F000] =	vst v63  }
0xcb: {  	_ =	swait.ge [sflag:s20], $0x2800  }
0xcc: {  	[sflag:s20] =	ssyncset.done $0x0  }
0xcd: {  	s2 =	simm.s32 $0x13B80;
	[sflag:s20] =	ssyncadd.s32 $0xFFFFD800  }
0xce: {  	[spmem:s1] =	stream.indirect.scatter.add.f32 [tilespmem:s17], [sflag:$0x2], $0x50, s2, s18, $0xb8;
	[tilespmem:$0x1F000] =	vst v63  }
0xcf: {  	_ =	swait.ge [sflag:s21], $0x2800  }
0xd0: {  	[sflag:s21] =	ssyncset.done $0x0  }
0xd1: {  	[sflag:s21] =	ssyncadd.s32 $0xFFFFD800  }
0xd2: {  	_ =	swait.ge [sflag:s21], $0x2800  }
0xd3: {  	[sflag:s21] =	ssyncset.done $0x0  }
0xd4: {  	[sflag:s21] =	ssyncadd.s32 $0xFFFFD800  }
0xd5: {  	_ =	swait.ge [sflag:s21], $0x2800  }
0xd6: {  	[sflag:s21] =	ssyncset.done $0x0  }
0xd7: {  	[sflag:s21] =	ssyncadd.s32 $0xFFFFD800  }
0xd8: {  	[bflag:$0x0] =	sbarrier.arrive $0xFFFF  }
0xd9: {  	[tilespmem:s17], [sflag:$0x1] =	stream.linear.gather [spmem:s5], $0x12C0, $0x38;
	[tilespmem:$0x1F000] =	vst v63  }
0xda: {  	s25 =	rddreg [dreg:$0x14]  }
0xdb: {  	[tilespmem:s19], [sflag:$0x1] =	stream.linear.gather [spmem:s25], $0x12C0, $0x38;
	[tilespmem:$0x1F000] =	vst v63  }
0xdc: {  	_ =	swait.ge [sflag:s20], $0x12C0  }
0xdd: {  	[sflag:s20] =	ssyncset.done $0x0  }
0xde: {  	s2 =	simm.s32 $0x0;
	[sflag:s20] =	ssyncadd.s32 $0xFFFFED40  }
0xdf: {  	v1 =	vld [tilespmem:s2+$0x13C00];
	_ =	sdelay $0x3  }
0xe0: {  	s25 =	simm.s32 $0x1B420  }
0xe1: {  	[tilespmem:s25+$0xFFFFFFE0] =	vst v1  }
0xe2: {  	v1 =	vld [tilespmem:s2+$0x13C10];
	_ =	sdelay $0x4  }
0xe3: {  	[tilespmem:s25+$0xFFFFFFF0] =	vst v1  }
0xe4: {  	v1 =	vld [tilespmem:s2+$0x13C20];
	_ =	sdelay $0x4  }
0xe5: {  	[tilespmem:s25+$0x0] =	vst v1  }
0xe6: {  	v1 =	vld [tilespmem:s2+$0x13C30];
	_ =	sdelay $0x4  }
0xe7: {  	[tilespmem:s25+$0x10] =	vst v1  }
0xe8: {  	v1 =	vld [tilespmem:s2+$0x13C40];
	_ =	sdelay $0x4  }
0xe9: {  	s0 =	simm.s32 $0x50;
	s2 =	simm.s32 $0x280;
	[tilespmem:s25+$0x20] =	vst v1  }
.LBB2_4:
0xea: {  	p0 =	sne.s32 s2, $0x49C0;
	v1 =	vld [tilespmem:s0+$0x13C00];
	_ =	sdelay $0x3  }
0xeb: {  	s25 =	sadd.s32 $0x80, s25  }
0xec: {  	[tilespmem:s25+$0xFFFFFFE0] =	vst v1  }
0xed: {  	v1 =	vld [tilespmem:s0+$0x13C10];
	_ =	sdelay $0x4  }
0xee: {  	[tilespmem:s25+$0xFFFFFFF0] =	vst v1  }
0xef: {  	v1 =	vld [tilespmem:s0+$0x13C20];
	_ =	sdelay $0x4  }
0xf0: {  	[tilespmem:s25+$0x0] =	vst v1  }
0xf1: {  	v1 =	vld [tilespmem:s0+$0x13C30];
	_ =	sdelay $0x4  }
0xf2: {  	[tilespmem:s25+$0x10] =	vst v1  }
0xf3: {  	v1 =	vld [tilespmem:s0+$0x13C40]  }
.Ltmp1:
0xf4: {  	(pc) =	sbr.rel @p0 .LBB2_4-.Ltmp1, $2  }
0xf5: {  	_ =	sdelay $0x2  }
0xf6: {  	s0 =	sshra.s32 s2, $0x2;
	s2 =	sadd.s32 $0x140, s2;
	[tilespmem:s25+$0x20] =	vst v1  }
0xf7: {  	v1 =	vld [tilespmem:s0+$0x13C00];
	_ =	sdelay $0x3  }
0xf8: {  	s2 =	sadd.s32 $0x80, s25  }
0xf9: {  	[tilespmem:s2+$0xFFFFFFE0] =	vst v1  }
0xfa: {  	v1 =	vld [tilespmem:s0+$0x13C10];
	_ =	sdelay $0x4  }
0xfb: {  	[tilespmem:s2+$0xFFFFFFF0] =	vst v1  }
0xfc: {  	v1 =	vld [tilespmem:s0+$0x13C20];
	_ =	sdelay $0x4  }
0xfd: {  	[tilespmem:s2+$0x0] =	vst v1  }
0xfe: {  	v1 =	vld [tilespmem:s0+$0x13C30];
	_ =	sdelay $0x4  }
0xff: {  	[tilespmem:s2+$0x10] =	vst v1  }
0x100: {  	v1 =	vld [tilespmem:s0+$0x13C40];
	_ =	sdelay $0x4  }
0x101: {  	s25 =	simm.s32 $0x0;
	[tilespmem:s2+$0x20] =	vst v1  }
0x102: {  	[hbm4b:s10+s25] =	stream.linear.scatter [tilespmem:s22], [sflag:$0x2], $0x1E00, $0x38;
	[tilespmem:$0x1F000] =	vst v63  }
0x103: {  	_ = 	snop  }
0x104: {  	[tilespmem:s17], [sflag:$0x1] =	stream.linear.gather [spmem:s6], $0x12C0, $0x38;
	[tilespmem:$0x1F000] =	vst v63  }
0x105: {  	_ =	swait.ge [sflag:s20], $0x12C0  }
0x106: {  	[sflag:s20] =	ssyncset.done $0x0  }
0x107: {  	s2 =	simm.s32 $0x0;
	[sflag:s20] =	ssyncadd.s32 $0xFFFFED40  }
0x108: {  	v1 =	vld [tilespmem:s2+$0x16400];
	_ =	sdelay $0x3  }
0x109: {  	s25 =	simm.s32 $0x1D240  }
0x10a: {  	[tilespmem:s25+$0xFFFFFFC0] =	vst v1  }
0x10b: {  	v1 =	vld [tilespmem:s2+$0x16410];
	_ =	sdelay $0x4  }
0x10c: {  	[tilespmem:s25+$0xFFFFFFD0] =	vst v1  }
0x10d: {  	v1 =	vld [tilespmem:s2+$0x16420];
	_ =	sdelay $0x4  }
0x10e: {  	[tilespmem:s25+$0xFFFFFFE0] =	vst v1  }
0x10f: {  	v1 =	vld [tilespmem:s2+$0x16430];
	_ =	sdelay $0x4  }
0x110: {  	[tilespmem:s25+$0xFFFFFFF0] =	vst v1  }
0x111: {  	v1 =	vld [tilespmem:s2+$0x16440];
	_ =	sdelay $0x4  }
0x112: {  	s0 =	simm.s32 $0x50;
	s2 =	simm.s32 $0x280;
	[tilespmem:s25+$0x0] =	vst v1  }
.LBB2_6:
0x113: {  	p0 =	sne.s32 s2, $0x49C0;
	v1 =	vld [tilespmem:s0+$0x16400];
	_ =	sdelay $0x3  }
0x114: {  	s25 =	sadd.s32 $0x80, s25  }
0x115: {  	[tilespmem:s25+$0xFFFFFFC0] =	vst v1  }
0x116: {  	v1 =	vld [tilespmem:s0+$0x16410];
	_ =	sdelay $0x4  }
0x117: {  	[tilespmem:s25+$0xFFFFFFD0] =	vst v1  }
0x118: {  	v1 =	vld [tilespmem:s0+$0x16420];
	_ =	sdelay $0x4  }
0x119: {  	[tilespmem:s25+$0xFFFFFFE0] =	vst v1  }
0x11a: {  	v1 =	vld [tilespmem:s0+$0x16430];
	_ =	sdelay $0x4  }
0x11b: {  	[tilespmem:s25+$0xFFFFFFF0] =	vst v1  }
0x11c: {  	v1 =	vld [tilespmem:s0+$0x16440]  }
.Ltmp2:
0x11d: {  	(pc) =	sbr.rel @p0 .LBB2_6-.Ltmp2, $2  }
0x11e: {  	_ =	sdelay $0x2  }
0x11f: {  	s0 =	sshra.s32 s2, $0x2;
	s2 =	sadd.s32 $0x140, s2;
	[tilespmem:s25+$0x0] =	vst v1  }
0x120: {  	v1 =	vld [tilespmem:s0+$0x16400];
	_ =	sdelay $0x3  }
0x121: {  	s2 =	sadd.s32 $0x80, s25  }
0x122: {  	[tilespmem:s2+$0xFFFFFFC0] =	vst v1  }
0x123: {  	v1 =	vld [tilespmem:s0+$0x16410];
	_ =	sdelay $0x4  }
0x124: {  	[tilespmem:s2+$0xFFFFFFD0] =	vst v1  }
0x125: {  	v1 =	vld [tilespmem:s0+$0x16420];
	_ =	sdelay $0x4  }
0x126: {  	[tilespmem:s2+$0xFFFFFFE0] =	vst v1  }
0x127: {  	v1 =	vld [tilespmem:s0+$0x16430];
	_ =	sdelay $0x4  }
0x128: {  	[tilespmem:s2+$0xFFFFFFF0] =	vst v1  }
0x129: {  	v1 =	vld [tilespmem:s0+$0x16440];
	_ =	sdelay $0x4  }
0x12a: {  	s25 =	rddreg [dreg:$0x15];
	[tilespmem:s2+$0x0] =	vst v1;
	s2 =	simm.s32 $0x0  }
0x12b: {  	[hbm4b:s25+s2] =	stream.linear.scatter [tilespmem:s23], [sflag:$0x2], $0x1E00, $0x38;
	[tilespmem:$0x1F000] =	vst v63  }
0x12c: {  	s25 =	rddreg [dreg:$0x16]  }
0x12d: {  	[tilespmem:s19], [sflag:$0x1] =	stream.linear.gather [spmem:s25], $0x12C0, $0x38;
	[tilespmem:$0x1F000] =	vst v63  }
0x12e: {  	_ =	swait.ge [sflag:s20], $0x12C0  }
0x12f: {  	[sflag:s20] =	ssyncset.done $0x0  }
0x130: {  	[sflag:s20] =	ssyncadd.s32 $0xFFFFED40  }
0x131: {  	_ =	swait.ge [sflag:s21], $0x1E00  }
0x132: {  	[sflag:s21] =	ssyncset.done $0x0  }
0x133: {  	s2 =	simm.s32 $0x0;
	[sflag:s21] =	ssyncadd.s32 $0xFFFFE200  }
0x134: {  	v1 =	vld [tilespmem:s2+$0x13C00];
	_ =	sdelay $0x3  }
0x135: {  	s25 =	simm.s32 $0x1B420  }
0x136: {  	[tilespmem:s25+$0xFFFFFFE0] =	vst v1  }
0x137: {  	v1 =	vld [tilespmem:s2+$0x13C10];
	_ =	sdelay $0x4  }
0x138: {  	[tilespmem:s25+$0xFFFFFFF0] =	vst v1  }
0x139: {  	v1 =	vld [tilespmem:s2+$0x13C20];
	_ =	sdelay $0x4  }
0x13a: {  	[tilespmem:s25+$0x0] =	vst v1  }
0x13b: {  	v1 =	vld [tilespmem:s2+$0x13C30];
	_ =	sdelay $0x4  }
0x13c: {  	[tilespmem:s25+$0x10] =	vst v1  }
0x13d: {  	v1 =	vld [tilespmem:s2+$0x13C40];
	_ =	sdelay $0x4  }
0x13e: {  	s0 =	simm.s32 $0x50;
	s2 =	simm.s32 $0x280;
	[tilespmem:s25+$0x20] =	vst v1  }
.LBB2_8:
0x13f: {  	p0 =	sne.s32 s2, $0x49C0;
	v1 =	vld [tilespmem:s0+$0x13C00];
	_ =	sdelay $0x3  }
0x140: {  	s25 =	sadd.s32 $0x80, s25  }
0x141: {  	[tilespmem:s25+$0xFFFFFFE0] =	vst v1  }
0x142: {  	v1 =	vld [tilespmem:s0+$0x13C10];
	_ =	sdelay $0x4  }
0x143: {  	[tilespmem:s25+$0xFFFFFFF0] =	vst v1  }
0x144: {  	v1 =	vld [tilespmem:s0+$0x13C20];
	_ =	sdelay $0x4  }
0x145: {  	[tilespmem:s25+$0x0] =	vst v1  }
0x146: {  	v1 =	vld [tilespmem:s0+$0x13C30];
	_ =	sdelay $0x4  }
0x147: {  	[tilespmem:s25+$0x10] =	vst v1  }
0x148: {  	v1 =	vld [tilespmem:s0+$0x13C40]  }
.Ltmp3:
0x149: {  	(pc) =	sbr.rel @p0 .LBB2_8-.Ltmp3, $2  }
0x14a: {  	_ =	sdelay $0x2  }
0x14b: {  	s0 =	sshra.s32 s2, $0x2;
	s2 =	sadd.s32 $0x140, s2;
	[tilespmem:s25+$0x20] =	vst v1  }
0x14c: {  	v1 =	vld [tilespmem:s0+$0x13C00];
	_ =	sdelay $0x3  }
0x14d: {  	s2 =	sadd.s32 $0x80, s25  }
0x14e: {  	[tilespmem:s2+$0xFFFFFFE0] =	vst v1  }
0x14f: {  	v1 =	vld [tilespmem:s0+$0x13C10];
	_ =	sdelay $0x4  }
0x150: {  	[tilespmem:s2+$0xFFFFFFF0] =	vst v1  }
0x151: {  	v1 =	vld [tilespmem:s0+$0x13C20];
	_ =	sdelay $0x4  }
0x152: {  	[tilespmem:s2+$0x0] =	vst v1  }
0x153: {  	v1 =	vld [tilespmem:s0+$0x13C30];
	_ =	sdelay $0x4  }
0x154: {  	[tilespmem:s2+$0x10] =	vst v1  }
0x155: {  	v1 =	vld [tilespmem:s0+$0x13C40];
	_ =	sdelay $0x4  }
0x156: {  	s25 =	rddreg [dreg:$0x5];
	[tilespmem:s2+$0x20] =	vst v1;
	s2 =	simm.s32 $0x0  }
0x157: {  	[hbm4b:s25+s2] =	stream.linear.scatter [tilespmem:s22], [sflag:$0x2], $0x1E00, $0x38;
	[tilespmem:$0x1F000] =	vst v63  }
0x158: {  	_ = 	snop  }
0x159: {  	[tilespmem:s17], [sflag:$0x1] =	stream.linear.gather [spmem:s7], $0x12C0, $0x38;
	[tilespmem:$0x1F000] =	vst v63  }
0x15a: {  	_ =	swait.ge [sflag:s20], $0x12C0  }
0x15b: {  	[sflag:s20] =	ssyncset.done $0x0  }
0x15c: {  	[sflag:s20] =	ssyncadd.s32 $0xFFFFED40  }
0x15d: {  	_ =	swait.ge [sflag:s21], $0x1E00  }
0x15e: {  	[sflag:s21] =	ssyncset.done $0x0  }
0x15f: {  	s2 =	simm.s32 $0x0;
	[sflag:s21] =	ssyncadd.s32 $0xFFFFE200  }
0x160: {  	v1 =	vld [tilespmem:s2+$0x16400];
	_ =	sdelay $0x3  }
0x161: {  	s25 =	simm.s32 $0x1D240  }
0x162: {  	[tilespmem:s25+$0xFFFFFFC0] =	vst v1  }
0x163: {  	v1 =	vld [tilespmem:s2+$0x16410];
	_ =	sdelay $0x4  }
0x164: {  	[tilespmem:s25+$0xFFFFFFD0] =	vst v1  }
0x165: {  	v1 =	vld [tilespmem:s2+$0x16420];
	_ =	sdelay $0x4  }
0x166: {  	[tilespmem:s25+$0xFFFFFFE0] =	vst v1  }
0x167: {  	v1 =	vld [tilespmem:s2+$0x16430];
	_ =	sdelay $0x4  }
0x168: {  	[tilespmem:s25+$0xFFFFFFF0] =	vst v1  }
0x169: {  	v1 =	vld [tilespmem:s2+$0x16440];
	_ =	sdelay $0x4  }
0x16a: {  	s0 =	simm.s32 $0x50;
	s2 =	simm.s32 $0x280;
	[tilespmem:s25+$0x0] =	vst v1  }
.LBB2_10:
0x16b: {  	p0 =	sne.s32 s2, $0x49C0;
	v1 =	vld [tilespmem:s0+$0x16400];
	_ =	sdelay $0x3  }
0x16c: {  	s25 =	sadd.s32 $0x80, s25  }
0x16d: {  	[tilespmem:s25+$0xFFFFFFC0] =	vst v1  }
0x16e: {  	v1 =	vld [tilespmem:s0+$0x16410];
	_ =	sdelay $0x4  }
0x16f: {  	[tilespmem:s25+$0xFFFFFFD0] =	vst v1  }
0x170: {  	v1 =	vld [tilespmem:s0+$0x16420];
	_ =	sdelay $0x4  }
0x171: {  	[tilespmem:s25+$0xFFFFFFE0] =	vst v1  }
0x172: {  	v1 =	vld [tilespmem:s0+$0x16430];
	_ =	sdelay $0x4  }
0x173: {  	[tilespmem:s25+$0xFFFFFFF0] =	vst v1  }
0x174: {  	v1 =	vld [tilespmem:s0+$0x16440]  }
.Ltmp4:
0x175: {  	(pc) =	sbr.rel @p0 .LBB2_10-.Ltmp4, $2  }
0x176: {  	_ =	sdelay $0x2  }
0x177: {  	s0 =	sshra.s32 s2, $0x2;
	s2 =	sadd.s32 $0x140, s2;
	[tilespmem:s25+$0x0] =	vst v1  }
0x178: {  	v1 =	vld [tilespmem:s0+$0x16400];
	_ =	sdelay $0x3  }
0x179: {  	s2 =	sadd.s32 $0x80, s25  }
0x17a: {  	[tilespmem:s2+$0xFFFFFFC0] =	vst v1  }
0x17b: {  	v1 =	vld [tilespmem:s0+$0x16410];
	_ =	sdelay $0x4  }
0x17c: {  	[tilespmem:s2+$0xFFFFFFD0] =	vst v1  }
0x17d: {  	v1 =	vld [tilespmem:s0+$0x16420];
	_ =	sdelay $0x4  }
0x17e: {  	[tilespmem:s2+$0xFFFFFFE0] =	vst v1  }
0x17f: {  	v1 =	vld [tilespmem:s0+$0x16430];
	_ =	sdelay $0x4  }
0x180: {  	[tilespmem:s2+$0xFFFFFFF0] =	vst v1  }
0x181: {  	v1 =	vld [tilespmem:s0+$0x16440];
	_ =	sdelay $0x4  }
0x182: {  	s25 =	rddreg [dreg:$0x6];
	[tilespmem:s2+$0x0] =	vst v1;
	s2 =	simm.s32 $0x0  }
0x183: {  	[hbm4b:s25+s2] =	stream.linear.scatter [tilespmem:s23], [sflag:$0x2], $0x1E00, $0x38;
	[tilespmem:$0x1F000] =	vst v63  }
0x184: {  	_ = 	snop  }
0x185: {  	[tilespmem:s19], [sflag:$0x1] =	stream.linear.gather [spmem:s8], $0x12C0, $0x38;
	[tilespmem:$0x1F000] =	vst v63  }
0x186: {  	_ =	swait.ge [sflag:s20], $0x12C0  }
0x187: {  	[sflag:s20] =	ssyncset.done $0x0  }
0x188: {  	[sflag:s20] =	ssyncadd.s32 $0xFFFFED40  }
0x189: {  	_ =	swait.ge [sflag:s21], $0x1E00  }
0x18a: {  	[sflag:s21] =	ssyncset.done $0x0  }
0x18b: {  	s2 =	simm.s32 $0x0;
	[sflag:s21] =	ssyncadd.s32 $0xFFFFE200  }
0x18c: {  	v1 =	vld [tilespmem:s2+$0x13C00];
	_ =	sdelay $0x3  }
0x18d: {  	s25 =	simm.s32 $0x1B420  }
0x18e: {  	[tilespmem:s25+$0xFFFFFFE0] =	vst v1  }
0x18f: {  	v1 =	vld [tilespmem:s2+$0x13C10];
	_ =	sdelay $0x4  }
0x190: {  	[tilespmem:s25+$0xFFFFFFF0] =	vst v1  }
0x191: {  	v1 =	vld [tilespmem:s2+$0x13C20];
	_ =	sdelay $0x4  }
0x192: {  	[tilespmem:s25+$0x0] =	vst v1  }
0x193: {  	v1 =	vld [tilespmem:s2+$0x13C30];
	_ =	sdelay $0x4  }
0x194: {  	[tilespmem:s25+$0x10] =	vst v1  }
0x195: {  	v1 =	vld [tilespmem:s2+$0x13C40];
	_ =	sdelay $0x4  }
0x196: {  	s0 =	simm.s32 $0x50;
	s2 =	simm.s32 $0x280;
	[tilespmem:s25+$0x20] =	vst v1  }
.LBB2_12:
0x197: {  	p0 =	sne.s32 s2, $0x49C0;
	v1 =	vld [tilespmem:s0+$0x13C00];
	_ =	sdelay $0x3  }
0x198: {  	s25 =	sadd.s32 $0x80, s25  }
0x199: {  	[tilespmem:s25+$0xFFFFFFE0] =	vst v1  }
0x19a: {  	v1 =	vld [tilespmem:s0+$0x13C10];
	_ =	sdelay $0x4  }
0x19b: {  	[tilespmem:s25+$0xFFFFFFF0] =	vst v1  }
0x19c: {  	v1 =	vld [tilespmem:s0+$0x13C20];
	_ =	sdelay $0x4  }
0x19d: {  	[tilespmem:s25+$0x0] =	vst v1  }
0x19e: {  	v1 =	vld [tilespmem:s0+$0x13C30];
	_ =	sdelay $0x4  }
0x19f: {  	[tilespmem:s25+$0x10] =	vst v1  }
0x1a0: {  	v1 =	vld [tilespmem:s0+$0x13C40]  }
.Ltmp5:
0x1a1: {  	(pc) =	sbr.rel @p0 .LBB2_12-.Ltmp5, $2  }
0x1a2: {  	_ =	sdelay $0x2  }
0x1a3: {  	s0 =	sshra.s32 s2, $0x2;
	s2 =	sadd.s32 $0x140, s2;
	[tilespmem:s25+$0x20] =	vst v1  }
0x1a4: {  	v1 =	vld [tilespmem:s0+$0x13C00];
	_ =	sdelay $0x3  }
0x1a5: {  	s2 =	sadd.s32 $0x80, s25  }
0x1a6: {  	[tilespmem:s2+$0xFFFFFFE0] =	vst v1  }
0x1a7: {  	v1 =	vld [tilespmem:s0+$0x13C10];
	_ =	sdelay $0x4  }
0x1a8: {  	[tilespmem:s2+$0xFFFFFFF0] =	vst v1  }
0x1a9: {  	v1 =	vld [tilespmem:s0+$0x13C20];
	_ =	sdelay $0x4  }
0x1aa: {  	[tilespmem:s2+$0x0] =	vst v1  }
0x1ab: {  	v1 =	vld [tilespmem:s0+$0x13C30];
	_ =	sdelay $0x4  }
0x1ac: {  	[tilespmem:s2+$0x10] =	vst v1  }
0x1ad: {  	v1 =	vld [tilespmem:s0+$0x13C40];
	_ =	sdelay $0x4  }
0x1ae: {  	s25 =	rddreg [dreg:$0x7];
	[tilespmem:s2+$0x20] =	vst v1;
	s2 =	simm.s32 $0x0  }
0x1af: {  	[hbm4b:s25+s2] =	stream.linear.scatter [tilespmem:s22], [sflag:$0x2], $0x1E00, $0x38;
	[tilespmem:$0x1F000] =	vst v63  }
0x1b0: {  	_ = 	snop  }
0x1b1: {  	[tilespmem:s17], [sflag:$0x1] =	stream.linear.gather [spmem:s26], $0x12C0, $0x38;
	[tilespmem:$0x1F000] =	vst v63  }
0x1b2: {  	_ =	swait.ge [sflag:s20], $0x12C0  }
0x1b3: {  	[sflag:s20] =	ssyncset.done $0x0  }
0x1b4: {  	[sflag:s20] =	ssyncadd.s32 $0xFFFFED40  }
0x1b5: {  	_ =	swait.ge [sflag:s21], $0x1E00  }
0x1b6: {  	[sflag:s21] =	ssyncset.done $0x0  }
0x1b7: {  	s2 =	simm.s32 $0x0;
	[sflag:s21] =	ssyncadd.s32 $0xFFFFE200  }
0x1b8: {  	v1 =	vld [tilespmem:s2+$0x16400];
	_ =	sdelay $0x3  }
0x1b9: {  	s25 =	simm.s32 $0x1D240  }
0x1ba: {  	[tilespmem:s25+$0xFFFFFFC0] =	vst v1  }
0x1bb: {  	v1 =	vld [tilespmem:s2+$0x16410];
	_ =	sdelay $0x4  }
0x1bc: {  	[tilespmem:s25+$0xFFFFFFD0] =	vst v1  }
0x1bd: {  	v1 =	vld [tilespmem:s2+$0x16420];
	_ =	sdelay $0x4  }
0x1be: {  	[tilespmem:s25+$0xFFFFFFE0] =	vst v1  }
0x1bf: {  	v1 =	vld [tilespmem:s2+$0x16430];
	_ =	sdelay $0x4  }
0x1c0: {  	[tilespmem:s25+$0xFFFFFFF0] =	vst v1  }
0x1c1: {  	v1 =	vld [tilespmem:s2+$0x16440];
	_ =	sdelay $0x4  }
0x1c2: {  	s0 =	simm.s32 $0x50;
	s2 =	simm.s32 $0x280;
	[tilespmem:s25+$0x0] =	vst v1  }
.LBB2_14:
0x1c3: {  	p0 =	sne.s32 s2, $0x49C0;
	v1 =	vld [tilespmem:s0+$0x16400];
	_ =	sdelay $0x3  }
0x1c4: {  	s25 =	sadd.s32 $0x80, s25  }
0x1c5: {  	[tilespmem:s25+$0xFFFFFFC0] =	vst v1  }
0x1c6: {  	v1 =	vld [tilespmem:s0+$0x16410];
	_ =	sdelay $0x4  }
0x1c7: {  	[tilespmem:s25+$0xFFFFFFD0] =	vst v1  }
0x1c8: {  	v1 =	vld [tilespmem:s0+$0x16420];
	_ =	sdelay $0x4  }
0x1c9: {  	[tilespmem:s25+$0xFFFFFFE0] =	vst v1  }
0x1ca: {  	v1 =	vld [tilespmem:s0+$0x16430];
	_ =	sdelay $0x4  }
0x1cb: {  	[tilespmem:s25+$0xFFFFFFF0] =	vst v1  }
0x1cc: {  	v1 =	vld [tilespmem:s0+$0x16440]  }
.Ltmp6:
0x1cd: {  	(pc) =	sbr.rel @p0 .LBB2_14-.Ltmp6, $2  }
0x1ce: {  	_ =	sdelay $0x2  }
0x1cf: {  	s0 =	sshra.s32 s2, $0x2;
	s2 =	sadd.s32 $0x140, s2;
	[tilespmem:s25+$0x0] =	vst v1  }
0x1d0: {  	v1 =	vld [tilespmem:s0+$0x16400];
	_ =	sdelay $0x3  }
0x1d1: {  	s2 =	sadd.s32 $0x80, s25  }
0x1d2: {  	[tilespmem:s2+$0xFFFFFFC0] =	vst v1  }
0x1d3: {  	v1 =	vld [tilespmem:s0+$0x16410];
	_ =	sdelay $0x4  }
0x1d4: {  	[tilespmem:s2+$0xFFFFFFD0] =	vst v1  }
0x1d5: {  	v1 =	vld [tilespmem:s0+$0x16420];
	_ =	sdelay $0x4  }
0x1d6: {  	[tilespmem:s2+$0xFFFFFFE0] =	vst v1  }
0x1d7: {  	v1 =	vld [tilespmem:s0+$0x16430];
	_ =	sdelay $0x4  }
0x1d8: {  	[tilespmem:s2+$0xFFFFFFF0] =	vst v1  }
0x1d9: {  	v1 =	vld [tilespmem:s0+$0x16440];
	_ =	sdelay $0x4  }
0x1da: {  	s25 =	rddreg [dreg:$0x8];
	[tilespmem:s2+$0x0] =	vst v1;
	s2 =	simm.s32 $0x0  }
0x1db: {  	[hbm4b:s25+s2] =	stream.linear.scatter [tilespmem:s23], [sflag:$0x2], $0x1E00, $0x38;
	[tilespmem:$0x1F000] =	vst v63  }
0x1dc: {  	_ = 	snop  }
0x1dd: {  	[tilespmem:s19], [sflag:$0x1] =	stream.linear.gather [spmem:s9], $0x12C0, $0x38;
	[tilespmem:$0x1F000] =	vst v63  }
0x1de: {  	_ =	swait.ge [sflag:s20], $0x12C0  }
0x1df: {  	[sflag:s20] =	ssyncset.done $0x0  }
0x1e0: {  	[sflag:s20] =	ssyncadd.s32 $0xFFFFED40  }
0x1e1: {  	_ =	swait.ge [sflag:s21], $0x1E00  }
0x1e2: {  	[sflag:s21] =	ssyncset.done $0x0  }
0x1e3: {  	s2 =	simm.s32 $0x0;
	[sflag:s21] =	ssyncadd.s32 $0xFFFFE200  }
0x1e4: {  	v1 =	vld [tilespmem:s2+$0x13C00];
	_ =	sdelay $0x3  }
0x1e5: {  	s25 =	simm.s32 $0x1B420  }
0x1e6: {  	[tilespmem:s25+$0xFFFFFFE0] =	vst v1  }
0x1e7: {  	v1 =	vld [tilespmem:s2+$0x13C10];
	_ =	sdelay $0x4  }
0x1e8: {  	[tilespmem:s25+$0xFFFFFFF0] =	vst v1  }
0x1e9: {  	v1 =	vld [tilespmem:s2+$0x13C20];
	_ =	sdelay $0x4  }
0x1ea: {  	[tilespmem:s25+$0x0] =	vst v1  }
0x1eb: {  	v1 =	vld [tilespmem:s2+$0x13C30];
	_ =	sdelay $0x4  }
0x1ec: {  	[tilespmem:s25+$0x10] =	vst v1  }
0x1ed: {  	v1 =	vld [tilespmem:s2+$0x13C40];
	_ =	sdelay $0x4  }
0x1ee: {  	s0 =	simm.s32 $0x50;
	s2 =	simm.s32 $0x280;
	[tilespmem:s25+$0x20] =	vst v1  }
.LBB2_16:
0x1ef: {  	p0 =	sne.s32 s2, $0x49C0;
	v1 =	vld [tilespmem:s0+$0x13C00];
	_ =	sdelay $0x3  }
0x1f0: {  	s25 =	sadd.s32 $0x80, s25  }
0x1f1: {  	[tilespmem:s25+$0xFFFFFFE0] =	vst v1  }
0x1f2: {  	v1 =	vld [tilespmem:s0+$0x13C10];
	_ =	sdelay $0x4  }
0x1f3: {  	[tilespmem:s25+$0xFFFFFFF0] =	vst v1  }
0x1f4: {  	v1 =	vld [tilespmem:s0+$0x13C20];
	_ =	sdelay $0x4  }
0x1f5: {  	[tilespmem:s25+$0x0] =	vst v1  }
0x1f6: {  	v1 =	vld [tilespmem:s0+$0x13C30];
	_ =	sdelay $0x4  }
0x1f7: {  	[tilespmem:s25+$0x10] =	vst v1  }
0x1f8: {  	v1 =	vld [tilespmem:s0+$0x13C40]  }
.Ltmp7:
0x1f9: {  	(pc) =	sbr.rel @p0 .LBB2_16-.Ltmp7, $2  }
0x1fa: {  	_ =	sdelay $0x2  }
0x1fb: {  	s0 =	sshra.s32 s2, $0x2;
	s2 =	sadd.s32 $0x140, s2;
	[tilespmem:s25+$0x20] =	vst v1  }
0x1fc: {  	v1 =	vld [tilespmem:s0+$0x13C00];
	_ =	sdelay $0x3  }
0x1fd: {  	s2 =	sadd.s32 $0x80, s25  }
0x1fe: {  	[tilespmem:s2+$0xFFFFFFE0] =	vst v1  }
0x1ff: {  	v1 =	vld [tilespmem:s0+$0x13C10];
	_ =	sdelay $0x4  }
0x200: {  	[tilespmem:s2+$0xFFFFFFF0] =	vst v1  }
0x201: {  	v1 =	vld [tilespmem:s0+$0x13C20];
	_ =	sdelay $0x4  }
0x202: {  	[tilespmem:s2+$0x0] =	vst v1  }
0x203: {  	v1 =	vld [tilespmem:s0+$0x13C30];
	_ =	sdelay $0x4  }
0x204: {  	[tilespmem:s2+$0x10] =	vst v1  }
0x205: {  	v1 =	vld [tilespmem:s0+$0x13C40];
	_ =	sdelay $0x4  }
0x206: {  	s25 =	rddreg [dreg:$0x9];
	[tilespmem:s2+$0x20] =	vst v1;
	s2 =	simm.s32 $0x0  }
0x207: {  	[hbm4b:s25+s2] =	stream.linear.scatter [tilespmem:s22], [sflag:$0x2], $0x1E00, $0x38;
	[tilespmem:$0x1F000] =	vst v63  }
0x208: {  	_ = 	snop  }
0x209: {  	[tilespmem:s17], [sflag:$0x1] =	stream.linear.gather [spmem:s28], $0x12C0, $0x38;
	[tilespmem:$0x1F000] =	vst v63  }
0x20a: {  	_ =	swait.ge [sflag:s20], $0x12C0  }
0x20b: {  	[sflag:s20] =	ssyncset.done $0x0  }
0x20c: {  	[sflag:s20] =	ssyncadd.s32 $0xFFFFED40  }
0x20d: {  	_ =	swait.ge [sflag:s21], $0x1E00  }
0x20e: {  	[sflag:s21] =	ssyncset.done $0x0  }
0x20f: {  	s2 =	simm.s32 $0x0;
	[sflag:s21] =	ssyncadd.s32 $0xFFFFE200  }
0x210: {  	v1 =	vld [tilespmem:s2+$0x16400];
	_ =	sdelay $0x3  }
0x211: {  	s25 =	simm.s32 $0x1D240  }
0x212: {  	[tilespmem:s25+$0xFFFFFFC0] =	vst v1  }
0x213: {  	v1 =	vld [tilespmem:s2+$0x16410];
	_ =	sdelay $0x4  }
0x214: {  	[tilespmem:s25+$0xFFFFFFD0] =	vst v1  }
0x215: {  	v1 =	vld [tilespmem:s2+$0x16420];
	_ =	sdelay $0x4  }
0x216: {  	[tilespmem:s25+$0xFFFFFFE0] =	vst v1  }
0x217: {  	v1 =	vld [tilespmem:s2+$0x16430];
	_ =	sdelay $0x4  }
0x218: {  	[tilespmem:s25+$0xFFFFFFF0] =	vst v1  }
0x219: {  	v1 =	vld [tilespmem:s2+$0x16440];
	_ =	sdelay $0x4  }
0x21a: {  	s0 =	simm.s32 $0x50;
	s2 =	simm.s32 $0x280;
	[tilespmem:s25+$0x0] =	vst v1  }
.LBB2_18:
0x21b: {  	p0 =	sne.s32 s2, $0x49C0;
	v1 =	vld [tilespmem:s0+$0x16400];
	_ =	sdelay $0x3  }
0x21c: {  	s25 =	sadd.s32 $0x80, s25  }
0x21d: {  	[tilespmem:s25+$0xFFFFFFC0] =	vst v1  }
0x21e: {  	v1 =	vld [tilespmem:s0+$0x16410];
	_ =	sdelay $0x4  }
0x21f: {  	[tilespmem:s25+$0xFFFFFFD0] =	vst v1  }
0x220: {  	v1 =	vld [tilespmem:s0+$0x16420];
	_ =	sdelay $0x4  }
0x221: {  	[tilespmem:s25+$0xFFFFFFE0] =	vst v1  }
0x222: {  	v1 =	vld [tilespmem:s0+$0x16430];
	_ =	sdelay $0x4  }
0x223: {  	[tilespmem:s25+$0xFFFFFFF0] =	vst v1  }
0x224: {  	v1 =	vld [tilespmem:s0+$0x16440]  }
.Ltmp8:
0x225: {  	(pc) =	sbr.rel @p0 .LBB2_18-.Ltmp8, $2  }
0x226: {  	_ =	sdelay $0x2  }
0x227: {  	s0 =	sshra.s32 s2, $0x2;
	s2 =	sadd.s32 $0x140, s2;
	[tilespmem:s25+$0x0] =	vst v1  }
0x228: {  	v1 =	vld [tilespmem:s0+$0x16400];
	_ =	sdelay $0x3  }
0x229: {  	s2 =	sadd.s32 $0x80, s25  }
0x22a: {  	[tilespmem:s2+$0xFFFFFFC0] =	vst v1  }
0x22b: {  	v1 =	vld [tilespmem:s0+$0x16410];
	_ =	sdelay $0x4  }
0x22c: {  	[tilespmem:s2+$0xFFFFFFD0] =	vst v1  }
0x22d: {  	v1 =	vld [tilespmem:s0+$0x16420];
	_ =	sdelay $0x4  }
0x22e: {  	[tilespmem:s2+$0xFFFFFFE0] =	vst v1  }
0x22f: {  	v1 =	vld [tilespmem:s0+$0x16430];
	_ =	sdelay $0x4  }
0x230: {  	[tilespmem:s2+$0xFFFFFFF0] =	vst v1  }
0x231: {  	v1 =	vld [tilespmem:s0+$0x16440];
	_ =	sdelay $0x4  }
0x232: {  	s25 =	rddreg [dreg:$0xa];
	[tilespmem:s2+$0x0] =	vst v1;
	s2 =	simm.s32 $0x0  }
0x233: {  	[hbm4b:s25+s2] =	stream.linear.scatter [tilespmem:s23], [sflag:$0x2], $0x1E00, $0x38;
	[tilespmem:$0x1F000] =	vst v63  }
0x234: {  	_ = 	snop  }
0x235: {  	[tilespmem:s19], [sflag:$0x1] =	stream.linear.gather [spmem:s11], $0x12C0, $0x38;
	[tilespmem:$0x1F000] =	vst v63  }
0x236: {  	_ =	swait.ge [sflag:s20], $0x12C0  }
0x237: {  	[sflag:s20] =	ssyncset.done $0x0  }
0x238: {  	[sflag:s20] =	ssyncadd.s32 $0xFFFFED40  }
0x239: {  	_ =	swait.ge [sflag:s21], $0x1E00  }
0x23a: {  	[sflag:s21] =	ssyncset.done $0x0  }
0x23b: {  	s2 =	simm.s32 $0x0;
	[sflag:s21] =	ssyncadd.s32 $0xFFFFE200  }
0x23c: {  	v1 =	vld [tilespmem:s2+$0x13C00];
	_ =	sdelay $0x3  }
0x23d: {  	s25 =	simm.s32 $0x1B420  }
0x23e: {  	[tilespmem:s25+$0xFFFFFFE0] =	vst v1  }
0x23f: {  	v1 =	vld [tilespmem:s2+$0x13C10];
	_ =	sdelay $0x4  }
0x240: {  	[tilespmem:s25+$0xFFFFFFF0] =	vst v1  }
0x241: {  	v1 =	vld [tilespmem:s2+$0x13C20];
	_ =	sdelay $0x4  }
0x242: {  	[tilespmem:s25+$0x0] =	vst v1  }
0x243: {  	v1 =	vld [tilespmem:s2+$0x13C30];
	_ =	sdelay $0x4  }
0x244: {  	[tilespmem:s25+$0x10] =	vst v1  }
0x245: {  	v1 =	vld [tilespmem:s2+$0x13C40];
	_ =	sdelay $0x4  }
0x246: {  	s0 =	simm.s32 $0x50;
	s2 =	simm.s32 $0x280;
	[tilespmem:s25+$0x20] =	vst v1  }
.LBB2_20:
0x247: {  	p0 =	sne.s32 s2, $0x49C0;
	v1 =	vld [tilespmem:s0+$0x13C00];
	_ =	sdelay $0x3  }
0x248: {  	s25 =	sadd.s32 $0x80, s25  }
0x249: {  	[tilespmem:s25+$0xFFFFFFE0] =	vst v1  }
0x24a: {  	v1 =	vld [tilespmem:s0+$0x13C10];
	_ =	sdelay $0x4  }
0x24b: {  	[tilespmem:s25+$0xFFFFFFF0] =	vst v1  }
0x24c: {  	v1 =	vld [tilespmem:s0+$0x13C20];
	_ =	sdelay $0x4  }
0x24d: {  	[tilespmem:s25+$0x0] =	vst v1  }
0x24e: {  	v1 =	vld [tilespmem:s0+$0x13C30];
	_ =	sdelay $0x4  }
0x24f: {  	[tilespmem:s25+$0x10] =	vst v1  }
0x250: {  	v1 =	vld [tilespmem:s0+$0x13C40]  }
.Ltmp9:
0x251: {  	(pc) =	sbr.rel @p0 .LBB2_20-.Ltmp9, $2  }
0x252: {  	_ =	sdelay $0x2  }
0x253: {  	s0 =	sshra.s32 s2, $0x2;
	s2 =	sadd.s32 $0x140, s2;
	[tilespmem:s25+$0x20] =	vst v1  }
0x254: {  	v1 =	vld [tilespmem:s0+$0x13C00];
	_ =	sdelay $0x3  }
0x255: {  	s2 =	sadd.s32 $0x80, s25  }
0x256: {  	[tilespmem:s2+$0xFFFFFFE0] =	vst v1  }
0x257: {  	v1 =	vld [tilespmem:s0+$0x13C10];
	_ =	sdelay $0x4  }
0x258: {  	[tilespmem:s2+$0xFFFFFFF0] =	vst v1  }
0x259: {  	v1 =	vld [tilespmem:s0+$0x13C20];
	_ =	sdelay $0x4  }
0x25a: {  	[tilespmem:s2+$0x0] =	vst v1  }
0x25b: {  	v1 =	vld [tilespmem:s0+$0x13C30];
	_ =	sdelay $0x4  }
0x25c: {  	[tilespmem:s2+$0x10] =	vst v1  }
0x25d: {  	v1 =	vld [tilespmem:s0+$0x13C40];
	_ =	sdelay $0x4  }
0x25e: {  	s25 =	rddreg [dreg:$0xb];
	[tilespmem:s2+$0x20] =	vst v1;
	s2 =	simm.s32 $0x0  }
0x25f: {  	[hbm4b:s25+s2] =	stream.linear.scatter [tilespmem:s22], [sflag:$0x2], $0x1E00, $0x38;
	[tilespmem:$0x1F000] =	vst v63  }
0x260: {  	_ = 	snop  }
0x261: {  	[tilespmem:s17], [sflag:$0x1] =	stream.linear.gather [spmem:s29], $0x12C0, $0x38;
	[tilespmem:$0x1F000] =	vst v63  }
0x262: {  	_ =	swait.ge [sflag:s20], $0x12C0  }
0x263: {  	[sflag:s20] =	ssyncset.done $0x0  }
0x264: {  	[sflag:s20] =	ssyncadd.s32 $0xFFFFED40  }
0x265: {  	_ =	swait.ge [sflag:s21], $0x1E00  }
0x266: {  	[sflag:s21] =	ssyncset.done $0x0  }
0x267: {  	s2 =	simm.s32 $0x0;
	[sflag:s21] =	ssyncadd.s32 $0xFFFFE200  }
0x268: {  	v1 =	vld [tilespmem:s2+$0x16400];
	_ =	sdelay $0x3  }
0x269: {  	s25 =	simm.s32 $0x1D240  }
0x26a: {  	[tilespmem:s25+$0xFFFFFFC0] =	vst v1  }
0x26b: {  	v1 =	vld [tilespmem:s2+$0x16410];
	_ =	sdelay $0x4  }
0x26c: {  	[tilespmem:s25+$0xFFFFFFD0] =	vst v1  }
0x26d: {  	v1 =	vld [tilespmem:s2+$0x16420];
	_ =	sdelay $0x4  }
0x26e: {  	[tilespmem:s25+$0xFFFFFFE0] =	vst v1  }
0x26f: {  	v1 =	vld [tilespmem:s2+$0x16430];
	_ =	sdelay $0x4  }
0x270: {  	[tilespmem:s25+$0xFFFFFFF0] =	vst v1  }
0x271: {  	v1 =	vld [tilespmem:s2+$0x16440];
	_ =	sdelay $0x4  }
0x272: {  	s0 =	simm.s32 $0x50;
	s2 =	simm.s32 $0x280;
	[tilespmem:s25+$0x0] =	vst v1  }
.LBB2_22:
0x273: {  	p0 =	sne.s32 s2, $0x49C0;
	v1 =	vld [tilespmem:s0+$0x16400];
	_ =	sdelay $0x3  }
0x274: {  	s25 =	sadd.s32 $0x80, s25  }
0x275: {  	[tilespmem:s25+$0xFFFFFFC0] =	vst v1  }
0x276: {  	v1 =	vld [tilespmem:s0+$0x16410];
	_ =	sdelay $0x4  }
0x277: {  	[tilespmem:s25+$0xFFFFFFD0] =	vst v1  }
0x278: {  	v1 =	vld [tilespmem:s0+$0x16420];
	_ =	sdelay $0x4  }
0x279: {  	[tilespmem:s25+$0xFFFFFFE0] =	vst v1  }
0x27a: {  	v1 =	vld [tilespmem:s0+$0x16430];
	_ =	sdelay $0x4  }
0x27b: {  	[tilespmem:s25+$0xFFFFFFF0] =	vst v1  }
0x27c: {  	v1 =	vld [tilespmem:s0+$0x16440]  }
.Ltmp10:
0x27d: {  	(pc) =	sbr.rel @p0 .LBB2_22-.Ltmp10, $2  }
0x27e: {  	_ =	sdelay $0x2  }
0x27f: {  	s0 =	sshra.s32 s2, $0x2;
	s2 =	sadd.s32 $0x140, s2;
	[tilespmem:s25+$0x0] =	vst v1  }
0x280: {  	v1 =	vld [tilespmem:s0+$0x16400];
	_ =	sdelay $0x3  }
0x281: {  	s2 =	sadd.s32 $0x80, s25  }
0x282: {  	[tilespmem:s2+$0xFFFFFFC0] =	vst v1  }
0x283: {  	v1 =	vld [tilespmem:s0+$0x16410];
	_ =	sdelay $0x4  }
0x284: {  	[tilespmem:s2+$0xFFFFFFD0] =	vst v1  }
0x285: {  	v1 =	vld [tilespmem:s0+$0x16420];
	_ =	sdelay $0x4  }
0x286: {  	[tilespmem:s2+$0xFFFFFFE0] =	vst v1  }
0x287: {  	v1 =	vld [tilespmem:s0+$0x16430];
	_ =	sdelay $0x4  }
0x288: {  	[tilespmem:s2+$0xFFFFFFF0] =	vst v1  }
0x289: {  	v1 =	vld [tilespmem:s0+$0x16440];
	_ =	sdelay $0x4  }
0x28a: {  	s25 =	rddreg [dreg:$0xc];
	[tilespmem:s2+$0x0] =	vst v1;
	s2 =	simm.s32 $0x0  }
0x28b: {  	[hbm4b:s25+s2] =	stream.linear.scatter [tilespmem:s23], [sflag:$0x2], $0x1E00, $0x38;
	[tilespmem:$0x1F000] =	vst v63  }
0x28c: {  	_ = 	snop  }
0x28d: {  	[tilespmem:s19], [sflag:$0x1] =	stream.linear.gather [spmem:s12], $0x12C0, $0x38;
	[tilespmem:$0x1F000] =	vst v63  }
0x28e: {  	_ =	swait.ge [sflag:s20], $0x12C0  }
0x28f: {  	[sflag:s20] =	ssyncset.done $0x0  }
0x290: {  	[sflag:s20] =	ssyncadd.s32 $0xFFFFED40  }
0x291: {  	_ =	swait.ge [sflag:s21], $0x1E00  }
0x292: {  	[sflag:s21] =	ssyncset.done $0x0  }
0x293: {  	s2 =	simm.s32 $0x0;
	[sflag:s21] =	ssyncadd.s32 $0xFFFFE200  }
0x294: {  	v1 =	vld [tilespmem:s2+$0x13C00];
	_ =	sdelay $0x3  }
0x295: {  	s25 =	simm.s32 $0x1B420  }
0x296: {  	[tilespmem:s25+$0xFFFFFFE0] =	vst v1  }
0x297: {  	v1 =	vld [tilespmem:s2+$0x13C10];
	_ =	sdelay $0x4  }
0x298: {  	[tilespmem:s25+$0xFFFFFFF0] =	vst v1  }
0x299: {  	v1 =	vld [tilespmem:s2+$0x13C20];
	_ =	sdelay $0x4  }
0x29a: {  	[tilespmem:s25+$0x0] =	vst v1  }
0x29b: {  	v1 =	vld [tilespmem:s2+$0x13C30];
	_ =	sdelay $0x4  }
0x29c: {  	[tilespmem:s25+$0x10] =	vst v1  }
0x29d: {  	v1 =	vld [tilespmem:s2+$0x13C40];
	_ =	sdelay $0x4  }
0x29e: {  	s0 =	simm.s32 $0x50;
	s2 =	simm.s32 $0x280;
	[tilespmem:s25+$0x20] =	vst v1  }
.LBB2_24:
0x29f: {  	p0 =	sne.s32 s2, $0x49C0;
	v1 =	vld [tilespmem:s0+$0x13C00];
	_ =	sdelay $0x3  }
0x2a0: {  	s25 =	sadd.s32 $0x80, s25  }
0x2a1: {  	[tilespmem:s25+$0xFFFFFFE0] =	vst v1  }
0x2a2: {  	v1 =	vld [tilespmem:s0+$0x13C10];
	_ =	sdelay $0x4  }
0x2a3: {  	[tilespmem:s25+$0xFFFFFFF0] =	vst v1  }
0x2a4: {  	v1 =	vld [tilespmem:s0+$0x13C20];
	_ =	sdelay $0x4  }
0x2a5: {  	[tilespmem:s25+$0x0] =	vst v1  }
0x2a6: {  	v1 =	vld [tilespmem:s0+$0x13C30];
	_ =	sdelay $0x4  }
0x2a7: {  	[tilespmem:s25+$0x10] =	vst v1  }
0x2a8: {  	v1 =	vld [tilespmem:s0+$0x13C40]  }
.Ltmp11:
0x2a9: {  	(pc) =	sbr.rel @p0 .LBB2_24-.Ltmp11, $2  }
0x2aa: {  	_ =	sdelay $0x2  }
0x2ab: {  	s0 =	sshra.s32 s2, $0x2;
	s2 =	sadd.s32 $0x140, s2;
	[tilespmem:s25+$0x20] =	vst v1  }
0x2ac: {  	v1 =	vld [tilespmem:s0+$0x13C00];
	_ =	sdelay $0x3  }
0x2ad: {  	s2 =	sadd.s32 $0x80, s25  }
0x2ae: {  	[tilespmem:s2+$0xFFFFFFE0] =	vst v1  }
0x2af: {  	v1 =	vld [tilespmem:s0+$0x13C10];
	_ =	sdelay $0x4  }
0x2b0: {  	[tilespmem:s2+$0xFFFFFFF0] =	vst v1  }
0x2b1: {  	v1 =	vld [tilespmem:s0+$0x13C20];
	_ =	sdelay $0x4  }
0x2b2: {  	[tilespmem:s2+$0x0] =	vst v1  }
0x2b3: {  	v1 =	vld [tilespmem:s0+$0x13C30];
	_ =	sdelay $0x4  }
0x2b4: {  	[tilespmem:s2+$0x10] =	vst v1  }
0x2b5: {  	v1 =	vld [tilespmem:s0+$0x13C40];
	_ =	sdelay $0x4  }
0x2b6: {  	s25 =	rddreg [dreg:$0xd];
	[tilespmem:s2+$0x20] =	vst v1;
	s2 =	simm.s32 $0x0  }
0x2b7: {  	[hbm4b:s25+s2] =	stream.linear.scatter [tilespmem:s22], [sflag:$0x2], $0x1E00, $0x38;
	[tilespmem:$0x1F000] =	vst v63  }
0x2b8: {  	_ = 	snop  }
0x2b9: {  	[tilespmem:s17], [sflag:$0x1] =	stream.linear.gather [spmem:s30], $0x12C0, $0x38;
	[tilespmem:$0x1F000] =	vst v63  }
0x2ba: {  	_ =	swait.ge [sflag:s20], $0x12C0  }
0x2bb: {  	[sflag:s20] =	ssyncset.done $0x0  }
0x2bc: {  	[sflag:s20] =	ssyncadd.s32 $0xFFFFED40  }
0x2bd: {  	_ =	swait.ge [sflag:s21], $0x1E00  }
0x2be: {  	[sflag:s21] =	ssyncset.done $0x0  }
0x2bf: {  	s2 =	simm.s32 $0x0;
	[sflag:s21] =	ssyncadd.s32 $0xFFFFE200  }
0x2c0: {  	v1 =	vld [tilespmem:s2+$0x16400];
	_ =	sdelay $0x3  }
0x2c1: {  	s25 =	simm.s32 $0x1D240  }
0x2c2: {  	[tilespmem:s25+$0xFFFFFFC0] =	vst v1  }
0x2c3: {  	v1 =	vld [tilespmem:s2+$0x16410];
	_ =	sdelay $0x4  }
0x2c4: {  	[tilespmem:s25+$0xFFFFFFD0] =	vst v1  }
0x2c5: {  	v1 =	vld [tilespmem:s2+$0x16420];
	_ =	sdelay $0x4  }
0x2c6: {  	[tilespmem:s25+$0xFFFFFFE0] =	vst v1  }
0x2c7: {  	v1 =	vld [tilespmem:s2+$0x16430];
	_ =	sdelay $0x4  }
0x2c8: {  	[tilespmem:s25+$0xFFFFFFF0] =	vst v1  }
0x2c9: {  	v1 =	vld [tilespmem:s2+$0x16440];
	_ =	sdelay $0x4  }
0x2ca: {  	s0 =	simm.s32 $0x50;
	s2 =	simm.s32 $0x280;
	[tilespmem:s25+$0x0] =	vst v1  }
.LBB2_26:
0x2cb: {  	p0 =	sne.s32 s2, $0x49C0;
	v1 =	vld [tilespmem:s0+$0x16400];
	_ =	sdelay $0x3  }
0x2cc: {  	s25 =	sadd.s32 $0x80, s25  }
0x2cd: {  	[tilespmem:s25+$0xFFFFFFC0] =	vst v1  }
0x2ce: {  	v1 =	vld [tilespmem:s0+$0x16410];
	_ =	sdelay $0x4  }
0x2cf: {  	[tilespmem:s25+$0xFFFFFFD0] =	vst v1  }
0x2d0: {  	v1 =	vld [tilespmem:s0+$0x16420];
	_ =	sdelay $0x4  }
0x2d1: {  	[tilespmem:s25+$0xFFFFFFE0] =	vst v1  }
0x2d2: {  	v1 =	vld [tilespmem:s0+$0x16430];
	_ =	sdelay $0x4  }
0x2d3: {  	[tilespmem:s25+$0xFFFFFFF0] =	vst v1  }
0x2d4: {  	v1 =	vld [tilespmem:s0+$0x16440]  }
.Ltmp12:
0x2d5: {  	(pc) =	sbr.rel @p0 .LBB2_26-.Ltmp12, $2  }
0x2d6: {  	_ =	sdelay $0x2  }
0x2d7: {  	s0 =	sshra.s32 s2, $0x2;
	s2 =	sadd.s32 $0x140, s2;
	[tilespmem:s25+$0x0] =	vst v1  }
0x2d8: {  	v1 =	vld [tilespmem:s0+$0x16400];
	_ =	sdelay $0x3  }
0x2d9: {  	s2 =	sadd.s32 $0x80, s25  }
0x2da: {  	[tilespmem:s2+$0xFFFFFFC0] =	vst v1  }
0x2db: {  	v1 =	vld [tilespmem:s0+$0x16410];
	_ =	sdelay $0x4  }
0x2dc: {  	[tilespmem:s2+$0xFFFFFFD0] =	vst v1  }
0x2dd: {  	v1 =	vld [tilespmem:s0+$0x16420];
	_ =	sdelay $0x4  }
0x2de: {  	[tilespmem:s2+$0xFFFFFFE0] =	vst v1  }
0x2df: {  	v1 =	vld [tilespmem:s0+$0x16430];
	_ =	sdelay $0x4  }
0x2e0: {  	[tilespmem:s2+$0xFFFFFFF0] =	vst v1  }
0x2e1: {  	v1 =	vld [tilespmem:s0+$0x16440];
	_ =	sdelay $0x4  }
0x2e2: {  	s25 =	rddreg [dreg:$0xe];
	[tilespmem:s2+$0x0] =	vst v1;
	s2 =	simm.s32 $0x0  }
0x2e3: {  	[hbm4b:s25+s2] =	stream.linear.scatter [tilespmem:s23], [sflag:$0x2], $0x1E00, $0x38;
	[tilespmem:$0x1F000] =	vst v63  }
0x2e4: {  	_ = 	snop  }
0x2e5: {  	[tilespmem:s19], [sflag:$0x1] =	stream.linear.gather [spmem:s13], $0x12C0, $0x38;
	[tilespmem:$0x1F000] =	vst v63  }
0x2e6: {  	_ =	swait.ge [sflag:s20], $0x12C0  }
0x2e7: {  	[sflag:s20] =	ssyncset.done $0x0  }
0x2e8: {  	[sflag:s20] =	ssyncadd.s32 $0xFFFFED40  }
0x2e9: {  	_ =	swait.ge [sflag:s21], $0x1E00  }
0x2ea: {  	[sflag:s21] =	ssyncset.done $0x0  }
0x2eb: {  	s2 =	simm.s32 $0x0;
	[sflag:s21] =	ssyncadd.s32 $0xFFFFE200  }
0x2ec: {  	v1 =	vld [tilespmem:s2+$0x13C00];
	_ =	sdelay $0x3  }
0x2ed: {  	s25 =	simm.s32 $0x1B420  }
0x2ee: {  	[tilespmem:s25+$0xFFFFFFE0] =	vst v1  }
0x2ef: {  	v1 =	vld [tilespmem:s2+$0x13C10];
	_ =	sdelay $0x4  }
0x2f0: {  	[tilespmem:s25+$0xFFFFFFF0] =	vst v1  }
0x2f1: {  	v1 =	vld [tilespmem:s2+$0x13C20];
	_ =	sdelay $0x4  }
0x2f2: {  	[tilespmem:s25+$0x0] =	vst v1  }
0x2f3: {  	v1 =	vld [tilespmem:s2+$0x13C30];
	_ =	sdelay $0x4  }
0x2f4: {  	[tilespmem:s25+$0x10] =	vst v1  }
0x2f5: {  	v1 =	vld [tilespmem:s2+$0x13C40];
	_ =	sdelay $0x4  }
0x2f6: {  	s0 =	simm.s32 $0x50;
	s2 =	simm.s32 $0x280;
	[tilespmem:s25+$0x20] =	vst v1  }
.LBB2_28:
0x2f7: {  	p0 =	sne.s32 s2, $0x49C0;
	v1 =	vld [tilespmem:s0+$0x13C00];
	_ =	sdelay $0x3  }
0x2f8: {  	s25 =	sadd.s32 $0x80, s25  }
0x2f9: {  	[tilespmem:s25+$0xFFFFFFE0] =	vst v1  }
0x2fa: {  	v1 =	vld [tilespmem:s0+$0x13C10];
	_ =	sdelay $0x4  }
0x2fb: {  	[tilespmem:s25+$0xFFFFFFF0] =	vst v1  }
0x2fc: {  	v1 =	vld [tilespmem:s0+$0x13C20];
	_ =	sdelay $0x4  }
0x2fd: {  	[tilespmem:s25+$0x0] =	vst v1  }
0x2fe: {  	v1 =	vld [tilespmem:s0+$0x13C30];
	_ =	sdelay $0x4  }
0x2ff: {  	[tilespmem:s25+$0x10] =	vst v1  }
0x300: {  	v1 =	vld [tilespmem:s0+$0x13C40]  }
.Ltmp13:
0x301: {  	(pc) =	sbr.rel @p0 .LBB2_28-.Ltmp13, $2  }
0x302: {  	_ =	sdelay $0x2  }
0x303: {  	s0 =	sshra.s32 s2, $0x2;
	s2 =	sadd.s32 $0x140, s2;
	[tilespmem:s25+$0x20] =	vst v1  }
0x304: {  	v1 =	vld [tilespmem:s0+$0x13C00];
	_ =	sdelay $0x3  }
0x305: {  	s2 =	sadd.s32 $0x80, s25  }
0x306: {  	[tilespmem:s2+$0xFFFFFFE0] =	vst v1  }
0x307: {  	v1 =	vld [tilespmem:s0+$0x13C10];
	_ =	sdelay $0x4  }
0x308: {  	[tilespmem:s2+$0xFFFFFFF0] =	vst v1  }
0x309: {  	v1 =	vld [tilespmem:s0+$0x13C20];
	_ =	sdelay $0x4  }
0x30a: {  	[tilespmem:s2+$0x0] =	vst v1  }
0x30b: {  	v1 =	vld [tilespmem:s0+$0x13C30];
	_ =	sdelay $0x4  }
0x30c: {  	[tilespmem:s2+$0x10] =	vst v1  }
0x30d: {  	v1 =	vld [tilespmem:s0+$0x13C40];
	_ =	sdelay $0x4  }
0x30e: {  	s25 =	rddreg [dreg:$0xf];
	[tilespmem:s2+$0x20] =	vst v1;
	s2 =	simm.s32 $0x0  }
0x30f: {  	[hbm4b:s25+s2] =	stream.linear.scatter [tilespmem:s22], [sflag:$0x2], $0x1E00, $0x38;
	[tilespmem:$0x1F000] =	vst v63  }
0x310: {  	_ = 	snop  }
0x311: {  	[tilespmem:s17], [sflag:$0x1] =	stream.linear.gather [spmem:s31], $0x12C0, $0x38;
	[tilespmem:$0x1F000] =	vst v63  }
0x312: {  	_ =	swait.ge [sflag:s20], $0x12C0  }
0x313: {  	[sflag:s20] =	ssyncset.done $0x0  }
0x314: {  	[sflag:s20] =	ssyncadd.s32 $0xFFFFED40  }
0x315: {  	_ =	swait.ge [sflag:s21], $0x1E00  }
0x316: {  	[sflag:s21] =	ssyncset.done $0x0  }
0x317: {  	s2 =	simm.s32 $0x0;
	[sflag:s21] =	ssyncadd.s32 $0xFFFFE200  }
0x318: {  	v1 =	vld [tilespmem:s2+$0x16400];
	_ =	sdelay $0x3  }
0x319: {  	s25 =	simm.s32 $0x1D240  }
0x31a: {  	[tilespmem:s25+$0xFFFFFFC0] =	vst v1  }
0x31b: {  	v1 =	vld [tilespmem:s2+$0x16410];
	_ =	sdelay $0x4  }
0x31c: {  	[tilespmem:s25+$0xFFFFFFD0] =	vst v1  }
0x31d: {  	v1 =	vld [tilespmem:s2+$0x16420];
	_ =	sdelay $0x4  }
0x31e: {  	[tilespmem:s25+$0xFFFFFFE0] =	vst v1  }
0x31f: {  	v1 =	vld [tilespmem:s2+$0x16430];
	_ =	sdelay $0x4  }
0x320: {  	[tilespmem:s25+$0xFFFFFFF0] =	vst v1  }
0x321: {  	v1 =	vld [tilespmem:s2+$0x16440];
	_ =	sdelay $0x4  }
0x322: {  	s0 =	simm.s32 $0x50;
	s2 =	simm.s32 $0x280;
	[tilespmem:s25+$0x0] =	vst v1  }
.LBB2_30:
0x323: {  	p0 =	sne.s32 s2, $0x49C0;
	v1 =	vld [tilespmem:s0+$0x16400];
	_ =	sdelay $0x3  }
0x324: {  	s25 =	sadd.s32 $0x80, s25  }
0x325: {  	[tilespmem:s25+$0xFFFFFFC0] =	vst v1  }
0x326: {  	v1 =	vld [tilespmem:s0+$0x16410];
	_ =	sdelay $0x4  }
0x327: {  	[tilespmem:s25+$0xFFFFFFD0] =	vst v1  }
0x328: {  	v1 =	vld [tilespmem:s0+$0x16420];
	_ =	sdelay $0x4  }
0x329: {  	[tilespmem:s25+$0xFFFFFFE0] =	vst v1  }
0x32a: {  	v1 =	vld [tilespmem:s0+$0x16430];
	_ =	sdelay $0x4  }
0x32b: {  	[tilespmem:s25+$0xFFFFFFF0] =	vst v1  }
0x32c: {  	v1 =	vld [tilespmem:s0+$0x16440]  }
.Ltmp14:
0x32d: {  	(pc) =	sbr.rel @p0 .LBB2_30-.Ltmp14, $2  }
0x32e: {  	_ =	sdelay $0x2  }
0x32f: {  	s0 =	sshra.s32 s2, $0x2;
	s2 =	sadd.s32 $0x140, s2;
	[tilespmem:s25+$0x0] =	vst v1  }
0x330: {  	v1 =	vld [tilespmem:s0+$0x16400];
	_ =	sdelay $0x3  }
0x331: {  	s2 =	sadd.s32 $0x80, s25  }
0x332: {  	[tilespmem:s2+$0xFFFFFFC0] =	vst v1  }
0x333: {  	v1 =	vld [tilespmem:s0+$0x16410];
	_ =	sdelay $0x4  }
0x334: {  	[tilespmem:s2+$0xFFFFFFD0] =	vst v1  }
0x335: {  	v1 =	vld [tilespmem:s0+$0x16420];
	_ =	sdelay $0x4  }
0x336: {  	[tilespmem:s2+$0xFFFFFFE0] =	vst v1  }
0x337: {  	v1 =	vld [tilespmem:s0+$0x16430];
	_ =	sdelay $0x4  }
0x338: {  	[tilespmem:s2+$0xFFFFFFF0] =	vst v1  }
0x339: {  	v1 =	vld [tilespmem:s0+$0x16440];
	_ =	sdelay $0x4  }
0x33a: {  	s25 =	rddreg [dreg:$0x10];
	[tilespmem:s2+$0x0] =	vst v1;
	s2 =	simm.s32 $0x0  }
0x33b: {  	[hbm4b:s25+s2] =	stream.linear.scatter [tilespmem:s23], [sflag:$0x2], $0x1E00, $0x38;
	[tilespmem:$0x1F000] =	vst v63  }
0x33c: {  	_ = 	snop  }
0x33d: {  	[tilespmem:s19], [sflag:$0x1] =	stream.linear.gather [spmem:s14], $0x12C0, $0x38;
	[tilespmem:$0x1F000] =	vst v63  }
0x33e: {  	_ =	swait.ge [sflag:s20], $0x12C0  }
0x33f: {  	[sflag:s20] =	ssyncset.done $0x0  }
0x340: {  	[sflag:s20] =	ssyncadd.s32 $0xFFFFED40  }
0x341: {  	_ =	swait.ge [sflag:s21], $0x1E00  }
0x342: {  	[sflag:s21] =	ssyncset.done $0x0  }
0x343: {  	s2 =	simm.s32 $0x0;
	[sflag:s21] =	ssyncadd.s32 $0xFFFFE200  }
0x344: {  	v1 =	vld [tilespmem:s2+$0x13C00];
	_ =	sdelay $0x3  }
0x345: {  	s25 =	simm.s32 $0x1B420  }
0x346: {  	[tilespmem:s25+$0xFFFFFFE0] =	vst v1  }
0x347: {  	v1 =	vld [tilespmem:s2+$0x13C10];
	_ =	sdelay $0x4  }
0x348: {  	[tilespmem:s25+$0xFFFFFFF0] =	vst v1  }
0x349: {  	v1 =	vld [tilespmem:s2+$0x13C20];
	_ =	sdelay $0x4  }
0x34a: {  	[tilespmem:s25+$0x0] =	vst v1  }
0x34b: {  	v1 =	vld [tilespmem:s2+$0x13C30];
	_ =	sdelay $0x4  }
0x34c: {  	[tilespmem:s25+$0x10] =	vst v1  }
0x34d: {  	v1 =	vld [tilespmem:s2+$0x13C40];
	_ =	sdelay $0x4  }
0x34e: {  	s0 =	simm.s32 $0x50;
	s2 =	simm.s32 $0x280;
	[tilespmem:s25+$0x20] =	vst v1  }
.LBB2_32:
0x34f: {  	p0 =	sne.s32 s2, $0x49C0;
	v1 =	vld [tilespmem:s0+$0x13C00];
	_ =	sdelay $0x3  }
0x350: {  	s25 =	sadd.s32 $0x80, s25  }
0x351: {  	[tilespmem:s25+$0xFFFFFFE0] =	vst v1  }
0x352: {  	v1 =	vld [tilespmem:s0+$0x13C10];
	_ =	sdelay $0x4  }
0x353: {  	[tilespmem:s25+$0xFFFFFFF0] =	vst v1  }
0x354: {  	v1 =	vld [tilespmem:s0+$0x13C20];
	_ =	sdelay $0x4  }
0x355: {  	[tilespmem:s25+$0x0] =	vst v1  }
0x356: {  	v1 =	vld [tilespmem:s0+$0x13C30];
	_ =	sdelay $0x4  }
0x357: {  	[tilespmem:s25+$0x10] =	vst v1  }
0x358: {  	v1 =	vld [tilespmem:s0+$0x13C40]  }
.Ltmp15:
0x359: {  	(pc) =	sbr.rel @p0 .LBB2_32-.Ltmp15, $2  }
0x35a: {  	_ =	sdelay $0x2  }
0x35b: {  	s0 =	sshra.s32 s2, $0x2;
	s2 =	sadd.s32 $0x140, s2;
	[tilespmem:s25+$0x20] =	vst v1  }
0x35c: {  	v1 =	vld [tilespmem:s0+$0x13C00];
	_ =	sdelay $0x3  }
0x35d: {  	s2 =	sadd.s32 $0x80, s25  }
0x35e: {  	[tilespmem:s2+$0xFFFFFFE0] =	vst v1  }
0x35f: {  	v1 =	vld [tilespmem:s0+$0x13C10];
	_ =	sdelay $0x4  }
0x360: {  	[tilespmem:s2+$0xFFFFFFF0] =	vst v1  }
0x361: {  	v1 =	vld [tilespmem:s0+$0x13C20];
	_ =	sdelay $0x4  }
0x362: {  	[tilespmem:s2+$0x0] =	vst v1  }
0x363: {  	v1 =	vld [tilespmem:s0+$0x13C30];
	_ =	sdelay $0x4  }
0x364: {  	[tilespmem:s2+$0x10] =	vst v1  }
0x365: {  	v1 =	vld [tilespmem:s0+$0x13C40];
	_ =	sdelay $0x4  }
0x366: {  	s25 =	rddreg [dreg:$0x11];
	[tilespmem:s2+$0x20] =	vst v1;
	s2 =	simm.s32 $0x0  }
0x367: {  	[hbm4b:s25+s2] =	stream.linear.scatter [tilespmem:s22], [sflag:$0x2], $0x1E00, $0x38;
	[tilespmem:$0x1F000] =	vst v63  }
0x368: {  	_ =	swait.ge [sflag:s20], $0x12C0  }
0x369: {  	[sflag:s20] =	ssyncset.done $0x0  }
0x36a: {  	[sflag:s20] =	ssyncadd.s32 $0xFFFFED40  }
0x36b: {  	_ =	swait.ge [sflag:s21], $0x1E00  }
0x36c: {  	[sflag:s21] =	ssyncset.done $0x0  }
0x36d: {  	s2 =	simm.s32 $0x0;
	[sflag:s21] =	ssyncadd.s32 $0xFFFFE200  }
0x36e: {  	v1 =	vld [tilespmem:s2+$0x16400];
	_ =	sdelay $0x3  }
0x36f: {  	s25 =	simm.s32 $0x1D240  }
0x370: {  	[tilespmem:s25+$0xFFFFFFC0] =	vst v1  }
0x371: {  	v1 =	vld [tilespmem:s2+$0x16410];
	_ =	sdelay $0x4  }
0x372: {  	[tilespmem:s25+$0xFFFFFFD0] =	vst v1  }
0x373: {  	v1 =	vld [tilespmem:s2+$0x16420];
	_ =	sdelay $0x4  }
0x374: {  	[tilespmem:s25+$0xFFFFFFE0] =	vst v1  }
0x375: {  	v1 =	vld [tilespmem:s2+$0x16430];
	_ =	sdelay $0x4  }
0x376: {  	[tilespmem:s25+$0xFFFFFFF0] =	vst v1  }
0x377: {  	v1 =	vld [tilespmem:s2+$0x16440];
	_ =	sdelay $0x4  }
0x378: {  	s0 =	simm.s32 $0x50;
	s2 =	simm.s32 $0x280;
	[tilespmem:s25+$0x0] =	vst v1  }
.LBB2_34:
0x379: {  	p0 =	sne.s32 s2, $0x49C0;
	v1 =	vld [tilespmem:s0+$0x16400];
	_ =	sdelay $0x3  }
0x37a: {  	s25 =	sadd.s32 $0x80, s25  }
0x37b: {  	[tilespmem:s25+$0xFFFFFFC0] =	vst v1  }
0x37c: {  	v1 =	vld [tilespmem:s0+$0x16410];
	_ =	sdelay $0x4  }
0x37d: {  	[tilespmem:s25+$0xFFFFFFD0] =	vst v1  }
0x37e: {  	v1 =	vld [tilespmem:s0+$0x16420];
	_ =	sdelay $0x4  }
0x37f: {  	[tilespmem:s25+$0xFFFFFFE0] =	vst v1  }
0x380: {  	v1 =	vld [tilespmem:s0+$0x16430];
	_ =	sdelay $0x4  }
0x381: {  	[tilespmem:s25+$0xFFFFFFF0] =	vst v1  }
0x382: {  	v1 =	vld [tilespmem:s0+$0x16440]  }
.Ltmp16:
0x383: {  	(pc) =	sbr.rel @p0 .LBB2_34-.Ltmp16, $2  }
0x384: {  	_ =	sdelay $0x2  }
0x385: {  	s0 =	sshra.s32 s2, $0x2;
	s2 =	sadd.s32 $0x140, s2;
	[tilespmem:s25+$0x0] =	vst v1  }
0x386: {  	v1 =	vld [tilespmem:s0+$0x16400];
	_ =	sdelay $0x3  }
0x387: {  	s2 =	sadd.s32 $0x80, s25  }
0x388: {  	[tilespmem:s2+$0xFFFFFFC0] =	vst v1  }
0x389: {  	v1 =	vld [tilespmem:s0+$0x16410];
	_ =	sdelay $0x4  }
0x38a: {  	[tilespmem:s2+$0xFFFFFFD0] =	vst v1  }
0x38b: {  	v1 =	vld [tilespmem:s0+$0x16420];
	_ =	sdelay $0x4  }
0x38c: {  	[tilespmem:s2+$0xFFFFFFE0] =	vst v1  }
0x38d: {  	v1 =	vld [tilespmem:s0+$0x16430];
	_ =	sdelay $0x4  }
0x38e: {  	[tilespmem:s2+$0xFFFFFFF0] =	vst v1  }
0x38f: {  	v1 =	vld [tilespmem:s0+$0x16440];
	_ =	sdelay $0x4  }
0x390: {  	s25 =	rddreg [dreg:$0x12];
	[tilespmem:s2+$0x0] =	vst v1;
	s2 =	simm.s32 $0x0  }
0x391: {  	[hbm4b:s25+s2] =	stream.linear.scatter [tilespmem:s23], [sflag:$0x2], $0x1E00, $0x38;
	[tilespmem:$0x1F000] =	vst v63  }
0x392: {  	_ =	swait.ge [sflag:s21], $0x1E00  }
0x393: {  	[sflag:s21] =	ssyncset.done $0x0  }
0x394: {  	[sflag:s21] =	ssyncadd.s32 $0xFFFFE200  }
0x395: {  	_ =	swait.ge [sflag:s21], $0x1E00  }
0x396: {  	s24 =	sadd.s32 $0x1, s24;
	s25 =	rddreg [dreg:$0x13]  }
0x397: {  	p0 =	sne.s32 s24, s25  }
.Ltmp17:
0x398: {  	_ = 	snop;
	(pc) =	sbr.rel @p0 .LBB2_1-.Ltmp17, $3  }
0x399: {  	_ =	sdelay $0x1  }
0x39a: {  	[sflag:s21] =	ssyncset.done $0x0  }
0x39b: {  	[sflag:s21] =	ssyncadd.s32 $0xFFFFE200  }
0x39c: {  	_ =	sfence.sel $0x180000  }
0x39d: {  	[bflag:$0x0] =	sbarrier.arrive $0xFFFF  }
0x39e: {  	_ =	strace $0x90000047  }
0x39f: {  	s0 =	stileid.u32;
	[bflag:$0x2] =	sbarrier.arrive $0xFFFF  }
0x3a0: {  	p0 =	sne.s32 s0, $0x0;
	s0 =	rddreg [dreg:$0x2]  }
0x3a1: {  	s0 =	sadd.s32 @!p0 $0x100000, s0  }
0x3a2: {  	[sflag:s0] =	ssyncadd.tile.s32 @!p0 $0x1;
	_ =	shalt  }
.Lfunc_end2:
_tile_overlayer_lowered:
.L_overlay_start_2:
0x3a3: {  	(tag) =	ssettag $0x2  }
0x3a4: {  	s0 =	rddreg [dreg:$0x0];
	s2 =	stileid.u32  }
0x3a5: {  	s1 =	rddreg [dreg:$0x1];
	p0 =	sne.s32 s2, $0x0  }
0x3a6: {  	s3 =	rddreg [dreg:$0x2];
	[bflag:$0x3] =	sbarrier.arrive $0xFFFF;
	s2 =	simm.s32 @!p0 $0x1C03  }
0x3a7: {  	[timem:s3], [sflag:s2] =	dma.local @!p0 [hbm:s0], s1  }
0x3a8: {  	s0 =	simm.s32 @!p0 $0x3  }
0x3a9: {  	_ =	swait.ge @!p0 [sflag:s0], s1  }
0x3aa: {  	s1 =	ssub.s32 @!p0 $0x0, s1;
	[sflag:s0] =	ssyncset.done @!p0 $0x0  }
0x3ab: {  	[sflag:s0] =	ssyncadd.s32 @!p0 s1  }
0x3ac: {  	[bflag:$0x3] =	sbarrier.arrive $0xFFFF  }
0x3ad: {  	_ =	shalt  }

</sc_bundles>
